<compile_context>
chip_gen: v7x
topology: tpu7x:2x2x1
jax: 0.10.2.dev20260603
libtpu: 0.0.44.dev20260713+nightly
codegen_flags: <defaults>
</compile_context>

<pallas_src>
import functools

import jax
import jax.numpy as jnp
from jax import lax
from jax.experimental import pallas as pl
from jax.experimental.pallas import tpu as pltpu
from jax.experimental.pallas import tpu_sc as plsc

_NUM_ITEMS = 1000000
_EMBED_DIM = 64
_BATCH = 4096
_HIST = 20

_NC, _NS = 2, 16
_NW = _NC * _NS
_TOTAL = _BATCH * _HIST
_B_PER_W = _TOTAL // _NW
_C = 128
_NCH = _B_PER_W // _C

_mesh = plsc.VectorSubcoreMesh(core_axis_name="c", subcore_axis_name="s")


@functools.partial(
    pl.kernel,
    mesh=_mesh,
    compiler_params=pltpu.CompilerParams(use_tc_tiling_on_sc=True),
    out_type=jax.ShapeDtypeStruct((_TOTAL * _EMBED_DIM,), jnp.float32),
    scratch_types=[
        pltpu.VMEM((_B_PER_W,), jnp.int32),
        pltpu.VMEM((2, _C, 2 * _EMBED_DIM), jnp.float32),
        pltpu.VMEM((2, _C * _EMBED_DIM), jnp.float32),
        pltpu.SemaphoreType.DMA,
        pltpu.SemaphoreType.DMA,
    ],
)
def _gather_rows(table_hbm, ids_hbm, out_hbm, ids_v,
                 rows_v, stage_v, gsem, wsem):
    wid = lax.axis_index("s") * _NC + lax.axis_index("c")
    base = wid * _B_PER_W
    pltpu.sync_copy(ids_hbm.at[wid], ids_v)

    def fire(j):
        b = j % 2
        return pltpu.async_copy(
            table_hbm.at[ids_v.at[pl.ds(j * _C, _C)]], rows_v.at[b], gsem)

    gathers = [None] * _NCH
    writes = [None] * _NCH
    gathers[0] = fire(0)
    for j in range(_NCH):
        b = j % 2
        if j + 1 < _NCH:
            gathers[j + 1] = fire(j + 1)
        gathers[j].wait()
        if j >= 2:
            writes[j - 2].wait()

        def extract(k, carry):
            for q in range(_EMBED_DIM // 16):
                stage_v[b, pl.ds(k * _EMBED_DIM + q * 16, 16)] = (
                    rows_v[b, k, pl.ds(q * 16, 16)])
            return carry

        lax.fori_loop(0, _C, extract, 0)
        writes[j] = pltpu.async_copy(
            stage_v.at[b],
            out_hbm.at[pl.ds((base + j * _C) * _EMBED_DIM, _C * _EMBED_DIM)],
            wsem,
        )
    writes[_NCH - 2].wait()
    writes[_NCH - 1].wait()


def kernel(item_ids, table):
    ids = item_ids.reshape(_NW, _B_PER_W).astype(jnp.int32)
    tpad = jnp.pad(table, ((0, 0), (0, _EMBED_DIM)))
    out = _gather_rows(tpad, ids)
    return out.reshape(_BATCH, _HIST, _EMBED_DIM)

# --- scband reference (transcript-rebuilt; emitter-appended) ---
"""Pipeline reference for scband-item-feature-store-25623774888363 (READ-ONLY COPY).

The authoritative reference and input builder live on the scoring server;
editing this copy changes nothing except your own understanding.
"""

import jax, jax.numpy as jnp
import numpy as np

NUM_ITEMS = 1000000
EMBED_DIM = 64
BATCH = 4096
HIST = 20

def setup_inputs(seed: int = 0) -> dict:
    key = jax.random.key(seed)
    k_idx, k_tab = jax.random.split(key)
    item_ids = jax.random.randint(k_idx, (BATCH, HIST), 0, NUM_ITEMS, dtype=jnp.int64 if jax.config.jax_enable_x64 else jnp.int32)
    # Precomputed feature cache, materialized as one dense table per feature key.
    # ItemFeatureStore.build_cache stores extractor(item)[k] for every item id;
    # forward then gathers cached rows (fallback zeros never triggers here since
    # all ids are in-range/cached).
    table = jax.random.normal(k_tab, (NUM_ITEMS, EMBED_DIM), dtype=jnp.float32)
    return {"item_ids": item_ids, "table": table}

def reference(item_ids, table):
    # forward: for each item_id, look up cached feature row; reshape to
    # (*original_shape, dim). Single feature key ("embedding") modeled here.
    flat_ids = item_ids.reshape(-1)
    feats = jnp.take(table, flat_ids, axis=0)
    out = feats.reshape(item_ids.shape[0], item_ids.shape[1], EMBED_DIM)
    return out

if __name__ == "__main__":
    import jax
    _d = setup_inputs()
    print(jax.jit(kernel)(*tuple(_d.values())))

</pallas_src>

<mosaic_0001>
#map = affine_map<(d0, d1) -> (0, 0)>
#map1 = affine_map<(d0, d1) -> (0)>
module attributes {stable_mosaic.version = 14 : i64} {
  func.func @_gather_rows(%arg0: i32, %arg1: i32, %arg2: memref<1000000x128xf32, #tpu.memory_space<hbm>>, %arg3: memref<32x2560xi32, #tpu.memory_space<hbm>>, %arg4: memref<5242880xf32, #tpu.memory_space<hbm>>, %arg5: memref<2560xi32, #tpu.memory_space<vmem>>, %arg6: memref<2x128x128xf32, #tpu.memory_space<vmem>>, %arg7: memref<2x8192xf32, #tpu.memory_space<vmem>>, %arg8: memref<!tpu.dma_semaphore, #tpu.memory_space<semaphore_mem>>, %arg9: memref<!tpu.dma_semaphore, #tpu.memory_space<semaphore_mem>>) attributes {dimension_semantics = [#tpu.dimension_semantics<core_parallel>, #tpu.dimension_semantics<subcore_parallel>], iteration_bounds = array<i64: 2, 16>, scalar_prefetch = 0 : i64, scratch_operands = 5 : i64, tpu.core_type = #tpu.core_type<sc_vector_subcore>, window_params = [{transform_indices = #map}, {transform_indices = #map}, {transform_indices = #map1}]} {
    %mul3A = arith.constant 2 : i32
    %mul3A_0 = arith.muli %arg1, %mul3A : i32
    %add3A = arith.addi %mul3A_0, %arg0 : i32
    %mul3A_1 = arith.constant 2560 : i32
    %mul3A_2 = arith.muli %add3A, %mul3A_1 : i32
    "tpu.region"() ({
      %run_scoped3A = tpu.sem_alloc : memref<!tpu.dma_semaphore, #tpu.memory_space<semaphore_mem>>
      %dma_start3A_960 = arith.constant 0 : i32
      %dma_start3A_961 = tpu.memref_slice %arg3[%add3A, %dma_start3A_960] : memref<32x2560xi32, #tpu.memory_space<hbm>> -> memref<1x2560xi32, #tpu.memory_space<hbm>>
      %dma_start3A_962 = tpu.memref_squeeze %dma_start3A_961 : memref<1x2560xi32, #tpu.memory_space<hbm>> -> memref<2560xi32, #tpu.memory_space<hbm>>
      %dma_start3A_963 = arith.constant 0 : i32
      %dma_start3A_964 = tpu.memref_slice %arg3[%add3A, %dma_start3A_963] : memref<32x2560xi32, #tpu.memory_space<hbm>> -> memref<1x2560xi32, #tpu.memory_space<hbm>>
      %dma_start3A_965 = tpu.memref_squeeze %dma_start3A_964 : memref<1x2560xi32, #tpu.memory_space<hbm>> -> memref<2560xi32, #tpu.memory_space<hbm>>
      tpu.enqueue_dma source(%dma_start3A_965 : memref<2560xi32, #tpu.memory_space<hbm>>) target(%arg5 : memref<2560xi32, #tpu.memory_space<vmem>>) target_semaphore(%run_scoped3A : memref<!tpu.dma_semaphore, #tpu.memory_space<semaphore_mem>>)
      %dma_wait3A_966 = arith.constant 0 : i32
      %dma_wait3A_967 = tpu.memref_slice %arg3[%add3A, %dma_wait3A_966] : memref<32x2560xi32, #tpu.memory_space<hbm>> -> memref<1x2560xi32, #tpu.memory_space<hbm>>
      %dma_wait3A_968 = tpu.memref_squeeze %dma_wait3A_967 : memref<1x2560xi32, #tpu.memory_space<hbm>> -> memref<2560xi32, #tpu.memory_space<hbm>>
      %dma_wait3A_969 = arith.constant 0 : i32
      %dma_wait3A_970 = tpu.memref_slice %arg3[%add3A, %dma_wait3A_969] : memref<32x2560xi32, #tpu.memory_space<hbm>> -> memref<1x2560xi32, #tpu.memory_space<hbm>>
      %dma_wait3A_971 = tpu.memref_squeeze %dma_wait3A_970 : memref<1x2560xi32, #tpu.memory_space<hbm>> -> memref<2560xi32, #tpu.memory_space<hbm>>
      tpu.wait_dma2 semaphore(%run_scoped3A : memref<!tpu.dma_semaphore, #tpu.memory_space<semaphore_mem>>) src(%dma_wait3A_971 : memref<2560xi32, #tpu.memory_space<hbm>>) dst(%arg5 : memref<2560xi32, #tpu.memory_space<vmem>>)
      tpu.yield
    }) : () -> ()
    %dma_start3A = arith.constant 0 : i32
    %dma_start3A_3 = arith.constant 0 : i32
    %dma_start3A_4 = arith.constant 0 : i32
    %dma_start3A_5 = tpu.memref_slice %arg6[%dma_start3A, %dma_start3A_3, %dma_start3A_4] : memref<2x128x128xf32, #tpu.memory_space<vmem>> -> memref<1x128x128xf32, #tpu.memory_space<vmem>>
    %dma_start3A_6 = tpu.memref_squeeze %dma_start3A_5 : memref<1x128x128xf32, #tpu.memory_space<vmem>> -> memref<128x128xf32, #tpu.memory_space<vmem>>
    %dma_start3A_7 = arith.constant 0 : i32
    %dma_start3A_8 = tpu.memref_slice %arg5[%dma_start3A_7] : memref<2560xi32, #tpu.memory_space<vmem>> -> memref<128xi32, #tpu.memory_space<vmem>>
    %dma_start3A_9 = arith.constant 0 : i32
    %dma_start3A_10 = arith.constant 0 : i32
    %dma_start3A_11 = tpu.memref_slice %arg2[%dma_start3A_9, %dma_start3A_10] : memref<1000000x128xf32, #tpu.memory_space<hbm>> -> memref<1000000x128xf32, #tpu.memory_space<hbm>>
    tpu.enqueue_indirect_dma source(%dma_start3A_11 : memref<1000000x128xf32, #tpu.memory_space<hbm>>) target(%dma_start3A_6 : memref<128x128xf32, #tpu.memory_space<vmem>>) offsets(%dma_start3A_8 : memref<128xi32, #tpu.memory_space<vmem>>) semaphore(%arg8 : memref<!tpu.dma_semaphore, #tpu.memory_space<semaphore_mem>>)
    %dma_start3A_12 = arith.constant 1 : i32
    %dma_start3A_13 = arith.constant 0 : i32
    %dma_start3A_14 = arith.constant 0 : i32
    %dma_start3A_15 = tpu.memref_slice %arg6[%dma_start3A_12, %dma_start3A_13, %dma_start3A_14] : memref<2x128x128xf32, #tpu.memory_space<vmem>> -> memref<1x128x128xf32, #tpu.memory_space<vmem>>
    %dma_start3A_16 = tpu.memref_squeeze %dma_start3A_15 : memref<1x128x128xf32, #tpu.memory_space<vmem>> -> memref<128x128xf32, #tpu.memory_space<vmem>>
    %dma_start3A_17 = arith.constant 128 : i32
    %dma_start3A_18 = tpu.memref_slice %arg5[%dma_start3A_17] : memref<2560xi32, #tpu.memory_space<vmem>> -> memref<128xi32, #tpu.memory_space<vmem>>
    %dma_start3A_19 = arith.constant 0 : i32
    %dma_start3A_20 = arith.constant 0 : i32
    %dma_start3A_21 = tpu.memref_slice %arg2[%dma_start3A_19, %dma_start3A_20] : memref<1000000x128xf32, #tpu.memory_space<hbm>> -> memref<1000000x128xf32, #tpu.memory_space<hbm>>
    tpu.enqueue_indirect_dma source(%dma_start3A_21 : memref<1000000x128xf32, #tpu.memory_space<hbm>>) target(%dma_start3A_16 : memref<128x128xf32, #tpu.memory_space<vmem>>) offsets(%dma_start3A_18 : memref<128xi32, #tpu.memory_space<vmem>>) semaphore(%arg8 : memref<!tpu.dma_semaphore, #tpu.memory_space<semaphore_mem>>)
    %dma_wait3A = arith.constant 0 : i32
    %dma_wait3A_22 = arith.constant 0 : i32
    %dma_wait3A_23 = arith.constant 0 : i32
    %dma_wait3A_24 = tpu.memref_slice %arg6[%dma_wait3A, %dma_wait3A_22, %dma_wait3A_23] : memref<2x128x128xf32, #tpu.memory_space<vmem>> -> memref<1x128x128xf32, #tpu.memory_space<vmem>>
    %dma_wait3A_25 = tpu.memref_squeeze %dma_wait3A_24 : memref<1x128x128xf32, #tpu.memory_space<vmem>> -> memref<128x128xf32, #tpu.memory_space<vmem>>
    %dma_wait3A_26 = arith.constant 0 : i32
    %dma_wait3A_27 = tpu.memref_slice %arg5[%dma_wait3A_26] : memref<2560xi32, #tpu.memory_space<vmem>> -> memref<128xi32, #tpu.memory_space<vmem>>
    %dma_wait3A_28 = arith.constant 0 : i32
    %dma_wait3A_29 = arith.constant 0 : i32
    %dma_wait3A_30 = tpu.memref_slice %arg2[%dma_wait3A_28, %dma_wait3A_29] : memref<1000000x128xf32, #tpu.memory_space<hbm>> -> memref<1000000x128xf32, #tpu.memory_space<hbm>>
    tpu.wait_indirect_dma semaphore(%arg8 : memref<!tpu.dma_semaphore, #tpu.memory_space<semaphore_mem>>) src(%dma_wait3A_30 : memref<1000000x128xf32, #tpu.memory_space<hbm>>) dst(%dma_wait3A_25 : memref<128x128xf32, #tpu.memory_space<vmem>>)
    %scan3A = arith.constant 0 : i32
    %scan3A_31 = arith.constant 0 : i32
    %scan3A_32 = arith.constant 128 : i32
    %scan3A_33 = arith.addi %scan3A_31, %scan3A_32 : i32
    %scan3A_34 = arith.constant 1 : i32
    scf.for %scan3A_960 = %scan3A_31 to %scan3A_33 step %scan3A_34  : i32 {
      %get3A = arith.constant 0 : i32
      %get3A_961 = arith.index_cast %get3A : i32 to index
      %get3A_962 = arith.index_cast %scan3A_960 : i32 to index
      %get3A_963 = arith.constant 0 : index
      %get3A_964 = tpu.vector_load %arg6[%get3A_961, %get3A_962, %get3A_963] {strides = array<i32>} : memref<2x128x128xf32, #tpu.memory_space<vmem>>, vector<1x1x16xf32>,
      %get3A_965 = vector.shape_cast %get3A_964 : vector<1x1x16xf32> to vector<16xf32>
      %mul3A_966 = arith.constant 64 : i32
      %mul3A_967 = arith.muli %scan3A_960, %mul3A_966 : i32
      %add3A_968 = arith.constant 0 : i32
      %add3A_969 = arith.addi %mul3A_967, %add3A_968 : i32
      %swap3A = arith.constant 0 : i32
      %swap3A_970 = arith.index_cast %swap3A : i32 to index
      %swap3A_971 = arith.index_cast %add3A_969 : i32 to index
      %swap3A_972 = tpu.vector_load %arg7[%swap3A_970, %swap3A_971] {strides = array<i32>} : memref<2x8192xf32, #tpu.memory_space<vmem>>, vector<1x16xf32>,
      %swap3A_973 = vector.shape_cast %swap3A_972 : vector<1x16xf32> to vector<16xf32>
      %swap3A_974 = vector.shape_cast %get3A_965 : vector<16xf32> to vector<1x16xf32>
      tpu.vector_store %arg7[%swap3A_970, %swap3A_971], %swap3A_974 {strides = array<i32>} : memref<2x8192xf32, #tpu.memory_space<vmem>>, vector<1x16xf32>,
      %get3A_975 = arith.constant 0 : i32
      %get3A_976 = arith.index_cast %get3A_975 : i32 to index
      %get3A_977 = arith.index_cast %scan3A_960 : i32 to index
      %get3A_978 = arith.constant 16 : index
      %get3A_979 = tpu.vector_load %arg6[%get3A_976, %get3A_977, %get3A_978] {strides = array<i32>} : memref<2x128x128xf32, #tpu.memory_space<vmem>>, vector<1x1x16xf32>,
      %get3A_980 = vector.shape_cast %get3A_979 : vector<1x1x16xf32> to vector<16xf32>
      %mul3A_981 = arith.constant 64 : i32
      %mul3A_982 = arith.muli %scan3A_960, %mul3A_981 : i32
      %add3A_983 = arith.constant 16 : i32
      %add3A_984 = arith.addi %mul3A_982, %add3A_983 : i32
      %swap3A_985 = arith.constant 0 : i32
      %swap3A_986 = arith.index_cast %swap3A_985 : i32 to index
      %swap3A_987 = arith.index_cast %add3A_984 : i32 to index
      %swap3A_988 = tpu.vector_load %arg7[%swap3A_986, %swap3A_987] {strides = array<i32>} : memref<2x8192xf32, #tpu.memory_space<vmem>>, vector<1x16xf32>,
      %swap3A_989 = vector.shape_cast %swap3A_988 : vector<1x16xf32> to vector<16xf32>
      %swap3A_990 = vector.shape_cast %get3A_980 : vector<16xf32> to vector<1x16xf32>
      tpu.vector_store %arg7[%swap3A_986, %swap3A_987], %swap3A_990 {strides = array<i32>} : memref<2x8192xf32, #tpu.memory_space<vmem>>, vector<1x16xf32>,
      %get3A_991 = arith.constant 0 : i32
      %get3A_992 = arith.index_cast %get3A_991 : i32 to index
      %get3A_993 = arith.index_cast %scan3A_960 : i32 to index
      %get3A_994 = arith.constant 32 : index
      %get3A_995 = tpu.vector_load %arg6[%get3A_992, %get3A_993, %get3A_994] {strides = array<i32>} : memref<2x128x128xf32, #tpu.memory_space<vmem>>, vector<1x1x16xf32>,
      %get3A_996 = vector.shape_cast %get3A_995 : vector<1x1x16xf32> to vector<16xf32>
      %mul3A_997 = arith.constant 64 : i32
      %mul3A_998 = arith.muli %scan3A_960, %mul3A_997 : i32
      %add3A_999 = arith.constant 32 : i32
      %add3A_1000 = arith.addi %mul3A_998, %add3A_999 : i32
      %swap3A_1001 = arith.constant 0 : i32
      %swap3A_1002 = arith.index_cast %swap3A_1001 : i32 to index
      %swap3A_1003 = arith.index_cast %add3A_1000 : i32 to index
      %swap3A_1004 = tpu.vector_load %arg7[%swap3A_1002, %swap3A_1003] {strides = array<i32>} : memref<2x8192xf32, #tpu.memory_space<vmem>>, vector<1x16xf32>,
      %swap3A_1005 = vector.shape_cast %swap3A_1004 : vector<1x16xf32> to vector<16xf32>
      %swap3A_1006 = vector.shape_cast %get3A_996 : vector<16xf32> to vector<1x16xf32>
      tpu.vector_store %arg7[%swap3A_1002, %swap3A_1003], %swap3A_1006 {strides = array<i32>} : memref<2x8192xf32, #tpu.memory_space<vmem>>, vector<1x16xf32>,
      %get3A_1007 = arith.constant 0 : i32
      %get3A_1008 = arith.index_cast %get3A_1007 : i32 to index
      %get3A_1009 = arith.index_cast %scan3A_960 : i32 to index
      %get3A_1010 = arith.constant 48 : index
      %get3A_1011 = tpu.vector_load %arg6[%get3A_1008, %get3A_1009, %get3A_1010] {strides = array<i32>} : memref<2x128x128xf32, #tpu.memory_space<vmem>>, vector<1x1x16xf32>,
      %get3A_1012 = vector.shape_cast %get3A_1011 : vector<1x1x16xf32> to vector<16xf32>
      %mul3A_1013 = arith.constant 64 : i32
      %mul3A_1014 = arith.muli %scan3A_960, %mul3A_1013 : i32
      %add3A_1015 = arith.constant 48 : i32
      %add3A_1016 = arith.addi %mul3A_1014, %add3A_1015 : i32
      %swap3A_1017 = arith.constant 0 : i32
      %swap3A_1018 = arith.index_cast %swap3A_1017 : i32 to index
      %swap3A_1019 = arith.index_cast %add3A_1016 : i32 to index
      %swap3A_1020 = tpu.vector_load %arg7[%swap3A_1018, %swap3A_1019] {strides = array<i32>} : memref<2x8192xf32, #tpu.memory_space<vmem>>, vector<1x16xf32>,
      %swap3A_1021 = vector.shape_cast %swap3A_1020 : vector<1x16xf32> to vector<16xf32>
      %swap3A_1022 = vector.shape_cast %get3A_1012 : vector<16xf32> to vector<1x16xf32>
      tpu.vector_store %arg7[%swap3A_1018, %swap3A_1019], %swap3A_1022 {strides = array<i32>} : memref<2x8192xf32, #tpu.memory_space<vmem>>, vector<1x16xf32>,
    }
    %scan3A_35 = arith.constant 128 : i32
    %add3A_36 = arith.constant 0 : i32
    %add3A_37 = arith.addi %mul3A_2, %add3A_36 : i32
    %mul3A_38 = arith.constant 64 : i32
    %mul3A_39 = arith.muli %add3A_37, %mul3A_38 : i32
    %dma_start3A_40 = arith.constant 0 : i32
    %dma_start3A_41 = arith.constant 0 : i32
    %dma_start3A_42 = tpu.memref_slice %arg7[%dma_start3A_40, %dma_start3A_41] : memref<2x8192xf32, #tpu.memory_space<vmem>> -> memref<1x8192xf32, #tpu.memory_space<vmem>>
    %dma_start3A_43 = tpu.memref_squeeze %dma_start3A_42 : memref<1x8192xf32, #tpu.memory_space<vmem>> -> memref<8192xf32, #tpu.memory_space<vmem>>
    %dma_start3A_44 = tpu.memref_slice %arg4[%mul3A_39] : memref<5242880xf32, #tpu.memory_space<hbm>> -> memref<8192xf32, #tpu.memory_space<hbm>>
    %dma_start3A_45 = tpu.memref_slice %arg4[%mul3A_39] : memref<5242880xf32, #tpu.memory_space<hbm>> -> memref<8192xf32, #tpu.memory_space<hbm>>
    %dma_start3A_46 = arith.constant 0 : i32
    %dma_start3A_47 = tpu.memref_slice %arg7[%dma_start3A_40, %dma_start3A_46] : memref<2x8192xf32, #tpu.memory_space<vmem>> -> memref<1x8192xf32, #tpu.memory_space<vmem>>
    %dma_start3A_48 = tpu.memref_squeeze %dma_start3A_47 : memref<1x8192xf32, #tpu.memory_space<vmem>> -> memref<8192xf32, #tpu.memory_space<vmem>>
    tpu.enqueue_dma source(%dma_start3A_48 : memref<8192xf32, #tpu.memory_space<vmem>>) target(%dma_start3A_45 : memref<8192xf32, #tpu.memory_space<hbm>>) target_semaphore(%arg9 : memref<!tpu.dma_semaphore, #tpu.memory_space<semaphore_mem>>)
    %dma_start3A_49 = arith.constant 0 : i32
    %dma_start3A_50 = arith.constant 0 : i32
    %dma_start3A_51 = arith.constant 0 : i32
    %dma_start3A_52 = tpu.memref_slice %arg6[%dma_start3A_49, %dma_start3A_50, %dma_start3A_51] : memref<2x128x128xf32, #tpu.memory_space<vmem>> -> memref<1x128x128xf32, #tpu.memory_space<vmem>>
    %dma_start3A_53 = tpu.memref_squeeze %dma_start3A_52 : memref<1x128x128xf32, #tpu.memory_space<vmem>> -> memref<128x128xf32, #tpu.memory_space<vmem>>
    %dma_start3A_54 = arith.constant 256 : i32
    %dma_start3A_55 = tpu.memref_slice %arg5[%dma_start3A_54] : memref<2560xi32, #tpu.memory_space<vmem>> -> memref<128xi32, #tpu.memory_space<vmem>>
    %dma_start3A_56 = arith.constant 0 : i32
    %dma_start3A_57 = arith.constant 0 : i32
    %dma_start3A_58 = tpu.memref_slice %arg2[%dma_start3A_56, %dma_start3A_57] : memref<1000000x128xf32, #tpu.memory_space<hbm>> -> memref<1000000x128xf32, #tpu.memory_space<hbm>>
    tpu.enqueue_indirect_dma source(%dma_start3A_58 : memref<1000000x128xf32, #tpu.memory_space<hbm>>) target(%dma_start3A_53 : memref<128x128xf32, #tpu.memory_space<vmem>>) offsets(%dma_start3A_55 : memref<128xi32, #tpu.memory_space<vmem>>) semaphore(%arg8 : memref<!tpu.dma_semaphore, #tpu.memory_space<semaphore_mem>>)
    %dma_wait3A_59 = arith.constant 1 : i32
    %dma_wait3A_60 = arith.constant 0 : i32
    %dma_wait3A_61 = arith.constant 0 : i32
    %dma_wait3A_62 = tpu.memref_slice %arg6[%dma_wait3A_59, %dma_wait3A_60, %dma_wait3A_61] : memref<2x128x128xf32, #tpu.memory_space<vmem>> -> memref<1x128x128xf32, #tpu.memory_space<vmem>>
    %dma_wait3A_63 = tpu.memref_squeeze %dma_wait3A_62 : memref<1x128x128xf32, #tpu.memory_space<vmem>> -> memref<128x128xf32, #tpu.memory_space<vmem>>
    %dma_wait3A_64 = arith.constant 128 : i32
    %dma_wait3A_65 = tpu.memref_slice %arg5[%dma_wait3A_64] : memref<2560xi32, #tpu.memory_space<vmem>> -> memref<128xi32, #tpu.memory_space<vmem>>
    %dma_wait3A_66 = arith.constant 0 : i32
    %dma_wait3A_67 = arith.constant 0 : i32
    %dma_wait3A_68 = tpu.memref_slice %arg2[%dma_wait3A_66, %dma_wait3A_67] : memref<1000000x128xf32, #tpu.memory_space<hbm>> -> memref<1000000x128xf32, #tpu.memory_space<hbm>>
    tpu.wait_indirect_dma semaphore(%arg8 : memref<!tpu.dma_semaphore, #tpu.memory_space<semaphore_mem>>) src(%dma_wait3A_68 : memref<1000000x128xf32, #tpu.memory_space<hbm>>) dst(%dma_wait3A_63 : memref<128x128xf32, #tpu.memory_space<vmem>>)
    %scan3A_69 = arith.constant 0 : i32
    %scan3A_70 = arith.constant 0 : i32
    %scan3A_71 = arith.constant 128 : i32
    %scan3A_72 = arith.addi %scan3A_70, %scan3A_71 : i32
    %scan3A_73 = arith.constant 1 : i32
    scf.for %scan3A_960 = %scan3A_70 to %scan3A_72 step %scan3A_73  : i32 {
      %get3A = arith.constant 1 : i32
      %get3A_961 = arith.index_cast %get3A : i32 to index
      %get3A_962 = arith.index_cast %scan3A_960 : i32 to index
      %get3A_963 = arith.constant 0 : index
      %get3A_964 = tpu.vector_load %arg6[%get3A_961, %get3A_962, %get3A_963] {strides = array<i32>} : memref<2x128x128xf32, #tpu.memory_space<vmem>>, vector<1x1x16xf32>,
      %get3A_965 = vector.shape_cast %get3A_964 : vector<1x1x16xf32> to vector<16xf32>
      %mul3A_966 = arith.constant 64 : i32
      %mul3A_967 = arith.muli %scan3A_960, %mul3A_966 : i32
      %add3A_968 = arith.constant 0 : i32
      %add3A_969 = arith.addi %mul3A_967, %add3A_968 : i32
      %swap3A = arith.constant 1 : i32
      %swap3A_970 = arith.index_cast %swap3A : i32 to index
      %swap3A_971 = arith.index_cast %add3A_969 : i32 to index
      %swap3A_972 = tpu.vector_load %arg7[%swap3A_970, %swap3A_971] {strides = array<i32>} : memref<2x8192xf32, #tpu.memory_space<vmem>>, vector<1x16xf32>,
      %swap3A_973 = vector.shape_cast %swap3A_972 : vector<1x16xf32> to vector<16xf32>
      %swap3A_974 = vector.shape_cast %get3A_965 : vector<16xf32> to vector<1x16xf32>
      tpu.vector_store %arg7[%swap3A_970, %swap3A_971], %swap3A_974 {strides = array<i32>} : memref<2x8192xf32, #tpu.memory_space<vmem>>, vector<1x16xf32>,
      %get3A_975 = arith.constant 1 : i32
      %get3A_976 = arith.index_cast %get3A_975 : i32 to index
      %get3A_977 = arith.index_cast %scan3A_960 : i32 to index
      %get3A_978 = arith.constant 16 : index
      %get3A_979 = tpu.vector_load %arg6[%get3A_976, %get3A_977, %get3A_978] {strides = array<i32>} : memref<2x128x128xf32, #tpu.memory_space<vmem>>, vector<1x1x16xf32>,
      %get3A_980 = vector.shape_cast %get3A_979 : vector<1x1x16xf32> to vector<16xf32>
      %mul3A_981 = arith.constant 64 : i32
      %mul3A_982 = arith.muli %scan3A_960, %mul3A_981 : i32
      %add3A_983 = arith.constant 16 : i32
      %add3A_984 = arith.addi %mul3A_982, %add3A_983 : i32
      %swap3A_985 = arith.constant 1 : i32
      %swap3A_986 = arith.index_cast %swap3A_985 : i32 to index
      %swap3A_987 = arith.index_cast %add3A_984 : i32 to index
      %swap3A_988 = tpu.vector_load %arg7[%swap3A_986, %swap3A_987] {strides = array<i32>} : memref<2x8192xf32, #tpu.memory_space<vmem>>, vector<1x16xf32>,
      %swap3A_989 = vector.shape_cast %swap3A_988 : vector<1x16xf32> to vector<16xf32>
      %swap3A_990 = vector.shape_cast %get3A_980 : vector<16xf32> to vector<1x16xf32>
      tpu.vector_store %arg7[%swap3A_986, %swap3A_987], %swap3A_990 {strides = array<i32>} : memref<2x8192xf32, #tpu.memory_space<vmem>>, vector<1x16xf32>,
      %get3A_991 = arith.constant 1 : i32
      %get3A_992 = arith.index_cast %get3A_991 : i32 to index
      %get3A_993 = arith.index_cast %scan3A_960 : i32 to index
      %get3A_994 = arith.constant 32 : index
      %get3A_995 = tpu.vector_load %arg6[%get3A_992, %get3A_993, %get3A_994] {strides = array<i32>} : memref<2x128x128xf32, #tpu.memory_space<vmem>>, vector<1x1x16xf32>,
      %get3A_996 = vector.shape_cast %get3A_995 : vector<1x1x16xf32> to vector<16xf32>
      %mul3A_997 = arith.constant 64 : i32
      %mul3A_998 = arith.muli %scan3A_960, %mul3A_997 : i32
      %add3A_999 = arith.constant 32 : i32
      %add3A_1000 = arith.addi %mul3A_998, %add3A_999 : i32
      %swap3A_1001 = arith.constant 1 : i32
      %swap3A_1002 = arith.index_cast %swap3A_1001 : i32 to index
      %swap3A_1003 = arith.index_cast %add3A_1000 : i32 to index
      %swap3A_1004 = tpu.vector_load %arg7[%swap3A_1002, %swap3A_1003] {strides = array<i32>} : memref<2x8192xf32, #tpu.memory_space<vmem>>, vector<1x16xf32>,
      %swap3A_1005 = vector.shape_cast %swap3A_1004 : vector<1x16xf32> to vector<16xf32>
      %swap3A_1006 = vector.shape_cast %get3A_996 : vector<16xf32> to vector<1x16xf32>
      tpu.vector_store %arg7[%swap3A_1002, %swap3A_1003], %swap3A_1006 {strides = array<i32>} : memref<2x8192xf32, #tpu.memory_space<vmem>>, vector<1x16xf32>,
      %get3A_1007 = arith.constant 1 : i32
      %get3A_1008 = arith.index_cast %get3A_1007 : i32 to index
      %get3A_1009 = arith.index_cast %scan3A_960 : i32 to index
      %get3A_1010 = arith.constant 48 : index
      %get3A_1011 = tpu.vector_load %arg6[%get3A_1008, %get3A_1009, %get3A_1010] {strides = array<i32>} : memref<2x128x128xf32, #tpu.memory_space<vmem>>, vector<1x1x16xf32>,
      %get3A_1012 = vector.shape_cast %get3A_1011 : vector<1x1x16xf32> to vector<16xf32>
      %mul3A_1013 = arith.constant 64 : i32
      %mul3A_1014 = arith.muli %scan3A_960, %mul3A_1013 : i32
      %add3A_1015 = arith.constant 48 : i32
      %add3A_1016 = arith.addi %mul3A_1014, %add3A_1015 : i32
      %swap3A_1017 = arith.constant 1 : i32
      %swap3A_1018 = arith.index_cast %swap3A_1017 : i32 to index
      %swap3A_1019 = arith.index_cast %add3A_1016 : i32 to index
      %swap3A_1020 = tpu.vector_load %arg7[%swap3A_1018, %swap3A_1019] {strides = array<i32>} : memref<2x8192xf32, #tpu.memory_space<vmem>>, vector<1x16xf32>,
      %swap3A_1021 = vector.shape_cast %swap3A_1020 : vector<1x16xf32> to vector<16xf32>
      %swap3A_1022 = vector.shape_cast %get3A_1012 : vector<16xf32> to vector<1x16xf32>
      tpu.vector_store %arg7[%swap3A_1018, %swap3A_1019], %swap3A_1022 {strides = array<i32>} : memref<2x8192xf32, #tpu.memory_space<vmem>>, vector<1x16xf32>,
    }
    %scan3A_74 = arith.constant 128 : i32
    %add3A_75 = arith.constant 128 : i32
    %add3A_76 = arith.addi %mul3A_2, %add3A_75 : i32
    %mul3A_77 = arith.constant 64 : i32
    %mul3A_78 = arith.muli %add3A_76, %mul3A_77 : i32
    %dma_start3A_79 = arith.constant 1 : i32
    %dma_start3A_80 = arith.constant 0 : i32
    %dma_start3A_81 = tpu.memref_slice %arg7[%dma_start3A_79, %dma_start3A_80] : memref<2x8192xf32, #tpu.memory_space<vmem>> -> memref<1x8192xf32, #tpu.memory_space<vmem>>
    %dma_start3A_82 = tpu.memref_squeeze %dma_start3A_81 : memref<1x8192xf32, #tpu.memory_space<vmem>> -> memref<8192xf32, #tpu.memory_space<vmem>>
    %dma_start3A_83 = tpu.memref_slice %arg4[%mul3A_78] : memref<5242880xf32, #tpu.memory_space<hbm>> -> memref<8192xf32, #tpu.memory_space<hbm>>
    %dma_start3A_84 = tpu.memref_slice %arg4[%mul3A_78] : memref<5242880xf32, #tpu.memory_space<hbm>> -> memref<8192xf32, #tpu.memory_space<hbm>>
    %dma_start3A_85 = arith.constant 0 : i32
    %dma_start3A_86 = tpu.memref_slice %arg7[%dma_start3A_79, %dma_start3A_85] : memref<2x8192xf32, #tpu.memory_space<vmem>> -> memref<1x8192xf32, #tpu.memory_space<vmem>>
    %dma_start3A_87 = tpu.memref_squeeze %dma_start3A_86 : memref<1x8192xf32, #tpu.memory_space<vmem>> -> memref<8192xf32, #tpu.memory_space<vmem>>
    tpu.enqueue_dma source(%dma_start3A_87 : memref<8192xf32, #tpu.memory_space<vmem>>) target(%dma_start3A_84 : memref<8192xf32, #tpu.memory_space<hbm>>) target_semaphore(%arg9 : memref<!tpu.dma_semaphore, #tpu.memory_space<semaphore_mem>>)
    %dma_start3A_88 = arith.constant 1 : i32
    %dma_start3A_89 = arith.constant 0 : i32
    %dma_start3A_90 = arith.constant 0 : i32
    %dma_start3A_91 = tpu.memref_slice %arg6[%dma_start3A_88, %dma_start3A_89, %dma_start3A_90] : memref<2x128x128xf32, #tpu.memory_space<vmem>> -> memref<1x128x128xf32, #tpu.memory_space<vmem>>
    %dma_start3A_92 = tpu.memref_squeeze %dma_start3A_91 : memref<1x128x128xf32, #tpu.memory_space<vmem>> -> memref<128x128xf32, #tpu.memory_space<vmem>>
    %dma_start3A_93 = arith.constant 384 : i32
    %dma_start3A_94 = tpu.memref_slice %arg5[%dma_start3A_93] : memref<2560xi32, #tpu.memory_space<vmem>> -> memref<128xi32, #tpu.memory_space<vmem>>
    %dma_start3A_95 = arith.constant 0 : i32
    %dma_start3A_96 = arith.constant 0 : i32
    %dma_start3A_97 = tpu.memref_slice %arg2[%dma_start3A_95, %dma_start3A_96] : memref<1000000x128xf32, #tpu.memory_space<hbm>> -> memref<1000000x128xf32, #tpu.memory_space<hbm>>
    tpu.enqueue_indirect_dma source(%dma_start3A_97 : memref<1000000x128xf32, #tpu.memory_space<hbm>>) target(%dma_start3A_92 : memref<128x128xf32, #tpu.memory_space<vmem>>) offsets(%dma_start3A_94 : memref<128xi32, #tpu.memory_space<vmem>>) semaphore(%arg8 : memref<!tpu.dma_semaphore, #tpu.memory_space<semaphore_mem>>)
    %dma_wait3A_98 = arith.constant 0 : i32
    %dma_wait3A_99 = arith.constant 0 : i32
    %dma_wait3A_100 = arith.constant 0 : i32
    %dma_wait3A_101 = tpu.memref_slice %arg6[%dma_wait3A_98, %dma_wait3A_99, %dma_wait3A_100] : memref<2x128x128xf32, #tpu.memory_space<vmem>> -> memref<1x128x128xf32, #tpu.memory_space<vmem>>
    %dma_wait3A_102 = tpu.memref_squeeze %dma_wait3A_101 : memref<1x128x128xf32, #tpu.memory_space<vmem>> -> memref<128x128xf32, #tpu.memory_space<vmem>>
    %dma_wait3A_103 = arith.constant 256 : i32
    %dma_wait3A_104 = tpu.memref_slice %arg5[%dma_wait3A_103] : memref<2560xi32, #tpu.memory_space<vmem>> -> memref<128xi32, #tpu.memory_space<vmem>>
    %dma_wait3A_105 = arith.constant 0 : i32
    %dma_wait3A_106 = arith.constant 0 : i32
    %dma_wait3A_107 = tpu.memref_slice %arg2[%dma_wait3A_105, %dma_wait3A_106] : memref<1000000x128xf32, #tpu.memory_space<hbm>> -> memref<1000000x128xf32, #tpu.memory_space<hbm>>
    tpu.wait_indirect_dma semaphore(%arg8 : memref<!tpu.dma_semaphore, #tpu.memory_space<semaphore_mem>>) src(%dma_wait3A_107 : memref<1000000x128xf32, #tpu.memory_space<hbm>>) dst(%dma_wait3A_102 : memref<128x128xf32, #tpu.memory_space<vmem>>)
    %dma_wait3A_108 = arith.constant 0 : i32
    %dma_wait3A_109 = arith.constant 0 : i32
    %dma_wait3A_110 = tpu.memref_slice %arg7[%dma_wait3A_108, %dma_wait3A_109] : memref<2x8192xf32, #tpu.memory_space<vmem>> -> memref<1x8192xf32, #tpu.memory_space<vmem>>
    %dma_wait3A_111 = tpu.memref_squeeze %dma_wait3A_110 : memref<1x8192xf32, #tpu.memory_space<vmem>> -> memref<8192xf32, #tpu.memory_space<vmem>>
    %dma_wait3A_112 = tpu.memref_slice %arg4[%mul3A_39] : memref<5242880xf32, #tpu.memory_space<hbm>> -> memref<8192xf32, #tpu.memory_space<hbm>>
    %dma_wait3A_113 = tpu.memref_slice %arg4[%mul3A_39] : memref<5242880xf32, #tpu.memory_space<hbm>> -> memref<8192xf32, #tpu.memory_space<hbm>>
    %dma_wait3A_114 = arith.constant 0 : i32
    %dma_wait3A_115 = tpu.memref_slice %arg7[%dma_wait3A_108, %dma_wait3A_114] : memref<2x8192xf32, #tpu.memory_space<vmem>> -> memref<1x8192xf32, #tpu.memory_space<vmem>>
    %dma_wait3A_116 = tpu.memref_squeeze %dma_wait3A_115 : memref<1x8192xf32, #tpu.memory_space<vmem>> -> memref<8192xf32, #tpu.memory_space<vmem>>
    tpu.wait_dma2 semaphore(%arg9 : memref<!tpu.dma_semaphore, #tpu.memory_space<semaphore_mem>>) src(%dma_wait3A_116 : memref<8192xf32, #tpu.memory_space<vmem>>) dst(%dma_wait3A_113 : memref<8192xf32, #tpu.memory_space<hbm>>)
    %scan3A_117 = arith.constant 0 : i32
    %scan3A_118 = arith.constant 0 : i32
    %scan3A_119 = arith.constant 128 : i32
    %scan3A_120 = arith.addi %scan3A_118, %scan3A_119 : i32
    %scan3A_121 = arith.constant 1 : i32
    scf.for %scan3A_960 = %scan3A_118 to %scan3A_120 step %scan3A_121  : i32 {
      %get3A = arith.constant 0 : i32
      %get3A_961 = arith.index_cast %get3A : i32 to index
      %get3A_962 = arith.index_cast %scan3A_960 : i32 to index
      %get3A_963 = arith.constant 0 : index
      %get3A_964 = tpu.vector_load %arg6[%get3A_961, %get3A_962, %get3A_963] {strides = array<i32>} : memref<2x128x128xf32, #tpu.memory_space<vmem>>, vector<1x1x16xf32>,
      %get3A_965 = vector.shape_cast %get3A_964 : vector<1x1x16xf32> to vector<16xf32>
      %mul3A_966 = arith.constant 64 : i32
      %mul3A_967 = arith.muli %scan3A_960, %mul3A_966 : i32
      %add3A_968 = arith.constant 0 : i32
      %add3A_969 = arith.addi %mul3A_967, %add3A_968 : i32
      %swap3A = arith.constant 0 : i32
      %swap3A_970 = arith.index_cast %swap3A : i32 to index
      %swap3A_971 = arith.index_cast %add3A_969 : i32 to index
      %swap3A_972 = tpu.vector_load %arg7[%swap3A_970, %swap3A_971] {strides = array<i32>} : memref<2x8192xf32, #tpu.memory_space<vmem>>, vector<1x16xf32>,
      %swap3A_973 = vector.shape_cast %swap3A_972 : vector<1x16xf32> to vector<16xf32>
      %swap3A_974 = vector.shape_cast %get3A_965 : vector<16xf32> to vector<1x16xf32>
      tpu.vector_store %arg7[%swap3A_970, %swap3A_971], %swap3A_974 {strides = array<i32>} : memref<2x8192xf32, #tpu.memory_space<vmem>>, vector<1x16xf32>,
      %get3A_975 = arith.constant 0 : i32
      %get3A_976 = arith.index_cast %get3A_975 : i32 to index
      %get3A_977 = arith.index_cast %scan3A_960 : i32 to index
      %get3A_978 = arith.constant 16 : index
      %get3A_979 = tpu.vector_load %arg6[%get3A_976, %get3A_977, %get3A_978] {strides = array<i32>} : memref<2x128x128xf32, #tpu.memory_space<vmem>>, vector<1x1x16xf32>,
      %get3A_980 = vector.shape_cast %get3A_979 : vector<1x1x16xf32> to vector<16xf32>
      %mul3A_981 = arith.constant 64 : i32
      %mul3A_982 = arith.muli %scan3A_960, %mul3A_981 : i32
      %add3A_983 = arith.constant 16 : i32
      %add3A_984 = arith.addi %mul3A_982, %add3A_983 : i32
      %swap3A_985 = arith.constant 0 : i32
      %swap3A_986 = arith.index_cast %swap3A_985 : i32 to index
      %swap3A_987 = arith.index_cast %add3A_984 : i32 to index
      %swap3A_988 = tpu.vector_load %arg7[%swap3A_986, %swap3A_987] {strides = array<i32>} : memref<2x8192xf32, #tpu.memory_space<vmem>>, vector<1x16xf32>,
      %swap3A_989 = vector.shape_cast %swap3A_988 : vector<1x16xf32> to vector<16xf32>
      %swap3A_990 = vector.shape_cast %get3A_980 : vector<16xf32> to vector<1x16xf32>
      tpu.vector_store %arg7[%swap3A_986, %swap3A_987], %swap3A_990 {strides = array<i32>} : memref<2x8192xf32, #tpu.memory_space<vmem>>, vector<1x16xf32>,
      %get3A_991 = arith.constant 0 : i32
      %get3A_992 = arith.index_cast %get3A_991 : i32 to index
      %get3A_993 = arith.index_cast %scan3A_960 : i32 to index
      %get3A_994 = arith.constant 32 : index
      %get3A_995 = tpu.vector_load %arg6[%get3A_992, %get3A_993, %get3A_994] {strides = array<i32>} : memref<2x128x128xf32, #tpu.memory_space<vmem>>, vector<1x1x16xf32>,
      %get3A_996 = vector.shape_cast %get3A_995 : vector<1x1x16xf32> to vector<16xf32>
      %mul3A_997 = arith.constant 64 : i32
      %mul3A_998 = arith.muli %scan3A_960, %mul3A_997 : i32
      %add3A_999 = arith.constant 32 : i32
      %add3A_1000 = arith.addi %mul3A_998, %add3A_999 : i32
      %swap3A_1001 = arith.constant 0 : i32
      %swap3A_1002 = arith.index_cast %swap3A_1001 : i32 to index
      %swap3A_1003 = arith.index_cast %add3A_1000 : i32 to index
      %swap3A_1004 = tpu.vector_load %arg7[%swap3A_1002, %swap3A_1003] {strides = array<i32>} : memref<2x8192xf32, #tpu.memory_space<vmem>>, vector<1x16xf32>,
      %swap3A_1005 = vector.shape_cast %swap3A_1004 : vector<1x16xf32> to vector<16xf32>
      %swap3A_1006 = vector.shape_cast %get3A_996 : vector<16xf32> to vector<1x16xf32>
      tpu.vector_store %arg7[%swap3A_1002, %swap3A_1003], %swap3A_1006 {strides = array<i32>} : memref<2x8192xf32, #tpu.memory_space<vmem>>, vector<1x16xf32>,
      %get3A_1007 = arith.constant 0 : i32
      %get3A_1008 = arith.index_cast %get3A_1007 : i32 to index
      %get3A_1009 = arith.index_cast %scan3A_960 : i32 to index
      %get3A_1010 = arith.constant 48 : index
      %get3A_1011 = tpu.vector_load %arg6[%get3A_1008, %get3A_1009, %get3A_1010] {strides = array<i32>} : memref<2x128x128xf32, #tpu.memory_space<vmem>>, vector<1x1x16xf32>,
      %get3A_1012 = vector.shape_cast %get3A_1011 : vector<1x1x16xf32> to vector<16xf32>
      %mul3A_1013 = arith.constant 64 : i32
      %mul3A_1014 = arith.muli %scan3A_960, %mul3A_1013 : i32
      %add3A_1015 = arith.constant 48 : i32
      %add3A_1016 = arith.addi %mul3A_1014, %add3A_1015 : i32
      %swap3A_1017 = arith.constant 0 : i32
      %swap3A_1018 = arith.index_cast %swap3A_1017 : i32 to index
      %swap3A_1019 = arith.index_cast %add3A_1016 : i32 to index
      %swap3A_1020 = tpu.vector_load %arg7[%swap3A_1018, %swap3A_1019] {strides = array<i32>} : memref<2x8192xf32, #tpu.memory_space<vmem>>, vector<1x16xf32>,
      %swap3A_1021 = vector.shape_cast %swap3A_1020 : vector<1x16xf32> to vector<16xf32>
      %swap3A_1022 = vector.shape_cast %get3A_1012 : vector<16xf32> to vector<1x16xf32>
      tpu.vector_store %arg7[%swap3A_1018, %swap3A_1019], %swap3A_1022 {strides = array<i32>} : memref<2x8192xf32, #tpu.memory_space<vmem>>, vector<1x16xf32>,
    }
    %scan3A_122 = arith.constant 128 : i32
    %add3A_123 = arith.constant 256 : i32
    %add3A_124 = arith.addi %mul3A_2, %add3A_123 : i32
    %mul3A_125 = arith.constant 64 : i32
    %mul3A_126 = arith.muli %add3A_124, %mul3A_125 : i32
    %dma_start3A_127 = arith.constant 0 : i32
    %dma_start3A_128 = arith.constant 0 : i32
    %dma_start3A_129 = tpu.memref_slice %arg7[%dma_start3A_127, %dma_start3A_128] : memref<2x8192xf32, #tpu.memory_space<vmem>> -> memref<1x8192xf32, #tpu.memory_space<vmem>>
    %dma_start3A_130 = tpu.memref_squeeze %dma_start3A_129 : memref<1x8192xf32, #tpu.memory_space<vmem>> -> memref<8192xf32, #tpu.memory_space<vmem>>
    %dma_start3A_131 = tpu.memref_slice %arg4[%mul3A_126] : memref<5242880xf32, #tpu.memory_space<hbm>> -> memref<8192xf32, #tpu.memory_space<hbm>>
    %dma_start3A_132 = tpu.memref_slice %arg4[%mul3A_126] : memref<5242880xf32, #tpu.memory_space<hbm>> -> memref<8192xf32, #tpu.memory_space<hbm>>
    %dma_start3A_133 = arith.constant 0 : i32
    %dma_start3A_134 = tpu.memref_slice %arg7[%dma_start3A_127, %dma_start3A_133] : memref<2x8192xf32, #tpu.memory_space<vmem>> -> memref<1x8192xf32, #tpu.memory_space<vmem>>
    %dma_start3A_135 = tpu.memref_squeeze %dma_start3A_134 : memref<1x8192xf32, #tpu.memory_space<vmem>> -> memref<8192xf32, #tpu.memory_space<vmem>>
    tpu.enqueue_dma source(%dma_start3A_135 : memref<8192xf32, #tpu.memory_space<vmem>>) target(%dma_start3A_132 : memref<8192xf32, #tpu.memory_space<hbm>>) target_semaphore(%arg9 : memref<!tpu.dma_semaphore, #tpu.memory_space<semaphore_mem>>)
    %dma_start3A_136 = arith.constant 0 : i32
    %dma_start3A_137 = arith.constant 0 : i32
    %dma_start3A_138 = arith.constant 0 : i32
    %dma_start3A_139 = tpu.memref_slice %arg6[%dma_start3A_136, %dma_start3A_137, %dma_start3A_138] : memref<2x128x128xf32, #tpu.memory_space<vmem>> -> memref<1x128x128xf32, #tpu.memory_space<vmem>>
    %dma_start3A_140 = tpu.memref_squeeze %dma_start3A_139 : memref<1x128x128xf32, #tpu.memory_space<vmem>> -> memref<128x128xf32, #tpu.memory_space<vmem>>
    %dma_start3A_141 = arith.constant 512 : i32
    %dma_start3A_142 = tpu.memref_slice %arg5[%dma_start3A_141] : memref<2560xi32, #tpu.memory_space<vmem>> -> memref<128xi32, #tpu.memory_space<vmem>>
    %dma_start3A_143 = arith.constant 0 : i32
    %dma_start3A_144 = arith.constant 0 : i32
    %dma_start3A_145 = tpu.memref_slice %arg2[%dma_start3A_143, %dma_start3A_144] : memref<1000000x128xf32, #tpu.memory_space<hbm>> -> memref<1000000x128xf32, #tpu.memory_space<hbm>>
    tpu.enqueue_indirect_dma source(%dma_start3A_145 : memref<1000000x128xf32, #tpu.memory_space<hbm>>) target(%dma_start3A_140 : memref<128x128xf32, #tpu.memory_space<vmem>>) offsets(%dma_start3A_142 : memref<128xi32, #tpu.memory_space<vmem>>) semaphore(%arg8 : memref<!tpu.dma_semaphore, #tpu.memory_space<semaphore_mem>>)
    %dma_wait3A_146 = arith.constant 1 : i32
    %dma_wait3A_147 = arith.constant 0 : i32
    %dma_wait3A_148 = arith.constant 0 : i32
    %dma_wait3A_149 = tpu.memref_slice %arg6[%dma_wait3A_146, %dma_wait3A_147, %dma_wait3A_148] : memref<2x128x128xf32, #tpu.memory_space<vmem>> -> memref<1x128x128xf32, #tpu.memory_space<vmem>>
    %dma_wait3A_150 = tpu.memref_squeeze %dma_wait3A_149 : memref<1x128x128xf32, #tpu.memory_space<vmem>> -> memref<128x128xf32, #tpu.memory_space<vmem>>
    %dma_wait3A_151 = arith.constant 384 : i32
    %dma_wait3A_152 = tpu.memref_slice %arg5[%dma_wait3A_151] : memref<2560xi32, #tpu.memory_space<vmem>> -> memref<128xi32, #tpu.memory_space<vmem>>
    %dma_wait3A_153 = arith.constant 0 : i32
    %dma_wait3A_154 = arith.constant 0 : i32
    %dma_wait3A_155 = tpu.memref_slice %arg2[%dma_wait3A_153, %dma_wait3A_154] : memref<1000000x128xf32, #tpu.memory_space<hbm>> -> memref<1000000x128xf32, #tpu.memory_space<hbm>>
    tpu.wait_indirect_dma semaphore(%arg8 : memref<!tpu.dma_semaphore, #tpu.memory_space<semaphore_mem>>) src(%dma_wait3A_155 : memref<1000000x128xf32, #tpu.memory_space<hbm>>) dst(%dma_wait3A_150 : memref<128x128xf32, #tpu.memory_space<vmem>>)
    %dma_wait3A_156 = arith.constant 1 : i32
    %dma_wait3A_157 = arith.constant 0 : i32
    %dma_wait3A_158 = tpu.memref_slice %arg7[%dma_wait3A_156, %dma_wait3A_157] : memref<2x8192xf32, #tpu.memory_space<vmem>> -> memref<1x8192xf32, #tpu.memory_space<vmem>>
    %dma_wait3A_159 = tpu.memref_squeeze %dma_wait3A_158 : memref<1x8192xf32, #tpu.memory_space<vmem>> -> memref<8192xf32, #tpu.memory_space<vmem>>
    %dma_wait3A_160 = tpu.memref_slice %arg4[%mul3A_78] : memref<5242880xf32, #tpu.memory_space<hbm>> -> memref<8192xf32, #tpu.memory_space<hbm>>
    %dma_wait3A_161 = tpu.memref_slice %arg4[%mul3A_78] : memref<5242880xf32, #tpu.memory_space<hbm>> -> memref<8192xf32, #tpu.memory_space<hbm>>
    %dma_wait3A_162 = arith.constant 0 : i32
    %dma_wait3A_163 = tpu.memref_slice %arg7[%dma_wait3A_156, %dma_wait3A_162] : memref<2x8192xf32, #tpu.memory_space<vmem>> -> memref<1x8192xf32, #tpu.memory_space<vmem>>
    %dma_wait3A_164 = tpu.memref_squeeze %dma_wait3A_163 : memref<1x8192xf32, #tpu.memory_space<vmem>> -> memref<8192xf32, #tpu.memory_space<vmem>>
    tpu.wait_dma2 semaphore(%arg9 : memref<!tpu.dma_semaphore, #tpu.memory_space<semaphore_mem>>) src(%dma_wait3A_164 : memref<8192xf32, #tpu.memory_space<vmem>>) dst(%dma_wait3A_161 : memref<8192xf32, #tpu.memory_space<hbm>>)
    %scan3A_165 = arith.constant 0 : i32
    %scan3A_166 = arith.constant 0 : i32
    %scan3A_167 = arith.constant 128 : i32
    %scan3A_168 = arith.addi %scan3A_166, %scan3A_167 : i32
    %scan3A_169 = arith.constant 1 : i32
    scf.for %scan3A_960 = %scan3A_166 to %scan3A_168 step %scan3A_169  : i32 {
      %get3A = arith.constant 1 : i32
      %get3A_961 = arith.index_cast %get3A : i32 to index
      %get3A_962 = arith.index_cast %scan3A_960 : i32 to index
      %get3A_963 = arith.constant 0 : index
      %get3A_964 = tpu.vector_load %arg6[%get3A_961, %get3A_962, %get3A_963] {strides = array<i32>} : memref<2x128x128xf32, #tpu.memory_space<vmem>>, vector<1x1x16xf32>,
      %get3A_965 = vector.shape_cast %get3A_964 : vector<1x1x16xf32> to vector<16xf32>
      %mul3A_966 = arith.constant 64 : i32
      %mul3A_967 = arith.muli %scan3A_960, %mul3A_966 : i32
      %add3A_968 = arith.constant 0 : i32
      %add3A_969 = arith.addi %mul3A_967, %add3A_968 : i32
      %swap3A = arith.constant 1 : i32
      %swap3A_970 = arith.index_cast %swap3A : i32 to index
      %swap3A_971 = arith.index_cast %add3A_969 : i32 to index
      %swap3A_972 = tpu.vector_load %arg7[%swap3A_970, %swap3A_971] {strides = array<i32>} : memref<2x8192xf32, #tpu.memory_space<vmem>>, vector<1x16xf32>,
      %swap3A_973 = vector.shape_cast %swap3A_972 : vector<1x16xf32> to vector<16xf32>
      %swap3A_974 = vector.shape_cast %get3A_965 : vector<16xf32> to vector<1x16xf32>
      tpu.vector_store %arg7[%swap3A_970, %swap3A_971], %swap3A_974 {strides = array<i32>} : memref<2x8192xf32, #tpu.memory_space<vmem>>, vector<1x16xf32>,
      %get3A_975 = arith.constant 1 : i32
      %get3A_976 = arith.index_cast %get3A_975 : i32 to index
      %get3A_977 = arith.index_cast %scan3A_960 : i32 to index
      %get3A_978 = arith.constant 16 : index
      %get3A_979 = tpu.vector_load %arg6[%get3A_976, %get3A_977, %get3A_978] {strides = array<i32>} : memref<2x128x128xf32, #tpu.memory_space<vmem>>, vector<1x1x16xf32>,
      %get3A_980 = vector.shape_cast %get3A_979 : vector<1x1x16xf32> to vector<16xf32>
      %mul3A_981 = arith.constant 64 : i32
      %mul3A_982 = arith.muli %scan3A_960, %mul3A_981 : i32
      %add3A_983 = arith.constant 16 : i32
      %add3A_984 = arith.addi %mul3A_982, %add3A_983 : i32
      %swap3A_985 = arith.constant 1 : i32
      %swap3A_986 = arith.index_cast %swap3A_985 : i32 to index
      %swap3A_987 = arith.index_cast %add3A_984 : i32 to index
      %swap3A_988 = tpu.vector_load %arg7[%swap3A_986, %swap3A_987] {strides = array<i32>} : memref<2x8192xf32, #tpu.memory_space<vmem>>, vector<1x16xf32>,
      %swap3A_989 = vector.shape_cast %swap3A_988 : vector<1x16xf32> to vector<16xf32>
      %swap3A_990 = vector.shape_cast %get3A_980 : vector<16xf32> to vector<1x16xf32>
      tpu.vector_store %arg7[%swap3A_986, %swap3A_987], %swap3A_990 {strides = array<i32>} : memref<2x8192xf32, #tpu.memory_space<vmem>>, vector<1x16xf32>,
      %get3A_991 = arith.constant 1 : i32
      %get3A_992 = arith.index_cast %get3A_991 : i32 to index
      %get3A_993 = arith.index_cast %scan3A_960 : i32 to index
      %get3A_994 = arith.constant 32 : index
      %get3A_995 = tpu.vector_load %arg6[%get3A_992, %get3A_993, %get3A_994] {strides = array<i32>} : memref<2x128x128xf32, #tpu.memory_space<vmem>>, vector<1x1x16xf32>,
      %get3A_996 = vector.shape_cast %get3A_995 : vector<1x1x16xf32> to vector<16xf32>
      %mul3A_997 = arith.constant 64 : i32
      %mul3A_998 = arith.muli %scan3A_960, %mul3A_997 : i32
      %add3A_999 = arith.constant 32 : i32
      %add3A_1000 = arith.addi %mul3A_998, %add3A_999 : i32
      %swap3A_1001 = arith.constant 1 : i32
      %swap3A_1002 = arith.index_cast %swap3A_1001 : i32 to index
      %swap3A_1003 = arith.index_cast %add3A_1000 : i32 to index
      %swap3A_1004 = tpu.vector_load %arg7[%swap3A_1002, %swap3A_1003] {strides = array<i32>} : memref<2x8192xf32, #tpu.memory_space<vmem>>, vector<1x16xf32>,
      %swap3A_1005 = vector.shape_cast %swap3A_1004 : vector<1x16xf32> to vector<16xf32>
      %swap3A_1006 = vector.shape_cast %get3A_996 : vector<16xf32> to vector<1x16xf32>
      tpu.vector_store %arg7[%swap3A_1002, %swap3A_1003], %swap3A_1006 {strides = array<i32>} : memref<2x8192xf32, #tpu.memory_space<vmem>>, vector<1x16xf32>,
      %get3A_1007 = arith.constant 1 : i32
      %get3A_1008 = arith.index_cast %get3A_1007 : i32 to index
      %get3A_1009 = arith.index_cast %scan3A_960 : i32 to index
      %get3A_1010 = arith.constant 48 : index
      %get3A_1011 = tpu.vector_load %arg6[%get3A_1008, %get3A_1009, %get3A_1010] {strides = array<i32>} : memref<2x128x128xf32, #tpu.memory_space<vmem>>, vector<1x1x16xf32>,
      %get3A_1012 = vector.shape_cast %get3A_1011 : vector<1x1x16xf32> to vector<16xf32>
      %mul3A_1013 = arith.constant 64 : i32
      %mul3A_1014 = arith.muli %scan3A_960, %mul3A_1013 : i32
      %add3A_1015 = arith.constant 48 : i32
      %add3A_1016 = arith.addi %mul3A_1014, %add3A_1015 : i32
      %swap3A_1017 = arith.constant 1 : i32
      %swap3A_1018 = arith.index_cast %swap3A_1017 : i32 to index
      %swap3A_1019 = arith.index_cast %add3A_1016 : i32 to index
      %swap3A_1020 = tpu.vector_load %arg7[%swap3A_1018, %swap3A_1019] {strides = array<i32>} : memref<2x8192xf32, #tpu.memory_space<vmem>>, vector<1x16xf32>,
      %swap3A_1021 = vector.shape_cast %swap3A_1020 : vector<1x16xf32> to vector<16xf32>
      %swap3A_1022 = vector.shape_cast %get3A_1012 : vector<16xf32> to vector<1x16xf32>
      tpu.vector_store %arg7[%swap3A_1018, %swap3A_1019], %swap3A_1022 {strides = array<i32>} : memref<2x8192xf32, #tpu.memory_space<vmem>>, vector<1x16xf32>,
    }
    %scan3A_170 = arith.constant 128 : i32
    %add3A_171 = arith.constant 384 : i32
    %add3A_172 = arith.addi %mul3A_2, %add3A_171 : i32
    %mul3A_173 = arith.constant 64 : i32
    %mul3A_174 = arith.muli %add3A_172, %mul3A_173 : i32
    %dma_start3A_175 = arith.constant 1 : i32
    %dma_start3A_176 = arith.constant 0 : i32
    %dma_start3A_177 = tpu.memref_slice %arg7[%dma_start3A_175, %dma_start3A_176] : memref<2x8192xf32, #tpu.memory_space<vmem>> -> memref<1x8192xf32, #tpu.memory_space<vmem>>
    %dma_start3A_178 = tpu.memref_squeeze %dma_start3A_177 : memref<1x8192xf32, #tpu.memory_space<vmem>> -> memref<8192xf32, #tpu.memory_space<vmem>>
    %dma_start3A_179 = tpu.memref_slice %arg4[%mul3A_174] : memref<5242880xf32, #tpu.memory_space<hbm>> -> memref<8192xf32, #tpu.memory_space<hbm>>
    %dma_start3A_180 = tpu.memref_slice %arg4[%mul3A_174] : memref<5242880xf32, #tpu.memory_space<hbm>> -> memref<8192xf32, #tpu.memory_space<hbm>>
    %dma_start3A_181 = arith.constant 0 : i32
    %dma_start3A_182 = tpu.memref_slice %arg7[%dma_start3A_175, %dma_start3A_181] : memref<2x8192xf32, #tpu.memory_space<vmem>> -> memref<1x8192xf32, #tpu.memory_space<vmem>>
    %dma_start3A_183 = tpu.memref_squeeze %dma_start3A_182 : memref<1x8192xf32, #tpu.memory_space<vmem>> -> memref<8192xf32, #tpu.memory_space<vmem>>
    tpu.enqueue_dma source(%dma_start3A_183 : memref<8192xf32, #tpu.memory_space<vmem>>) target(%dma_start3A_180 : memref<8192xf32, #tpu.memory_space<hbm>>) target_semaphore(%arg9 : memref<!tpu.dma_semaphore, #tpu.memory_space<semaphore_mem>>)
    %dma_start3A_184 = arith.constant 1 : i32
    %dma_start3A_185 = arith.constant 0 : i32
    %dma_start3A_186 = arith.constant 0 : i32
    %dma_start3A_187 = tpu.memref_slice %arg6[%dma_start3A_184, %dma_start3A_185, %dma_start3A_186] : memref<2x128x128xf32, #tpu.memory_space<vmem>> -> memref<1x128x128xf32, #tpu.memory_space<vmem>>
    %dma_start3A_188 = tpu.memref_squeeze %dma_start3A_187 : memref<1x128x128xf32, #tpu.memory_space<vmem>> -> memref<128x128xf32, #tpu.memory_space<vmem>>
    %dma_start3A_189 = arith.constant 640 : i32
    %dma_start3A_190 = tpu.memref_slice %arg5[%dma_start3A_189] : memref<2560xi32, #tpu.memory_space<vmem>> -> memref<128xi32, #tpu.memory_space<vmem>>
    %dma_start3A_191 = arith.constant 0 : i32
    %dma_start3A_192 = arith.constant 0 : i32
    %dma_start3A_193 = tpu.memref_slice %arg2[%dma_start3A_191, %dma_start3A_192] : memref<1000000x128xf32, #tpu.memory_space<hbm>> -> memref<1000000x128xf32, #tpu.memory_space<hbm>>
    tpu.enqueue_indirect_dma source(%dma_start3A_193 : memref<1000000x128xf32, #tpu.memory_space<hbm>>) target(%dma_start3A_188 : memref<128x128xf32, #tpu.memory_space<vmem>>) offsets(%dma_start3A_190 : memref<128xi32, #tpu.memory_space<vmem>>) semaphore(%arg8 : memref<!tpu.dma_semaphore, #tpu.memory_space<semaphore_mem>>)
    %dma_wait3A_194 = arith.constant 0 : i32
    %dma_wait3A_195 = arith.constant 0 : i32
    %dma_wait3A_196 = arith.constant 0 : i32
    %dma_wait3A_197 = tpu.memref_slice %arg6[%dma_wait3A_194, %dma_wait3A_195, %dma_wait3A_196] : memref<2x128x128xf32, #tpu.memory_space<vmem>> -> memref<1x128x128xf32, #tpu.memory_space<vmem>>
    %dma_wait3A_198 = tpu.memref_squeeze %dma_wait3A_197 : memref<1x128x128xf32, #tpu.memory_space<vmem>> -> memref<128x128xf32, #tpu.memory_space<vmem>>
    %dma_wait3A_199 = arith.constant 512 : i32
    %dma_wait3A_200 = tpu.memref_slice %arg5[%dma_wait3A_199] : memref<2560xi32, #tpu.memory_space<vmem>> -> memref<128xi32, #tpu.memory_space<vmem>>
    %dma_wait3A_201 = arith.constant 0 : i32
    %dma_wait3A_202 = arith.constant 0 : i32
    %dma_wait3A_203 = tpu.memref_slice %arg2[%dma_wait3A_201, %dma_wait3A_202] : memref<1000000x128xf32, #tpu.memory_space<hbm>> -> memref<1000000x128xf32, #tpu.memory_space<hbm>>
    tpu.wait_indirect_dma semaphore(%arg8 : memref<!tpu.dma_semaphore, #tpu.memory_space<semaphore_mem>>) src(%dma_wait3A_203 : memref<1000000x128xf32, #tpu.memory_space<hbm>>) dst(%dma_wait3A_198 : memref<128x128xf32, #tpu.memory_space<vmem>>)
    %dma_wait3A_204 = arith.constant 0 : i32
    %dma_wait3A_205 = arith.constant 0 : i32
    %dma_wait3A_206 = tpu.memref_slice %arg7[%dma_wait3A_204, %dma_wait3A_205] : memref<2x8192xf32, #tpu.memory_space<vmem>> -> memref<1x8192xf32, #tpu.memory_space<vmem>>
    %dma_wait3A_207 = tpu.memref_squeeze %dma_wait3A_206 : memref<1x8192xf32, #tpu.memory_space<vmem>> -> memref<8192xf32, #tpu.memory_space<vmem>>
    %dma_wait3A_208 = tpu.memref_slice %arg4[%mul3A_126] : memref<5242880xf32, #tpu.memory_space<hbm>> -> memref<8192xf32, #tpu.memory_space<hbm>>
    %dma_wait3A_209 = tpu.memref_slice %arg4[%mul3A_126] : memref<5242880xf32, #tpu.memory_space<hbm>> -> memref<8192xf32, #tpu.memory_space<hbm>>
    %dma_wait3A_210 = arith.constant 0 : i32
    %dma_wait3A_211 = tpu.memref_slice %arg7[%dma_wait3A_204, %dma_wait3A_210] : memref<2x8192xf32, #tpu.memory_space<vmem>> -> memref<1x8192xf32, #tpu.memory_space<vmem>>
    %dma_wait3A_212 = tpu.memref_squeeze %dma_wait3A_211 : memref<1x8192xf32, #tpu.memory_space<vmem>> -> memref<8192xf32, #tpu.memory_space<vmem>>
    tpu.wait_dma2 semaphore(%arg9 : memref<!tpu.dma_semaphore, #tpu.memory_space<semaphore_mem>>) src(%dma_wait3A_212 : memref<8192xf32, #tpu.memory_space<vmem>>) dst(%dma_wait3A_209 : memref<8192xf32, #tpu.memory_space<hbm>>)
    %scan3A_213 = arith.constant 0 : i32
    %scan3A_214 = arith.constant 0 : i32
    %scan3A_215 = arith.constant 128 : i32
    %scan3A_216 = arith.addi %scan3A_214, %scan3A_215 : i32
    %scan3A_217 = arith.constant 1 : i32
    scf.for %scan3A_960 = %scan3A_214 to %scan3A_216 step %scan3A_217  : i32 {
      %get3A = arith.constant 0 : i32
      %get3A_961 = arith.index_cast %get3A : i32 to index
      %get3A_962 = arith.index_cast %scan3A_960 : i32 to index
      %get3A_963 = arith.constant 0 : index
      %get3A_964 = tpu.vector_load %arg6[%get3A_961, %get3A_962, %get3A_963] {strides = array<i32>} : memref<2x128x128xf32, #tpu.memory_space<vmem>>, vector<1x1x16xf32>,
      %get3A_965 = vector.shape_cast %get3A_964 : vector<1x1x16xf32> to vector<16xf32>
      %mul3A_966 = arith.constant 64 : i32
      %mul3A_967 = arith.muli %scan3A_960, %mul3A_966 : i32
      %add3A_968 = arith.constant 0 : i32
      %add3A_969 = arith.addi %mul3A_967, %add3A_968 : i32
      %swap3A = arith.constant 0 : i32
      %swap3A_970 = arith.index_cast %swap3A : i32 to index
      %swap3A_971 = arith.index_cast %add3A_969 : i32 to index
      %swap3A_972 = tpu.vector_load %arg7[%swap3A_970, %swap3A_971] {strides = array<i32>} : memref<2x8192xf32, #tpu.memory_space<vmem>>, vector<1x16xf32>,
      %swap3A_973 = vector.shape_cast %swap3A_972 : vector<1x16xf32> to vector<16xf32>
      %swap3A_974 = vector.shape_cast %get3A_965 : vector<16xf32> to vector<1x16xf32>
      tpu.vector_store %arg7[%swap3A_970, %swap3A_971], %swap3A_974 {strides = array<i32>} : memref<2x8192xf32, #tpu.memory_space<vmem>>, vector<1x16xf32>,
      %get3A_975 = arith.constant 0 : i32
      %get3A_976 = arith.index_cast %get3A_975 : i32 to index
      %get3A_977 = arith.index_cast %scan3A_960 : i32 to index
      %get3A_978 = arith.constant 16 : index
      %get3A_979 = tpu.vector_load %arg6[%get3A_976, %get3A_977, %get3A_978] {strides = array<i32>} : memref<2x128x128xf32, #tpu.memory_space<vmem>>, vector<1x1x16xf32>,
      %get3A_980 = vector.shape_cast %get3A_979 : vector<1x1x16xf32> to vector<16xf32>
      %mul3A_981 = arith.constant 64 : i32
      %mul3A_982 = arith.muli %scan3A_960, %mul3A_981 : i32
      %add3A_983 = arith.constant 16 : i32
      %add3A_984 = arith.addi %mul3A_982, %add3A_983 : i32
      %swap3A_985 = arith.constant 0 : i32
      %swap3A_986 = arith.index_cast %swap3A_985 : i32 to index
      %swap3A_987 = arith.index_cast %add3A_984 : i32 to index
      %swap3A_988 = tpu.vector_load %arg7[%swap3A_986, %swap3A_987] {strides = array<i32>} : memref<2x8192xf32, #tpu.memory_space<vmem>>, vector<1x16xf32>,
      %swap3A_989 = vector.shape_cast %swap3A_988 : vector<1x16xf32> to vector<16xf32>
      %swap3A_990 = vector.shape_cast %get3A_980 : vector<16xf32> to vector<1x16xf32>
      tpu.vector_store %arg7[%swap3A_986, %swap3A_987], %swap3A_990 {strides = array<i32>} : memref<2x8192xf32, #tpu.memory_space<vmem>>, vector<1x16xf32>,
      %get3A_991 = arith.constant 0 : i32
      %get3A_992 = arith.index_cast %get3A_991 : i32 to index
      %get3A_993 = arith.index_cast %scan3A_960 : i32 to index
      %get3A_994 = arith.constant 32 : index
      %get3A_995 = tpu.vector_load %arg6[%get3A_992, %get3A_993, %get3A_994] {strides = array<i32>} : memref<2x128x128xf32, #tpu.memory_space<vmem>>, vector<1x1x16xf32>,
      %get3A_996 = vector.shape_cast %get3A_995 : vector<1x1x16xf32> to vector<16xf32>
      %mul3A_997 = arith.constant 64 : i32
      %mul3A_998 = arith.muli %scan3A_960, %mul3A_997 : i32
      %add3A_999 = arith.constant 32 : i32
      %add3A_1000 = arith.addi %mul3A_998, %add3A_999 : i32
      %swap3A_1001 = arith.constant 0 : i32
      %swap3A_1002 = arith.index_cast %swap3A_1001 : i32 to index
      %swap3A_1003 = arith.index_cast %add3A_1000 : i32 to index
      %swap3A_1004 = tpu.vector_load %arg7[%swap3A_1002, %swap3A_1003] {strides = array<i32>} : memref<2x8192xf32, #tpu.memory_space<vmem>>, vector<1x16xf32>,
      %swap3A_1005 = vector.shape_cast %swap3A_1004 : vector<1x16xf32> to vector<16xf32>
      %swap3A_1006 = vector.shape_cast %get3A_996 : vector<16xf32> to vector<1x16xf32>
      tpu.vector_store %arg7[%swap3A_1002, %swap3A_1003], %swap3A_1006 {strides = array<i32>} : memref<2x8192xf32, #tpu.memory_space<vmem>>, vector<1x16xf32>,
      %get3A_1007 = arith.constant 0 : i32
      %get3A_1008 = arith.index_cast %get3A_1007 : i32 to index
      %get3A_1009 = arith.index_cast %scan3A_960 : i32 to index
      %get3A_1010 = arith.constant 48 : index
      %get3A_1011 = tpu.vector_load %arg6[%get3A_1008, %get3A_1009, %get3A_1010] {strides = array<i32>} : memref<2x128x128xf32, #tpu.memory_space<vmem>>, vector<1x1x16xf32>,
      %get3A_1012 = vector.shape_cast %get3A_1011 : vector<1x1x16xf32> to vector<16xf32>
      %mul3A_1013 = arith.constant 64 : i32
      %mul3A_1014 = arith.muli %scan3A_960, %mul3A_1013 : i32
      %add3A_1015 = arith.constant 48 : i32
      %add3A_1016 = arith.addi %mul3A_1014, %add3A_1015 : i32
      %swap3A_1017 = arith.constant 0 : i32
      %swap3A_1018 = arith.index_cast %swap3A_1017 : i32 to index
      %swap3A_1019 = arith.index_cast %add3A_1016 : i32 to index
      %swap3A_1020 = tpu.vector_load %arg7[%swap3A_1018, %swap3A_1019] {strides = array<i32>} : memref<2x8192xf32, #tpu.memory_space<vmem>>, vector<1x16xf32>,
      %swap3A_1021 = vector.shape_cast %swap3A_1020 : vector<1x16xf32> to vector<16xf32>
      %swap3A_1022 = vector.shape_cast %get3A_1012 : vector<16xf32> to vector<1x16xf32>
      tpu.vector_store %arg7[%swap3A_1018, %swap3A_1019], %swap3A_1022 {strides = array<i32>} : memref<2x8192xf32, #tpu.memory_space<vmem>>, vector<1x16xf32>,
    }
    %scan3A_218 = arith.constant 128 : i32
    %add3A_219 = arith.constant 512 : i32
    %add3A_220 = arith.addi %mul3A_2, %add3A_219 : i32
    %mul3A_221 = arith.constant 64 : i32
    %mul3A_222 = arith.muli %add3A_220, %mul3A_221 : i32
    %dma_start3A_223 = arith.constant 0 : i32
    %dma_start3A_224 = arith.constant 0 : i32
    %dma_start3A_225 = tpu.memref_slice %arg7[%dma_start3A_223, %dma_start3A_224] : memref<2x8192xf32, #tpu.memory_space<vmem>> -> memref<1x8192xf32, #tpu.memory_space<vmem>>
    %dma_start3A_226 = tpu.memref_squeeze %dma_start3A_225 : memref<1x8192xf32, #tpu.memory_space<vmem>> -> memref<8192xf32, #tpu.memory_space<vmem>>
    %dma_start3A_227 = tpu.memref_slice %arg4[%mul3A_222] : memref<5242880xf32, #tpu.memory_space<hbm>> -> memref<8192xf32, #tpu.memory_space<hbm>>
    %dma_start3A_228 = tpu.memref_slice %arg4[%mul3A_222] : memref<5242880xf32, #tpu.memory_space<hbm>> -> memref<8192xf32, #tpu.memory_space<hbm>>
    %dma_start3A_229 = arith.constant 0 : i32
    %dma_start3A_230 = tpu.memref_slice %arg7[%dma_start3A_223, %dma_start3A_229] : memref<2x8192xf32, #tpu.memory_space<vmem>> -> memref<1x8192xf32, #tpu.memory_space<vmem>>
    %dma_start3A_231 = tpu.memref_squeeze %dma_start3A_230 : memref<1x8192xf32, #tpu.memory_space<vmem>> -> memref<8192xf32, #tpu.memory_space<vmem>>
    tpu.enqueue_dma source(%dma_start3A_231 : memref<8192xf32, #tpu.memory_space<vmem>>) target(%dma_start3A_228 : memref<8192xf32, #tpu.memory_space<hbm>>) target_semaphore(%arg9 : memref<!tpu.dma_semaphore, #tpu.memory_space<semaphore_mem>>)
    %dma_start3A_232 = arith.constant 0 : i32
    %dma_start3A_233 = arith.constant 0 : i32
    %dma_start3A_234 = arith.constant 0 : i32
    %dma_start3A_235 = tpu.memref_slice %arg6[%dma_start3A_232, %dma_start3A_233, %dma_start3A_234] : memref<2x128x128xf32, #tpu.memory_space<vmem>> -> memref<1x128x128xf32, #tpu.memory_space<vmem>>
    %dma_start3A_236 = tpu.memref_squeeze %dma_start3A_235 : memref<1x128x128xf32, #tpu.memory_space<vmem>> -> memref<128x128xf32, #tpu.memory_space<vmem>>
    %dma_start3A_237 = arith.constant 768 : i32
    %dma_start3A_238 = tpu.memref_slice %arg5[%dma_start3A_237] : memref<2560xi32, #tpu.memory_space<vmem>> -> memref<128xi32, #tpu.memory_space<vmem>>
    %dma_start3A_239 = arith.constant 0 : i32
    %dma_start3A_240 = arith.constant 0 : i32
    %dma_start3A_241 = tpu.memref_slice %arg2[%dma_start3A_239, %dma_start3A_240] : memref<1000000x128xf32, #tpu.memory_space<hbm>> -> memref<1000000x128xf32, #tpu.memory_space<hbm>>
    tpu.enqueue_indirect_dma source(%dma_start3A_241 : memref<1000000x128xf32, #tpu.memory_space<hbm>>) target(%dma_start3A_236 : memref<128x128xf32, #tpu.memory_space<vmem>>) offsets(%dma_start3A_238 : memref<128xi32, #tpu.memory_space<vmem>>) semaphore(%arg8 : memref<!tpu.dma_semaphore, #tpu.memory_space<semaphore_mem>>)
    %dma_wait3A_242 = arith.constant 1 : i32
    %dma_wait3A_243 = arith.constant 0 : i32
    %dma_wait3A_244 = arith.constant 0 : i32
    %dma_wait3A_245 = tpu.memref_slice %arg6[%dma_wait3A_242, %dma_wait3A_243, %dma_wait3A_244] : memref<2x128x128xf32, #tpu.memory_space<vmem>> -> memref<1x128x128xf32, #tpu.memory_space<vmem>>
    %dma_wait3A_246 = tpu.memref_squeeze %dma_wait3A_245 : memref<1x128x128xf32, #tpu.memory_space<vmem>> -> memref<128x128xf32, #tpu.memory_space<vmem>>
    %dma_wait3A_247 = arith.constant 640 : i32
    %dma_wait3A_248 = tpu.memref_slice %arg5[%dma_wait3A_247] : memref<2560xi32, #tpu.memory_space<vmem>> -> memref<128xi32, #tpu.memory_space<vmem>>
    %dma_wait3A_249 = arith.constant 0 : i32
    %dma_wait3A_250 = arith.constant 0 : i32
    %dma_wait3A_251 = tpu.memref_slice %arg2[%dma_wait3A_249, %dma_wait3A_250] : memref<1000000x128xf32, #tpu.memory_space<hbm>> -> memref<1000000x128xf32, #tpu.memory_space<hbm>>
    tpu.wait_indirect_dma semaphore(%arg8 : memref<!tpu.dma_semaphore, #tpu.memory_space<semaphore_mem>>) src(%dma_wait3A_251 : memref<1000000x128xf32, #tpu.memory_space<hbm>>) dst(%dma_wait3A_246 : memref<128x128xf32, #tpu.memory_space<vmem>>)
    %dma_wait3A_252 = arith.constant 1 : i32
    %dma_wait3A_253 = arith.constant 0 : i32
    %dma_wait3A_254 = tpu.memref_slice %arg7[%dma_wait3A_252, %dma_wait3A_253] : memref<2x8192xf32, #tpu.memory_space<vmem>> -> memref<1x8192xf32, #tpu.memory_space<vmem>>
    %dma_wait3A_255 = tpu.memref_squeeze %dma_wait3A_254 : memref<1x8192xf32, #tpu.memory_space<vmem>> -> memref<8192xf32, #tpu.memory_space<vmem>>
    %dma_wait3A_256 = tpu.memref_slice %arg4[%mul3A_174] : memref<5242880xf32, #tpu.memory_space<hbm>> -> memref<8192xf32, #tpu.memory_space<hbm>>
    %dma_wait3A_257 = tpu.memref_slice %arg4[%mul3A_174] : memref<5242880xf32, #tpu.memory_space<hbm>> -> memref<8192xf32, #tpu.memory_space<hbm>>
    %dma_wait3A_258 = arith.constant 0 : i32
    %dma_wait3A_259 = tpu.memref_slice %arg7[%dma_wait3A_252, %dma_wait3A_258] : memref<2x8192xf32, #tpu.memory_space<vmem>> -> memref<1x8192xf32, #tpu.memory_space<vmem>>
    %dma_wait3A_260 = tpu.memref_squeeze %dma_wait3A_259 : memref<1x8192xf32, #tpu.memory_space<vmem>> -> memref<8192xf32, #tpu.memory_space<vmem>>
    tpu.wait_dma2 semaphore(%arg9 : memref<!tpu.dma_semaphore, #tpu.memory_space<semaphore_mem>>) src(%dma_wait3A_260 : memref<8192xf32, #tpu.memory_space<vmem>>) dst(%dma_wait3A_257 : memref<8192xf32, #tpu.memory_space<hbm>>)
    %scan3A_261 = arith.constant 0 : i32
    %scan3A_262 = arith.constant 0 : i32
    %scan3A_263 = arith.constant 128 : i32
    %scan3A_264 = arith.addi %scan3A_262, %scan3A_263 : i32
    %scan3A_265 = arith.constant 1 : i32
    scf.for %scan3A_960 = %scan3A_262 to %scan3A_264 step %scan3A_265  : i32 {
      %get3A = arith.constant 1 : i32
      %get3A_961 = arith.index_cast %get3A : i32 to index
      %get3A_962 = arith.index_cast %scan3A_960 : i32 to index
      %get3A_963 = arith.constant 0 : index
      %get3A_964 = tpu.vector_load %arg6[%get3A_961, %get3A_962, %get3A_963] {strides = array<i32>} : memref<2x128x128xf32, #tpu.memory_space<vmem>>, vector<1x1x16xf32>,
      %get3A_965 = vector.shape_cast %get3A_964 : vector<1x1x16xf32> to vector<16xf32>
      %mul3A_966 = arith.constant 64 : i32
      %mul3A_967 = arith.muli %scan3A_960, %mul3A_966 : i32
      %add3A_968 = arith.constant 0 : i32
      %add3A_969 = arith.addi %mul3A_967, %add3A_968 : i32
      %swap3A = arith.constant 1 : i32
      %swap3A_970 = arith.index_cast %swap3A : i32 to index
      %swap3A_971 = arith.index_cast %add3A_969 : i32 to index
      %swap3A_972 = tpu.vector_load %arg7[%swap3A_970, %swap3A_971] {strides = array<i32>} : memref<2x8192xf32, #tpu.memory_space<vmem>>, vector<1x16xf32>,
      %swap3A_973 = vector.shape_cast %swap3A_972 : vector<1x16xf32> to vector<16xf32>
      %swap3A_974 = vector.shape_cast %get3A_965 : vector<16xf32> to vector<1x16xf32>
      tpu.vector_store %arg7[%swap3A_970, %swap3A_971], %swap3A_974 {strides = array<i32>} : memref<2x8192xf32, #tpu.memory_space<vmem>>, vector<1x16xf32>,
      %get3A_975 = arith.constant 1 : i32
      %get3A_976 = arith.index_cast %get3A_975 : i32 to index
      %get3A_977 = arith.index_cast %scan3A_960 : i32 to index
      %get3A_978 = arith.constant 16 : index
      %get3A_979 = tpu.vector_load %arg6[%get3A_976, %get3A_977, %get3A_978] {strides = array<i32>} : memref<2x128x128xf32, #tpu.memory_space<vmem>>, vector<1x1x16xf32>,
      %get3A_980 = vector.shape_cast %get3A_979 : vector<1x1x16xf32> to vector<16xf32>
      %mul3A_981 = arith.constant 64 : i32
      %mul3A_982 = arith.muli %scan3A_960, %mul3A_981 : i32
      %add3A_983 = arith.constant 16 : i32
      %add3A_984 = arith.addi %mul3A_982, %add3A_983 : i32
      %swap3A_985 = arith.constant 1 : i32
      %swap3A_986 = arith.index_cast %swap3A_985 : i32 to index
      %swap3A_987 = arith.index_cast %add3A_984 : i32 to index
      %swap3A_988 = tpu.vector_load %arg7[%swap3A_986, %swap3A_987] {strides = array<i32>} : memref<2x8192xf32, #tpu.memory_space<vmem>>, vector<1x16xf32>,
      %swap3A_989 = vector.shape_cast %swap3A_988 : vector<1x16xf32> to vector<16xf32>
      %swap3A_990 = vector.shape_cast %get3A_980 : vector<16xf32> to vector<1x16xf32>
      tpu.vector_store %arg7[%swap3A_986, %swap3A_987], %swap3A_990 {strides = array<i32>} : memref<2x8192xf32, #tpu.memory_space<vmem>>, vector<1x16xf32>,
      %get3A_991 = arith.constant 1 : i32
      %get3A_992 = arith.index_cast %get3A_991 : i32 to index
      %get3A_993 = arith.index_cast %scan3A_960 : i32 to index
      %get3A_994 = arith.constant 32 : index
      %get3A_995 = tpu.vector_load %arg6[%get3A_992, %get3A_993, %get3A_994] {strides = array<i32>} : memref<2x128x128xf32, #tpu.memory_space<vmem>>, vector<1x1x16xf32>,
      %get3A_996 = vector.shape_cast %get3A_995 : vector<1x1x16xf32> to vector<16xf32>
      %mul3A_997 = arith.constant 64 : i32
      %mul3A_998 = arith.muli %scan3A_960, %mul3A_997 : i32
      %add3A_999 = arith.constant 32 : i32
      %add3A_1000 = arith.addi %mul3A_998, %add3A_999 : i32
      %swap3A_1001 = arith.constant 1 : i32
      %swap3A_1002 = arith.index_cast %swap3A_1001 : i32 to index
      %swap3A_1003 = arith.index_cast %add3A_1000 : i32 to index
      %swap3A_1004 = tpu.vector_load %arg7[%swap3A_1002, %swap3A_1003] {strides = array<i32>} : memref<2x8192xf32, #tpu.memory_space<vmem>>, vector<1x16xf32>,
      %swap3A_1005 = vector.shape_cast %swap3A_1004 : vector<1x16xf32> to vector<16xf32>
      %swap3A_1006 = vector.shape_cast %get3A_996 : vector<16xf32> to vector<1x16xf32>
      tpu.vector_store %arg7[%swap3A_1002, %swap3A_1003], %swap3A_1006 {strides = array<i32>} : memref<2x8192xf32, #tpu.memory_space<vmem>>, vector<1x16xf32>,
      %get3A_1007 = arith.constant 1 : i32
      %get3A_1008 = arith.index_cast %get3A_1007 : i32 to index
      %get3A_1009 = arith.index_cast %scan3A_960 : i32 to index
      %get3A_1010 = arith.constant 48 : index
      %get3A_1011 = tpu.vector_load %arg6[%get3A_1008, %get3A_1009, %get3A_1010] {strides = array<i32>} : memref<2x128x128xf32, #tpu.memory_space<vmem>>, vector<1x1x16xf32>,
      %get3A_1012 = vector.shape_cast %get3A_1011 : vector<1x1x16xf32> to vector<16xf32>
      %mul3A_1013 = arith.constant 64 : i32
      %mul3A_1014 = arith.muli %scan3A_960, %mul3A_1013 : i32
      %add3A_1015 = arith.constant 48 : i32
      %add3A_1016 = arith.addi %mul3A_1014, %add3A_1015 : i32
      %swap3A_1017 = arith.constant 1 : i32
      %swap3A_1018 = arith.index_cast %swap3A_1017 : i32 to index
      %swap3A_1019 = arith.index_cast %add3A_1016 : i32 to index
      %swap3A_1020 = tpu.vector_load %arg7[%swap3A_1018, %swap3A_1019] {strides = array<i32>} : memref<2x8192xf32, #tpu.memory_space<vmem>>, vector<1x16xf32>,
      %swap3A_1021 = vector.shape_cast %swap3A_1020 : vector<1x16xf32> to vector<16xf32>
      %swap3A_1022 = vector.shape_cast %get3A_1012 : vector<16xf32> to vector<1x16xf32>
      tpu.vector_store %arg7[%swap3A_1018, %swap3A_1019], %swap3A_1022 {strides = array<i32>} : memref<2x8192xf32, #tpu.memory_space<vmem>>, vector<1x16xf32>,
    }
    %scan3A_266 = arith.constant 128 : i32
    %add3A_267 = arith.constant 640 : i32
    %add3A_268 = arith.addi %mul3A_2, %add3A_267 : i32
    %mul3A_269 = arith.constant 64 : i32
    %mul3A_270 = arith.muli %add3A_268, %mul3A_269 : i32
    %dma_start3A_271 = arith.constant 1 : i32
    %dma_start3A_272 = arith.constant 0 : i32
    %dma_start3A_273 = tpu.memref_slice %arg7[%dma_start3A_271, %dma_start3A_272] : memref<2x8192xf32, #tpu.memory_space<vmem>> -> memref<1x8192xf32, #tpu.memory_space<vmem>>
    %dma_start3A_274 = tpu.memref_squeeze %dma_start3A_273 : memref<1x8192xf32, #tpu.memory_space<vmem>> -> memref<8192xf32, #tpu.memory_space<vmem>>
    %dma_start3A_275 = tpu.memref_slice %arg4[%mul3A_270] : memref<5242880xf32, #tpu.memory_space<hbm>> -> memref<8192xf32, #tpu.memory_space<hbm>>
    %dma_start3A_276 = tpu.memref_slice %arg4[%mul3A_270] : memref<5242880xf32, #tpu.memory_space<hbm>> -> memref<8192xf32, #tpu.memory_space<hbm>>
    %dma_start3A_277 = arith.constant 0 : i32
    %dma_start3A_278 = tpu.memref_slice %arg7[%dma_start3A_271, %dma_start3A_277] : memref<2x8192xf32, #tpu.memory_space<vmem>> -> memref<1x8192xf32, #tpu.memory_space<vmem>>
    %dma_start3A_279 = tpu.memref_squeeze %dma_start3A_278 : memref<1x8192xf32, #tpu.memory_space<vmem>> -> memref<8192xf32, #tpu.memory_space<vmem>>
    tpu.enqueue_dma source(%dma_start3A_279 : memref<8192xf32, #tpu.memory_space<vmem>>) target(%dma_start3A_276 : memref<8192xf32, #tpu.memory_space<hbm>>) target_semaphore(%arg9 : memref<!tpu.dma_semaphore, #tpu.memory_space<semaphore_mem>>)
    %dma_start3A_280 = arith.constant 1 : i32
    %dma_start3A_281 = arith.constant 0 : i32
    %dma_start3A_282 = arith.constant 0 : i32
    %dma_start3A_283 = tpu.memref_slice %arg6[%dma_start3A_280, %dma_start3A_281, %dma_start3A_282] : memref<2x128x128xf32, #tpu.memory_space<vmem>> -> memref<1x128x128xf32, #tpu.memory_space<vmem>>
    %dma_start3A_284 = tpu.memref_squeeze %dma_start3A_283 : memref<1x128x128xf32, #tpu.memory_space<vmem>> -> memref<128x128xf32, #tpu.memory_space<vmem>>
    %dma_start3A_285 = arith.constant 896 : i32
    %dma_start3A_286 = tpu.memref_slice %arg5[%dma_start3A_285] : memref<2560xi32, #tpu.memory_space<vmem>> -> memref<128xi32, #tpu.memory_space<vmem>>
    %dma_start3A_287 = arith.constant 0 : i32
    %dma_start3A_288 = arith.constant 0 : i32
    %dma_start3A_289 = tpu.memref_slice %arg2[%dma_start3A_287, %dma_start3A_288] : memref<1000000x128xf32, #tpu.memory_space<hbm>> -> memref<1000000x128xf32, #tpu.memory_space<hbm>>
    tpu.enqueue_indirect_dma source(%dma_start3A_289 : memref<1000000x128xf32, #tpu.memory_space<hbm>>) target(%dma_start3A_284 : memref<128x128xf32, #tpu.memory_space<vmem>>) offsets(%dma_start3A_286 : memref<128xi32, #tpu.memory_space<vmem>>) semaphore(%arg8 : memref<!tpu.dma_semaphore, #tpu.memory_space<semaphore_mem>>)
    %dma_wait3A_290 = arith.constant 0 : i32
    %dma_wait3A_291 = arith.constant 0 : i32
    %dma_wait3A_292 = arith.constant 0 : i32
    %dma_wait3A_293 = tpu.memref_slice %arg6[%dma_wait3A_290, %dma_wait3A_291, %dma_wait3A_292] : memref<2x128x128xf32, #tpu.memory_space<vmem>> -> memref<1x128x128xf32, #tpu.memory_space<vmem>>
    %dma_wait3A_294 = tpu.memref_squeeze %dma_wait3A_293 : memref<1x128x128xf32, #tpu.memory_space<vmem>> -> memref<128x128xf32, #tpu.memory_space<vmem>>
    %dma_wait3A_295 = arith.constant 768 : i32
    %dma_wait3A_296 = tpu.memref_slice %arg5[%dma_wait3A_295] : memref<2560xi32, #tpu.memory_space<vmem>> -> memref<128xi32, #tpu.memory_space<vmem>>
    %dma_wait3A_297 = arith.constant 0 : i32
    %dma_wait3A_298 = arith.constant 0 : i32
    %dma_wait3A_299 = tpu.memref_slice %arg2[%dma_wait3A_297, %dma_wait3A_298] : memref<1000000x128xf32, #tpu.memory_space<hbm>> -> memref<1000000x128xf32, #tpu.memory_space<hbm>>
    tpu.wait_indirect_dma semaphore(%arg8 : memref<!tpu.dma_semaphore, #tpu.memory_space<semaphore_mem>>) src(%dma_wait3A_299 : memref<1000000x128xf32, #tpu.memory_space<hbm>>) dst(%dma_wait3A_294 : memref<128x128xf32, #tpu.memory_space<vmem>>)
    %dma_wait3A_300 = arith.constant 0 : i32
    %dma_wait3A_301 = arith.constant 0 : i32
    %dma_wait3A_302 = tpu.memref_slice %arg7[%dma_wait3A_300, %dma_wait3A_301] : memref<2x8192xf32, #tpu.memory_space<vmem>> -> memref<1x8192xf32, #tpu.memory_space<vmem>>
    %dma_wait3A_303 = tpu.memref_squeeze %dma_wait3A_302 : memref<1x8192xf32, #tpu.memory_space<vmem>> -> memref<8192xf32, #tpu.memory_space<vmem>>
    %dma_wait3A_304 = tpu.memref_slice %arg4[%mul3A_222] : memref<5242880xf32, #tpu.memory_space<hbm>> -> memref<8192xf32, #tpu.memory_space<hbm>>
    %dma_wait3A_305 = tpu.memref_slice %arg4[%mul3A_222] : memref<5242880xf32, #tpu.memory_space<hbm>> -> memref<8192xf32, #tpu.memory_space<hbm>>
    %dma_wait3A_306 = arith.constant 0 : i32
    %dma_wait3A_307 = tpu.memref_slice %arg7[%dma_wait3A_300, %dma_wait3A_306] : memref<2x8192xf32, #tpu.memory_space<vmem>> -> memref<1x8192xf32, #tpu.memory_space<vmem>>
    %dma_wait3A_308 = tpu.memref_squeeze %dma_wait3A_307 : memref<1x8192xf32, #tpu.memory_space<vmem>> -> memref<8192xf32, #tpu.memory_space<vmem>>
    tpu.wait_dma2 semaphore(%arg9 : memref<!tpu.dma_semaphore, #tpu.memory_space<semaphore_mem>>) src(%dma_wait3A_308 : memref<8192xf32, #tpu.memory_space<vmem>>) dst(%dma_wait3A_305 : memref<8192xf32, #tpu.memory_space<hbm>>)
    %scan3A_309 = arith.constant 0 : i32
    %scan3A_310 = arith.constant 0 : i32
    %scan3A_311 = arith.constant 128 : i32
    %scan3A_312 = arith.addi %scan3A_310, %scan3A_311 : i32
    %scan3A_313 = arith.constant 1 : i32
    scf.for %scan3A_960 = %scan3A_310 to %scan3A_312 step %scan3A_313  : i32 {
      %get3A = arith.constant 0 : i32
      %get3A_961 = arith.index_cast %get3A : i32 to index
      %get3A_962 = arith.index_cast %scan3A_960 : i32 to index
      %get3A_963 = arith.constant 0 : index
      %get3A_964 = tpu.vector_load %arg6[%get3A_961, %get3A_962, %get3A_963] {strides = array<i32>} : memref<2x128x128xf32, #tpu.memory_space<vmem>>, vector<1x1x16xf32>,
      %get3A_965 = vector.shape_cast %get3A_964 : vector<1x1x16xf32> to vector<16xf32>
      %mul3A_966 = arith.constant 64 : i32
      %mul3A_967 = arith.muli %scan3A_960, %mul3A_966 : i32
      %add3A_968 = arith.constant 0 : i32
      %add3A_969 = arith.addi %mul3A_967, %add3A_968 : i32
      %swap3A = arith.constant 0 : i32
      %swap3A_970 = arith.index_cast %swap3A : i32 to index
      %swap3A_971 = arith.index_cast %add3A_969 : i32 to index
      %swap3A_972 = tpu.vector_load %arg7[%swap3A_970, %swap3A_971] {strides = array<i32>} : memref<2x8192xf32, #tpu.memory_space<vmem>>, vector<1x16xf32>,
      %swap3A_973 = vector.shape_cast %swap3A_972 : vector<1x16xf32> to vector<16xf32>
      %swap3A_974 = vector.shape_cast %get3A_965 : vector<16xf32> to vector<1x16xf32>
      tpu.vector_store %arg7[%swap3A_970, %swap3A_971], %swap3A_974 {strides = array<i32>} : memref<2x8192xf32, #tpu.memory_space<vmem>>, vector<1x16xf32>,
      %get3A_975 = arith.constant 0 : i32
      %get3A_976 = arith.index_cast %get3A_975 : i32 to index
      %get3A_977 = arith.index_cast %scan3A_960 : i32 to index
      %get3A_978 = arith.constant 16 : index
      %get3A_979 = tpu.vector_load %arg6[%get3A_976, %get3A_977, %get3A_978] {strides = array<i32>} : memref<2x128x128xf32, #tpu.memory_space<vmem>>, vector<1x1x16xf32>,
      %get3A_980 = vector.shape_cast %get3A_979 : vector<1x1x16xf32> to vector<16xf32>
      %mul3A_981 = arith.constant 64 : i32
      %mul3A_982 = arith.muli %scan3A_960, %mul3A_981 : i32
      %add3A_983 = arith.constant 16 : i32
      %add3A_984 = arith.addi %mul3A_982, %add3A_983 : i32
      %swap3A_985 = arith.constant 0 : i32
      %swap3A_986 = arith.index_cast %swap3A_985 : i32 to index
      %swap3A_987 = arith.index_cast %add3A_984 : i32 to index
      %swap3A_988 = tpu.vector_load %arg7[%swap3A_986, %swap3A_987] {strides = array<i32>} : memref<2x8192xf32, #tpu.memory_space<vmem>>, vector<1x16xf32>,
      %swap3A_989 = vector.shape_cast %swap3A_988 : vector<1x16xf32> to vector<16xf32>
      %swap3A_990 = vector.shape_cast %get3A_980 : vector<16xf32> to vector<1x16xf32>
      tpu.vector_store %arg7[%swap3A_986, %swap3A_987], %swap3A_990 {strides = array<i32>} : memref<2x8192xf32, #tpu.memory_space<vmem>>, vector<1x16xf32>,
      %get3A_991 = arith.constant 0 : i32
      %get3A_992 = arith.index_cast %get3A_991 : i32 to index
      %get3A_993 = arith.index_cast %scan3A_960 : i32 to index
      %get3A_994 = arith.constant 32 : index
      %get3A_995 = tpu.vector_load %arg6[%get3A_992, %get3A_993, %get3A_994] {strides = array<i32>} : memref<2x128x128xf32, #tpu.memory_space<vmem>>, vector<1x1x16xf32>,
      %get3A_996 = vector.shape_cast %get3A_995 : vector<1x1x16xf32> to vector<16xf32>
      %mul3A_997 = arith.constant 64 : i32
      %mul3A_998 = arith.muli %scan3A_960, %mul3A_997 : i32
      %add3A_999 = arith.constant 32 : i32
      %add3A_1000 = arith.addi %mul3A_998, %add3A_999 : i32
      %swap3A_1001 = arith.constant 0 : i32
      %swap3A_1002 = arith.index_cast %swap3A_1001 : i32 to index
      %swap3A_1003 = arith.index_cast %add3A_1000 : i32 to index
      %swap3A_1004 = tpu.vector_load %arg7[%swap3A_1002, %swap3A_1003] {strides = array<i32>} : memref<2x8192xf32, #tpu.memory_space<vmem>>, vector<1x16xf32>,
      %swap3A_1005 = vector.shape_cast %swap3A_1004 : vector<1x16xf32> to vector<16xf32>
      %swap3A_1006 = vector.shape_cast %get3A_996 : vector<16xf32> to vector<1x16xf32>
      tpu.vector_store %arg7[%swap3A_1002, %swap3A_1003], %swap3A_1006 {strides = array<i32>} : memref<2x8192xf32, #tpu.memory_space<vmem>>, vector<1x16xf32>,
      %get3A_1007 = arith.constant 0 : i32
      %get3A_1008 = arith.index_cast %get3A_1007 : i32 to index
      %get3A_1009 = arith.index_cast %scan3A_960 : i32 to index
      %get3A_1010 = arith.constant 48 : index
      %get3A_1011 = tpu.vector_load %arg6[%get3A_1008, %get3A_1009, %get3A_1010] {strides = array<i32>} : memref<2x128x128xf32, #tpu.memory_space<vmem>>, vector<1x1x16xf32>,
      %get3A_1012 = vector.shape_cast %get3A_1011 : vector<1x1x16xf32> to vector<16xf32>
      %mul3A_1013 = arith.constant 64 : i32
      %mul3A_1014 = arith.muli %scan3A_960, %mul3A_1013 : i32
      %add3A_1015 = arith.constant 48 : i32
      %add3A_1016 = arith.addi %mul3A_1014, %add3A_1015 : i32
      %swap3A_1017 = arith.constant 0 : i32
      %swap3A_1018 = arith.index_cast %swap3A_1017 : i32 to index
      %swap3A_1019 = arith.index_cast %add3A_1016 : i32 to index
      %swap3A_1020 = tpu.vector_load %arg7[%swap3A_1018, %swap3A_1019] {strides = array<i32>} : memref<2x8192xf32, #tpu.memory_space<vmem>>, vector<1x16xf32>,
      %swap3A_1021 = vector.shape_cast %swap3A_1020 : vector<1x16xf32> to vector<16xf32>
      %swap3A_1022 = vector.shape_cast %get3A_1012 : vector<16xf32> to vector<1x16xf32>
      tpu.vector_store %arg7[%swap3A_1018, %swap3A_1019], %swap3A_1022 {strides = array<i32>} : memref<2x8192xf32, #tpu.memory_space<vmem>>, vector<1x16xf32>,
    }
    %scan3A_314 = arith.constant 128 : i32
    %add3A_315 = arith.constant 768 : i32
    %add3A_316 = arith.addi %mul3A_2, %add3A_315 : i32
    %mul3A_317 = arith.constant 64 : i32
    %mul3A_318 = arith.muli %add3A_316, %mul3A_317 : i32
    %dma_start3A_319 = arith.constant 0 : i32
    %dma_start3A_320 = arith.constant 0 : i32
    %dma_start3A_321 = tpu.memref_slice %arg7[%dma_start3A_319, %dma_start3A_320] : memref<2x8192xf32, #tpu.memory_space<vmem>> -> memref<1x8192xf32, #tpu.memory_space<vmem>>
    %dma_start3A_322 = tpu.memref_squeeze %dma_start3A_321 : memref<1x8192xf32, #tpu.memory_space<vmem>> -> memref<8192xf32, #tpu.memory_space<vmem>>
    %dma_start3A_323 = tpu.memref_slice %arg4[%mul3A_318] : memref<5242880xf32, #tpu.memory_space<hbm>> -> memref<8192xf32, #tpu.memory_space<hbm>>
    %dma_start3A_324 = tpu.memref_slice %arg4[%mul3A_318] : memref<5242880xf32, #tpu.memory_space<hbm>> -> memref<8192xf32, #tpu.memory_space<hbm>>
    %dma_start3A_325 = arith.constant 0 : i32
    %dma_start3A_326 = tpu.memref_slice %arg7[%dma_start3A_319, %dma_start3A_325] : memref<2x8192xf32, #tpu.memory_space<vmem>> -> memref<1x8192xf32, #tpu.memory_space<vmem>>
    %dma_start3A_327 = tpu.memref_squeeze %dma_start3A_326 : memref<1x8192xf32, #tpu.memory_space<vmem>> -> memref<8192xf32, #tpu.memory_space<vmem>>
    tpu.enqueue_dma source(%dma_start3A_327 : memref<8192xf32, #tpu.memory_space<vmem>>) target(%dma_start3A_324 : memref<8192xf32, #tpu.memory_space<hbm>>) target_semaphore(%arg9 : memref<!tpu.dma_semaphore, #tpu.memory_space<semaphore_mem>>)
    %dma_start3A_328 = arith.constant 0 : i32
    %dma_start3A_329 = arith.constant 0 : i32
    %dma_start3A_330 = arith.constant 0 : i32
    %dma_start3A_331 = tpu.memref_slice %arg6[%dma_start3A_328, %dma_start3A_329, %dma_start3A_330] : memref<2x128x128xf32, #tpu.memory_space<vmem>> -> memref<1x128x128xf32, #tpu.memory_space<vmem>>
    %dma_start3A_332 = tpu.memref_squeeze %dma_start3A_331 : memref<1x128x128xf32, #tpu.memory_space<vmem>> -> memref<128x128xf32, #tpu.memory_space<vmem>>
    %dma_start3A_333 = arith.constant 1024 : i32
    %dma_start3A_334 = tpu.memref_slice %arg5[%dma_start3A_333] : memref<2560xi32, #tpu.memory_space<vmem>> -> memref<128xi32, #tpu.memory_space<vmem>>
    %dma_start3A_335 = arith.constant 0 : i32
    %dma_start3A_336 = arith.constant 0 : i32
    %dma_start3A_337 = tpu.memref_slice %arg2[%dma_start3A_335, %dma_start3A_336] : memref<1000000x128xf32, #tpu.memory_space<hbm>> -> memref<1000000x128xf32, #tpu.memory_space<hbm>>
    tpu.enqueue_indirect_dma source(%dma_start3A_337 : memref<1000000x128xf32, #tpu.memory_space<hbm>>) target(%dma_start3A_332 : memref<128x128xf32, #tpu.memory_space<vmem>>) offsets(%dma_start3A_334 : memref<128xi32, #tpu.memory_space<vmem>>) semaphore(%arg8 : memref<!tpu.dma_semaphore, #tpu.memory_space<semaphore_mem>>)
    %dma_wait3A_338 = arith.constant 1 : i32
    %dma_wait3A_339 = arith.constant 0 : i32
    %dma_wait3A_340 = arith.constant 0 : i32
    %dma_wait3A_341 = tpu.memref_slice %arg6[%dma_wait3A_338, %dma_wait3A_339, %dma_wait3A_340] : memref<2x128x128xf32, #tpu.memory_space<vmem>> -> memref<1x128x128xf32, #tpu.memory_space<vmem>>
    %dma_wait3A_342 = tpu.memref_squeeze %dma_wait3A_341 : memref<1x128x128xf32, #tpu.memory_space<vmem>> -> memref<128x128xf32, #tpu.memory_space<vmem>>
    %dma_wait3A_343 = arith.constant 896 : i32
    %dma_wait3A_344 = tpu.memref_slice %arg5[%dma_wait3A_343] : memref<2560xi32, #tpu.memory_space<vmem>> -> memref<128xi32, #tpu.memory_space<vmem>>
    %dma_wait3A_345 = arith.constant 0 : i32
    %dma_wait3A_346 = arith.constant 0 : i32
    %dma_wait3A_347 = tpu.memref_slice %arg2[%dma_wait3A_345, %dma_wait3A_346] : memref<1000000x128xf32, #tpu.memory_space<hbm>> -> memref<1000000x128xf32, #tpu.memory_space<hbm>>
    tpu.wait_indirect_dma semaphore(%arg8 : memref<!tpu.dma_semaphore, #tpu.memory_space<semaphore_mem>>) src(%dma_wait3A_347 : memref<1000000x128xf32, #tpu.memory_space<hbm>>) dst(%dma_wait3A_342 : memref<128x128xf32, #tpu.memory_space<vmem>>)
    %dma_wait3A_348 = arith.constant 1 : i32
    %dma_wait3A_349 = arith.constant 0 : i32
    %dma_wait3A_350 = tpu.memref_slice %arg7[%dma_wait3A_348, %dma_wait3A_349] : memref<2x8192xf32, #tpu.memory_space<vmem>> -> memref<1x8192xf32, #tpu.memory_space<vmem>>
    %dma_wait3A_351 = tpu.memref_squeeze %dma_wait3A_350 : memref<1x8192xf32, #tpu.memory_space<vmem>> -> memref<8192xf32, #tpu.memory_space<vmem>>
    %dma_wait3A_352 = tpu.memref_slice %arg4[%mul3A_270] : memref<5242880xf32, #tpu.memory_space<hbm>> -> memref<8192xf32, #tpu.memory_space<hbm>>
    %dma_wait3A_353 = tpu.memref_slice %arg4[%mul3A_270] : memref<5242880xf32, #tpu.memory_space<hbm>> -> memref<8192xf32, #tpu.memory_space<hbm>>
    %dma_wait3A_354 = arith.constant 0 : i32
    %dma_wait3A_355 = tpu.memref_slice %arg7[%dma_wait3A_348, %dma_wait3A_354] : memref<2x8192xf32, #tpu.memory_space<vmem>> -> memref<1x8192xf32, #tpu.memory_space<vmem>>
    %dma_wait3A_356 = tpu.memref_squeeze %dma_wait3A_355 : memref<1x8192xf32, #tpu.memory_space<vmem>> -> memref<8192xf32, #tpu.memory_space<vmem>>
    tpu.wait_dma2 semaphore(%arg9 : memref<!tpu.dma_semaphore, #tpu.memory_space<semaphore_mem>>) src(%dma_wait3A_356 : memref<8192xf32, #tpu.memory_space<vmem>>) dst(%dma_wait3A_353 : memref<8192xf32, #tpu.memory_space<hbm>>)
    %scan3A_357 = arith.constant 0 : i32
    %scan3A_358 = arith.constant 0 : i32
    %scan3A_359 = arith.constant 128 : i32
    %scan3A_360 = arith.addi %scan3A_358, %scan3A_359 : i32
    %scan3A_361 = arith.constant 1 : i32
    scf.for %scan3A_960 = %scan3A_358 to %scan3A_360 step %scan3A_361  : i32 {
      %get3A = arith.constant 1 : i32
      %get3A_961 = arith.index_cast %get3A : i32 to index
      %get3A_962 = arith.index_cast %scan3A_960 : i32 to index
      %get3A_963 = arith.constant 0 : index
      %get3A_964 = tpu.vector_load %arg6[%get3A_961, %get3A_962, %get3A_963] {strides = array<i32>} : memref<2x128x128xf32, #tpu.memory_space<vmem>>, vector<1x1x16xf32>,
      %get3A_965 = vector.shape_cast %get3A_964 : vector<1x1x16xf32> to vector<16xf32>
      %mul3A_966 = arith.constant 64 : i32
      %mul3A_967 = arith.muli %scan3A_960, %mul3A_966 : i32
      %add3A_968 = arith.constant 0 : i32
      %add3A_969 = arith.addi %mul3A_967, %add3A_968 : i32
      %swap3A = arith.constant 1 : i32
      %swap3A_970 = arith.index_cast %swap3A : i32 to index
      %swap3A_971 = arith.index_cast %add3A_969 : i32 to index
      %swap3A_972 = tpu.vector_load %arg7[%swap3A_970, %swap3A_971] {strides = array<i32>} : memref<2x8192xf32, #tpu.memory_space<vmem>>, vector<1x16xf32>,
      %swap3A_973 = vector.shape_cast %swap3A_972 : vector<1x16xf32> to vector<16xf32>
      %swap3A_974 = vector.shape_cast %get3A_965 : vector<16xf32> to vector<1x16xf32>
      tpu.vector_store %arg7[%swap3A_970, %swap3A_971], %swap3A_974 {strides = array<i32>} : memref<2x8192xf32, #tpu.memory_space<vmem>>, vector<1x16xf32>,
      %get3A_975 = arith.constant 1 : i32
      %get3A_976 = arith.index_cast %get3A_975 : i32 to index
      %get3A_977 = arith.index_cast %scan3A_960 : i32 to index
      %get3A_978 = arith.constant 16 : index
      %get3A_979 = tpu.vector_load %arg6[%get3A_976, %get3A_977, %get3A_978] {strides = array<i32>} : memref<2x128x128xf32, #tpu.memory_space<vmem>>, vector<1x1x16xf32>,
      %get3A_980 = vector.shape_cast %get3A_979 : vector<1x1x16xf32> to vector<16xf32>
      %mul3A_981 = arith.constant 64 : i32
      %mul3A_982 = arith.muli %scan3A_960, %mul3A_981 : i32
      %add3A_983 = arith.constant 16 : i32
      %add3A_984 = arith.addi %mul3A_982, %add3A_983 : i32
      %swap3A_985 = arith.constant 1 : i32
      %swap3A_986 = arith.index_cast %swap3A_985 : i32 to index
      %swap3A_987 = arith.index_cast %add3A_984 : i32 to index
      %swap3A_988 = tpu.vector_load %arg7[%swap3A_986, %swap3A_987] {strides = array<i32>} : memref<2x8192xf32, #tpu.memory_space<vmem>>, vector<1x16xf32>,
      %swap3A_989 = vector.shape_cast %swap3A_988 : vector<1x16xf32> to vector<16xf32>
      %swap3A_990 = vector.shape_cast %get3A_980 : vector<16xf32> to vector<1x16xf32>
      tpu.vector_store %arg7[%swap3A_986, %swap3A_987], %swap3A_990 {strides = array<i32>} : memref<2x8192xf32, #tpu.memory_space<vmem>>, vector<1x16xf32>,
      %get3A_991 = arith.constant 1 : i32
      %get3A_992 = arith.index_cast %get3A_991 : i32 to index
      %get3A_993 = arith.index_cast %scan3A_960 : i32 to index
      %get3A_994 = arith.constant 32 : index
      %get3A_995 = tpu.vector_load %arg6[%get3A_992, %get3A_993, %get3A_994] {strides = array<i32>} : memref<2x128x128xf32, #tpu.memory_space<vmem>>, vector<1x1x16xf32>,
      %get3A_996 = vector.shape_cast %get3A_995 : vector<1x1x16xf32> to vector<16xf32>
      %mul3A_997 = arith.constant 64 : i32
      %mul3A_998 = arith.muli %scan3A_960, %mul3A_997 : i32
      %add3A_999 = arith.constant 32 : i32
      %add3A_1000 = arith.addi %mul3A_998, %add3A_999 : i32
      %swap3A_1001 = arith.constant 1 : i32
      %swap3A_1002 = arith.index_cast %swap3A_1001 : i32 to index
      %swap3A_1003 = arith.index_cast %add3A_1000 : i32 to index
      %swap3A_1004 = tpu.vector_load %arg7[%swap3A_1002, %swap3A_1003] {strides = array<i32>} : memref<2x8192xf32, #tpu.memory_space<vmem>>, vector<1x16xf32>,
      %swap3A_1005 = vector.shape_cast %swap3A_1004 : vector<1x16xf32> to vector<16xf32>
      %swap3A_1006 = vector.shape_cast %get3A_996 : vector<16xf32> to vector<1x16xf32>
      tpu.vector_store %arg7[%swap3A_1002, %swap3A_1003], %swap3A_1006 {strides = array<i32>} : memref<2x8192xf32, #tpu.memory_space<vmem>>, vector<1x16xf32>,
      %get3A_1007 = arith.constant 1 : i32
      %get3A_1008 = arith.index_cast %get3A_1007 : i32 to index
      %get3A_1009 = arith.index_cast %scan3A_960 : i32 to index
      %get3A_1010 = arith.constant 48 : index
      %get3A_1011 = tpu.vector_load %arg6[%get3A_1008, %get3A_1009, %get3A_1010] {strides = array<i32>} : memref<2x128x128xf32, #tpu.memory_space<vmem>>, vector<1x1x16xf32>,
      %get3A_1012 = vector.shape_cast %get3A_1011 : vector<1x1x16xf32> to vector<16xf32>
      %mul3A_1013 = arith.constant 64 : i32
      %mul3A_1014 = arith.muli %scan3A_960, %mul3A_1013 : i32
      %add3A_1015 = arith.constant 48 : i32
      %add3A_1016 = arith.addi %mul3A_1014, %add3A_1015 : i32
      %swap3A_1017 = arith.constant 1 : i32
      %swap3A_1018 = arith.index_cast %swap3A_1017 : i32 to index
      %swap3A_1019 = arith.index_cast %add3A_1016 : i32 to index
      %swap3A_1020 = tpu.vector_load %arg7[%swap3A_1018, %swap3A_1019] {strides = array<i32>} : memref<2x8192xf32, #tpu.memory_space<vmem>>, vector<1x16xf32>,
      %swap3A_1021 = vector.shape_cast %swap3A_1020 : vector<1x16xf32> to vector<16xf32>
      %swap3A_1022 = vector.shape_cast %get3A_1012 : vector<16xf32> to vector<1x16xf32>
      tpu.vector_store %arg7[%swap3A_1018, %swap3A_1019], %swap3A_1022 {strides = array<i32>} : memref<2x8192xf32, #tpu.memory_space<vmem>>, vector<1x16xf32>,
    }
    %scan3A_362 = arith.constant 128 : i32
    %add3A_363 = arith.constant 896 : i32
    %add3A_364 = arith.addi %mul3A_2, %add3A_363 : i32
    %mul3A_365 = arith.constant 64 : i32
    %mul3A_366 = arith.muli %add3A_364, %mul3A_365 : i32
    %dma_start3A_367 = arith.constant 1 : i32
    %dma_start3A_368 = arith.constant 0 : i32
    %dma_start3A_369 = tpu.memref_slice %arg7[%dma_start3A_367, %dma_start3A_368] : memref<2x8192xf32, #tpu.memory_space<vmem>> -> memref<1x8192xf32, #tpu.memory_space<vmem>>
    %dma_start3A_370 = tpu.memref_squeeze %dma_start3A_369 : memref<1x8192xf32, #tpu.memory_space<vmem>> -> memref<8192xf32, #tpu.memory_space<vmem>>
    %dma_start3A_371 = tpu.memref_slice %arg4[%mul3A_366] : memref<5242880xf32, #tpu.memory_space<hbm>> -> memref<8192xf32, #tpu.memory_space<hbm>>
    %dma_start3A_372 = tpu.memref_slice %arg4[%mul3A_366] : memref<5242880xf32, #tpu.memory_space<hbm>> -> memref<8192xf32, #tpu.memory_space<hbm>>
    %dma_start3A_373 = arith.constant 0 : i32
    %dma_start3A_374 = tpu.memref_slice %arg7[%dma_start3A_367, %dma_start3A_373] : memref<2x8192xf32, #tpu.memory_space<vmem>> -> memref<1x8192xf32, #tpu.memory_space<vmem>>
    %dma_start3A_375 = tpu.memref_squeeze %dma_start3A_374 : memref<1x8192xf32, #tpu.memory_space<vmem>> -> memref<8192xf32, #tpu.memory_space<vmem>>
    tpu.enqueue_dma source(%dma_start3A_375 : memref<8192xf32, #tpu.memory_space<vmem>>) target(%dma_start3A_372 : memref<8192xf32, #tpu.memory_space<hbm>>) target_semaphore(%arg9 : memref<!tpu.dma_semaphore, #tpu.memory_space<semaphore_mem>>)
    %dma_start3A_376 = arith.constant 1 : i32
    %dma_start3A_377 = arith.constant 0 : i32
    %dma_start3A_378 = arith.constant 0 : i32
    %dma_start3A_379 = tpu.memref_slice %arg6[%dma_start3A_376, %dma_start3A_377, %dma_start3A_378] : memref<2x128x128xf32, #tpu.memory_space<vmem>> -> memref<1x128x128xf32, #tpu.memory_space<vmem>>
    %dma_start3A_380 = tpu.memref_squeeze %dma_start3A_379 : memref<1x128x128xf32, #tpu.memory_space<vmem>> -> memref<128x128xf32, #tpu.memory_space<vmem>>
    %dma_start3A_381 = arith.constant 1152 : i32
    %dma_start3A_382 = tpu.memref_slice %arg5[%dma_start3A_381] : memref<2560xi32, #tpu.memory_space<vmem>> -> memref<128xi32, #tpu.memory_space<vmem>>
    %dma_start3A_383 = arith.constant 0 : i32
    %dma_start3A_384 = arith.constant 0 : i32
    %dma_start3A_385 = tpu.memref_slice %arg2[%dma_start3A_383, %dma_start3A_384] : memref<1000000x128xf32, #tpu.memory_space<hbm>> -> memref<1000000x128xf32, #tpu.memory_space<hbm>>
    tpu.enqueue_indirect_dma source(%dma_start3A_385 : memref<1000000x128xf32, #tpu.memory_space<hbm>>) target(%dma_start3A_380 : memref<128x128xf32, #tpu.memory_space<vmem>>) offsets(%dma_start3A_382 : memref<128xi32, #tpu.memory_space<vmem>>) semaphore(%arg8 : memref<!tpu.dma_semaphore, #tpu.memory_space<semaphore_mem>>)
    %dma_wait3A_386 = arith.constant 0 : i32
    %dma_wait3A_387 = arith.constant 0 : i32
    %dma_wait3A_388 = arith.constant 0 : i32
    %dma_wait3A_389 = tpu.memref_slice %arg6[%dma_wait3A_386, %dma_wait3A_387, %dma_wait3A_388] : memref<2x128x128xf32, #tpu.memory_space<vmem>> -> memref<1x128x128xf32, #tpu.memory_space<vmem>>
    %dma_wait3A_390 = tpu.memref_squeeze %dma_wait3A_389 : memref<1x128x128xf32, #tpu.memory_space<vmem>> -> memref<128x128xf32, #tpu.memory_space<vmem>>
    %dma_wait3A_391 = arith.constant 1024 : i32
    %dma_wait3A_392 = tpu.memref_slice %arg5[%dma_wait3A_391] : memref<2560xi32, #tpu.memory_space<vmem>> -> memref<128xi32, #tpu.memory_space<vmem>>
    %dma_wait3A_393 = arith.constant 0 : i32
    %dma_wait3A_394 = arith.constant 0 : i32
    %dma_wait3A_395 = tpu.memref_slice %arg2[%dma_wait3A_393, %dma_wait3A_394] : memref<1000000x128xf32, #tpu.memory_space<hbm>> -> memref<1000000x128xf32, #tpu.memory_space<hbm>>
    tpu.wait_indirect_dma semaphore(%arg8 : memref<!tpu.dma_semaphore, #tpu.memory_space<semaphore_mem>>) src(%dma_wait3A_395 : memref<1000000x128xf32, #tpu.memory_space<hbm>>) dst(%dma_wait3A_390 : memref<128x128xf32, #tpu.memory_space<vmem>>)
    %dma_wait3A_396 = arith.constant 0 : i32
    %dma_wait3A_397 = arith.constant 0 : i32
    %dma_wait3A_398 = tpu.memref_slice %arg7[%dma_wait3A_396, %dma_wait3A_397] : memref<2x8192xf32, #tpu.memory_space<vmem>> -> memref<1x8192xf32, #tpu.memory_space<vmem>>
    %dma_wait3A_399 = tpu.memref_squeeze %dma_wait3A_398 : memref<1x8192xf32, #tpu.memory_space<vmem>> -> memref<8192xf32, #tpu.memory_space<vmem>>
    %dma_wait3A_400 = tpu.memref_slice %arg4[%mul3A_318] : memref<5242880xf32, #tpu.memory_space<hbm>> -> memref<8192xf32, #tpu.memory_space<hbm>>
    %dma_wait3A_401 = tpu.memref_slice %arg4[%mul3A_318] : memref<5242880xf32, #tpu.memory_space<hbm>> -> memref<8192xf32, #tpu.memory_space<hbm>>
    %dma_wait3A_402 = arith.constant 0 : i32
    %dma_wait3A_403 = tpu.memref_slice %arg7[%dma_wait3A_396, %dma_wait3A_402] : memref<2x8192xf32, #tpu.memory_space<vmem>> -> memref<1x8192xf32, #tpu.memory_space<vmem>>
    %dma_wait3A_404 = tpu.memref_squeeze %dma_wait3A_403 : memref<1x8192xf32, #tpu.memory_space<vmem>> -> memref<8192xf32, #tpu.memory_space<vmem>>
    tpu.wait_dma2 semaphore(%arg9 : memref<!tpu.dma_semaphore, #tpu.memory_space<semaphore_mem>>) src(%dma_wait3A_404 : memref<8192xf32, #tpu.memory_space<vmem>>) dst(%dma_wait3A_401 : memref<8192xf32, #tpu.memory_space<hbm>>)
    %scan3A_405 = arith.constant 0 : i32
    %scan3A_406 = arith.constant 0 : i32
    %scan3A_407 = arith.constant 128 : i32
    %scan3A_408 = arith.addi %scan3A_406, %scan3A_407 : i32
    %scan3A_409 = arith.constant 1 : i32
    scf.for %scan3A_960 = %scan3A_406 to %scan3A_408 step %scan3A_409  : i32 {
      %get3A = arith.constant 0 : i32
      %get3A_961 = arith.index_cast %get3A : i32 to index
      %get3A_962 = arith.index_cast %scan3A_960 : i32 to index
      %get3A_963 = arith.constant 0 : index
      %get3A_964 = tpu.vector_load %arg6[%get3A_961, %get3A_962, %get3A_963] {strides = array<i32>} : memref<2x128x128xf32, #tpu.memory_space<vmem>>, vector<1x1x16xf32>,
      %get3A_965 = vector.shape_cast %get3A_964 : vector<1x1x16xf32> to vector<16xf32>
      %mul3A_966 = arith.constant 64 : i32
      %mul3A_967 = arith.muli %scan3A_960, %mul3A_966 : i32
      %add3A_968 = arith.constant 0 : i32
      %add3A_969 = arith.addi %mul3A_967, %add3A_968 : i32
      %swap3A = arith.constant 0 : i32
      %swap3A_970 = arith.index_cast %swap3A : i32 to index
      %swap3A_971 = arith.index_cast %add3A_969 : i32 to index
      %swap3A_972 = tpu.vector_load %arg7[%swap3A_970, %swap3A_971] {strides = array<i32>} : memref<2x8192xf32, #tpu.memory_space<vmem>>, vector<1x16xf32>,
      %swap3A_973 = vector.shape_cast %swap3A_972 : vector<1x16xf32> to vector<16xf32>
      %swap3A_974 = vector.shape_cast %get3A_965 : vector<16xf32> to vector<1x16xf32>
      tpu.vector_store %arg7[%swap3A_970, %swap3A_971], %swap3A_974 {strides = array<i32>} : memref<2x8192xf32, #tpu.memory_space<vmem>>, vector<1x16xf32>,
      %get3A_975 = arith.constant 0 : i32
      %get3A_976 = arith.index_cast %get3A_975 : i32 to index
      %get3A_977 = arith.index_cast %scan3A_960 : i32 to index
      %get3A_978 = arith.constant 16 : index
      %get3A_979 = tpu.vector_load %arg6[%get3A_976, %get3A_977, %get3A_978] {strides = array<i32>} : memref<2x128x128xf32, #tpu.memory_space<vmem>>, vector<1x1x16xf32>,
      %get3A_980 = vector.shape_cast %get3A_979 : vector<1x1x16xf32> to vector<16xf32>
      %mul3A_981 = arith.constant 64 : i32
      %mul3A_982 = arith.muli %scan3A_960, %mul3A_981 : i32
      %add3A_983 = arith.constant 16 : i32
      %add3A_984 = arith.addi %mul3A_982, %add3A_983 : i32
      %swap3A_985 = arith.constant 0 : i32
      %swap3A_986 = arith.index_cast %swap3A_985 : i32 to index
      %swap3A_987 = arith.index_cast %add3A_984 : i32 to index
      %swap3A_988 = tpu.vector_load %arg7[%swap3A_986, %swap3A_987] {strides = array<i32>} : memref<2x8192xf32, #tpu.memory_space<vmem>>, vector<1x16xf32>,
      %swap3A_989 = vector.shape_cast %swap3A_988 : vector<1x16xf32> to vector<16xf32>
      %swap3A_990 = vector.shape_cast %get3A_980 : vector<16xf32> to vector<1x16xf32>
      tpu.vector_store %arg7[%swap3A_986, %swap3A_987], %swap3A_990 {strides = array<i32>} : memref<2x8192xf32, #tpu.memory_space<vmem>>, vector<1x16xf32>,
      %get3A_991 = arith.constant 0 : i32
      %get3A_992 = arith.index_cast %get3A_991 : i32 to index
      %get3A_993 = arith.index_cast %scan3A_960 : i32 to index
      %get3A_994 = arith.constant 32 : index
      %get3A_995 = tpu.vector_load %arg6[%get3A_992, %get3A_993, %get3A_994] {strides = array<i32>} : memref<2x128x128xf32, #tpu.memory_space<vmem>>, vector<1x1x16xf32>,
      %get3A_996 = vector.shape_cast %get3A_995 : vector<1x1x16xf32> to vector<16xf32>
      %mul3A_997 = arith.constant 64 : i32
      %mul3A_998 = arith.muli %scan3A_960, %mul3A_997 : i32
      %add3A_999 = arith.constant 32 : i32
      %add3A_1000 = arith.addi %mul3A_998, %add3A_999 : i32
      %swap3A_1001 = arith.constant 0 : i32
      %swap3A_1002 = arith.index_cast %swap3A_1001 : i32 to index
      %swap3A_1003 = arith.index_cast %add3A_1000 : i32 to index
      %swap3A_1004 = tpu.vector_load %arg7[%swap3A_1002, %swap3A_1003] {strides = array<i32>} : memref<2x8192xf32, #tpu.memory_space<vmem>>, vector<1x16xf32>,
      %swap3A_1005 = vector.shape_cast %swap3A_1004 : vector<1x16xf32> to vector<16xf32>
      %swap3A_1006 = vector.shape_cast %get3A_996 : vector<16xf32> to vector<1x16xf32>
      tpu.vector_store %arg7[%swap3A_1002, %swap3A_1003], %swap3A_1006 {strides = array<i32>} : memref<2x8192xf32, #tpu.memory_space<vmem>>, vector<1x16xf32>,
      %get3A_1007 = arith.constant 0 : i32
      %get3A_1008 = arith.index_cast %get3A_1007 : i32 to index
      %get3A_1009 = arith.index_cast %scan3A_960 : i32 to index
      %get3A_1010 = arith.constant 48 : index
      %get3A_1011 = tpu.vector_load %arg6[%get3A_1008, %get3A_1009, %get3A_1010] {strides = array<i32>} : memref<2x128x128xf32, #tpu.memory_space<vmem>>, vector<1x1x16xf32>,
      %get3A_1012 = vector.shape_cast %get3A_1011 : vector<1x1x16xf32> to vector<16xf32>
      %mul3A_1013 = arith.constant 64 : i32
      %mul3A_1014 = arith.muli %scan3A_960, %mul3A_1013 : i32
      %add3A_1015 = arith.constant 48 : i32
      %add3A_1016 = arith.addi %mul3A_1014, %add3A_1015 : i32
      %swap3A_1017 = arith.constant 0 : i32
      %swap3A_1018 = arith.index_cast %swap3A_1017 : i32 to index
      %swap3A_1019 = arith.index_cast %add3A_1016 : i32 to index
      %swap3A_1020 = tpu.vector_load %arg7[%swap3A_1018, %swap3A_1019] {strides = array<i32>} : memref<2x8192xf32, #tpu.memory_space<vmem>>, vector<1x16xf32>,
      %swap3A_1021 = vector.shape_cast %swap3A_1020 : vector<1x16xf32> to vector<16xf32>
      %swap3A_1022 = vector.shape_cast %get3A_1012 : vector<16xf32> to vector<1x16xf32>
      tpu.vector_store %arg7[%swap3A_1018, %swap3A_1019], %swap3A_1022 {strides = array<i32>} : memref<2x8192xf32, #tpu.memory_space<vmem>>, vector<1x16xf32>,
    }
    %scan3A_410 = arith.constant 128 : i32
    %add3A_411 = arith.constant 1024 : i32
    %add3A_412 = arith.addi %mul3A_2, %add3A_411 : i32
    %mul3A_413 = arith.constant 64 : i32
    %mul3A_414 = arith.muli %add3A_412, %mul3A_413 : i32
    %dma_start3A_415 = arith.constant 0 : i32
    %dma_start3A_416 = arith.constant 0 : i32
    %dma_start3A_417 = tpu.memref_slice %arg7[%dma_start3A_415, %dma_start3A_416] : memref<2x8192xf32, #tpu.memory_space<vmem>> -> memref<1x8192xf32, #tpu.memory_space<vmem>>
    %dma_start3A_418 = tpu.memref_squeeze %dma_start3A_417 : memref<1x8192xf32, #tpu.memory_space<vmem>> -> memref<8192xf32, #tpu.memory_space<vmem>>
    %dma_start3A_419 = tpu.memref_slice %arg4[%mul3A_414] : memref<5242880xf32, #tpu.memory_space<hbm>> -> memref<8192xf32, #tpu.memory_space<hbm>>
    %dma_start3A_420 = tpu.memref_slice %arg4[%mul3A_414] : memref<5242880xf32, #tpu.memory_space<hbm>> -> memref<8192xf32, #tpu.memory_space<hbm>>
    %dma_start3A_421 = arith.constant 0 : i32
    %dma_start3A_422 = tpu.memref_slice %arg7[%dma_start3A_415, %dma_start3A_421] : memref<2x8192xf32, #tpu.memory_space<vmem>> -> memref<1x8192xf32, #tpu.memory_space<vmem>>
    %dma_start3A_423 = tpu.memref_squeeze %dma_start3A_422 : memref<1x8192xf32, #tpu.memory_space<vmem>> -> memref<8192xf32, #tpu.memory_space<vmem>>
    tpu.enqueue_dma source(%dma_start3A_423 : memref<8192xf32, #tpu.memory_space<vmem>>) target(%dma_start3A_420 : memref<8192xf32, #tpu.memory_space<hbm>>) target_semaphore(%arg9 : memref<!tpu.dma_semaphore, #tpu.memory_space<semaphore_mem>>)
    %dma_start3A_424 = arith.constant 0 : i32
    %dma_start3A_425 = arith.constant 0 : i32
    %dma_start3A_426 = arith.constant 0 : i32
    %dma_start3A_427 = tpu.memref_slice %arg6[%dma_start3A_424, %dma_start3A_425, %dma_start3A_426] : memref<2x128x128xf32, #tpu.memory_space<vmem>> -> memref<1x128x128xf32, #tpu.memory_space<vmem>>
    %dma_start3A_428 = tpu.memref_squeeze %dma_start3A_427 : memref<1x128x128xf32, #tpu.memory_space<vmem>> -> memref<128x128xf32, #tpu.memory_space<vmem>>
    %dma_start3A_429 = arith.constant 1280 : i32
    %dma_start3A_430 = tpu.memref_slice %arg5[%dma_start3A_429] : memref<2560xi32, #tpu.memory_space<vmem>> -> memref<128xi32, #tpu.memory_space<vmem>>
    %dma_start3A_431 = arith.constant 0 : i32
    %dma_start3A_432 = arith.constant 0 : i32
    %dma_start3A_433 = tpu.memref_slice %arg2[%dma_start3A_431, %dma_start3A_432] : memref<1000000x128xf32, #tpu.memory_space<hbm>> -> memref<1000000x128xf32, #tpu.memory_space<hbm>>
    tpu.enqueue_indirect_dma source(%dma_start3A_433 : memref<1000000x128xf32, #tpu.memory_space<hbm>>) target(%dma_start3A_428 : memref<128x128xf32, #tpu.memory_space<vmem>>) offsets(%dma_start3A_430 : memref<128xi32, #tpu.memory_space<vmem>>) semaphore(%arg8 : memref<!tpu.dma_semaphore, #tpu.memory_space<semaphore_mem>>)
    %dma_wait3A_434 = arith.constant 1 : i32
    %dma_wait3A_435 = arith.constant 0 : i32
    %dma_wait3A_436 = arith.constant 0 : i32
    %dma_wait3A_437 = tpu.memref_slice %arg6[%dma_wait3A_434, %dma_wait3A_435, %dma_wait3A_436] : memref<2x128x128xf32, #tpu.memory_space<vmem>> -> memref<1x128x128xf32, #tpu.memory_space<vmem>>
    %dma_wait3A_438 = tpu.memref_squeeze %dma_wait3A_437 : memref<1x128x128xf32, #tpu.memory_space<vmem>> -> memref<128x128xf32, #tpu.memory_space<vmem>>
    %dma_wait3A_439 = arith.constant 1152 : i32
    %dma_wait3A_440 = tpu.memref_slice %arg5[%dma_wait3A_439] : memref<2560xi32, #tpu.memory_space<vmem>> -> memref<128xi32, #tpu.memory_space<vmem>>
    %dma_wait3A_441 = arith.constant 0 : i32
    %dma_wait3A_442 = arith.constant 0 : i32
    %dma_wait3A_443 = tpu.memref_slice %arg2[%dma_wait3A_441, %dma_wait3A_442] : memref<1000000x128xf32, #tpu.memory_space<hbm>> -> memref<1000000x128xf32, #tpu.memory_space<hbm>>
    tpu.wait_indirect_dma semaphore(%arg8 : memref<!tpu.dma_semaphore, #tpu.memory_space<semaphore_mem>>) src(%dma_wait3A_443 : memref<1000000x128xf32, #tpu.memory_space<hbm>>) dst(%dma_wait3A_438 : memref<128x128xf32, #tpu.memory_space<vmem>>)
    %dma_wait3A_444 = arith.constant 1 : i32
    %dma_wait3A_445 = arith.constant 0 : i32
    %dma_wait3A_446 = tpu.memref_slice %arg7[%dma_wait3A_444, %dma_wait3A_445] : memref<2x8192xf32, #tpu.memory_space<vmem>> -> memref<1x8192xf32, #tpu.memory_space<vmem>>
    %dma_wait3A_447 = tpu.memref_squeeze %dma_wait3A_446 : memref<1x8192xf32, #tpu.memory_space<vmem>> -> memref<8192xf32, #tpu.memory_space<vmem>>
    %dma_wait3A_448 = tpu.memref_slice %arg4[%mul3A_366] : memref<5242880xf32, #tpu.memory_space<hbm>> -> memref<8192xf32, #tpu.memory_space<hbm>>
    %dma_wait3A_449 = tpu.memref_slice %arg4[%mul3A_366] : memref<5242880xf32, #tpu.memory_space<hbm>> -> memref<8192xf32, #tpu.memory_space<hbm>>
    %dma_wait3A_450 = arith.constant 0 : i32
    %dma_wait3A_451 = tpu.memref_slice %arg7[%dma_wait3A_444, %dma_wait3A_450] : memref<2x8192xf32, #tpu.memory_space<vmem>> -> memref<1x8192xf32, #tpu.memory_space<vmem>>
    %dma_wait3A_452 = tpu.memref_squeeze %dma_wait3A_451 : memref<1x8192xf32, #tpu.memory_space<vmem>> -> memref<8192xf32, #tpu.memory_space<vmem>>
    tpu.wait_dma2 semaphore(%arg9 : memref<!tpu.dma_semaphore, #tpu.memory_space<semaphore_mem>>) src(%dma_wait3A_452 : memref<8192xf32, #tpu.memory_space<vmem>>) dst(%dma_wait3A_449 : memref<8192xf32, #tpu.memory_space<hbm>>)
    %scan3A_453 = arith.constant 0 : i32
    %scan3A_454 = arith.constant 0 : i32
    %scan3A_455 = arith.constant 128 : i32
    %scan3A_456 = arith.addi %scan3A_454, %scan3A_455 : i32
    %scan3A_457 = arith.constant 1 : i32
    scf.for %scan3A_960 = %scan3A_454 to %scan3A_456 step %scan3A_457  : i32 {
      %get3A = arith.constant 1 : i32
      %get3A_961 = arith.index_cast %get3A : i32 to index
      %get3A_962 = arith.index_cast %scan3A_960 : i32 to index
      %get3A_963 = arith.constant 0 : index
      %get3A_964 = tpu.vector_load %arg6[%get3A_961, %get3A_962, %get3A_963] {strides = array<i32>} : memref<2x128x128xf32, #tpu.memory_space<vmem>>, vector<1x1x16xf32>,
      %get3A_965 = vector.shape_cast %get3A_964 : vector<1x1x16xf32> to vector<16xf32>
      %mul3A_966 = arith.constant 64 : i32
      %mul3A_967 = arith.muli %scan3A_960, %mul3A_966 : i32
      %add3A_968 = arith.constant 0 : i32
      %add3A_969 = arith.addi %mul3A_967, %add3A_968 : i32
      %swap3A = arith.constant 1 : i32
      %swap3A_970 = arith.index_cast %swap3A : i32 to index
      %swap3A_971 = arith.index_cast %add3A_969 : i32 to index
      %swap3A_972 = tpu.vector_load %arg7[%swap3A_970, %swap3A_971] {strides = array<i32>} : memref<2x8192xf32, #tpu.memory_space<vmem>>, vector<1x16xf32>,
      %swap3A_973 = vector.shape_cast %swap3A_972 : vector<1x16xf32> to vector<16xf32>
      %swap3A_974 = vector.shape_cast %get3A_965 : vector<16xf32> to vector<1x16xf32>
      tpu.vector_store %arg7[%swap3A_970, %swap3A_971], %swap3A_974 {strides = array<i32>} : memref<2x8192xf32, #tpu.memory_space<vmem>>, vector<1x16xf32>,
      %get3A_975 = arith.constant 1 : i32
      %get3A_976 = arith.index_cast %get3A_975 : i32 to index
      %get3A_977 = arith.index_cast %scan3A_960 : i32 to index
      %get3A_978 = arith.constant 16 : index
      %get3A_979 = tpu.vector_load %arg6[%get3A_976, %get3A_977, %get3A_978] {strides = array<i32>} : memref<2x128x128xf32, #tpu.memory_space<vmem>>, vector<1x1x16xf32>,
      %get3A_980 = vector.shape_cast %get3A_979 : vector<1x1x16xf32> to vector<16xf32>
      %mul3A_981 = arith.constant 64 : i32
      %mul3A_982 = arith.muli %scan3A_960, %mul3A_981 : i32
      %add3A_983 = arith.constant 16 : i32
      %add3A_984 = arith.addi %mul3A_982, %add3A_983 : i32
      %swap3A_985 = arith.constant 1 : i32
      %swap3A_986 = arith.index_cast %swap3A_985 : i32 to index
      %swap3A_987 = arith.index_cast %add3A_984 : i32 to index
      %swap3A_988 = tpu.vector_load %arg7[%swap3A_986, %swap3A_987] {strides = array<i32>} : memref<2x8192xf32, #tpu.memory_space<vmem>>, vector<1x16xf32>,
      %swap3A_989 = vector.shape_cast %swap3A_988 : vector<1x16xf32> to vector<16xf32>
      %swap3A_990 = vector.shape_cast %get3A_980 : vector<16xf32> to vector<1x16xf32>
      tpu.vector_store %arg7[%swap3A_986, %swap3A_987], %swap3A_990 {strides = array<i32>} : memref<2x8192xf32, #tpu.memory_space<vmem>>, vector<1x16xf32>,
      %get3A_991 = arith.constant 1 : i32
      %get3A_992 = arith.index_cast %get3A_991 : i32 to index
      %get3A_993 = arith.index_cast %scan3A_960 : i32 to index
      %get3A_994 = arith.constant 32 : index
      %get3A_995 = tpu.vector_load %arg6[%get3A_992, %get3A_993, %get3A_994] {strides = array<i32>} : memref<2x128x128xf32, #tpu.memory_space<vmem>>, vector<1x1x16xf32>,
      %get3A_996 = vector.shape_cast %get3A_995 : vector<1x1x16xf32> to vector<16xf32>
      %mul3A_997 = arith.constant 64 : i32
      %mul3A_998 = arith.muli %scan3A_960, %mul3A_997 : i32
      %add3A_999 = arith.constant 32 : i32
      %add3A_1000 = arith.addi %mul3A_998, %add3A_999 : i32
      %swap3A_1001 = arith.constant 1 : i32
      %swap3A_1002 = arith.index_cast %swap3A_1001 : i32 to index
      %swap3A_1003 = arith.index_cast %add3A_1000 : i32 to index
      %swap3A_1004 = tpu.vector_load %arg7[%swap3A_1002, %swap3A_1003] {strides = array<i32>} : memref<2x8192xf32, #tpu.memory_space<vmem>>, vector<1x16xf32>,
      %swap3A_1005 = vector.shape_cast %swap3A_1004 : vector<1x16xf32> to vector<16xf32>
      %swap3A_1006 = vector.shape_cast %get3A_996 : vector<16xf32> to vector<1x16xf32>
      tpu.vector_store %arg7[%swap3A_1002, %swap3A_1003], %swap3A_1006 {strides = array<i32>} : memref<2x8192xf32, #tpu.memory_space<vmem>>, vector<1x16xf32>,
      %get3A_1007 = arith.constant 1 : i32
      %get3A_1008 = arith.index_cast %get3A_1007 : i32 to index
      %get3A_1009 = arith.index_cast %scan3A_960 : i32 to index
      %get3A_1010 = arith.constant 48 : index
      %get3A_1011 = tpu.vector_load %arg6[%get3A_1008, %get3A_1009, %get3A_1010] {strides = array<i32>} : memref<2x128x128xf32, #tpu.memory_space<vmem>>, vector<1x1x16xf32>,
      %get3A_1012 = vector.shape_cast %get3A_1011 : vector<1x1x16xf32> to vector<16xf32>
      %mul3A_1013 = arith.constant 64 : i32
      %mul3A_1014 = arith.muli %scan3A_960, %mul3A_1013 : i32
      %add3A_1015 = arith.constant 48 : i32
      %add3A_1016 = arith.addi %mul3A_1014, %add3A_1015 : i32
      %swap3A_1017 = arith.constant 1 : i32
      %swap3A_1018 = arith.index_cast %swap3A_1017 : i32 to index
      %swap3A_1019 = arith.index_cast %add3A_1016 : i32 to index
      %swap3A_1020 = tpu.vector_load %arg7[%swap3A_1018, %swap3A_1019] {strides = array<i32>} : memref<2x8192xf32, #tpu.memory_space<vmem>>, vector<1x16xf32>,
      %swap3A_1021 = vector.shape_cast %swap3A_1020 : vector<1x16xf32> to vector<16xf32>
      %swap3A_1022 = vector.shape_cast %get3A_1012 : vector<16xf32> to vector<1x16xf32>
      tpu.vector_store %arg7[%swap3A_1018, %swap3A_1019], %swap3A_1022 {strides = array<i32>} : memref<2x8192xf32, #tpu.memory_space<vmem>>, vector<1x16xf32>,
    }
    %scan3A_458 = arith.constant 128 : i32
    %add3A_459 = arith.constant 1152 : i32
    %add3A_460 = arith.addi %mul3A_2, %add3A_459 : i32
    %mul3A_461 = arith.constant 64 : i32
    %mul3A_462 = arith.muli %add3A_460, %mul3A_461 : i32
    %dma_start3A_463 = arith.constant 1 : i32
    %dma_start3A_464 = arith.constant 0 : i32
    %dma_start3A_465 = tpu.memref_slice %arg7[%dma_start3A_463, %dma_start3A_464] : memref<2x8192xf32, #tpu.memory_space<vmem>> -> memref<1x8192xf32, #tpu.memory_space<vmem>>
    %dma_start3A_466 = tpu.memref_squeeze %dma_start3A_465 : memref<1x8192xf32, #tpu.memory_space<vmem>> -> memref<8192xf32, #tpu.memory_space<vmem>>
    %dma_start3A_467 = tpu.memref_slice %arg4[%mul3A_462] : memref<5242880xf32, #tpu.memory_space<hbm>> -> memref<8192xf32, #tpu.memory_space<hbm>>
    %dma_start3A_468 = tpu.memref_slice %arg4[%mul3A_462] : memref<5242880xf32, #tpu.memory_space<hbm>> -> memref<8192xf32, #tpu.memory_space<hbm>>
    %dma_start3A_469 = arith.constant 0 : i32
    %dma_start3A_470 = tpu.memref_slice %arg7[%dma_start3A_463, %dma_start3A_469] : memref<2x8192xf32, #tpu.memory_space<vmem>> -> memref<1x8192xf32, #tpu.memory_space<vmem>>
    %dma_start3A_471 = tpu.memref_squeeze %dma_start3A_470 : memref<1x8192xf32, #tpu.memory_space<vmem>> -> memref<8192xf32, #tpu.memory_space<vmem>>
    tpu.enqueue_dma source(%dma_start3A_471 : memref<8192xf32, #tpu.memory_space<vmem>>) target(%dma_start3A_468 : memref<8192xf32, #tpu.memory_space<hbm>>) target_semaphore(%arg9 : memref<!tpu.dma_semaphore, #tpu.memory_space<semaphore_mem>>)
    %dma_start3A_472 = arith.constant 1 : i32
    %dma_start3A_473 = arith.constant 0 : i32
    %dma_start3A_474 = arith.constant 0 : i32
    %dma_start3A_475 = tpu.memref_slice %arg6[%dma_start3A_472, %dma_start3A_473, %dma_start3A_474] : memref<2x128x128xf32, #tpu.memory_space<vmem>> -> memref<1x128x128xf32, #tpu.memory_space<vmem>>
    %dma_start3A_476 = tpu.memref_squeeze %dma_start3A_475 : memref<1x128x128xf32, #tpu.memory_space<vmem>> -> memref<128x128xf32, #tpu.memory_space<vmem>>
    %dma_start3A_477 = arith.constant 1408 : i32
    %dma_start3A_478 = tpu.memref_slice %arg5[%dma_start3A_477] : memref<2560xi32, #tpu.memory_space<vmem>> -> memref<128xi32, #tpu.memory_space<vmem>>
    %dma_start3A_479 = arith.constant 0 : i32
    %dma_start3A_480 = arith.constant 0 : i32
    %dma_start3A_481 = tpu.memref_slice %arg2[%dma_start3A_479, %dma_start3A_480] : memref<1000000x128xf32, #tpu.memory_space<hbm>> -> memref<1000000x128xf32, #tpu.memory_space<hbm>>
    tpu.enqueue_indirect_dma source(%dma_start3A_481 : memref<1000000x128xf32, #tpu.memory_space<hbm>>) target(%dma_start3A_476 : memref<128x128xf32, #tpu.memory_space<vmem>>) offsets(%dma_start3A_478 : memref<128xi32, #tpu.memory_space<vmem>>) semaphore(%arg8 : memref<!tpu.dma_semaphore, #tpu.memory_space<semaphore_mem>>)
    %dma_wait3A_482 = arith.constant 0 : i32
    %dma_wait3A_483 = arith.constant 0 : i32
    %dma_wait3A_484 = arith.constant 0 : i32
    %dma_wait3A_485 = tpu.memref_slice %arg6[%dma_wait3A_482, %dma_wait3A_483, %dma_wait3A_484] : memref<2x128x128xf32, #tpu.memory_space<vmem>> -> memref<1x128x128xf32, #tpu.memory_space<vmem>>
    %dma_wait3A_486 = tpu.memref_squeeze %dma_wait3A_485 : memref<1x128x128xf32, #tpu.memory_space<vmem>> -> memref<128x128xf32, #tpu.memory_space<vmem>>
    %dma_wait3A_487 = arith.constant 1280 : i32
    %dma_wait3A_488 = tpu.memref_slice %arg5[%dma_wait3A_487] : memref<2560xi32, #tpu.memory_space<vmem>> -> memref<128xi32, #tpu.memory_space<vmem>>
    %dma_wait3A_489 = arith.constant 0 : i32
    %dma_wait3A_490 = arith.constant 0 : i32
    %dma_wait3A_491 = tpu.memref_slice %arg2[%dma_wait3A_489, %dma_wait3A_490] : memref<1000000x128xf32, #tpu.memory_space<hbm>> -> memref<1000000x128xf32, #tpu.memory_space<hbm>>
    tpu.wait_indirect_dma semaphore(%arg8 : memref<!tpu.dma_semaphore, #tpu.memory_space<semaphore_mem>>) src(%dma_wait3A_491 : memref<1000000x128xf32, #tpu.memory_space<hbm>>) dst(%dma_wait3A_486 : memref<128x128xf32, #tpu.memory_space<vmem>>)
    %dma_wait3A_492 = arith.constant 0 : i32
    %dma_wait3A_493 = arith.constant 0 : i32
    %dma_wait3A_494 = tpu.memref_slice %arg7[%dma_wait3A_492, %dma_wait3A_493] : memref<2x8192xf32, #tpu.memory_space<vmem>> -> memref<1x8192xf32, #tpu.memory_space<vmem>>
    %dma_wait3A_495 = tpu.memref_squeeze %dma_wait3A_494 : memref<1x8192xf32, #tpu.memory_space<vmem>> -> memref<8192xf32, #tpu.memory_space<vmem>>
    %dma_wait3A_496 = tpu.memref_slice %arg4[%mul3A_414] : memref<5242880xf32, #tpu.memory_space<hbm>> -> memref<8192xf32, #tpu.memory_space<hbm>>
    %dma_wait3A_497 = tpu.memref_slice %arg4[%mul3A_414] : memref<5242880xf32, #tpu.memory_space<hbm>> -> memref<8192xf32, #tpu.memory_space<hbm>>
    %dma_wait3A_498 = arith.constant 0 : i32
    %dma_wait3A_499 = tpu.memref_slice %arg7[%dma_wait3A_492, %dma_wait3A_498] : memref<2x8192xf32, #tpu.memory_space<vmem>> -> memref<1x8192xf32, #tpu.memory_space<vmem>>
    %dma_wait3A_500 = tpu.memref_squeeze %dma_wait3A_499 : memref<1x8192xf32, #tpu.memory_space<vmem>> -> memref<8192xf32, #tpu.memory_space<vmem>>
    tpu.wait_dma2 semaphore(%arg9 : memref<!tpu.dma_semaphore, #tpu.memory_space<semaphore_mem>>) src(%dma_wait3A_500 : memref<8192xf32, #tpu.memory_space<vmem>>) dst(%dma_wait3A_497 : memref<8192xf32, #tpu.memory_space<hbm>>)
    %scan3A_501 = arith.constant 0 : i32
    %scan3A_502 = arith.constant 0 : i32
    %scan3A_503 = arith.constant 128 : i32
    %scan3A_504 = arith.addi %scan3A_502, %scan3A_503 : i32
    %scan3A_505 = arith.constant 1 : i32
    scf.for %scan3A_960 = %scan3A_502 to %scan3A_504 step %scan3A_505  : i32 {
      %get3A = arith.constant 0 : i32
      %get3A_961 = arith.index_cast %get3A : i32 to index
      %get3A_962 = arith.index_cast %scan3A_960 : i32 to index
      %get3A_963 = arith.constant 0 : index
      %get3A_964 = tpu.vector_load %arg6[%get3A_961, %get3A_962, %get3A_963] {strides = array<i32>} : memref<2x128x128xf32, #tpu.memory_space<vmem>>, vector<1x1x16xf32>,
      %get3A_965 = vector.shape_cast %get3A_964 : vector<1x1x16xf32> to vector<16xf32>
      %mul3A_966 = arith.constant 64 : i32
      %mul3A_967 = arith.muli %scan3A_960, %mul3A_966 : i32
      %add3A_968 = arith.constant 0 : i32
      %add3A_969 = arith.addi %mul3A_967, %add3A_968 : i32
      %swap3A = arith.constant 0 : i32
      %swap3A_970 = arith.index_cast %swap3A : i32 to index
      %swap3A_971 = arith.index_cast %add3A_969 : i32 to index
      %swap3A_972 = tpu.vector_load %arg7[%swap3A_970, %swap3A_971] {strides = array<i32>} : memref<2x8192xf32, #tpu.memory_space<vmem>>, vector<1x16xf32>,
      %swap3A_973 = vector.shape_cast %swap3A_972 : vector<1x16xf32> to vector<16xf32>
      %swap3A_974 = vector.shape_cast %get3A_965 : vector<16xf32> to vector<1x16xf32>
      tpu.vector_store %arg7[%swap3A_970, %swap3A_971], %swap3A_974 {strides = array<i32>} : memref<2x8192xf32, #tpu.memory_space<vmem>>, vector<1x16xf32>,
      %get3A_975 = arith.constant 0 : i32
      %get3A_976 = arith.index_cast %get3A_975 : i32 to index
      %get3A_977 = arith.index_cast %scan3A_960 : i32 to index
      %get3A_978 = arith.constant 16 : index
      %get3A_979 = tpu.vector_load %arg6[%get3A_976, %get3A_977, %get3A_978] {strides = array<i32>} : memref<2x128x128xf32, #tpu.memory_space<vmem>>, vector<1x1x16xf32>,
      %get3A_980 = vector.shape_cast %get3A_979 : vector<1x1x16xf32> to vector<16xf32>
      %mul3A_981 = arith.constant 64 : i32
      %mul3A_982 = arith.muli %scan3A_960, %mul3A_981 : i32
      %add3A_983 = arith.constant 16 : i32
      %add3A_984 = arith.addi %mul3A_982, %add3A_983 : i32
      %swap3A_985 = arith.constant 0 : i32
      %swap3A_986 = arith.index_cast %swap3A_985 : i32 to index
      %swap3A_987 = arith.index_cast %add3A_984 : i32 to index
      %swap3A_988 = tpu.vector_load %arg7[%swap3A_986, %swap3A_987] {strides = array<i32>} : memref<2x8192xf32, #tpu.memory_space<vmem>>, vector<1x16xf32>,
      %swap3A_989 = vector.shape_cast %swap3A_988 : vector<1x16xf32> to vector<16xf32>
      %swap3A_990 = vector.shape_cast %get3A_980 : vector<16xf32> to vector<1x16xf32>
      tpu.vector_store %arg7[%swap3A_986, %swap3A_987], %swap3A_990 {strides = array<i32>} : memref<2x8192xf32, #tpu.memory_space<vmem>>, vector<1x16xf32>,
      %get3A_991 = arith.constant 0 : i32
      %get3A_992 = arith.index_cast %get3A_991 : i32 to index
      %get3A_993 = arith.index_cast %scan3A_960 : i32 to index
      %get3A_994 = arith.constant 32 : index
      %get3A_995 = tpu.vector_load %arg6[%get3A_992, %get3A_993, %get3A_994] {strides = array<i32>} : memref<2x128x128xf32, #tpu.memory_space<vmem>>, vector<1x1x16xf32>,
      %get3A_996 = vector.shape_cast %get3A_995 : vector<1x1x16xf32> to vector<16xf32>
      %mul3A_997 = arith.constant 64 : i32
      %mul3A_998 = arith.muli %scan3A_960, %mul3A_997 : i32
      %add3A_999 = arith.constant 32 : i32
      %add3A_1000 = arith.addi %mul3A_998, %add3A_999 : i32
      %swap3A_1001 = arith.constant 0 : i32
      %swap3A_1002 = arith.index_cast %swap3A_1001 : i32 to index
      %swap3A_1003 = arith.index_cast %add3A_1000 : i32 to index
      %swap3A_1004 = tpu.vector_load %arg7[%swap3A_1002, %swap3A_1003] {strides = array<i32>} : memref<2x8192xf32, #tpu.memory_space<vmem>>, vector<1x16xf32>,
      %swap3A_1005 = vector.shape_cast %swap3A_1004 : vector<1x16xf32> to vector<16xf32>
      %swap3A_1006 = vector.shape_cast %get3A_996 : vector<16xf32> to vector<1x16xf32>
      tpu.vector_store %arg7[%swap3A_1002, %swap3A_1003], %swap3A_1006 {strides = array<i32>} : memref<2x8192xf32, #tpu.memory_space<vmem>>, vector<1x16xf32>,
      %get3A_1007 = arith.constant 0 : i32
      %get3A_1008 = arith.index_cast %get3A_1007 : i32 to index
      %get3A_1009 = arith.index_cast %scan3A_960 : i32 to index
      %get3A_1010 = arith.constant 48 : index
      %get3A_1011 = tpu.vector_load %arg6[%get3A_1008, %get3A_1009, %get3A_1010] {strides = array<i32>} : memref<2x128x128xf32, #tpu.memory_space<vmem>>, vector<1x1x16xf32>,
      %get3A_1012 = vector.shape_cast %get3A_1011 : vector<1x1x16xf32> to vector<16xf32>
      %mul3A_1013 = arith.constant 64 : i32
      %mul3A_1014 = arith.muli %scan3A_960, %mul3A_1013 : i32
      %add3A_1015 = arith.constant 48 : i32
      %add3A_1016 = arith.addi %mul3A_1014, %add3A_1015 : i32
      %swap3A_1017 = arith.constant 0 : i32
      %swap3A_1018 = arith.index_cast %swap3A_1017 : i32 to index
      %swap3A_1019 = arith.index_cast %add3A_1016 : i32 to index
      %swap3A_1020 = tpu.vector_load %arg7[%swap3A_1018, %swap3A_1019] {strides = array<i32>} : memref<2x8192xf32, #tpu.memory_space<vmem>>, vector<1x16xf32>,
      %swap3A_1021 = vector.shape_cast %swap3A_1020 : vector<1x16xf32> to vector<16xf32>
      %swap3A_1022 = vector.shape_cast %get3A_1012 : vector<16xf32> to vector<1x16xf32>
      tpu.vector_store %arg7[%swap3A_1018, %swap3A_1019], %swap3A_1022 {strides = array<i32>} : memref<2x8192xf32, #tpu.memory_space<vmem>>, vector<1x16xf32>,
    }
    %scan3A_506 = arith.constant 128 : i32
    %add3A_507 = arith.constant 1280 : i32
    %add3A_508 = arith.addi %mul3A_2, %add3A_507 : i32
    %mul3A_509 = arith.constant 64 : i32
    %mul3A_510 = arith.muli %add3A_508, %mul3A_509 : i32
    %dma_start3A_511 = arith.constant 0 : i32
    %dma_start3A_512 = arith.constant 0 : i32
    %dma_start3A_513 = tpu.memref_slice %arg7[%dma_start3A_511, %dma_start3A_512] : memref<2x8192xf32, #tpu.memory_space<vmem>> -> memref<1x8192xf32, #tpu.memory_space<vmem>>
    %dma_start3A_514 = tpu.memref_squeeze %dma_start3A_513 : memref<1x8192xf32, #tpu.memory_space<vmem>> -> memref<8192xf32, #tpu.memory_space<vmem>>
    %dma_start3A_515 = tpu.memref_slice %arg4[%mul3A_510] : memref<5242880xf32, #tpu.memory_space<hbm>> -> memref<8192xf32, #tpu.memory_space<hbm>>
    %dma_start3A_516 = tpu.memref_slice %arg4[%mul3A_510] : memref<5242880xf32, #tpu.memory_space<hbm>> -> memref<8192xf32, #tpu.memory_space<hbm>>
    %dma_start3A_517 = arith.constant 0 : i32
    %dma_start3A_518 = tpu.memref_slice %arg7[%dma_start3A_511, %dma_start3A_517] : memref<2x8192xf32, #tpu.memory_space<vmem>> -> memref<1x8192xf32, #tpu.memory_space<vmem>>
    %dma_start3A_519 = tpu.memref_squeeze %dma_start3A_518 : memref<1x8192xf32, #tpu.memory_space<vmem>> -> memref<8192xf32, #tpu.memory_space<vmem>>
    tpu.enqueue_dma source(%dma_start3A_519 : memref<8192xf32, #tpu.memory_space<vmem>>) target(%dma_start3A_516 : memref<8192xf32, #tpu.memory_space<hbm>>) target_semaphore(%arg9 : memref<!tpu.dma_semaphore, #tpu.memory_space<semaphore_mem>>)
    %dma_start3A_520 = arith.constant 0 : i32
    %dma_start3A_521 = arith.constant 0 : i32
    %dma_start3A_522 = arith.constant 0 : i32
    %dma_start3A_523 = tpu.memref_slice %arg6[%dma_start3A_520, %dma_start3A_521, %dma_start3A_522] : memref<2x128x128xf32, #tpu.memory_space<vmem>> -> memref<1x128x128xf32, #tpu.memory_space<vmem>>
    %dma_start3A_524 = tpu.memref_squeeze %dma_start3A_523 : memref<1x128x128xf32, #tpu.memory_space<vmem>> -> memref<128x128xf32, #tpu.memory_space<vmem>>
    %dma_start3A_525 = arith.constant 1536 : i32
    %dma_start3A_526 = tpu.memref_slice %arg5[%dma_start3A_525] : memref<2560xi32, #tpu.memory_space<vmem>> -> memref<128xi32, #tpu.memory_space<vmem>>
    %dma_start3A_527 = arith.constant 0 : i32
    %dma_start3A_528 = arith.constant 0 : i32
    %dma_start3A_529 = tpu.memref_slice %arg2[%dma_start3A_527, %dma_start3A_528] : memref<1000000x128xf32, #tpu.memory_space<hbm>> -> memref<1000000x128xf32, #tpu.memory_space<hbm>>
    tpu.enqueue_indirect_dma source(%dma_start3A_529 : memref<1000000x128xf32, #tpu.memory_space<hbm>>) target(%dma_start3A_524 : memref<128x128xf32, #tpu.memory_space<vmem>>) offsets(%dma_start3A_526 : memref<128xi32, #tpu.memory_space<vmem>>) semaphore(%arg8 : memref<!tpu.dma_semaphore, #tpu.memory_space<semaphore_mem>>)
    %dma_wait3A_530 = arith.constant 1 : i32
    %dma_wait3A_531 = arith.constant 0 : i32
    %dma_wait3A_532 = arith.constant 0 : i32
    %dma_wait3A_533 = tpu.memref_slice %arg6[%dma_wait3A_530, %dma_wait3A_531, %dma_wait3A_532] : memref<2x128x128xf32, #tpu.memory_space<vmem>> -> memref<1x128x128xf32, #tpu.memory_space<vmem>>
    %dma_wait3A_534 = tpu.memref_squeeze %dma_wait3A_533 : memref<1x128x128xf32, #tpu.memory_space<vmem>> -> memref<128x128xf32, #tpu.memory_space<vmem>>
    %dma_wait3A_535 = arith.constant 1408 : i32
    %dma_wait3A_536 = tpu.memref_slice %arg5[%dma_wait3A_535] : memref<2560xi32, #tpu.memory_space<vmem>> -> memref<128xi32, #tpu.memory_space<vmem>>
    %dma_wait3A_537 = arith.constant 0 : i32
    %dma_wait3A_538 = arith.constant 0 : i32
    %dma_wait3A_539 = tpu.memref_slice %arg2[%dma_wait3A_537, %dma_wait3A_538] : memref<1000000x128xf32, #tpu.memory_space<hbm>> -> memref<1000000x128xf32, #tpu.memory_space<hbm>>
    tpu.wait_indirect_dma semaphore(%arg8 : memref<!tpu.dma_semaphore, #tpu.memory_space<semaphore_mem>>) src(%dma_wait3A_539 : memref<1000000x128xf32, #tpu.memory_space<hbm>>) dst(%dma_wait3A_534 : memref<128x128xf32, #tpu.memory_space<vmem>>)
    %dma_wait3A_540 = arith.constant 1 : i32
    %dma_wait3A_541 = arith.constant 0 : i32
    %dma_wait3A_542 = tpu.memref_slice %arg7[%dma_wait3A_540, %dma_wait3A_541] : memref<2x8192xf32, #tpu.memory_space<vmem>> -> memref<1x8192xf32, #tpu.memory_space<vmem>>
    %dma_wait3A_543 = tpu.memref_squeeze %dma_wait3A_542 : memref<1x8192xf32, #tpu.memory_space<vmem>> -> memref<8192xf32, #tpu.memory_space<vmem>>
    %dma_wait3A_544 = tpu.memref_slice %arg4[%mul3A_462] : memref<5242880xf32, #tpu.memory_space<hbm>> -> memref<8192xf32, #tpu.memory_space<hbm>>
    %dma_wait3A_545 = tpu.memref_slice %arg4[%mul3A_462] : memref<5242880xf32, #tpu.memory_space<hbm>> -> memref<8192xf32, #tpu.memory_space<hbm>>
    %dma_wait3A_546 = arith.constant 0 : i32
    %dma_wait3A_547 = tpu.memref_slice %arg7[%dma_wait3A_540, %dma_wait3A_546] : memref<2x8192xf32, #tpu.memory_space<vmem>> -> memref<1x8192xf32, #tpu.memory_space<vmem>>
    %dma_wait3A_548 = tpu.memref_squeeze %dma_wait3A_547 : memref<1x8192xf32, #tpu.memory_space<vmem>> -> memref<8192xf32, #tpu.memory_space<vmem>>
    tpu.wait_dma2 semaphore(%arg9 : memref<!tpu.dma_semaphore, #tpu.memory_space<semaphore_mem>>) src(%dma_wait3A_548 : memref<8192xf32, #tpu.memory_space<vmem>>) dst(%dma_wait3A_545 : memref<8192xf32, #tpu.memory_space<hbm>>)
    %scan3A_549 = arith.constant 0 : i32
    %scan3A_550 = arith.constant 0 : i32
    %scan3A_551 = arith.constant 128 : i32
    %scan3A_552 = arith.addi %scan3A_550, %scan3A_551 : i32
    %scan3A_553 = arith.constant 1 : i32
    scf.for %scan3A_960 = %scan3A_550 to %scan3A_552 step %scan3A_553  : i32 {
      %get3A = arith.constant 1 : i32
      %get3A_961 = arith.index_cast %get3A : i32 to index
      %get3A_962 = arith.index_cast %scan3A_960 : i32 to index
      %get3A_963 = arith.constant 0 : index
      %get3A_964 = tpu.vector_load %arg6[%get3A_961, %get3A_962, %get3A_963] {strides = array<i32>} : memref<2x128x128xf32, #tpu.memory_space<vmem>>, vector<1x1x16xf32>,
      %get3A_965 = vector.shape_cast %get3A_964 : vector<1x1x16xf32> to vector<16xf32>
      %mul3A_966 = arith.constant 64 : i32
      %mul3A_967 = arith.muli %scan3A_960, %mul3A_966 : i32
      %add3A_968 = arith.constant 0 : i32
      %add3A_969 = arith.addi %mul3A_967, %add3A_968 : i32
      %swap3A = arith.constant 1 : i32
      %swap3A_970 = arith.index_cast %swap3A : i32 to index
      %swap3A_971 = arith.index_cast %add3A_969 : i32 to index
      %swap3A_972 = tpu.vector_load %arg7[%swap3A_970, %swap3A_971] {strides = array<i32>} : memref<2x8192xf32, #tpu.memory_space<vmem>>, vector<1x16xf32>,
      %swap3A_973 = vector.shape_cast %swap3A_972 : vector<1x16xf32> to vector<16xf32>
      %swap3A_974 = vector.shape_cast %get3A_965 : vector<16xf32> to vector<1x16xf32>
      tpu.vector_store %arg7[%swap3A_970, %swap3A_971], %swap3A_974 {strides = array<i32>} : memref<2x8192xf32, #tpu.memory_space<vmem>>, vector<1x16xf32>,
      %get3A_975 = arith.constant 1 : i32
      %get3A_976 = arith.index_cast %get3A_975 : i32 to index
      %get3A_977 = arith.index_cast %scan3A_960 : i32 to index
      %get3A_978 = arith.constant 16 : index
      %get3A_979 = tpu.vector_load %arg6[%get3A_976, %get3A_977, %get3A_978] {strides = array<i32>} : memref<2x128x128xf32, #tpu.memory_space<vmem>>, vector<1x1x16xf32>,
      %get3A_980 = vector.shape_cast %get3A_979 : vector<1x1x16xf32> to vector<16xf32>
      %mul3A_981 = arith.constant 64 : i32
      %mul3A_982 = arith.muli %scan3A_960, %mul3A_981 : i32
      %add3A_983 = arith.constant 16 : i32
      %add3A_984 = arith.addi %mul3A_982, %add3A_983 : i32
      %swap3A_985 = arith.constant 1 : i32
      %swap3A_986 = arith.index_cast %swap3A_985 : i32 to index
      %swap3A_987 = arith.index_cast %add3A_984 : i32 to index
      %swap3A_988 = tpu.vector_load %arg7[%swap3A_986, %swap3A_987] {strides = array<i32>} : memref<2x8192xf32, #tpu.memory_space<vmem>>, vector<1x16xf32>,
      %swap3A_989 = vector.shape_cast %swap3A_988 : vector<1x16xf32> to vector<16xf32>
      %swap3A_990 = vector.shape_cast %get3A_980 : vector<16xf32> to vector<1x16xf32>
      tpu.vector_store %arg7[%swap3A_986, %swap3A_987], %swap3A_990 {strides = array<i32>} : memref<2x8192xf32, #tpu.memory_space<vmem>>, vector<1x16xf32>,
      %get3A_991 = arith.constant 1 : i32
      %get3A_992 = arith.index_cast %get3A_991 : i32 to index
      %get3A_993 = arith.index_cast %scan3A_960 : i32 to index
      %get3A_994 = arith.constant 32 : index
      %get3A_995 = tpu.vector_load %arg6[%get3A_992, %get3A_993, %get3A_994] {strides = array<i32>} : memref<2x128x128xf32, #tpu.memory_space<vmem>>, vector<1x1x16xf32>,
      %get3A_996 = vector.shape_cast %get3A_995 : vector<1x1x16xf32> to vector<16xf32>
      %mul3A_997 = arith.constant 64 : i32
      %mul3A_998 = arith.muli %scan3A_960, %mul3A_997 : i32
      %add3A_999 = arith.constant 32 : i32
      %add3A_1000 = arith.addi %mul3A_998, %add3A_999 : i32
      %swap3A_1001 = arith.constant 1 : i32
      %swap3A_1002 = arith.index_cast %swap3A_1001 : i32 to index
      %swap3A_1003 = arith.index_cast %add3A_1000 : i32 to index
      %swap3A_1004 = tpu.vector_load %arg7[%swap3A_1002, %swap3A_1003] {strides = array<i32>} : memref<2x8192xf32, #tpu.memory_space<vmem>>, vector<1x16xf32>,
      %swap3A_1005 = vector.shape_cast %swap3A_1004 : vector<1x16xf32> to vector<16xf32>
      %swap3A_1006 = vector.shape_cast %get3A_996 : vector<16xf32> to vector<1x16xf32>
      tpu.vector_store %arg7[%swap3A_1002, %swap3A_1003], %swap3A_1006 {strides = array<i32>} : memref<2x8192xf32, #tpu.memory_space<vmem>>, vector<1x16xf32>,
      %get3A_1007 = arith.constant 1 : i32
      %get3A_1008 = arith.index_cast %get3A_1007 : i32 to index
      %get3A_1009 = arith.index_cast %scan3A_960 : i32 to index
      %get3A_1010 = arith.constant 48 : index
      %get3A_1011 = tpu.vector_load %arg6[%get3A_1008, %get3A_1009, %get3A_1010] {strides = array<i32>} : memref<2x128x128xf32, #tpu.memory_space<vmem>>, vector<1x1x16xf32>,
      %get3A_1012 = vector.shape_cast %get3A_1011 : vector<1x1x16xf32> to vector<16xf32>
      %mul3A_1013 = arith.constant 64 : i32
      %mul3A_1014 = arith.muli %scan3A_960, %mul3A_1013 : i32
      %add3A_1015 = arith.constant 48 : i32
      %add3A_1016 = arith.addi %mul3A_1014, %add3A_1015 : i32
      %swap3A_1017 = arith.constant 1 : i32
      %swap3A_1018 = arith.index_cast %swap3A_1017 : i32 to index
      %swap3A_1019 = arith.index_cast %add3A_1016 : i32 to index
      %swap3A_1020 = tpu.vector_load %arg7[%swap3A_1018, %swap3A_1019] {strides = array<i32>} : memref<2x8192xf32, #tpu.memory_space<vmem>>, vector<1x16xf32>,
      %swap3A_1021 = vector.shape_cast %swap3A_1020 : vector<1x16xf32> to vector<16xf32>
      %swap3A_1022 = vector.shape_cast %get3A_1012 : vector<16xf32> to vector<1x16xf32>
      tpu.vector_store %arg7[%swap3A_1018, %swap3A_1019], %swap3A_1022 {strides = array<i32>} : memref<2x8192xf32, #tpu.memory_space<vmem>>, vector<1x16xf32>,
    }
    %scan3A_554 = arith.constant 128 : i32
    %add3A_555 = arith.constant 1408 : i32
    %add3A_556 = arith.addi %mul3A_2, %add3A_555 : i32
    %mul3A_557 = arith.constant 64 : i32
    %mul3A_558 = arith.muli %add3A_556, %mul3A_557 : i32
    %dma_start3A_559 = arith.constant 1 : i32
    %dma_start3A_560 = arith.constant 0 : i32
    %dma_start3A_561 = tpu.memref_slice %arg7[%dma_start3A_559, %dma_start3A_560] : memref<2x8192xf32, #tpu.memory_space<vmem>> -> memref<1x8192xf32, #tpu.memory_space<vmem>>
    %dma_start3A_562 = tpu.memref_squeeze %dma_start3A_561 : memref<1x8192xf32, #tpu.memory_space<vmem>> -> memref<8192xf32, #tpu.memory_space<vmem>>
    %dma_start3A_563 = tpu.memref_slice %arg4[%mul3A_558] : memref<5242880xf32, #tpu.memory_space<hbm>> -> memref<8192xf32, #tpu.memory_space<hbm>>
    %dma_start3A_564 = tpu.memref_slice %arg4[%mul3A_558] : memref<5242880xf32, #tpu.memory_space<hbm>> -> memref<8192xf32, #tpu.memory_space<hbm>>
    %dma_start3A_565 = arith.constant 0 : i32
    %dma_start3A_566 = tpu.memref_slice %arg7[%dma_start3A_559, %dma_start3A_565] : memref<2x8192xf32, #tpu.memory_space<vmem>> -> memref<1x8192xf32, #tpu.memory_space<vmem>>
    %dma_start3A_567 = tpu.memref_squeeze %dma_start3A_566 : memref<1x8192xf32, #tpu.memory_space<vmem>> -> memref<8192xf32, #tpu.memory_space<vmem>>
    tpu.enqueue_dma source(%dma_start3A_567 : memref<8192xf32, #tpu.memory_space<vmem>>) target(%dma_start3A_564 : memref<8192xf32, #tpu.memory_space<hbm>>) target_semaphore(%arg9 : memref<!tpu.dma_semaphore, #tpu.memory_space<semaphore_mem>>)
    %dma_start3A_568 = arith.constant 1 : i32
    %dma_start3A_569 = arith.constant 0 : i32
    %dma_start3A_570 = arith.constant 0 : i32
    %dma_start3A_571 = tpu.memref_slice %arg6[%dma_start3A_568, %dma_start3A_569, %dma_start3A_570] : memref<2x128x128xf32, #tpu.memory_space<vmem>> -> memref<1x128x128xf32, #tpu.memory_space<vmem>>
    %dma_start3A_572 = tpu.memref_squeeze %dma_start3A_571 : memref<1x128x128xf32, #tpu.memory_space<vmem>> -> memref<128x128xf32, #tpu.memory_space<vmem>>
    %dma_start3A_573 = arith.constant 1664 : i32
    %dma_start3A_574 = tpu.memref_slice %arg5[%dma_start3A_573] : memref<2560xi32, #tpu.memory_space<vmem>> -> memref<128xi32, #tpu.memory_space<vmem>>
    %dma_start3A_575 = arith.constant 0 : i32
    %dma_start3A_576 = arith.constant 0 : i32
    %dma_start3A_577 = tpu.memref_slice %arg2[%dma_start3A_575, %dma_start3A_576] : memref<1000000x128xf32, #tpu.memory_space<hbm>> -> memref<1000000x128xf32, #tpu.memory_space<hbm>>
    tpu.enqueue_indirect_dma source(%dma_start3A_577 : memref<1000000x128xf32, #tpu.memory_space<hbm>>) target(%dma_start3A_572 : memref<128x128xf32, #tpu.memory_space<vmem>>) offsets(%dma_start3A_574 : memref<128xi32, #tpu.memory_space<vmem>>) semaphore(%arg8 : memref<!tpu.dma_semaphore, #tpu.memory_space<semaphore_mem>>)
    %dma_wait3A_578 = arith.constant 0 : i32
    %dma_wait3A_579 = arith.constant 0 : i32
    %dma_wait3A_580 = arith.constant 0 : i32
    %dma_wait3A_581 = tpu.memref_slice %arg6[%dma_wait3A_578, %dma_wait3A_579, %dma_wait3A_580] : memref<2x128x128xf32, #tpu.memory_space<vmem>> -> memref<1x128x128xf32, #tpu.memory_space<vmem>>
    %dma_wait3A_582 = tpu.memref_squeeze %dma_wait3A_581 : memref<1x128x128xf32, #tpu.memory_space<vmem>> -> memref<128x128xf32, #tpu.memory_space<vmem>>
    %dma_wait3A_583 = arith.constant 1536 : i32
    %dma_wait3A_584 = tpu.memref_slice %arg5[%dma_wait3A_583] : memref<2560xi32, #tpu.memory_space<vmem>> -> memref<128xi32, #tpu.memory_space<vmem>>
    %dma_wait3A_585 = arith.constant 0 : i32
    %dma_wait3A_586 = arith.constant 0 : i32
    %dma_wait3A_587 = tpu.memref_slice %arg2[%dma_wait3A_585, %dma_wait3A_586] : memref<1000000x128xf32, #tpu.memory_space<hbm>> -> memref<1000000x128xf32, #tpu.memory_space<hbm>>
    tpu.wait_indirect_dma semaphore(%arg8 : memref<!tpu.dma_semaphore, #tpu.memory_space<semaphore_mem>>) src(%dma_wait3A_587 : memref<1000000x128xf32, #tpu.memory_space<hbm>>) dst(%dma_wait3A_582 : memref<128x128xf32, #tpu.memory_space<vmem>>)
    %dma_wait3A_588 = arith.constant 0 : i32
    %dma_wait3A_589 = arith.constant 0 : i32
    %dma_wait3A_590 = tpu.memref_slice %arg7[%dma_wait3A_588, %dma_wait3A_589] : memref<2x8192xf32, #tpu.memory_space<vmem>> -> memref<1x8192xf32, #tpu.memory_space<vmem>>
    %dma_wait3A_591 = tpu.memref_squeeze %dma_wait3A_590 : memref<1x8192xf32, #tpu.memory_space<vmem>> -> memref<8192xf32, #tpu.memory_space<vmem>>
    %dma_wait3A_592 = tpu.memref_slice %arg4[%mul3A_510] : memref<5242880xf32, #tpu.memory_space<hbm>> -> memref<8192xf32, #tpu.memory_space<hbm>>
    %dma_wait3A_593 = tpu.memref_slice %arg4[%mul3A_510] : memref<5242880xf32, #tpu.memory_space<hbm>> -> memref<8192xf32, #tpu.memory_space<hbm>>
    %dma_wait3A_594 = arith.constant 0 : i32
    %dma_wait3A_595 = tpu.memref_slice %arg7[%dma_wait3A_588, %dma_wait3A_594] : memref<2x8192xf32, #tpu.memory_space<vmem>> -> memref<1x8192xf32, #tpu.memory_space<vmem>>
    %dma_wait3A_596 = tpu.memref_squeeze %dma_wait3A_595 : memref<1x8192xf32, #tpu.memory_space<vmem>> -> memref<8192xf32, #tpu.memory_space<vmem>>
    tpu.wait_dma2 semaphore(%arg9 : memref<!tpu.dma_semaphore, #tpu.memory_space<semaphore_mem>>) src(%dma_wait3A_596 : memref<8192xf32, #tpu.memory_space<vmem>>) dst(%dma_wait3A_593 : memref<8192xf32, #tpu.memory_space<hbm>>)
    %scan3A_597 = arith.constant 0 : i32
    %scan3A_598 = arith.constant 0 : i32
    %scan3A_599 = arith.constant 128 : i32
    %scan3A_600 = arith.addi %scan3A_598, %scan3A_599 : i32
    %scan3A_601 = arith.constant 1 : i32
    scf.for %scan3A_960 = %scan3A_598 to %scan3A_600 step %scan3A_601  : i32 {
      %get3A = arith.constant 0 : i32
      %get3A_961 = arith.index_cast %get3A : i32 to index
      %get3A_962 = arith.index_cast %scan3A_960 : i32 to index
      %get3A_963 = arith.constant 0 : index
      %get3A_964 = tpu.vector_load %arg6[%get3A_961, %get3A_962, %get3A_963] {strides = array<i32>} : memref<2x128x128xf32, #tpu.memory_space<vmem>>, vector<1x1x16xf32>,
      %get3A_965 = vector.shape_cast %get3A_964 : vector<1x1x16xf32> to vector<16xf32>
      %mul3A_966 = arith.constant 64 : i32
      %mul3A_967 = arith.muli %scan3A_960, %mul3A_966 : i32
      %add3A_968 = arith.constant 0 : i32
      %add3A_969 = arith.addi %mul3A_967, %add3A_968 : i32
      %swap3A = arith.constant 0 : i32
      %swap3A_970 = arith.index_cast %swap3A : i32 to index
      %swap3A_971 = arith.index_cast %add3A_969 : i32 to index
      %swap3A_972 = tpu.vector_load %arg7[%swap3A_970, %swap3A_971] {strides = array<i32>} : memref<2x8192xf32, #tpu.memory_space<vmem>>, vector<1x16xf32>,
      %swap3A_973 = vector.shape_cast %swap3A_972 : vector<1x16xf32> to vector<16xf32>
      %swap3A_974 = vector.shape_cast %get3A_965 : vector<16xf32> to vector<1x16xf32>
      tpu.vector_store %arg7[%swap3A_970, %swap3A_971], %swap3A_974 {strides = array<i32>} : memref<2x8192xf32, #tpu.memory_space<vmem>>, vector<1x16xf32>,
      %get3A_975 = arith.constant 0 : i32
      %get3A_976 = arith.index_cast %get3A_975 : i32 to index
      %get3A_977 = arith.index_cast %scan3A_960 : i32 to index
      %get3A_978 = arith.constant 16 : index
      %get3A_979 = tpu.vector_load %arg6[%get3A_976, %get3A_977, %get3A_978] {strides = array<i32>} : memref<2x128x128xf32, #tpu.memory_space<vmem>>, vector<1x1x16xf32>,
      %get3A_980 = vector.shape_cast %get3A_979 : vector<1x1x16xf32> to vector<16xf32>
      %mul3A_981 = arith.constant 64 : i32
      %mul3A_982 = arith.muli %scan3A_960, %mul3A_981 : i32
      %add3A_983 = arith.constant 16 : i32
      %add3A_984 = arith.addi %mul3A_982, %add3A_983 : i32
      %swap3A_985 = arith.constant 0 : i32
      %swap3A_986 = arith.index_cast %swap3A_985 : i32 to index
      %swap3A_987 = arith.index_cast %add3A_984 : i32 to index
      %swap3A_988 = tpu.vector_load %arg7[%swap3A_986, %swap3A_987] {strides = array<i32>} : memref<2x8192xf32, #tpu.memory_space<vmem>>, vector<1x16xf32>,
      %swap3A_989 = vector.shape_cast %swap3A_988 : vector<1x16xf32> to vector<16xf32>
      %swap3A_990 = vector.shape_cast %get3A_980 : vector<16xf32> to vector<1x16xf32>
      tpu.vector_store %arg7[%swap3A_986, %swap3A_987], %swap3A_990 {strides = array<i32>} : memref<2x8192xf32, #tpu.memory_space<vmem>>, vector<1x16xf32>,
      %get3A_991 = arith.constant 0 : i32
      %get3A_992 = arith.index_cast %get3A_991 : i32 to index
      %get3A_993 = arith.index_cast %scan3A_960 : i32 to index
      %get3A_994 = arith.constant 32 : index
      %get3A_995 = tpu.vector_load %arg6[%get3A_992, %get3A_993, %get3A_994] {strides = array<i32>} : memref<2x128x128xf32, #tpu.memory_space<vmem>>, vector<1x1x16xf32>,
      %get3A_996 = vector.shape_cast %get3A_995 : vector<1x1x16xf32> to vector<16xf32>
      %mul3A_997 = arith.constant 64 : i32
      %mul3A_998 = arith.muli %scan3A_960, %mul3A_997 : i32
      %add3A_999 = arith.constant 32 : i32
      %add3A_1000 = arith.addi %mul3A_998, %add3A_999 : i32
      %swap3A_1001 = arith.constant 0 : i32
      %swap3A_1002 = arith.index_cast %swap3A_1001 : i32 to index
      %swap3A_1003 = arith.index_cast %add3A_1000 : i32 to index
      %swap3A_1004 = tpu.vector_load %arg7[%swap3A_1002, %swap3A_1003] {strides = array<i32>} : memref<2x8192xf32, #tpu.memory_space<vmem>>, vector<1x16xf32>,
      %swap3A_1005 = vector.shape_cast %swap3A_1004 : vector<1x16xf32> to vector<16xf32>
      %swap3A_1006 = vector.shape_cast %get3A_996 : vector<16xf32> to vector<1x16xf32>
      tpu.vector_store %arg7[%swap3A_1002, %swap3A_1003], %swap3A_1006 {strides = array<i32>} : memref<2x8192xf32, #tpu.memory_space<vmem>>, vector<1x16xf32>,
      %get3A_1007 = arith.constant 0 : i32
      %get3A_1008 = arith.index_cast %get3A_1007 : i32 to index
      %get3A_1009 = arith.index_cast %scan3A_960 : i32 to index
      %get3A_1010 = arith.constant 48 : index
      %get3A_1011 = tpu.vector_load %arg6[%get3A_1008, %get3A_1009, %get3A_1010] {strides = array<i32>} : memref<2x128x128xf32, #tpu.memory_space<vmem>>, vector<1x1x16xf32>,
      %get3A_1012 = vector.shape_cast %get3A_1011 : vector<1x1x16xf32> to vector<16xf32>
      %mul3A_1013 = arith.constant 64 : i32
      %mul3A_1014 = arith.muli %scan3A_960, %mul3A_1013 : i32
      %add3A_1015 = arith.constant 48 : i32
      %add3A_1016 = arith.addi %mul3A_1014, %add3A_1015 : i32
      %swap3A_1017 = arith.constant 0 : i32
      %swap3A_1018 = arith.index_cast %swap3A_1017 : i32 to index
      %swap3A_1019 = arith.index_cast %add3A_1016 : i32 to index
      %swap3A_1020 = tpu.vector_load %arg7[%swap3A_1018, %swap3A_1019] {strides = array<i32>} : memref<2x8192xf32, #tpu.memory_space<vmem>>, vector<1x16xf32>,
      %swap3A_1021 = vector.shape_cast %swap3A_1020 : vector<1x16xf32> to vector<16xf32>
      %swap3A_1022 = vector.shape_cast %get3A_1012 : vector<16xf32> to vector<1x16xf32>
      tpu.vector_store %arg7[%swap3A_1018, %swap3A_1019], %swap3A_1022 {strides = array<i32>} : memref<2x8192xf32, #tpu.memory_space<vmem>>, vector<1x16xf32>,
    }
    %scan3A_602 = arith.constant 128 : i32
    %add3A_603 = arith.constant 1536 : i32
    %add3A_604 = arith.addi %mul3A_2, %add3A_603 : i32
    %mul3A_605 = arith.constant 64 : i32
    %mul3A_606 = arith.muli %add3A_604, %mul3A_605 : i32
    %dma_start3A_607 = arith.constant 0 : i32
    %dma_start3A_608 = arith.constant 0 : i32
    %dma_start3A_609 = tpu.memref_slice %arg7[%dma_start3A_607, %dma_start3A_608] : memref<2x8192xf32, #tpu.memory_space<vmem>> -> memref<1x8192xf32, #tpu.memory_space<vmem>>
    %dma_start3A_610 = tpu.memref_squeeze %dma_start3A_609 : memref<1x8192xf32, #tpu.memory_space<vmem>> -> memref<8192xf32, #tpu.memory_space<vmem>>
    %dma_start3A_611 = tpu.memref_slice %arg4[%mul3A_606] : memref<5242880xf32, #tpu.memory_space<hbm>> -> memref<8192xf32, #tpu.memory_space<hbm>>
    %dma_start3A_612 = tpu.memref_slice %arg4[%mul3A_606] : memref<5242880xf32, #tpu.memory_space<hbm>> -> memref<8192xf32, #tpu.memory_space<hbm>>
    %dma_start3A_613 = arith.constant 0 : i32
    %dma_start3A_614 = tpu.memref_slice %arg7[%dma_start3A_607, %dma_start3A_613] : memref<2x8192xf32, #tpu.memory_space<vmem>> -> memref<1x8192xf32, #tpu.memory_space<vmem>>
    %dma_start3A_615 = tpu.memref_squeeze %dma_start3A_614 : memref<1x8192xf32, #tpu.memory_space<vmem>> -> memref<8192xf32, #tpu.memory_space<vmem>>
    tpu.enqueue_dma source(%dma_start3A_615 : memref<8192xf32, #tpu.memory_space<vmem>>) target(%dma_start3A_612 : memref<8192xf32, #tpu.memory_space<hbm>>) target_semaphore(%arg9 : memref<!tpu.dma_semaphore, #tpu.memory_space<semaphore_mem>>)
    %dma_start3A_616 = arith.constant 0 : i32
    %dma_start3A_617 = arith.constant 0 : i32
    %dma_start3A_618 = arith.constant 0 : i32
    %dma_start3A_619 = tpu.memref_slice %arg6[%dma_start3A_616, %dma_start3A_617, %dma_start3A_618] : memref<2x128x128xf32, #tpu.memory_space<vmem>> -> memref<1x128x128xf32, #tpu.memory_space<vmem>>
    %dma_start3A_620 = tpu.memref_squeeze %dma_start3A_619 : memref<1x128x128xf32, #tpu.memory_space<vmem>> -> memref<128x128xf32, #tpu.memory_space<vmem>>
    %dma_start3A_621 = arith.constant 1792 : i32
    %dma_start3A_622 = tpu.memref_slice %arg5[%dma_start3A_621] : memref<2560xi32, #tpu.memory_space<vmem>> -> memref<128xi32, #tpu.memory_space<vmem>>
    %dma_start3A_623 = arith.constant 0 : i32
    %dma_start3A_624 = arith.constant 0 : i32
    %dma_start3A_625 = tpu.memref_slice %arg2[%dma_start3A_623, %dma_start3A_624] : memref<1000000x128xf32, #tpu.memory_space<hbm>> -> memref<1000000x128xf32, #tpu.memory_space<hbm>>
    tpu.enqueue_indirect_dma source(%dma_start3A_625 : memref<1000000x128xf32, #tpu.memory_space<hbm>>) target(%dma_start3A_620 : memref<128x128xf32, #tpu.memory_space<vmem>>) offsets(%dma_start3A_622 : memref<128xi32, #tpu.memory_space<vmem>>) semaphore(%arg8 : memref<!tpu.dma_semaphore, #tpu.memory_space<semaphore_mem>>)
    %dma_wait3A_626 = arith.constant 1 : i32
    %dma_wait3A_627 = arith.constant 0 : i32
    %dma_wait3A_628 = arith.constant 0 : i32
    %dma_wait3A_629 = tpu.memref_slice %arg6[%dma_wait3A_626, %dma_wait3A_627, %dma_wait3A_628] : memref<2x128x128xf32, #tpu.memory_space<vmem>> -> memref<1x128x128xf32, #tpu.memory_space<vmem>>
    %dma_wait3A_630 = tpu.memref_squeeze %dma_wait3A_629 : memref<1x128x128xf32, #tpu.memory_space<vmem>> -> memref<128x128xf32, #tpu.memory_space<vmem>>
    %dma_wait3A_631 = arith.constant 1664 : i32
    %dma_wait3A_632 = tpu.memref_slice %arg5[%dma_wait3A_631] : memref<2560xi32, #tpu.memory_space<vmem>> -> memref<128xi32, #tpu.memory_space<vmem>>
    %dma_wait3A_633 = arith.constant 0 : i32
    %dma_wait3A_634 = arith.constant 0 : i32
    %dma_wait3A_635 = tpu.memref_slice %arg2[%dma_wait3A_633, %dma_wait3A_634] : memref<1000000x128xf32, #tpu.memory_space<hbm>> -> memref<1000000x128xf32, #tpu.memory_space<hbm>>
    tpu.wait_indirect_dma semaphore(%arg8 : memref<!tpu.dma_semaphore, #tpu.memory_space<semaphore_mem>>) src(%dma_wait3A_635 : memref<1000000x128xf32, #tpu.memory_space<hbm>>) dst(%dma_wait3A_630 : memref<128x128xf32, #tpu.memory_space<vmem>>)
    %dma_wait3A_636 = arith.constant 1 : i32
    %dma_wait3A_637 = arith.constant 0 : i32
    %dma_wait3A_638 = tpu.memref_slice %arg7[%dma_wait3A_636, %dma_wait3A_637] : memref<2x8192xf32, #tpu.memory_space<vmem>> -> memref<1x8192xf32, #tpu.memory_space<vmem>>
    %dma_wait3A_639 = tpu.memref_squeeze %dma_wait3A_638 : memref<1x8192xf32, #tpu.memory_space<vmem>> -> memref<8192xf32, #tpu.memory_space<vmem>>
    %dma_wait3A_640 = tpu.memref_slice %arg4[%mul3A_558] : memref<5242880xf32, #tpu.memory_space<hbm>> -> memref<8192xf32, #tpu.memory_space<hbm>>
    %dma_wait3A_641 = tpu.memref_slice %arg4[%mul3A_558] : memref<5242880xf32, #tpu.memory_space<hbm>> -> memref<8192xf32, #tpu.memory_space<hbm>>
    %dma_wait3A_642 = arith.constant 0 : i32
    %dma_wait3A_643 = tpu.memref_slice %arg7[%dma_wait3A_636, %dma_wait3A_642] : memref<2x8192xf32, #tpu.memory_space<vmem>> -> memref<1x8192xf32, #tpu.memory_space<vmem>>
    %dma_wait3A_644 = tpu.memref_squeeze %dma_wait3A_643 : memref<1x8192xf32, #tpu.memory_space<vmem>> -> memref<8192xf32, #tpu.memory_space<vmem>>
    tpu.wait_dma2 semaphore(%arg9 : memref<!tpu.dma_semaphore, #tpu.memory_space<semaphore_mem>>) src(%dma_wait3A_644 : memref<8192xf32, #tpu.memory_space<vmem>>) dst(%dma_wait3A_641 : memref<8192xf32, #tpu.memory_space<hbm>>)
    %scan3A_645 = arith.constant 0 : i32
    %scan3A_646 = arith.constant 0 : i32
    %scan3A_647 = arith.constant 128 : i32
    %scan3A_648 = arith.addi %scan3A_646, %scan3A_647 : i32
    %scan3A_649 = arith.constant 1 : i32
    scf.for %scan3A_960 = %scan3A_646 to %scan3A_648 step %scan3A_649  : i32 {
      %get3A = arith.constant 1 : i32
      %get3A_961 = arith.index_cast %get3A : i32 to index
      %get3A_962 = arith.index_cast %scan3A_960 : i32 to index
      %get3A_963 = arith.constant 0 : index
      %get3A_964 = tpu.vector_load %arg6[%get3A_961, %get3A_962, %get3A_963] {strides = array<i32>} : memref<2x128x128xf32, #tpu.memory_space<vmem>>, vector<1x1x16xf32>,
      %get3A_965 = vector.shape_cast %get3A_964 : vector<1x1x16xf32> to vector<16xf32>
      %mul3A_966 = arith.constant 64 : i32
      %mul3A_967 = arith.muli %scan3A_960, %mul3A_966 : i32
      %add3A_968 = arith.constant 0 : i32
      %add3A_969 = arith.addi %mul3A_967, %add3A_968 : i32
      %swap3A = arith.constant 1 : i32
      %swap3A_970 = arith.index_cast %swap3A : i32 to index
      %swap3A_971 = arith.index_cast %add3A_969 : i32 to index
      %swap3A_972 = tpu.vector_load %arg7[%swap3A_970, %swap3A_971] {strides = array<i32>} : memref<2x8192xf32, #tpu.memory_space<vmem>>, vector<1x16xf32>,
      %swap3A_973 = vector.shape_cast %swap3A_972 : vector<1x16xf32> to vector<16xf32>
      %swap3A_974 = vector.shape_cast %get3A_965 : vector<16xf32> to vector<1x16xf32>
      tpu.vector_store %arg7[%swap3A_970, %swap3A_971], %swap3A_974 {strides = array<i32>} : memref<2x8192xf32, #tpu.memory_space<vmem>>, vector<1x16xf32>,
      %get3A_975 = arith.constant 1 : i32
      %get3A_976 = arith.index_cast %get3A_975 : i32 to index
      %get3A_977 = arith.index_cast %scan3A_960 : i32 to index
      %get3A_978 = arith.constant 16 : index
      %get3A_979 = tpu.vector_load %arg6[%get3A_976, %get3A_977, %get3A_978] {strides = array<i32>} : memref<2x128x128xf32, #tpu.memory_space<vmem>>, vector<1x1x16xf32>,
      %get3A_980 = vector.shape_cast %get3A_979 : vector<1x1x16xf32> to vector<16xf32>
      %mul3A_981 = arith.constant 64 : i32
      %mul3A_982 = arith.muli %scan3A_960, %mul3A_981 : i32
      %add3A_983 = arith.constant 16 : i32
      %add3A_984 = arith.addi %mul3A_982, %add3A_983 : i32
      %swap3A_985 = arith.constant 1 : i32
      %swap3A_986 = arith.index_cast %swap3A_985 : i32 to index
      %swap3A_987 = arith.index_cast %add3A_984 : i32 to index
      %swap3A_988 = tpu.vector_load %arg7[%swap3A_986, %swap3A_987] {strides = array<i32>} : memref<2x8192xf32, #tpu.memory_space<vmem>>, vector<1x16xf32>,
      %swap3A_989 = vector.shape_cast %swap3A_988 : vector<1x16xf32> to vector<16xf32>
      %swap3A_990 = vector.shape_cast %get3A_980 : vector<16xf32> to vector<1x16xf32>
      tpu.vector_store %arg7[%swap3A_986, %swap3A_987], %swap3A_990 {strides = array<i32>} : memref<2x8192xf32, #tpu.memory_space<vmem>>, vector<1x16xf32>,
      %get3A_991 = arith.constant 1 : i32
      %get3A_992 = arith.index_cast %get3A_991 : i32 to index
      %get3A_993 = arith.index_cast %scan3A_960 : i32 to index
      %get3A_994 = arith.constant 32 : index
      %get3A_995 = tpu.vector_load %arg6[%get3A_992, %get3A_993, %get3A_994] {strides = array<i32>} : memref<2x128x128xf32, #tpu.memory_space<vmem>>, vector<1x1x16xf32>,
      %get3A_996 = vector.shape_cast %get3A_995 : vector<1x1x16xf32> to vector<16xf32>
      %mul3A_997 = arith.constant 64 : i32
      %mul3A_998 = arith.muli %scan3A_960, %mul3A_997 : i32
      %add3A_999 = arith.constant 32 : i32
      %add3A_1000 = arith.addi %mul3A_998, %add3A_999 : i32
      %swap3A_1001 = arith.constant 1 : i32
      %swap3A_1002 = arith.index_cast %swap3A_1001 : i32 to index
      %swap3A_1003 = arith.index_cast %add3A_1000 : i32 to index
      %swap3A_1004 = tpu.vector_load %arg7[%swap3A_1002, %swap3A_1003] {strides = array<i32>} : memref<2x8192xf32, #tpu.memory_space<vmem>>, vector<1x16xf32>,
      %swap3A_1005 = vector.shape_cast %swap3A_1004 : vector<1x16xf32> to vector<16xf32>
      %swap3A_1006 = vector.shape_cast %get3A_996 : vector<16xf32> to vector<1x16xf32>
      tpu.vector_store %arg7[%swap3A_1002, %swap3A_1003], %swap3A_1006 {strides = array<i32>} : memref<2x8192xf32, #tpu.memory_space<vmem>>, vector<1x16xf32>,
      %get3A_1007 = arith.constant 1 : i32
      %get3A_1008 = arith.index_cast %get3A_1007 : i32 to index
      %get3A_1009 = arith.index_cast %scan3A_960 : i32 to index
      %get3A_1010 = arith.constant 48 : index
      %get3A_1011 = tpu.vector_load %arg6[%get3A_1008, %get3A_1009, %get3A_1010] {strides = array<i32>} : memref<2x128x128xf32, #tpu.memory_space<vmem>>, vector<1x1x16xf32>,
      %get3A_1012 = vector.shape_cast %get3A_1011 : vector<1x1x16xf32> to vector<16xf32>
      %mul3A_1013 = arith.constant 64 : i32
      %mul3A_1014 = arith.muli %scan3A_960, %mul3A_1013 : i32
      %add3A_1015 = arith.constant 48 : i32
      %add3A_1016 = arith.addi %mul3A_1014, %add3A_1015 : i32
      %swap3A_1017 = arith.constant 1 : i32
      %swap3A_1018 = arith.index_cast %swap3A_1017 : i32 to index
      %swap3A_1019 = arith.index_cast %add3A_1016 : i32 to index
      %swap3A_1020 = tpu.vector_load %arg7[%swap3A_1018, %swap3A_1019] {strides = array<i32>} : memref<2x8192xf32, #tpu.memory_space<vmem>>, vector<1x16xf32>,
      %swap3A_1021 = vector.shape_cast %swap3A_1020 : vector<1x16xf32> to vector<16xf32>
      %swap3A_1022 = vector.shape_cast %get3A_1012 : vector<16xf32> to vector<1x16xf32>
      tpu.vector_store %arg7[%swap3A_1018, %swap3A_1019], %swap3A_1022 {strides = array<i32>} : memref<2x8192xf32, #tpu.memory_space<vmem>>, vector<1x16xf32>,
    }
    %scan3A_650 = arith.constant 128 : i32
    %add3A_651 = arith.constant 1664 : i32
    %add3A_652 = arith.addi %mul3A_2, %add3A_651 : i32
    %mul3A_653 = arith.constant 64 : i32
    %mul3A_654 = arith.muli %add3A_652, %mul3A_653 : i32
    %dma_start3A_655 = arith.constant 1 : i32
    %dma_start3A_656 = arith.constant 0 : i32
    %dma_start3A_657 = tpu.memref_slice %arg7[%dma_start3A_655, %dma_start3A_656] : memref<2x8192xf32, #tpu.memory_space<vmem>> -> memref<1x8192xf32, #tpu.memory_space<vmem>>
    %dma_start3A_658 = tpu.memref_squeeze %dma_start3A_657 : memref<1x8192xf32, #tpu.memory_space<vmem>> -> memref<8192xf32, #tpu.memory_space<vmem>>
    %dma_start3A_659 = tpu.memref_slice %arg4[%mul3A_654] : memref<5242880xf32, #tpu.memory_space<hbm>> -> memref<8192xf32, #tpu.memory_space<hbm>>
    %dma_start3A_660 = tpu.memref_slice %arg4[%mul3A_654] : memref<5242880xf32, #tpu.memory_space<hbm>> -> memref<8192xf32, #tpu.memory_space<hbm>>
    %dma_start3A_661 = arith.constant 0 : i32
    %dma_start3A_662 = tpu.memref_slice %arg7[%dma_start3A_655, %dma_start3A_661] : memref<2x8192xf32, #tpu.memory_space<vmem>> -> memref<1x8192xf32, #tpu.memory_space<vmem>>
    %dma_start3A_663 = tpu.memref_squeeze %dma_start3A_662 : memref<1x8192xf32, #tpu.memory_space<vmem>> -> memref<8192xf32, #tpu.memory_space<vmem>>
    tpu.enqueue_dma source(%dma_start3A_663 : memref<8192xf32, #tpu.memory_space<vmem>>) target(%dma_start3A_660 : memref<8192xf32, #tpu.memory_space<hbm>>) target_semaphore(%arg9 : memref<!tpu.dma_semaphore, #tpu.memory_space<semaphore_mem>>)
    %dma_start3A_664 = arith.constant 1 : i32
    %dma_start3A_665 = arith.constant 0 : i32
    %dma_start3A_666 = arith.constant 0 : i32
    %dma_start3A_667 = tpu.memref_slice %arg6[%dma_start3A_664, %dma_start3A_665, %dma_start3A_666] : memref<2x128x128xf32, #tpu.memory_space<vmem>> -> memref<1x128x128xf32, #tpu.memory_space<vmem>>
    %dma_start3A_668 = tpu.memref_squeeze %dma_start3A_667 : memref<1x128x128xf32, #tpu.memory_space<vmem>> -> memref<128x128xf32, #tpu.memory_space<vmem>>
    %dma_start3A_669 = arith.constant 1920 : i32
    %dma_start3A_670 = tpu.memref_slice %arg5[%dma_start3A_669] : memref<2560xi32, #tpu.memory_space<vmem>> -> memref<128xi32, #tpu.memory_space<vmem>>
    %dma_start3A_671 = arith.constant 0 : i32
    %dma_start3A_672 = arith.constant 0 : i32
    %dma_start3A_673 = tpu.memref_slice %arg2[%dma_start3A_671, %dma_start3A_672] : memref<1000000x128xf32, #tpu.memory_space<hbm>> -> memref<1000000x128xf32, #tpu.memory_space<hbm>>
    tpu.enqueue_indirect_dma source(%dma_start3A_673 : memref<1000000x128xf32, #tpu.memory_space<hbm>>) target(%dma_start3A_668 : memref<128x128xf32, #tpu.memory_space<vmem>>) offsets(%dma_start3A_670 : memref<128xi32, #tpu.memory_space<vmem>>) semaphore(%arg8 : memref<!tpu.dma_semaphore, #tpu.memory_space<semaphore_mem>>)
    %dma_wait3A_674 = arith.constant 0 : i32
    %dma_wait3A_675 = arith.constant 0 : i32
    %dma_wait3A_676 = arith.constant 0 : i32
    %dma_wait3A_677 = tpu.memref_slice %arg6[%dma_wait3A_674, %dma_wait3A_675, %dma_wait3A_676] : memref<2x128x128xf32, #tpu.memory_space<vmem>> -> memref<1x128x128xf32, #tpu.memory_space<vmem>>
    %dma_wait3A_678 = tpu.memref_squeeze %dma_wait3A_677 : memref<1x128x128xf32, #tpu.memory_space<vmem>> -> memref<128x128xf32, #tpu.memory_space<vmem>>
    %dma_wait3A_679 = arith.constant 1792 : i32
    %dma_wait3A_680 = tpu.memref_slice %arg5[%dma_wait3A_679] : memref<2560xi32, #tpu.memory_space<vmem>> -> memref<128xi32, #tpu.memory_space<vmem>>
    %dma_wait3A_681 = arith.constant 0 : i32
    %dma_wait3A_682 = arith.constant 0 : i32
    %dma_wait3A_683 = tpu.memref_slice %arg2[%dma_wait3A_681, %dma_wait3A_682] : memref<1000000x128xf32, #tpu.memory_space<hbm>> -> memref<1000000x128xf32, #tpu.memory_space<hbm>>
    tpu.wait_indirect_dma semaphore(%arg8 : memref<!tpu.dma_semaphore, #tpu.memory_space<semaphore_mem>>) src(%dma_wait3A_683 : memref<1000000x128xf32, #tpu.memory_space<hbm>>) dst(%dma_wait3A_678 : memref<128x128xf32, #tpu.memory_space<vmem>>)
    %dma_wait3A_684 = arith.constant 0 : i32
    %dma_wait3A_685 = arith.constant 0 : i32
    %dma_wait3A_686 = tpu.memref_slice %arg7[%dma_wait3A_684, %dma_wait3A_685] : memref<2x8192xf32, #tpu.memory_space<vmem>> -> memref<1x8192xf32, #tpu.memory_space<vmem>>
    %dma_wait3A_687 = tpu.memref_squeeze %dma_wait3A_686 : memref<1x8192xf32, #tpu.memory_space<vmem>> -> memref<8192xf32, #tpu.memory_space<vmem>>
    %dma_wait3A_688 = tpu.memref_slice %arg4[%mul3A_606] : memref<5242880xf32, #tpu.memory_space<hbm>> -> memref<8192xf32, #tpu.memory_space<hbm>>
    %dma_wait3A_689 = tpu.memref_slice %arg4[%mul3A_606] : memref<5242880xf32, #tpu.memory_space<hbm>> -> memref<8192xf32, #tpu.memory_space<hbm>>
    %dma_wait3A_690 = arith.constant 0 : i32
    %dma_wait3A_691 = tpu.memref_slice %arg7[%dma_wait3A_684, %dma_wait3A_690] : memref<2x8192xf32, #tpu.memory_space<vmem>> -> memref<1x8192xf32, #tpu.memory_space<vmem>>
    %dma_wait3A_692 = tpu.memref_squeeze %dma_wait3A_691 : memref<1x8192xf32, #tpu.memory_space<vmem>> -> memref<8192xf32, #tpu.memory_space<vmem>>
    tpu.wait_dma2 semaphore(%arg9 : memref<!tpu.dma_semaphore, #tpu.memory_space<semaphore_mem>>) src(%dma_wait3A_692 : memref<8192xf32, #tpu.memory_space<vmem>>) dst(%dma_wait3A_689 : memref<8192xf32, #tpu.memory_space<hbm>>)
    %scan3A_693 = arith.constant 0 : i32
    %scan3A_694 = arith.constant 0 : i32
    %scan3A_695 = arith.constant 128 : i32
    %scan3A_696 = arith.addi %scan3A_694, %scan3A_695 : i32
    %scan3A_697 = arith.constant 1 : i32
    scf.for %scan3A_960 = %scan3A_694 to %scan3A_696 step %scan3A_697  : i32 {
      %get3A = arith.constant 0 : i32
      %get3A_961 = arith.index_cast %get3A : i32 to index
      %get3A_962 = arith.index_cast %scan3A_960 : i32 to index
      %get3A_963 = arith.constant 0 : index
      %get3A_964 = tpu.vector_load %arg6[%get3A_961, %get3A_962, %get3A_963] {strides = array<i32>} : memref<2x128x128xf32, #tpu.memory_space<vmem>>, vector<1x1x16xf32>,
      %get3A_965 = vector.shape_cast %get3A_964 : vector<1x1x16xf32> to vector<16xf32>
      %mul3A_966 = arith.constant 64 : i32
      %mul3A_967 = arith.muli %scan3A_960, %mul3A_966 : i32
      %add3A_968 = arith.constant 0 : i32
      %add3A_969 = arith.addi %mul3A_967, %add3A_968 : i32
      %swap3A = arith.constant 0 : i32
      %swap3A_970 = arith.index_cast %swap3A : i32 to index
      %swap3A_971 = arith.index_cast %add3A_969 : i32 to index
      %swap3A_972 = tpu.vector_load %arg7[%swap3A_970, %swap3A_971] {strides = array<i32>} : memref<2x8192xf32, #tpu.memory_space<vmem>>, vector<1x16xf32>,
      %swap3A_973 = vector.shape_cast %swap3A_972 : vector<1x16xf32> to vector<16xf32>
      %swap3A_974 = vector.shape_cast %get3A_965 : vector<16xf32> to vector<1x16xf32>
      tpu.vector_store %arg7[%swap3A_970, %swap3A_971], %swap3A_974 {strides = array<i32>} : memref<2x8192xf32, #tpu.memory_space<vmem>>, vector<1x16xf32>,
      %get3A_975 = arith.constant 0 : i32
      %get3A_976 = arith.index_cast %get3A_975 : i32 to index
      %get3A_977 = arith.index_cast %scan3A_960 : i32 to index
      %get3A_978 = arith.constant 16 : index
      %get3A_979 = tpu.vector_load %arg6[%get3A_976, %get3A_977, %get3A_978] {strides = array<i32>} : memref<2x128x128xf32, #tpu.memory_space<vmem>>, vector<1x1x16xf32>,
      %get3A_980 = vector.shape_cast %get3A_979 : vector<1x1x16xf32> to vector<16xf32>
      %mul3A_981 = arith.constant 64 : i32
      %mul3A_982 = arith.muli %scan3A_960, %mul3A_981 : i32
      %add3A_983 = arith.constant 16 : i32
      %add3A_984 = arith.addi %mul3A_982, %add3A_983 : i32
      %swap3A_985 = arith.constant 0 : i32
      %swap3A_986 = arith.index_cast %swap3A_985 : i32 to index
      %swap3A_987 = arith.index_cast %add3A_984 : i32 to index
      %swap3A_988 = tpu.vector_load %arg7[%swap3A_986, %swap3A_987] {strides = array<i32>} : memref<2x8192xf32, #tpu.memory_space<vmem>>, vector<1x16xf32>,
      %swap3A_989 = vector.shape_cast %swap3A_988 : vector<1x16xf32> to vector<16xf32>
      %swap3A_990 = vector.shape_cast %get3A_980 : vector<16xf32> to vector<1x16xf32>
      tpu.vector_store %arg7[%swap3A_986, %swap3A_987], %swap3A_990 {strides = array<i32>} : memref<2x8192xf32, #tpu.memory_space<vmem>>, vector<1x16xf32>,
      %get3A_991 = arith.constant 0 : i32
      %get3A_992 = arith.index_cast %get3A_991 : i32 to index
      %get3A_993 = arith.index_cast %scan3A_960 : i32 to index
      %get3A_994 = arith.constant 32 : index
      %get3A_995 = tpu.vector_load %arg6[%get3A_992, %get3A_993, %get3A_994] {strides = array<i32>} : memref<2x128x128xf32, #tpu.memory_space<vmem>>, vector<1x1x16xf32>,
      %get3A_996 = vector.shape_cast %get3A_995 : vector<1x1x16xf32> to vector<16xf32>
      %mul3A_997 = arith.constant 64 : i32
      %mul3A_998 = arith.muli %scan3A_960, %mul3A_997 : i32
      %add3A_999 = arith.constant 32 : i32
      %add3A_1000 = arith.addi %mul3A_998, %add3A_999 : i32
      %swap3A_1001 = arith.constant 0 : i32
      %swap3A_1002 = arith.index_cast %swap3A_1001 : i32 to index
      %swap3A_1003 = arith.index_cast %add3A_1000 : i32 to index
      %swap3A_1004 = tpu.vector_load %arg7[%swap3A_1002, %swap3A_1003] {strides = array<i32>} : memref<2x8192xf32, #tpu.memory_space<vmem>>, vector<1x16xf32>,
      %swap3A_1005 = vector.shape_cast %swap3A_1004 : vector<1x16xf32> to vector<16xf32>
      %swap3A_1006 = vector.shape_cast %get3A_996 : vector<16xf32> to vector<1x16xf32>
      tpu.vector_store %arg7[%swap3A_1002, %swap3A_1003], %swap3A_1006 {strides = array<i32>} : memref<2x8192xf32, #tpu.memory_space<vmem>>, vector<1x16xf32>,
      %get3A_1007 = arith.constant 0 : i32
      %get3A_1008 = arith.index_cast %get3A_1007 : i32 to index
      %get3A_1009 = arith.index_cast %scan3A_960 : i32 to index
      %get3A_1010 = arith.constant 48 : index
      %get3A_1011 = tpu.vector_load %arg6[%get3A_1008, %get3A_1009, %get3A_1010] {strides = array<i32>} : memref<2x128x128xf32, #tpu.memory_space<vmem>>, vector<1x1x16xf32>,
      %get3A_1012 = vector.shape_cast %get3A_1011 : vector<1x1x16xf32> to vector<16xf32>
      %mul3A_1013 = arith.constant 64 : i32
      %mul3A_1014 = arith.muli %scan3A_960, %mul3A_1013 : i32
      %add3A_1015 = arith.constant 48 : i32
      %add3A_1016 = arith.addi %mul3A_1014, %add3A_1015 : i32
      %swap3A_1017 = arith.constant 0 : i32
      %swap3A_1018 = arith.index_cast %swap3A_1017 : i32 to index
      %swap3A_1019 = arith.index_cast %add3A_1016 : i32 to index
      %swap3A_1020 = tpu.vector_load %arg7[%swap3A_1018, %swap3A_1019] {strides = array<i32>} : memref<2x8192xf32, #tpu.memory_space<vmem>>, vector<1x16xf32>,
      %swap3A_1021 = vector.shape_cast %swap3A_1020 : vector<1x16xf32> to vector<16xf32>
      %swap3A_1022 = vector.shape_cast %get3A_1012 : vector<16xf32> to vector<1x16xf32>
      tpu.vector_store %arg7[%swap3A_1018, %swap3A_1019], %swap3A_1022 {strides = array<i32>} : memref<2x8192xf32, #tpu.memory_space<vmem>>, vector<1x16xf32>,
    }
    %scan3A_698 = arith.constant 128 : i32
    %add3A_699 = arith.constant 1792 : i32
    %add3A_700 = arith.addi %mul3A_2, %add3A_699 : i32
    %mul3A_701 = arith.constant 64 : i32
    %mul3A_702 = arith.muli %add3A_700, %mul3A_701 : i32
    %dma_start3A_703 = arith.constant 0 : i32
    %dma_start3A_704 = arith.constant 0 : i32
    %dma_start3A_705 = tpu.memref_slice %arg7[%dma_start3A_703, %dma_start3A_704] : memref<2x8192xf32, #tpu.memory_space<vmem>> -> memref<1x8192xf32, #tpu.memory_space<vmem>>
    %dma_start3A_706 = tpu.memref_squeeze %dma_start3A_705 : memref<1x8192xf32, #tpu.memory_space<vmem>> -> memref<8192xf32, #tpu.memory_space<vmem>>
    %dma_start3A_707 = tpu.memref_slice %arg4[%mul3A_702] : memref<5242880xf32, #tpu.memory_space<hbm>> -> memref<8192xf32, #tpu.memory_space<hbm>>
    %dma_start3A_708 = tpu.memref_slice %arg4[%mul3A_702] : memref<5242880xf32, #tpu.memory_space<hbm>> -> memref<8192xf32, #tpu.memory_space<hbm>>
    %dma_start3A_709 = arith.constant 0 : i32
    %dma_start3A_710 = tpu.memref_slice %arg7[%dma_start3A_703, %dma_start3A_709] : memref<2x8192xf32, #tpu.memory_space<vmem>> -> memref<1x8192xf32, #tpu.memory_space<vmem>>
    %dma_start3A_711 = tpu.memref_squeeze %dma_start3A_710 : memref<1x8192xf32, #tpu.memory_space<vmem>> -> memref<8192xf32, #tpu.memory_space<vmem>>
    tpu.enqueue_dma source(%dma_start3A_711 : memref<8192xf32, #tpu.memory_space<vmem>>) target(%dma_start3A_708 : memref<8192xf32, #tpu.memory_space<hbm>>) target_semaphore(%arg9 : memref<!tpu.dma_semaphore, #tpu.memory_space<semaphore_mem>>)
    %dma_start3A_712 = arith.constant 0 : i32
    %dma_start3A_713 = arith.constant 0 : i32
    %dma_start3A_714 = arith.constant 0 : i32
    %dma_start3A_715 = tpu.memref_slice %arg6[%dma_start3A_712, %dma_start3A_713, %dma_start3A_714] : memref<2x128x128xf32, #tpu.memory_space<vmem>> -> memref<1x128x128xf32, #tpu.memory_space<vmem>>
    %dma_start3A_716 = tpu.memref_squeeze %dma_start3A_715 : memref<1x128x128xf32, #tpu.memory_space<vmem>> -> memref<128x128xf32, #tpu.memory_space<vmem>>
    %dma_start3A_717 = arith.constant 2048 : i32
    %dma_start3A_718 = tpu.memref_slice %arg5[%dma_start3A_717] : memref<2560xi32, #tpu.memory_space<vmem>> -> memref<128xi32, #tpu.memory_space<vmem>>
    %dma_start3A_719 = arith.constant 0 : i32
    %dma_start3A_720 = arith.constant 0 : i32
    %dma_start3A_721 = tpu.memref_slice %arg2[%dma_start3A_719, %dma_start3A_720] : memref<1000000x128xf32, #tpu.memory_space<hbm>> -> memref<1000000x128xf32, #tpu.memory_space<hbm>>
    tpu.enqueue_indirect_dma source(%dma_start3A_721 : memref<1000000x128xf32, #tpu.memory_space<hbm>>) target(%dma_start3A_716 : memref<128x128xf32, #tpu.memory_space<vmem>>) offsets(%dma_start3A_718 : memref<128xi32, #tpu.memory_space<vmem>>) semaphore(%arg8 : memref<!tpu.dma_semaphore, #tpu.memory_space<semaphore_mem>>)
    %dma_wait3A_722 = arith.constant 1 : i32
    %dma_wait3A_723 = arith.constant 0 : i32
    %dma_wait3A_724 = arith.constant 0 : i32
    %dma_wait3A_725 = tpu.memref_slice %arg6[%dma_wait3A_722, %dma_wait3A_723, %dma_wait3A_724] : memref<2x128x128xf32, #tpu.memory_space<vmem>> -> memref<1x128x128xf32, #tpu.memory_space<vmem>>
    %dma_wait3A_726 = tpu.memref_squeeze %dma_wait3A_725 : memref<1x128x128xf32, #tpu.memory_space<vmem>> -> memref<128x128xf32, #tpu.memory_space<vmem>>
    %dma_wait3A_727 = arith.constant 1920 : i32
    %dma_wait3A_728 = tpu.memref_slice %arg5[%dma_wait3A_727] : memref<2560xi32, #tpu.memory_space<vmem>> -> memref<128xi32, #tpu.memory_space<vmem>>
    %dma_wait3A_729 = arith.constant 0 : i32
    %dma_wait3A_730 = arith.constant 0 : i32
    %dma_wait3A_731 = tpu.memref_slice %arg2[%dma_wait3A_729, %dma_wait3A_730] : memref<1000000x128xf32, #tpu.memory_space<hbm>> -> memref<1000000x128xf32, #tpu.memory_space<hbm>>
    tpu.wait_indirect_dma semaphore(%arg8 : memref<!tpu.dma_semaphore, #tpu.memory_space<semaphore_mem>>) src(%dma_wait3A_731 : memref<1000000x128xf32, #tpu.memory_space<hbm>>) dst(%dma_wait3A_726 : memref<128x128xf32, #tpu.memory_space<vmem>>)
    %dma_wait3A_732 = arith.constant 1 : i32
    %dma_wait3A_733 = arith.constant 0 : i32
    %dma_wait3A_734 = tpu.memref_slice %arg7[%dma_wait3A_732, %dma_wait3A_733] : memref<2x8192xf32, #tpu.memory_space<vmem>> -> memref<1x8192xf32, #tpu.memory_space<vmem>>
    %dma_wait3A_735 = tpu.memref_squeeze %dma_wait3A_734 : memref<1x8192xf32, #tpu.memory_space<vmem>> -> memref<8192xf32, #tpu.memory_space<vmem>>
    %dma_wait3A_736 = tpu.memref_slice %arg4[%mul3A_654] : memref<5242880xf32, #tpu.memory_space<hbm>> -> memref<8192xf32, #tpu.memory_space<hbm>>
    %dma_wait3A_737 = tpu.memref_slice %arg4[%mul3A_654] : memref<5242880xf32, #tpu.memory_space<hbm>> -> memref<8192xf32, #tpu.memory_space<hbm>>
    %dma_wait3A_738 = arith.constant 0 : i32
    %dma_wait3A_739 = tpu.memref_slice %arg7[%dma_wait3A_732, %dma_wait3A_738] : memref<2x8192xf32, #tpu.memory_space<vmem>> -> memref<1x8192xf32, #tpu.memory_space<vmem>>
    %dma_wait3A_740 = tpu.memref_squeeze %dma_wait3A_739 : memref<1x8192xf32, #tpu.memory_space<vmem>> -> memref<8192xf32, #tpu.memory_space<vmem>>
    tpu.wait_dma2 semaphore(%arg9 : memref<!tpu.dma_semaphore, #tpu.memory_space<semaphore_mem>>) src(%dma_wait3A_740 : memref<8192xf32, #tpu.memory_space<vmem>>) dst(%dma_wait3A_737 : memref<8192xf32, #tpu.memory_space<hbm>>)
    %scan3A_741 = arith.constant 0 : i32
    %scan3A_742 = arith.constant 0 : i32
    %scan3A_743 = arith.constant 128 : i32
    %scan3A_744 = arith.addi %scan3A_742, %scan3A_743 : i32
    %scan3A_745 = arith.constant 1 : i32
    scf.for %scan3A_960 = %scan3A_742 to %scan3A_744 step %scan3A_745  : i32 {
      %get3A = arith.constant 1 : i32
      %get3A_961 = arith.index_cast %get3A : i32 to index
      %get3A_962 = arith.index_cast %scan3A_960 : i32 to index
      %get3A_963 = arith.constant 0 : index
      %get3A_964 = tpu.vector_load %arg6[%get3A_961, %get3A_962, %get3A_963] {strides = array<i32>} : memref<2x128x128xf32, #tpu.memory_space<vmem>>, vector<1x1x16xf32>,
      %get3A_965 = vector.shape_cast %get3A_964 : vector<1x1x16xf32> to vector<16xf32>
      %mul3A_966 = arith.constant 64 : i32
      %mul3A_967 = arith.muli %scan3A_960, %mul3A_966 : i32
      %add3A_968 = arith.constant 0 : i32
      %add3A_969 = arith.addi %mul3A_967, %add3A_968 : i32
      %swap3A = arith.constant 1 : i32
      %swap3A_970 = arith.index_cast %swap3A : i32 to index
      %swap3A_971 = arith.index_cast %add3A_969 : i32 to index
      %swap3A_972 = tpu.vector_load %arg7[%swap3A_970, %swap3A_971] {strides = array<i32>} : memref<2x8192xf32, #tpu.memory_space<vmem>>, vector<1x16xf32>,
      %swap3A_973 = vector.shape_cast %swap3A_972 : vector<1x16xf32> to vector<16xf32>
      %swap3A_974 = vector.shape_cast %get3A_965 : vector<16xf32> to vector<1x16xf32>
      tpu.vector_store %arg7[%swap3A_970, %swap3A_971], %swap3A_974 {strides = array<i32>} : memref<2x8192xf32, #tpu.memory_space<vmem>>, vector<1x16xf32>,
      %get3A_975 = arith.constant 1 : i32
      %get3A_976 = arith.index_cast %get3A_975 : i32 to index
      %get3A_977 = arith.index_cast %scan3A_960 : i32 to index
      %get3A_978 = arith.constant 16 : index
      %get3A_979 = tpu.vector_load %arg6[%get3A_976, %get3A_977, %get3A_978] {strides = array<i32>} : memref<2x128x128xf32, #tpu.memory_space<vmem>>, vector<1x1x16xf32>,
      %get3A_980 = vector.shape_cast %get3A_979 : vector<1x1x16xf32> to vector<16xf32>
      %mul3A_981 = arith.constant 64 : i32
      %mul3A_982 = arith.muli %scan3A_960, %mul3A_981 : i32
      %add3A_983 = arith.constant 16 : i32
      %add3A_984 = arith.addi %mul3A_982, %add3A_983 : i32
      %swap3A_985 = arith.constant 1 : i32
      %swap3A_986 = arith.index_cast %swap3A_985 : i32 to index
      %swap3A_987 = arith.index_cast %add3A_984 : i32 to index
      %swap3A_988 = tpu.vector_load %arg7[%swap3A_986, %swap3A_987] {strides = array<i32>} : memref<2x8192xf32, #tpu.memory_space<vmem>>, vector<1x16xf32>,
      %swap3A_989 = vector.shape_cast %swap3A_988 : vector<1x16xf32> to vector<16xf32>
      %swap3A_990 = vector.shape_cast %get3A_980 : vector<16xf32> to vector<1x16xf32>
      tpu.vector_store %arg7[%swap3A_986, %swap3A_987], %swap3A_990 {strides = array<i32>} : memref<2x8192xf32, #tpu.memory_space<vmem>>, vector<1x16xf32>,
      %get3A_991 = arith.constant 1 : i32
      %get3A_992 = arith.index_cast %get3A_991 : i32 to index
      %get3A_993 = arith.index_cast %scan3A_960 : i32 to index
      %get3A_994 = arith.constant 32 : index
      %get3A_995 = tpu.vector_load %arg6[%get3A_992, %get3A_993, %get3A_994] {strides = array<i32>} : memref<2x128x128xf32, #tpu.memory_space<vmem>>, vector<1x1x16xf32>,
      %get3A_996 = vector.shape_cast %get3A_995 : vector<1x1x16xf32> to vector<16xf32>
      %mul3A_997 = arith.constant 64 : i32
      %mul3A_998 = arith.muli %scan3A_960, %mul3A_997 : i32
      %add3A_999 = arith.constant 32 : i32
      %add3A_1000 = arith.addi %mul3A_998, %add3A_999 : i32
      %swap3A_1001 = arith.constant 1 : i32
      %swap3A_1002 = arith.index_cast %swap3A_1001 : i32 to index
      %swap3A_1003 = arith.index_cast %add3A_1000 : i32 to index
      %swap3A_1004 = tpu.vector_load %arg7[%swap3A_1002, %swap3A_1003] {strides = array<i32>} : memref<2x8192xf32, #tpu.memory_space<vmem>>, vector<1x16xf32>,
      %swap3A_1005 = vector.shape_cast %swap3A_1004 : vector<1x16xf32> to vector<16xf32>
      %swap3A_1006 = vector.shape_cast %get3A_996 : vector<16xf32> to vector<1x16xf32>
      tpu.vector_store %arg7[%swap3A_1002, %swap3A_1003], %swap3A_1006 {strides = array<i32>} : memref<2x8192xf32, #tpu.memory_space<vmem>>, vector<1x16xf32>,
      %get3A_1007 = arith.constant 1 : i32
      %get3A_1008 = arith.index_cast %get3A_1007 : i32 to index
      %get3A_1009 = arith.index_cast %scan3A_960 : i32 to index
      %get3A_1010 = arith.constant 48 : index
      %get3A_1011 = tpu.vector_load %arg6[%get3A_1008, %get3A_1009, %get3A_1010] {strides = array<i32>} : memref<2x128x128xf32, #tpu.memory_space<vmem>>, vector<1x1x16xf32>,
      %get3A_1012 = vector.shape_cast %get3A_1011 : vector<1x1x16xf32> to vector<16xf32>
      %mul3A_1013 = arith.constant 64 : i32
      %mul3A_1014 = arith.muli %scan3A_960, %mul3A_1013 : i32
      %add3A_1015 = arith.constant 48 : i32
      %add3A_1016 = arith.addi %mul3A_1014, %add3A_1015 : i32
      %swap3A_1017 = arith.constant 1 : i32
      %swap3A_1018 = arith.index_cast %swap3A_1017 : i32 to index
      %swap3A_1019 = arith.index_cast %add3A_1016 : i32 to index
      %swap3A_1020 = tpu.vector_load %arg7[%swap3A_1018, %swap3A_1019] {strides = array<i32>} : memref<2x8192xf32, #tpu.memory_space<vmem>>, vector<1x16xf32>,
      %swap3A_1021 = vector.shape_cast %swap3A_1020 : vector<1x16xf32> to vector<16xf32>
      %swap3A_1022 = vector.shape_cast %get3A_1012 : vector<16xf32> to vector<1x16xf32>
      tpu.vector_store %arg7[%swap3A_1018, %swap3A_1019], %swap3A_1022 {strides = array<i32>} : memref<2x8192xf32, #tpu.memory_space<vmem>>, vector<1x16xf32>,
    }
    %scan3A_746 = arith.constant 128 : i32
    %add3A_747 = arith.constant 1920 : i32
    %add3A_748 = arith.addi %mul3A_2, %add3A_747 : i32
    %mul3A_749 = arith.constant 64 : i32
    %mul3A_750 = arith.muli %add3A_748, %mul3A_749 : i32
    %dma_start3A_751 = arith.constant 1 : i32
    %dma_start3A_752 = arith.constant 0 : i32
    %dma_start3A_753 = tpu.memref_slice %arg7[%dma_start3A_751, %dma_start3A_752] : memref<2x8192xf32, #tpu.memory_space<vmem>> -> memref<1x8192xf32, #tpu.memory_space<vmem>>
    %dma_start3A_754 = tpu.memref_squeeze %dma_start3A_753 : memref<1x8192xf32, #tpu.memory_space<vmem>> -> memref<8192xf32, #tpu.memory_space<vmem>>
    %dma_start3A_755 = tpu.memref_slice %arg4[%mul3A_750] : memref<5242880xf32, #tpu.memory_space<hbm>> -> memref<8192xf32, #tpu.memory_space<hbm>>
    %dma_start3A_756 = tpu.memref_slice %arg4[%mul3A_750] : memref<5242880xf32, #tpu.memory_space<hbm>> -> memref<8192xf32, #tpu.memory_space<hbm>>
    %dma_start3A_757 = arith.constant 0 : i32
    %dma_start3A_758 = tpu.memref_slice %arg7[%dma_start3A_751, %dma_start3A_757] : memref<2x8192xf32, #tpu.memory_space<vmem>> -> memref<1x8192xf32, #tpu.memory_space<vmem>>
    %dma_start3A_759 = tpu.memref_squeeze %dma_start3A_758 : memref<1x8192xf32, #tpu.memory_space<vmem>> -> memref<8192xf32, #tpu.memory_space<vmem>>
    tpu.enqueue_dma source(%dma_start3A_759 : memref<8192xf32, #tpu.memory_space<vmem>>) target(%dma_start3A_756 : memref<8192xf32, #tpu.memory_space<hbm>>) target_semaphore(%arg9 : memref<!tpu.dma_semaphore, #tpu.memory_space<semaphore_mem>>)
    %dma_start3A_760 = arith.constant 1 : i32
    %dma_start3A_761 = arith.constant 0 : i32
    %dma_start3A_762 = arith.constant 0 : i32
    %dma_start3A_763 = tpu.memref_slice %arg6[%dma_start3A_760, %dma_start3A_761, %dma_start3A_762] : memref<2x128x128xf32, #tpu.memory_space<vmem>> -> memref<1x128x128xf32, #tpu.memory_space<vmem>>
    %dma_start3A_764 = tpu.memref_squeeze %dma_start3A_763 : memref<1x128x128xf32, #tpu.memory_space<vmem>> -> memref<128x128xf32, #tpu.memory_space<vmem>>
    %dma_start3A_765 = arith.constant 2176 : i32
    %dma_start3A_766 = tpu.memref_slice %arg5[%dma_start3A_765] : memref<2560xi32, #tpu.memory_space<vmem>> -> memref<128xi32, #tpu.memory_space<vmem>>
    %dma_start3A_767 = arith.constant 0 : i32
    %dma_start3A_768 = arith.constant 0 : i32
    %dma_start3A_769 = tpu.memref_slice %arg2[%dma_start3A_767, %dma_start3A_768] : memref<1000000x128xf32, #tpu.memory_space<hbm>> -> memref<1000000x128xf32, #tpu.memory_space<hbm>>
    tpu.enqueue_indirect_dma source(%dma_start3A_769 : memref<1000000x128xf32, #tpu.memory_space<hbm>>) target(%dma_start3A_764 : memref<128x128xf32, #tpu.memory_space<vmem>>) offsets(%dma_start3A_766 : memref<128xi32, #tpu.memory_space<vmem>>) semaphore(%arg8 : memref<!tpu.dma_semaphore, #tpu.memory_space<semaphore_mem>>)
    %dma_wait3A_770 = arith.constant 0 : i32
    %dma_wait3A_771 = arith.constant 0 : i32
    %dma_wait3A_772 = arith.constant 0 : i32
    %dma_wait3A_773 = tpu.memref_slice %arg6[%dma_wait3A_770, %dma_wait3A_771, %dma_wait3A_772] : memref<2x128x128xf32, #tpu.memory_space<vmem>> -> memref<1x128x128xf32, #tpu.memory_space<vmem>>
    %dma_wait3A_774 = tpu.memref_squeeze %dma_wait3A_773 : memref<1x128x128xf32, #tpu.memory_space<vmem>> -> memref<128x128xf32, #tpu.memory_space<vmem>>
    %dma_wait3A_775 = arith.constant 2048 : i32
    %dma_wait3A_776 = tpu.memref_slice %arg5[%dma_wait3A_775] : memref<2560xi32, #tpu.memory_space<vmem>> -> memref<128xi32, #tpu.memory_space<vmem>>
    %dma_wait3A_777 = arith.constant 0 : i32
    %dma_wait3A_778 = arith.constant 0 : i32
    %dma_wait3A_779 = tpu.memref_slice %arg2[%dma_wait3A_777, %dma_wait3A_778] : memref<1000000x128xf32, #tpu.memory_space<hbm>> -> memref<1000000x128xf32, #tpu.memory_space<hbm>>
    tpu.wait_indirect_dma semaphore(%arg8 : memref<!tpu.dma_semaphore, #tpu.memory_space<semaphore_mem>>) src(%dma_wait3A_779 : memref<1000000x128xf32, #tpu.memory_space<hbm>>) dst(%dma_wait3A_774 : memref<128x128xf32, #tpu.memory_space<vmem>>)
    %dma_wait3A_780 = arith.constant 0 : i32
    %dma_wait3A_781 = arith.constant 0 : i32
    %dma_wait3A_782 = tpu.memref_slice %arg7[%dma_wait3A_780, %dma_wait3A_781] : memref<2x8192xf32, #tpu.memory_space<vmem>> -> memref<1x8192xf32, #tpu.memory_space<vmem>>
    %dma_wait3A_783 = tpu.memref_squeeze %dma_wait3A_782 : memref<1x8192xf32, #tpu.memory_space<vmem>> -> memref<8192xf32, #tpu.memory_space<vmem>>
    %dma_wait3A_784 = tpu.memref_slice %arg4[%mul3A_702] : memref<5242880xf32, #tpu.memory_space<hbm>> -> memref<8192xf32, #tpu.memory_space<hbm>>
    %dma_wait3A_785 = tpu.memref_slice %arg4[%mul3A_702] : memref<5242880xf32, #tpu.memory_space<hbm>> -> memref<8192xf32, #tpu.memory_space<hbm>>
    %dma_wait3A_786 = arith.constant 0 : i32
    %dma_wait3A_787 = tpu.memref_slice %arg7[%dma_wait3A_780, %dma_wait3A_786] : memref<2x8192xf32, #tpu.memory_space<vmem>> -> memref<1x8192xf32, #tpu.memory_space<vmem>>
    %dma_wait3A_788 = tpu.memref_squeeze %dma_wait3A_787 : memref<1x8192xf32, #tpu.memory_space<vmem>> -> memref<8192xf32, #tpu.memory_space<vmem>>
    tpu.wait_dma2 semaphore(%arg9 : memref<!tpu.dma_semaphore, #tpu.memory_space<semaphore_mem>>) src(%dma_wait3A_788 : memref<8192xf32, #tpu.memory_space<vmem>>) dst(%dma_wait3A_785 : memref<8192xf32, #tpu.memory_space<hbm>>)
    %scan3A_789 = arith.constant 0 : i32
    %scan3A_790 = arith.constant 0 : i32
    %scan3A_791 = arith.constant 128 : i32
    %scan3A_792 = arith.addi %scan3A_790, %scan3A_791 : i32
    %scan3A_793 = arith.constant 1 : i32
    scf.for %scan3A_960 = %scan3A_790 to %scan3A_792 step %scan3A_793  : i32 {
      %get3A = arith.constant 0 : i32
      %get3A_961 = arith.index_cast %get3A : i32 to index
      %get3A_962 = arith.index_cast %scan3A_960 : i32 to index
      %get3A_963 = arith.constant 0 : index
      %get3A_964 = tpu.vector_load %arg6[%get3A_961, %get3A_962, %get3A_963] {strides = array<i32>} : memref<2x128x128xf32, #tpu.memory_space<vmem>>, vector<1x1x16xf32>,
      %get3A_965 = vector.shape_cast %get3A_964 : vector<1x1x16xf32> to vector<16xf32>
      %mul3A_966 = arith.constant 64 : i32
      %mul3A_967 = arith.muli %scan3A_960, %mul3A_966 : i32
      %add3A_968 = arith.constant 0 : i32
      %add3A_969 = arith.addi %mul3A_967, %add3A_968 : i32
      %swap3A = arith.constant 0 : i32
      %swap3A_970 = arith.index_cast %swap3A : i32 to index
      %swap3A_971 = arith.index_cast %add3A_969 : i32 to index
      %swap3A_972 = tpu.vector_load %arg7[%swap3A_970, %swap3A_971] {strides = array<i32>} : memref<2x8192xf32, #tpu.memory_space<vmem>>, vector<1x16xf32>,
      %swap3A_973 = vector.shape_cast %swap3A_972 : vector<1x16xf32> to vector<16xf32>
      %swap3A_974 = vector.shape_cast %get3A_965 : vector<16xf32> to vector<1x16xf32>
      tpu.vector_store %arg7[%swap3A_970, %swap3A_971], %swap3A_974 {strides = array<i32>} : memref<2x8192xf32, #tpu.memory_space<vmem>>, vector<1x16xf32>,
      %get3A_975 = arith.constant 0 : i32
      %get3A_976 = arith.index_cast %get3A_975 : i32 to index
      %get3A_977 = arith.index_cast %scan3A_960 : i32 to index
      %get3A_978 = arith.constant 16 : index
      %get3A_979 = tpu.vector_load %arg6[%get3A_976, %get3A_977, %get3A_978] {strides = array<i32>} : memref<2x128x128xf32, #tpu.memory_space<vmem>>, vector<1x1x16xf32>,
      %get3A_980 = vector.shape_cast %get3A_979 : vector<1x1x16xf32> to vector<16xf32>
      %mul3A_981 = arith.constant 64 : i32
      %mul3A_982 = arith.muli %scan3A_960, %mul3A_981 : i32
      %add3A_983 = arith.constant 16 : i32
      %add3A_984 = arith.addi %mul3A_982, %add3A_983 : i32
      %swap3A_985 = arith.constant 0 : i32
      %swap3A_986 = arith.index_cast %swap3A_985 : i32 to index
      %swap3A_987 = arith.index_cast %add3A_984 : i32 to index
      %swap3A_988 = tpu.vector_load %arg7[%swap3A_986, %swap3A_987] {strides = array<i32>} : memref<2x8192xf32, #tpu.memory_space<vmem>>, vector<1x16xf32>,
      %swap3A_989 = vector.shape_cast %swap3A_988 : vector<1x16xf32> to vector<16xf32>
      %swap3A_990 = vector.shape_cast %get3A_980 : vector<16xf32> to vector<1x16xf32>
      tpu.vector_store %arg7[%swap3A_986, %swap3A_987], %swap3A_990 {strides = array<i32>} : memref<2x8192xf32, #tpu.memory_space<vmem>>, vector<1x16xf32>,
      %get3A_991 = arith.constant 0 : i32
      %get3A_992 = arith.index_cast %get3A_991 : i32 to index
      %get3A_993 = arith.index_cast %scan3A_960 : i32 to index
      %get3A_994 = arith.constant 32 : index
      %get3A_995 = tpu.vector_load %arg6[%get3A_992, %get3A_993, %get3A_994] {strides = array<i32>} : memref<2x128x128xf32, #tpu.memory_space<vmem>>, vector<1x1x16xf32>,
      %get3A_996 = vector.shape_cast %get3A_995 : vector<1x1x16xf32> to vector<16xf32>
      %mul3A_997 = arith.constant 64 : i32
      %mul3A_998 = arith.muli %scan3A_960, %mul3A_997 : i32
      %add3A_999 = arith.constant 32 : i32
      %add3A_1000 = arith.addi %mul3A_998, %add3A_999 : i32
      %swap3A_1001 = arith.constant 0 : i32
      %swap3A_1002 = arith.index_cast %swap3A_1001 : i32 to index
      %swap3A_1003 = arith.index_cast %add3A_1000 : i32 to index
      %swap3A_1004 = tpu.vector_load %arg7[%swap3A_1002, %swap3A_1003] {strides = array<i32>} : memref<2x8192xf32, #tpu.memory_space<vmem>>, vector<1x16xf32>,
      %swap3A_1005 = vector.shape_cast %swap3A_1004 : vector<1x16xf32> to vector<16xf32>
      %swap3A_1006 = vector.shape_cast %get3A_996 : vector<16xf32> to vector<1x16xf32>
      tpu.vector_store %arg7[%swap3A_1002, %swap3A_1003], %swap3A_1006 {strides = array<i32>} : memref<2x8192xf32, #tpu.memory_space<vmem>>, vector<1x16xf32>,
      %get3A_1007 = arith.constant 0 : i32
      %get3A_1008 = arith.index_cast %get3A_1007 : i32 to index
      %get3A_1009 = arith.index_cast %scan3A_960 : i32 to index
      %get3A_1010 = arith.constant 48 : index
      %get3A_1011 = tpu.vector_load %arg6[%get3A_1008, %get3A_1009, %get3A_1010] {strides = array<i32>} : memref<2x128x128xf32, #tpu.memory_space<vmem>>, vector<1x1x16xf32>,
      %get3A_1012 = vector.shape_cast %get3A_1011 : vector<1x1x16xf32> to vector<16xf32>
      %mul3A_1013 = arith.constant 64 : i32
      %mul3A_1014 = arith.muli %scan3A_960, %mul3A_1013 : i32
      %add3A_1015 = arith.constant 48 : i32
      %add3A_1016 = arith.addi %mul3A_1014, %add3A_1015 : i32
      %swap3A_1017 = arith.constant 0 : i32
      %swap3A_1018 = arith.index_cast %swap3A_1017 : i32 to index
      %swap3A_1019 = arith.index_cast %add3A_1016 : i32 to index
      %swap3A_1020 = tpu.vector_load %arg7[%swap3A_1018, %swap3A_1019] {strides = array<i32>} : memref<2x8192xf32, #tpu.memory_space<vmem>>, vector<1x16xf32>,
      %swap3A_1021 = vector.shape_cast %swap3A_1020 : vector<1x16xf32> to vector<16xf32>
      %swap3A_1022 = vector.shape_cast %get3A_1012 : vector<16xf32> to vector<1x16xf32>
      tpu.vector_store %arg7[%swap3A_1018, %swap3A_1019], %swap3A_1022 {strides = array<i32>} : memref<2x8192xf32, #tpu.memory_space<vmem>>, vector<1x16xf32>,
    }
    %scan3A_794 = arith.constant 128 : i32
    %add3A_795 = arith.constant 2048 : i32
    %add3A_796 = arith.addi %mul3A_2, %add3A_795 : i32
    %mul3A_797 = arith.constant 64 : i32
    %mul3A_798 = arith.muli %add3A_796, %mul3A_797 : i32
    %dma_start3A_799 = arith.constant 0 : i32
    %dma_start3A_800 = arith.constant 0 : i32
    %dma_start3A_801 = tpu.memref_slice %arg7[%dma_start3A_799, %dma_start3A_800] : memref<2x8192xf32, #tpu.memory_space<vmem>> -> memref<1x8192xf32, #tpu.memory_space<vmem>>
    %dma_start3A_802 = tpu.memref_squeeze %dma_start3A_801 : memref<1x8192xf32, #tpu.memory_space<vmem>> -> memref<8192xf32, #tpu.memory_space<vmem>>
    %dma_start3A_803 = tpu.memref_slice %arg4[%mul3A_798] : memref<5242880xf32, #tpu.memory_space<hbm>> -> memref<8192xf32, #tpu.memory_space<hbm>>
    %dma_start3A_804 = tpu.memref_slice %arg4[%mul3A_798] : memref<5242880xf32, #tpu.memory_space<hbm>> -> memref<8192xf32, #tpu.memory_space<hbm>>
    %dma_start3A_805 = arith.constant 0 : i32
    %dma_start3A_806 = tpu.memref_slice %arg7[%dma_start3A_799, %dma_start3A_805] : memref<2x8192xf32, #tpu.memory_space<vmem>> -> memref<1x8192xf32, #tpu.memory_space<vmem>>
    %dma_start3A_807 = tpu.memref_squeeze %dma_start3A_806 : memref<1x8192xf32, #tpu.memory_space<vmem>> -> memref<8192xf32, #tpu.memory_space<vmem>>
    tpu.enqueue_dma source(%dma_start3A_807 : memref<8192xf32, #tpu.memory_space<vmem>>) target(%dma_start3A_804 : memref<8192xf32, #tpu.memory_space<hbm>>) target_semaphore(%arg9 : memref<!tpu.dma_semaphore, #tpu.memory_space<semaphore_mem>>)
    %dma_start3A_808 = arith.constant 0 : i32
    %dma_start3A_809 = arith.constant 0 : i32
    %dma_start3A_810 = arith.constant 0 : i32
    %dma_start3A_811 = tpu.memref_slice %arg6[%dma_start3A_808, %dma_start3A_809, %dma_start3A_810] : memref<2x128x128xf32, #tpu.memory_space<vmem>> -> memref<1x128x128xf32, #tpu.memory_space<vmem>>
    %dma_start3A_812 = tpu.memref_squeeze %dma_start3A_811 : memref<1x128x128xf32, #tpu.memory_space<vmem>> -> memref<128x128xf32, #tpu.memory_space<vmem>>
    %dma_start3A_813 = arith.constant 2304 : i32
    %dma_start3A_814 = tpu.memref_slice %arg5[%dma_start3A_813] : memref<2560xi32, #tpu.memory_space<vmem>> -> memref<128xi32, #tpu.memory_space<vmem>>
    %dma_start3A_815 = arith.constant 0 : i32
    %dma_start3A_816 = arith.constant 0 : i32
    %dma_start3A_817 = tpu.memref_slice %arg2[%dma_start3A_815, %dma_start3A_816] : memref<1000000x128xf32, #tpu.memory_space<hbm>> -> memref<1000000x128xf32, #tpu.memory_space<hbm>>
    tpu.enqueue_indirect_dma source(%dma_start3A_817 : memref<1000000x128xf32, #tpu.memory_space<hbm>>) target(%dma_start3A_812 : memref<128x128xf32, #tpu.memory_space<vmem>>) offsets(%dma_start3A_814 : memref<128xi32, #tpu.memory_space<vmem>>) semaphore(%arg8 : memref<!tpu.dma_semaphore, #tpu.memory_space<semaphore_mem>>)
    %dma_wait3A_818 = arith.constant 1 : i32
    %dma_wait3A_819 = arith.constant 0 : i32
    %dma_wait3A_820 = arith.constant 0 : i32
    %dma_wait3A_821 = tpu.memref_slice %arg6[%dma_wait3A_818, %dma_wait3A_819, %dma_wait3A_820] : memref<2x128x128xf32, #tpu.memory_space<vmem>> -> memref<1x128x128xf32, #tpu.memory_space<vmem>>
    %dma_wait3A_822 = tpu.memref_squeeze %dma_wait3A_821 : memref<1x128x128xf32, #tpu.memory_space<vmem>> -> memref<128x128xf32, #tpu.memory_space<vmem>>
    %dma_wait3A_823 = arith.constant 2176 : i32
    %dma_wait3A_824 = tpu.memref_slice %arg5[%dma_wait3A_823] : memref<2560xi32, #tpu.memory_space<vmem>> -> memref<128xi32, #tpu.memory_space<vmem>>
    %dma_wait3A_825 = arith.constant 0 : i32
    %dma_wait3A_826 = arith.constant 0 : i32
    %dma_wait3A_827 = tpu.memref_slice %arg2[%dma_wait3A_825, %dma_wait3A_826] : memref<1000000x128xf32, #tpu.memory_space<hbm>> -> memref<1000000x128xf32, #tpu.memory_space<hbm>>
    tpu.wait_indirect_dma semaphore(%arg8 : memref<!tpu.dma_semaphore, #tpu.memory_space<semaphore_mem>>) src(%dma_wait3A_827 : memref<1000000x128xf32, #tpu.memory_space<hbm>>) dst(%dma_wait3A_822 : memref<128x128xf32, #tpu.memory_space<vmem>>)
    %dma_wait3A_828 = arith.constant 1 : i32
    %dma_wait3A_829 = arith.constant 0 : i32
    %dma_wait3A_830 = tpu.memref_slice %arg7[%dma_wait3A_828, %dma_wait3A_829] : memref<2x8192xf32, #tpu.memory_space<vmem>> -> memref<1x8192xf32, #tpu.memory_space<vmem>>
    %dma_wait3A_831 = tpu.memref_squeeze %dma_wait3A_830 : memref<1x8192xf32, #tpu.memory_space<vmem>> -> memref<8192xf32, #tpu.memory_space<vmem>>
    %dma_wait3A_832 = tpu.memref_slice %arg4[%mul3A_750] : memref<5242880xf32, #tpu.memory_space<hbm>> -> memref<8192xf32, #tpu.memory_space<hbm>>
    %dma_wait3A_833 = tpu.memref_slice %arg4[%mul3A_750] : memref<5242880xf32, #tpu.memory_space<hbm>> -> memref<8192xf32, #tpu.memory_space<hbm>>
    %dma_wait3A_834 = arith.constant 0 : i32
    %dma_wait3A_835 = tpu.memref_slice %arg7[%dma_wait3A_828, %dma_wait3A_834] : memref<2x8192xf32, #tpu.memory_space<vmem>> -> memref<1x8192xf32, #tpu.memory_space<vmem>>
    %dma_wait3A_836 = tpu.memref_squeeze %dma_wait3A_835 : memref<1x8192xf32, #tpu.memory_space<vmem>> -> memref<8192xf32, #tpu.memory_space<vmem>>
    tpu.wait_dma2 semaphore(%arg9 : memref<!tpu.dma_semaphore, #tpu.memory_space<semaphore_mem>>) src(%dma_wait3A_836 : memref<8192xf32, #tpu.memory_space<vmem>>) dst(%dma_wait3A_833 : memref<8192xf32, #tpu.memory_space<hbm>>)
    %scan3A_837 = arith.constant 0 : i32
    %scan3A_838 = arith.constant 0 : i32
    %scan3A_839 = arith.constant 128 : i32
    %scan3A_840 = arith.addi %scan3A_838, %scan3A_839 : i32
    %scan3A_841 = arith.constant 1 : i32
    scf.for %scan3A_960 = %scan3A_838 to %scan3A_840 step %scan3A_841  : i32 {
      %get3A = arith.constant 1 : i32
      %get3A_961 = arith.index_cast %get3A : i32 to index
      %get3A_962 = arith.index_cast %scan3A_960 : i32 to index
      %get3A_963 = arith.constant 0 : index
      %get3A_964 = tpu.vector_load %arg6[%get3A_961, %get3A_962, %get3A_963] {strides = array<i32>} : memref<2x128x128xf32, #tpu.memory_space<vmem>>, vector<1x1x16xf32>,
      %get3A_965 = vector.shape_cast %get3A_964 : vector<1x1x16xf32> to vector<16xf32>
      %mul3A_966 = arith.constant 64 : i32
      %mul3A_967 = arith.muli %scan3A_960, %mul3A_966 : i32
      %add3A_968 = arith.constant 0 : i32
      %add3A_969 = arith.addi %mul3A_967, %add3A_968 : i32
      %swap3A = arith.constant 1 : i32
      %swap3A_970 = arith.index_cast %swap3A : i32 to index
      %swap3A_971 = arith.index_cast %add3A_969 : i32 to index
      %swap3A_972 = tpu.vector_load %arg7[%swap3A_970, %swap3A_971] {strides = array<i32>} : memref<2x8192xf32, #tpu.memory_space<vmem>>, vector<1x16xf32>,
      %swap3A_973 = vector.shape_cast %swap3A_972 : vector<1x16xf32> to vector<16xf32>
      %swap3A_974 = vector.shape_cast %get3A_965 : vector<16xf32> to vector<1x16xf32>
      tpu.vector_store %arg7[%swap3A_970, %swap3A_971], %swap3A_974 {strides = array<i32>} : memref<2x8192xf32, #tpu.memory_space<vmem>>, vector<1x16xf32>,
      %get3A_975 = arith.constant 1 : i32
      %get3A_976 = arith.index_cast %get3A_975 : i32 to index
      %get3A_977 = arith.index_cast %scan3A_960 : i32 to index
      %get3A_978 = arith.constant 16 : index
      %get3A_979 = tpu.vector_load %arg6[%get3A_976, %get3A_977, %get3A_978] {strides = array<i32>} : memref<2x128x128xf32, #tpu.memory_space<vmem>>, vector<1x1x16xf32>,
      %get3A_980 = vector.shape_cast %get3A_979 : vector<1x1x16xf32> to vector<16xf32>
      %mul3A_981 = arith.constant 64 : i32
      %mul3A_982 = arith.muli %scan3A_960, %mul3A_981 : i32
      %add3A_983 = arith.constant 16 : i32
      %add3A_984 = arith.addi %mul3A_982, %add3A_983 : i32
      %swap3A_985 = arith.constant 1 : i32
      %swap3A_986 = arith.index_cast %swap3A_985 : i32 to index
      %swap3A_987 = arith.index_cast %add3A_984 : i32 to index
      %swap3A_988 = tpu.vector_load %arg7[%swap3A_986, %swap3A_987] {strides = array<i32>} : memref<2x8192xf32, #tpu.memory_space<vmem>>, vector<1x16xf32>,
      %swap3A_989 = vector.shape_cast %swap3A_988 : vector<1x16xf32> to vector<16xf32>
      %swap3A_990 = vector.shape_cast %get3A_980 : vector<16xf32> to vector<1x16xf32>
      tpu.vector_store %arg7[%swap3A_986, %swap3A_987], %swap3A_990 {strides = array<i32>} : memref<2x8192xf32, #tpu.memory_space<vmem>>, vector<1x16xf32>,
      %get3A_991 = arith.constant 1 : i32
      %get3A_992 = arith.index_cast %get3A_991 : i32 to index
      %get3A_993 = arith.index_cast %scan3A_960 : i32 to index
      %get3A_994 = arith.constant 32 : index
      %get3A_995 = tpu.vector_load %arg6[%get3A_992, %get3A_993, %get3A_994] {strides = array<i32>} : memref<2x128x128xf32, #tpu.memory_space<vmem>>, vector<1x1x16xf32>,
      %get3A_996 = vector.shape_cast %get3A_995 : vector<1x1x16xf32> to vector<16xf32>
      %mul3A_997 = arith.constant 64 : i32
      %mul3A_998 = arith.muli %scan3A_960, %mul3A_997 : i32
      %add3A_999 = arith.constant 32 : i32
      %add3A_1000 = arith.addi %mul3A_998, %add3A_999 : i32
      %swap3A_1001 = arith.constant 1 : i32
      %swap3A_1002 = arith.index_cast %swap3A_1001 : i32 to index
      %swap3A_1003 = arith.index_cast %add3A_1000 : i32 to index
      %swap3A_1004 = tpu.vector_load %arg7[%swap3A_1002, %swap3A_1003] {strides = array<i32>} : memref<2x8192xf32, #tpu.memory_space<vmem>>, vector<1x16xf32>,
      %swap3A_1005 = vector.shape_cast %swap3A_1004 : vector<1x16xf32> to vector<16xf32>
      %swap3A_1006 = vector.shape_cast %get3A_996 : vector<16xf32> to vector<1x16xf32>
      tpu.vector_store %arg7[%swap3A_1002, %swap3A_1003], %swap3A_1006 {strides = array<i32>} : memref<2x8192xf32, #tpu.memory_space<vmem>>, vector<1x16xf32>,
      %get3A_1007 = arith.constant 1 : i32
      %get3A_1008 = arith.index_cast %get3A_1007 : i32 to index
      %get3A_1009 = arith.index_cast %scan3A_960 : i32 to index
      %get3A_1010 = arith.constant 48 : index
      %get3A_1011 = tpu.vector_load %arg6[%get3A_1008, %get3A_1009, %get3A_1010] {strides = array<i32>} : memref<2x128x128xf32, #tpu.memory_space<vmem>>, vector<1x1x16xf32>,
      %get3A_1012 = vector.shape_cast %get3A_1011 : vector<1x1x16xf32> to vector<16xf32>
      %mul3A_1013 = arith.constant 64 : i32
      %mul3A_1014 = arith.muli %scan3A_960, %mul3A_1013 : i32
      %add3A_1015 = arith.constant 48 : i32
      %add3A_1016 = arith.addi %mul3A_1014, %add3A_1015 : i32
      %swap3A_1017 = arith.constant 1 : i32
      %swap3A_1018 = arith.index_cast %swap3A_1017 : i32 to index
      %swap3A_1019 = arith.index_cast %add3A_1016 : i32 to index
      %swap3A_1020 = tpu.vector_load %arg7[%swap3A_1018, %swap3A_1019] {strides = array<i32>} : memref<2x8192xf32, #tpu.memory_space<vmem>>, vector<1x16xf32>,
      %swap3A_1021 = vector.shape_cast %swap3A_1020 : vector<1x16xf32> to vector<16xf32>
      %swap3A_1022 = vector.shape_cast %get3A_1012 : vector<16xf32> to vector<1x16xf32>
      tpu.vector_store %arg7[%swap3A_1018, %swap3A_1019], %swap3A_1022 {strides = array<i32>} : memref<2x8192xf32, #tpu.memory_space<vmem>>, vector<1x16xf32>,
    }
    %scan3A_842 = arith.constant 128 : i32
    %add3A_843 = arith.constant 2176 : i32
    %add3A_844 = arith.addi %mul3A_2, %add3A_843 : i32
    %mul3A_845 = arith.constant 64 : i32
    %mul3A_846 = arith.muli %add3A_844, %mul3A_845 : i32
    %dma_start3A_847 = arith.constant 1 : i32
    %dma_start3A_848 = arith.constant 0 : i32
    %dma_start3A_849 = tpu.memref_slice %arg7[%dma_start3A_847, %dma_start3A_848] : memref<2x8192xf32, #tpu.memory_space<vmem>> -> memref<1x8192xf32, #tpu.memory_space<vmem>>
    %dma_start3A_850 = tpu.memref_squeeze %dma_start3A_849 : memref<1x8192xf32, #tpu.memory_space<vmem>> -> memref<8192xf32, #tpu.memory_space<vmem>>
    %dma_start3A_851 = tpu.memref_slice %arg4[%mul3A_846] : memref<5242880xf32, #tpu.memory_space<hbm>> -> memref<8192xf32, #tpu.memory_space<hbm>>
    %dma_start3A_852 = tpu.memref_slice %arg4[%mul3A_846] : memref<5242880xf32, #tpu.memory_space<hbm>> -> memref<8192xf32, #tpu.memory_space<hbm>>
    %dma_start3A_853 = arith.constant 0 : i32
    %dma_start3A_854 = tpu.memref_slice %arg7[%dma_start3A_847, %dma_start3A_853] : memref<2x8192xf32, #tpu.memory_space<vmem>> -> memref<1x8192xf32, #tpu.memory_space<vmem>>
    %dma_start3A_855 = tpu.memref_squeeze %dma_start3A_854 : memref<1x8192xf32, #tpu.memory_space<vmem>> -> memref<8192xf32, #tpu.memory_space<vmem>>
    tpu.enqueue_dma source(%dma_start3A_855 : memref<8192xf32, #tpu.memory_space<vmem>>) target(%dma_start3A_852 : memref<8192xf32, #tpu.memory_space<hbm>>) target_semaphore(%arg9 : memref<!tpu.dma_semaphore, #tpu.memory_space<semaphore_mem>>)
    %dma_start3A_856 = arith.constant 1 : i32
    %dma_start3A_857 = arith.constant 0 : i32
    %dma_start3A_858 = arith.constant 0 : i32
    %dma_start3A_859 = tpu.memref_slice %arg6[%dma_start3A_856, %dma_start3A_857, %dma_start3A_858] : memref<2x128x128xf32, #tpu.memory_space<vmem>> -> memref<1x128x128xf32, #tpu.memory_space<vmem>>
    %dma_start3A_860 = tpu.memref_squeeze %dma_start3A_859 : memref<1x128x128xf32, #tpu.memory_space<vmem>> -> memref<128x128xf32, #tpu.memory_space<vmem>>
    %dma_start3A_861 = arith.constant 2432 : i32
    %dma_start3A_862 = tpu.memref_slice %arg5[%dma_start3A_861] : memref<2560xi32, #tpu.memory_space<vmem>> -> memref<128xi32, #tpu.memory_space<vmem>>
    %dma_start3A_863 = arith.constant 0 : i32
    %dma_start3A_864 = arith.constant 0 : i32
    %dma_start3A_865 = tpu.memref_slice %arg2[%dma_start3A_863, %dma_start3A_864] : memref<1000000x128xf32, #tpu.memory_space<hbm>> -> memref<1000000x128xf32, #tpu.memory_space<hbm>>
    tpu.enqueue_indirect_dma source(%dma_start3A_865 : memref<1000000x128xf32, #tpu.memory_space<hbm>>) target(%dma_start3A_860 : memref<128x128xf32, #tpu.memory_space<vmem>>) offsets(%dma_start3A_862 : memref<128xi32, #tpu.memory_space<vmem>>) semaphore(%arg8 : memref<!tpu.dma_semaphore, #tpu.memory_space<semaphore_mem>>)
    %dma_wait3A_866 = arith.constant 0 : i32
    %dma_wait3A_867 = arith.constant 0 : i32
    %dma_wait3A_868 = arith.constant 0 : i32
    %dma_wait3A_869 = tpu.memref_slice %arg6[%dma_wait3A_866, %dma_wait3A_867, %dma_wait3A_868] : memref<2x128x128xf32, #tpu.memory_space<vmem>> -> memref<1x128x128xf32, #tpu.memory_space<vmem>>
    %dma_wait3A_870 = tpu.memref_squeeze %dma_wait3A_869 : memref<1x128x128xf32, #tpu.memory_space<vmem>> -> memref<128x128xf32, #tpu.memory_space<vmem>>
    %dma_wait3A_871 = arith.constant 2304 : i32
    %dma_wait3A_872 = tpu.memref_slice %arg5[%dma_wait3A_871] : memref<2560xi32, #tpu.memory_space<vmem>> -> memref<128xi32, #tpu.memory_space<vmem>>
    %dma_wait3A_873 = arith.constant 0 : i32
    %dma_wait3A_874 = arith.constant 0 : i32
    %dma_wait3A_875 = tpu.memref_slice %arg2[%dma_wait3A_873, %dma_wait3A_874] : memref<1000000x128xf32, #tpu.memory_space<hbm>> -> memref<1000000x128xf32, #tpu.memory_space<hbm>>
    tpu.wait_indirect_dma semaphore(%arg8 : memref<!tpu.dma_semaphore, #tpu.memory_space<semaphore_mem>>) src(%dma_wait3A_875 : memref<1000000x128xf32, #tpu.memory_space<hbm>>) dst(%dma_wait3A_870 : memref<128x128xf32, #tpu.memory_space<vmem>>)
    %dma_wait3A_876 = arith.constant 0 : i32
    %dma_wait3A_877 = arith.constant 0 : i32
    %dma_wait3A_878 = tpu.memref_slice %arg7[%dma_wait3A_876, %dma_wait3A_877] : memref<2x8192xf32, #tpu.memory_space<vmem>> -> memref<1x8192xf32, #tpu.memory_space<vmem>>
    %dma_wait3A_879 = tpu.memref_squeeze %dma_wait3A_878 : memref<1x8192xf32, #tpu.memory_space<vmem>> -> memref<8192xf32, #tpu.memory_space<vmem>>
    %dma_wait3A_880 = tpu.memref_slice %arg4[%mul3A_798] : memref<5242880xf32, #tpu.memory_space<hbm>> -> memref<8192xf32, #tpu.memory_space<hbm>>
    %dma_wait3A_881 = tpu.memref_slice %arg4[%mul3A_798] : memref<5242880xf32, #tpu.memory_space<hbm>> -> memref<8192xf32, #tpu.memory_space<hbm>>
    %dma_wait3A_882 = arith.constant 0 : i32
    %dma_wait3A_883 = tpu.memref_slice %arg7[%dma_wait3A_876, %dma_wait3A_882] : memref<2x8192xf32, #tpu.memory_space<vmem>> -> memref<1x8192xf32, #tpu.memory_space<vmem>>
    %dma_wait3A_884 = tpu.memref_squeeze %dma_wait3A_883 : memref<1x8192xf32, #tpu.memory_space<vmem>> -> memref<8192xf32, #tpu.memory_space<vmem>>
    tpu.wait_dma2 semaphore(%arg9 : memref<!tpu.dma_semaphore, #tpu.memory_space<semaphore_mem>>) src(%dma_wait3A_884 : memref<8192xf32, #tpu.memory_space<vmem>>) dst(%dma_wait3A_881 : memref<8192xf32, #tpu.memory_space<hbm>>)
    %scan3A_885 = arith.constant 0 : i32
    %scan3A_886 = arith.constant 0 : i32
    %scan3A_887 = arith.constant 128 : i32
    %scan3A_888 = arith.addi %scan3A_886, %scan3A_887 : i32
    %scan3A_889 = arith.constant 1 : i32
    scf.for %scan3A_960 = %scan3A_886 to %scan3A_888 step %scan3A_889  : i32 {
      %get3A = arith.constant 0 : i32
      %get3A_961 = arith.index_cast %get3A : i32 to index
      %get3A_962 = arith.index_cast %scan3A_960 : i32 to index
      %get3A_963 = arith.constant 0 : index
      %get3A_964 = tpu.vector_load %arg6[%get3A_961, %get3A_962, %get3A_963] {strides = array<i32>} : memref<2x128x128xf32, #tpu.memory_space<vmem>>, vector<1x1x16xf32>,
      %get3A_965 = vector.shape_cast %get3A_964 : vector<1x1x16xf32> to vector<16xf32>
      %mul3A_966 = arith.constant 64 : i32
      %mul3A_967 = arith.muli %scan3A_960, %mul3A_966 : i32
      %add3A_968 = arith.constant 0 : i32
      %add3A_969 = arith.addi %mul3A_967, %add3A_968 : i32
      %swap3A = arith.constant 0 : i32
      %swap3A_970 = arith.index_cast %swap3A : i32 to index
      %swap3A_971 = arith.index_cast %add3A_969 : i32 to index
      %swap3A_972 = tpu.vector_load %arg7[%swap3A_970, %swap3A_971] {strides = array<i32>} : memref<2x8192xf32, #tpu.memory_space<vmem>>, vector<1x16xf32>,
      %swap3A_973 = vector.shape_cast %swap3A_972 : vector<1x16xf32> to vector<16xf32>
      %swap3A_974 = vector.shape_cast %get3A_965 : vector<16xf32> to vector<1x16xf32>
      tpu.vector_store %arg7[%swap3A_970, %swap3A_971], %swap3A_974 {strides = array<i32>} : memref<2x8192xf32, #tpu.memory_space<vmem>>, vector<1x16xf32>,
      %get3A_975 = arith.constant 0 : i32
      %get3A_976 = arith.index_cast %get3A_975 : i32 to index
      %get3A_977 = arith.index_cast %scan3A_960 : i32 to index
      %get3A_978 = arith.constant 16 : index
      %get3A_979 = tpu.vector_load %arg6[%get3A_976, %get3A_977, %get3A_978] {strides = array<i32>} : memref<2x128x128xf32, #tpu.memory_space<vmem>>, vector<1x1x16xf32>,
      %get3A_980 = vector.shape_cast %get3A_979 : vector<1x1x16xf32> to vector<16xf32>
      %mul3A_981 = arith.constant 64 : i32
      %mul3A_982 = arith.muli %scan3A_960, %mul3A_981 : i32
      %add3A_983 = arith.constant 16 : i32
      %add3A_984 = arith.addi %mul3A_982, %add3A_983 : i32
      %swap3A_985 = arith.constant 0 : i32
      %swap3A_986 = arith.index_cast %swap3A_985 : i32 to index
      %swap3A_987 = arith.index_cast %add3A_984 : i32 to index
      %swap3A_988 = tpu.vector_load %arg7[%swap3A_986, %swap3A_987] {strides = array<i32>} : memref<2x8192xf32, #tpu.memory_space<vmem>>, vector<1x16xf32>,
      %swap3A_989 = vector.shape_cast %swap3A_988 : vector<1x16xf32> to vector<16xf32>
      %swap3A_990 = vector.shape_cast %get3A_980 : vector<16xf32> to vector<1x16xf32>
      tpu.vector_store %arg7[%swap3A_986, %swap3A_987], %swap3A_990 {strides = array<i32>} : memref<2x8192xf32, #tpu.memory_space<vmem>>, vector<1x16xf32>,
      %get3A_991 = arith.constant 0 : i32
      %get3A_992 = arith.index_cast %get3A_991 : i32 to index
      %get3A_993 = arith.index_cast %scan3A_960 : i32 to index
      %get3A_994 = arith.constant 32 : index
      %get3A_995 = tpu.vector_load %arg6[%get3A_992, %get3A_993, %get3A_994] {strides = array<i32>} : memref<2x128x128xf32, #tpu.memory_space<vmem>>, vector<1x1x16xf32>,
      %get3A_996 = vector.shape_cast %get3A_995 : vector<1x1x16xf32> to vector<16xf32>
      %mul3A_997 = arith.constant 64 : i32
      %mul3A_998 = arith.muli %scan3A_960, %mul3A_997 : i32
      %add3A_999 = arith.constant 32 : i32
      %add3A_1000 = arith.addi %mul3A_998, %add3A_999 : i32
      %swap3A_1001 = arith.constant 0 : i32
      %swap3A_1002 = arith.index_cast %swap3A_1001 : i32 to index
      %swap3A_1003 = arith.index_cast %add3A_1000 : i32 to index
      %swap3A_1004 = tpu.vector_load %arg7[%swap3A_1002, %swap3A_1003] {strides = array<i32>} : memref<2x8192xf32, #tpu.memory_space<vmem>>, vector<1x16xf32>,
      %swap3A_1005 = vector.shape_cast %swap3A_1004 : vector<1x16xf32> to vector<16xf32>
      %swap3A_1006 = vector.shape_cast %get3A_996 : vector<16xf32> to vector<1x16xf32>
      tpu.vector_store %arg7[%swap3A_1002, %swap3A_1003], %swap3A_1006 {strides = array<i32>} : memref<2x8192xf32, #tpu.memory_space<vmem>>, vector<1x16xf32>,
      %get3A_1007 = arith.constant 0 : i32
      %get3A_1008 = arith.index_cast %get3A_1007 : i32 to index
      %get3A_1009 = arith.index_cast %scan3A_960 : i32 to index
      %get3A_1010 = arith.constant 48 : index
      %get3A_1011 = tpu.vector_load %arg6[%get3A_1008, %get3A_1009, %get3A_1010] {strides = array<i32>} : memref<2x128x128xf32, #tpu.memory_space<vmem>>, vector<1x1x16xf32>,
      %get3A_1012 = vector.shape_cast %get3A_1011 : vector<1x1x16xf32> to vector<16xf32>
      %mul3A_1013 = arith.constant 64 : i32
      %mul3A_1014 = arith.muli %scan3A_960, %mul3A_1013 : i32
      %add3A_1015 = arith.constant 48 : i32
      %add3A_1016 = arith.addi %mul3A_1014, %add3A_1015 : i32
      %swap3A_1017 = arith.constant 0 : i32
      %swap3A_1018 = arith.index_cast %swap3A_1017 : i32 to index
      %swap3A_1019 = arith.index_cast %add3A_1016 : i32 to index
      %swap3A_1020 = tpu.vector_load %arg7[%swap3A_1018, %swap3A_1019] {strides = array<i32>} : memref<2x8192xf32, #tpu.memory_space<vmem>>, vector<1x16xf32>,
      %swap3A_1021 = vector.shape_cast %swap3A_1020 : vector<1x16xf32> to vector<16xf32>
      %swap3A_1022 = vector.shape_cast %get3A_1012 : vector<16xf32> to vector<1x16xf32>
      tpu.vector_store %arg7[%swap3A_1018, %swap3A_1019], %swap3A_1022 {strides = array<i32>} : memref<2x8192xf32, #tpu.memory_space<vmem>>, vector<1x16xf32>,
    }
    %scan3A_890 = arith.constant 128 : i32
    %add3A_891 = arith.constant 2304 : i32
    %add3A_892 = arith.addi %mul3A_2, %add3A_891 : i32
    %mul3A_893 = arith.constant 64 : i32
    %mul3A_894 = arith.muli %add3A_892, %mul3A_893 : i32
    %dma_start3A_895 = arith.constant 0 : i32
    %dma_start3A_896 = arith.constant 0 : i32
    %dma_start3A_897 = tpu.memref_slice %arg7[%dma_start3A_895, %dma_start3A_896] : memref<2x8192xf32, #tpu.memory_space<vmem>> -> memref<1x8192xf32, #tpu.memory_space<vmem>>
    %dma_start3A_898 = tpu.memref_squeeze %dma_start3A_897 : memref<1x8192xf32, #tpu.memory_space<vmem>> -> memref<8192xf32, #tpu.memory_space<vmem>>
    %dma_start3A_899 = tpu.memref_slice %arg4[%mul3A_894] : memref<5242880xf32, #tpu.memory_space<hbm>> -> memref<8192xf32, #tpu.memory_space<hbm>>
    %dma_start3A_900 = tpu.memref_slice %arg4[%mul3A_894] : memref<5242880xf32, #tpu.memory_space<hbm>> -> memref<8192xf32, #tpu.memory_space<hbm>>
    %dma_start3A_901 = arith.constant 0 : i32
    %dma_start3A_902 = tpu.memref_slice %arg7[%dma_start3A_895, %dma_start3A_901] : memref<2x8192xf32, #tpu.memory_space<vmem>> -> memref<1x8192xf32, #tpu.memory_space<vmem>>
    %dma_start3A_903 = tpu.memref_squeeze %dma_start3A_902 : memref<1x8192xf32, #tpu.memory_space<vmem>> -> memref<8192xf32, #tpu.memory_space<vmem>>
    tpu.enqueue_dma source(%dma_start3A_903 : memref<8192xf32, #tpu.memory_space<vmem>>) target(%dma_start3A_900 : memref<8192xf32, #tpu.memory_space<hbm>>) target_semaphore(%arg9 : memref<!tpu.dma_semaphore, #tpu.memory_space<semaphore_mem>>)
    %dma_wait3A_904 = arith.constant 1 : i32
    %dma_wait3A_905 = arith.constant 0 : i32
    %dma_wait3A_906 = arith.constant 0 : i32
    %dma_wait3A_907 = tpu.memref_slice %arg6[%dma_wait3A_904, %dma_wait3A_905, %dma_wait3A_906] : memref<2x128x128xf32, #tpu.memory_space<vmem>> -> memref<1x128x128xf32, #tpu.memory_space<vmem>>
    %dma_wait3A_908 = tpu.memref_squeeze %dma_wait3A_907 : memref<1x128x128xf32, #tpu.memory_space<vmem>> -> memref<128x128xf32, #tpu.memory_space<vmem>>
    %dma_wait3A_909 = arith.constant 2432 : i32
    %dma_wait3A_910 = tpu.memref_slice %arg5[%dma_wait3A_909] : memref<2560xi32, #tpu.memory_space<vmem>> -> memref<128xi32, #tpu.memory_space<vmem>>
    %dma_wait3A_911 = arith.constant 0 : i32
    %dma_wait3A_912 = arith.constant 0 : i32
    %dma_wait3A_913 = tpu.memref_slice %arg2[%dma_wait3A_911, %dma_wait3A_912] : memref<1000000x128xf32, #tpu.memory_space<hbm>> -> memref<1000000x128xf32, #tpu.memory_space<hbm>>
    tpu.wait_indirect_dma semaphore(%arg8 : memref<!tpu.dma_semaphore, #tpu.memory_space<semaphore_mem>>) src(%dma_wait3A_913 : memref<1000000x128xf32, #tpu.memory_space<hbm>>) dst(%dma_wait3A_908 : memref<128x128xf32, #tpu.memory_space<vmem>>)
    %dma_wait3A_914 = arith.constant 1 : i32
    %dma_wait3A_915 = arith.constant 0 : i32
    %dma_wait3A_916 = tpu.memref_slice %arg7[%dma_wait3A_914, %dma_wait3A_915] : memref<2x8192xf32, #tpu.memory_space<vmem>> -> memref<1x8192xf32, #tpu.memory_space<vmem>>
    %dma_wait3A_917 = tpu.memref_squeeze %dma_wait3A_916 : memref<1x8192xf32, #tpu.memory_space<vmem>> -> memref<8192xf32, #tpu.memory_space<vmem>>
    %dma_wait3A_918 = tpu.memref_slice %arg4[%mul3A_846] : memref<5242880xf32, #tpu.memory_space<hbm>> -> memref<8192xf32, #tpu.memory_space<hbm>>
    %dma_wait3A_919 = tpu.memref_slice %arg4[%mul3A_846] : memref<5242880xf32, #tpu.memory_space<hbm>> -> memref<8192xf32, #tpu.memory_space<hbm>>
    %dma_wait3A_920 = arith.constant 0 : i32
    %dma_wait3A_921 = tpu.memref_slice %arg7[%dma_wait3A_914, %dma_wait3A_920] : memref<2x8192xf32, #tpu.memory_space<vmem>> -> memref<1x8192xf32, #tpu.memory_space<vmem>>
    %dma_wait3A_922 = tpu.memref_squeeze %dma_wait3A_921 : memref<1x8192xf32, #tpu.memory_space<vmem>> -> memref<8192xf32, #tpu.memory_space<vmem>>
    tpu.wait_dma2 semaphore(%arg9 : memref<!tpu.dma_semaphore, #tpu.memory_space<semaphore_mem>>) src(%dma_wait3A_922 : memref<8192xf32, #tpu.memory_space<vmem>>) dst(%dma_wait3A_919 : memref<8192xf32, #tpu.memory_space<hbm>>)
    %scan3A_923 = arith.constant 0 : i32
    %scan3A_924 = arith.constant 0 : i32
    %scan3A_925 = arith.constant 128 : i32
    %scan3A_926 = arith.addi %scan3A_924, %scan3A_925 : i32
    %scan3A_927 = arith.constant 1 : i32
    scf.for %scan3A_960 = %scan3A_924 to %scan3A_926 step %scan3A_927  : i32 {
      %get3A = arith.constant 1 : i32
      %get3A_961 = arith.index_cast %get3A : i32 to index
      %get3A_962 = arith.index_cast %scan3A_960 : i32 to index
      %get3A_963 = arith.constant 0 : index
      %get3A_964 = tpu.vector_load %arg6[%get3A_961, %get3A_962, %get3A_963] {strides = array<i32>} : memref<2x128x128xf32, #tpu.memory_space<vmem>>, vector<1x1x16xf32>,
      %get3A_965 = vector.shape_cast %get3A_964 : vector<1x1x16xf32> to vector<16xf32>
      %mul3A_966 = arith.constant 64 : i32
      %mul3A_967 = arith.muli %scan3A_960, %mul3A_966 : i32
      %add3A_968 = arith.constant 0 : i32
      %add3A_969 = arith.addi %mul3A_967, %add3A_968 : i32
      %swap3A = arith.constant 1 : i32
      %swap3A_970 = arith.index_cast %swap3A : i32 to index
      %swap3A_971 = arith.index_cast %add3A_969 : i32 to index
      %swap3A_972 = tpu.vector_load %arg7[%swap3A_970, %swap3A_971] {strides = array<i32>} : memref<2x8192xf32, #tpu.memory_space<vmem>>, vector<1x16xf32>,
      %swap3A_973 = vector.shape_cast %swap3A_972 : vector<1x16xf32> to vector<16xf32>
      %swap3A_974 = vector.shape_cast %get3A_965 : vector<16xf32> to vector<1x16xf32>
      tpu.vector_store %arg7[%swap3A_970, %swap3A_971], %swap3A_974 {strides = array<i32>} : memref<2x8192xf32, #tpu.memory_space<vmem>>, vector<1x16xf32>,
      %get3A_975 = arith.constant 1 : i32
      %get3A_976 = arith.index_cast %get3A_975 : i32 to index
      %get3A_977 = arith.index_cast %scan3A_960 : i32 to index
      %get3A_978 = arith.constant 16 : index
      %get3A_979 = tpu.vector_load %arg6[%get3A_976, %get3A_977, %get3A_978] {strides = array<i32>} : memref<2x128x128xf32, #tpu.memory_space<vmem>>, vector<1x1x16xf32>,
      %get3A_980 = vector.shape_cast %get3A_979 : vector<1x1x16xf32> to vector<16xf32>
      %mul3A_981 = arith.constant 64 : i32
      %mul3A_982 = arith.muli %scan3A_960, %mul3A_981 : i32
      %add3A_983 = arith.constant 16 : i32
      %add3A_984 = arith.addi %mul3A_982, %add3A_983 : i32
      %swap3A_985 = arith.constant 1 : i32
      %swap3A_986 = arith.index_cast %swap3A_985 : i32 to index
      %swap3A_987 = arith.index_cast %add3A_984 : i32 to index
      %swap3A_988 = tpu.vector_load %arg7[%swap3A_986, %swap3A_987] {strides = array<i32>} : memref<2x8192xf32, #tpu.memory_space<vmem>>, vector<1x16xf32>,
      %swap3A_989 = vector.shape_cast %swap3A_988 : vector<1x16xf32> to vector<16xf32>
      %swap3A_990 = vector.shape_cast %get3A_980 : vector<16xf32> to vector<1x16xf32>
      tpu.vector_store %arg7[%swap3A_986, %swap3A_987], %swap3A_990 {strides = array<i32>} : memref<2x8192xf32, #tpu.memory_space<vmem>>, vector<1x16xf32>,
      %get3A_991 = arith.constant 1 : i32
      %get3A_992 = arith.index_cast %get3A_991 : i32 to index
      %get3A_993 = arith.index_cast %scan3A_960 : i32 to index
      %get3A_994 = arith.constant 32 : index
      %get3A_995 = tpu.vector_load %arg6[%get3A_992, %get3A_993, %get3A_994] {strides = array<i32>} : memref<2x128x128xf32, #tpu.memory_space<vmem>>, vector<1x1x16xf32>,
      %get3A_996 = vector.shape_cast %get3A_995 : vector<1x1x16xf32> to vector<16xf32>
      %mul3A_997 = arith.constant 64 : i32
      %mul3A_998 = arith.muli %scan3A_960, %mul3A_997 : i32
      %add3A_999 = arith.constant 32 : i32
      %add3A_1000 = arith.addi %mul3A_998, %add3A_999 : i32
      %swap3A_1001 = arith.constant 1 : i32
      %swap3A_1002 = arith.index_cast %swap3A_1001 : i32 to index
      %swap3A_1003 = arith.index_cast %add3A_1000 : i32 to index
      %swap3A_1004 = tpu.vector_load %arg7[%swap3A_1002, %swap3A_1003] {strides = array<i32>} : memref<2x8192xf32, #tpu.memory_space<vmem>>, vector<1x16xf32>,
      %swap3A_1005 = vector.shape_cast %swap3A_1004 : vector<1x16xf32> to vector<16xf32>
      %swap3A_1006 = vector.shape_cast %get3A_996 : vector<16xf32> to vector<1x16xf32>
      tpu.vector_store %arg7[%swap3A_1002, %swap3A_1003], %swap3A_1006 {strides = array<i32>} : memref<2x8192xf32, #tpu.memory_space<vmem>>, vector<1x16xf32>,
      %get3A_1007 = arith.constant 1 : i32
      %get3A_1008 = arith.index_cast %get3A_1007 : i32 to index
      %get3A_1009 = arith.index_cast %scan3A_960 : i32 to index
      %get3A_1010 = arith.constant 48 : index
      %get3A_1011 = tpu.vector_load %arg6[%get3A_1008, %get3A_1009, %get3A_1010] {strides = array<i32>} : memref<2x128x128xf32, #tpu.memory_space<vmem>>, vector<1x1x16xf32>,
      %get3A_1012 = vector.shape_cast %get3A_1011 : vector<1x1x16xf32> to vector<16xf32>
      %mul3A_1013 = arith.constant 64 : i32
      %mul3A_1014 = arith.muli %scan3A_960, %mul3A_1013 : i32
      %add3A_1015 = arith.constant 48 : i32
      %add3A_1016 = arith.addi %mul3A_1014, %add3A_1015 : i32
      %swap3A_1017 = arith.constant 1 : i32
      %swap3A_1018 = arith.index_cast %swap3A_1017 : i32 to index
      %swap3A_1019 = arith.index_cast %add3A_1016 : i32 to index
      %swap3A_1020 = tpu.vector_load %arg7[%swap3A_1018, %swap3A_1019] {strides = array<i32>} : memref<2x8192xf32, #tpu.memory_space<vmem>>, vector<1x16xf32>,
      %swap3A_1021 = vector.shape_cast %swap3A_1020 : vector<1x16xf32> to vector<16xf32>
      %swap3A_1022 = vector.shape_cast %get3A_1012 : vector<16xf32> to vector<1x16xf32>
      tpu.vector_store %arg7[%swap3A_1018, %swap3A_1019], %swap3A_1022 {strides = array<i32>} : memref<2x8192xf32, #tpu.memory_space<vmem>>, vector<1x16xf32>,
    }
    %scan3A_928 = arith.constant 128 : i32
    %add3A_929 = arith.constant 2432 : i32
    %add3A_930 = arith.addi %mul3A_2, %add3A_929 : i32
    %mul3A_931 = arith.constant 64 : i32
    %mul3A_932 = arith.muli %add3A_930, %mul3A_931 : i32
    %dma_start3A_933 = arith.constant 1 : i32
    %dma_start3A_934 = arith.constant 0 : i32
    %dma_start3A_935 = tpu.memref_slice %arg7[%dma_start3A_933, %dma_start3A_934] : memref<2x8192xf32, #tpu.memory_space<vmem>> -> memref<1x8192xf32, #tpu.memory_space<vmem>>
    %dma_start3A_936 = tpu.memref_squeeze %dma_start3A_935 : memref<1x8192xf32, #tpu.memory_space<vmem>> -> memref<8192xf32, #tpu.memory_space<vmem>>
    %dma_start3A_937 = tpu.memref_slice %arg4[%mul3A_932] : memref<5242880xf32, #tpu.memory_space<hbm>> -> memref<8192xf32, #tpu.memory_space<hbm>>
    %dma_start3A_938 = tpu.memref_slice %arg4[%mul3A_932] : memref<5242880xf32, #tpu.memory_space<hbm>> -> memref<8192xf32, #tpu.memory_space<hbm>>
    %dma_start3A_939 = arith.constant 0 : i32
    %dma_start3A_940 = tpu.memref_slice %arg7[%dma_start3A_933, %dma_start3A_939] : memref<2x8192xf32, #tpu.memory_space<vmem>> -> memref<1x8192xf32, #tpu.memory_space<vmem>>
    %dma_start3A_941 = tpu.memref_squeeze %dma_start3A_940 : memref<1x8192xf32, #tpu.memory_space<vmem>> -> memref<8192xf32, #tpu.memory_space<vmem>>
    tpu.enqueue_dma source(%dma_start3A_941 : memref<8192xf32, #tpu.memory_space<vmem>>) target(%dma_start3A_938 : memref<8192xf32, #tpu.memory_space<hbm>>) target_semaphore(%arg9 : memref<!tpu.dma_semaphore, #tpu.memory_space<semaphore_mem>>)
    %dma_wait3A_942 = arith.constant 0 : i32
    %dma_wait3A_943 = arith.constant 0 : i32
    %dma_wait3A_944 = tpu.memref_slice %arg7[%dma_wait3A_942, %dma_wait3A_943] : memref<2x8192xf32, #tpu.memory_space<vmem>> -> memref<1x8192xf32, #tpu.memory_space<vmem>>
    %dma_wait3A_945 = tpu.memref_squeeze %dma_wait3A_944 : memref<1x8192xf32, #tpu.memory_space<vmem>> -> memref<8192xf32, #tpu.memory_space<vmem>>
    %dma_wait3A_946 = tpu.memref_slice %arg4[%mul3A_894] : memref<5242880xf32, #tpu.memory_space<hbm>> -> memref<8192xf32, #tpu.memory_space<hbm>>
    %dma_wait3A_947 = tpu.memref_slice %arg4[%mul3A_894] : memref<5242880xf32, #tpu.memory_space<hbm>> -> memref<8192xf32, #tpu.memory_space<hbm>>
    %dma_wait3A_948 = arith.constant 0 : i32
    %dma_wait3A_949 = tpu.memref_slice %arg7[%dma_wait3A_942, %dma_wait3A_948] : memref<2x8192xf32, #tpu.memory_space<vmem>> -> memref<1x8192xf32, #tpu.memory_space<vmem>>
    %dma_wait3A_950 = tpu.memref_squeeze %dma_wait3A_949 : memref<1x8192xf32, #tpu.memory_space<vmem>> -> memref<8192xf32, #tpu.memory_space<vmem>>
    tpu.wait_dma2 semaphore(%arg9 : memref<!tpu.dma_semaphore, #tpu.memory_space<semaphore_mem>>) src(%dma_wait3A_950 : memref<8192xf32, #tpu.memory_space<vmem>>) dst(%dma_wait3A_947 : memref<8192xf32, #tpu.memory_space<hbm>>)
    %dma_wait3A_951 = arith.constant 1 : i32
    %dma_wait3A_952 = arith.constant 0 : i32
    %dma_wait3A_953 = tpu.memref_slice %arg7[%dma_wait3A_951, %dma_wait3A_952] : memref<2x8192xf32, #tpu.memory_space<vmem>> -> memref<1x8192xf32, #tpu.memory_space<vmem>>
    %dma_wait3A_954 = tpu.memref_squeeze %dma_wait3A_953 : memref<1x8192xf32, #tpu.memory_space<vmem>> -> memref<8192xf32, #tpu.memory_space<vmem>>
    %dma_wait3A_955 = tpu.memref_slice %arg4[%mul3A_932] : memref<5242880xf32, #tpu.memory_space<hbm>> -> memref<8192xf32, #tpu.memory_space<hbm>>
    %dma_wait3A_956 = tpu.memref_slice %arg4[%mul3A_932] : memref<5242880xf32, #tpu.memory_space<hbm>> -> memref<8192xf32, #tpu.memory_space<hbm>>
    %dma_wait3A_957 = arith.constant 0 : i32
    %dma_wait3A_958 = tpu.memref_slice %arg7[%dma_wait3A_951, %dma_wait3A_957] : memref<2x8192xf32, #tpu.memory_space<vmem>> -> memref<1x8192xf32, #tpu.memory_space<vmem>>
    %dma_wait3A_959 = tpu.memref_squeeze %dma_wait3A_958 : memref<1x8192xf32, #tpu.memory_space<vmem>> -> memref<8192xf32, #tpu.memory_space<vmem>>
    tpu.wait_dma2 semaphore(%arg9 : memref<!tpu.dma_semaphore, #tpu.memory_space<semaphore_mem>>) src(%dma_wait3A_959 : memref<8192xf32, #tpu.memory_space<vmem>>) dst(%dma_wait3A_956 : memref<8192xf32, #tpu.memory_space<hbm>>)
    return
  }
}

</mosaic_0001>

<sc_bundles>
// kernel: kernel.3.cloned.1.call-start
scs
__scs_entry_jumppad:
0x0: {  	(pc) =	sbr.rel $0x88, $3  }
0x1: {  	(tag) =	ssettag $0x0;
	lr =	simm.s32 $0x1  }
0x2: {  	[smem:$0x3F9F] =	sst lr;
	_ =	strace $0xD0000000  }
0x3: {  	_ = 	snop  }
0x4: {  	_ = 	snop  }
0x5: {  	_ = 	snop  }
0x6: {  	_ = 	snop  }
0x7: {  	_ = 	snop  }
__scs_overlays_trampoline_lowered:
0x8: {  	[smem:$0x3FAE] =	sst s0  }
0x9: {  	[smem:$0x3FAF] =	sst s1  }
0xa: {  	[smem:$0x3FB0] =	sst s2  }
0xb: {  	[smem:$0x3FB1] =	sst s3  }
0xc: {  	[smem:$0x3FB2] =	sst s4  }
0xd: {  	[smem:$0x3FB3] =	sst s5  }
0xe: {  	[smem:$0x3FB4] =	sst s6  }
0xf: {  	[smem:$0x3FB5] =	sst s7  }
0x10: {  	[smem:$0x3FB6] =	sst s8  }
0x11: {  	[smem:$0x3FB7] =	sst s9;
	s0 =	simm.s32 @!p0 $0x0  }
0x12: {  	s1 =	sld [smem:$0x3F9D];
	s0 =	simm.s32 @p0 $0x1  }
0x13: {  	[smem:$0x3FB8] =	sst s0;
	s0 =	simm.s32 @!p1 $0x0  }
0x14: {  	s2 =	sld [smem:$0x3F9C];
	s0 =	simm.s32 @p1 $0x1  }
0x15: {  	[smem:$0x3FB9] =	sst s0;
	s0 =	simm.s32 @!p2 $0x0  }
0x16: {  	s3 =	sld [smem:$0x3FDB];
	s0 =	simm.s32 @p2 $0x1  }
0x17: {  	s4 =	simm.s32 $0x1BF5;
	[smem:$0x3FBB] =	sst s0  }
0x18: {  	s0 =	sld [smem:$0x3F9E];
	_ =	swait.ge [sflag:s4], $0x0  }
0x19: {  	s7 =	sld [smem:$0x3F9F]  }
0x1a: {  	s8 =	sadd.s32 $0xFFFFE003, lr  }
0x1b: {  	s9 =	sadd.s32 $0xFFFFFEF7, lr;
	s5 =	simm.s32 $0xFFFFFFFF;
	p2 =	slt.u32 s8, $0xFFFFF086  }
0x1c: {  	p1 =	slt.u32 s9, $0xF7A;
	s5 =	simm.s32 @!p2 $0x0  }
0x1d: {  	s5 =	simm.s32 @p1 $0x1;
	p0 =	seq.s32 s7, s2  }
0x1e: {  	s7 =	smul.u32 @!p0 $0xF7A, s2;
	p2 =	seq.s32 @!p0 s5, $0x0  }
0x1f: {  	s9 =	smul.u32 $0xF7A, s1;
	s8 =	simm.s32 @!p0 $0x1BF5;
	p2 =	por !p2, p0  }
0x20: {  	[sflag:s8] =	ssyncset.s32 @!p0 $0xFFFFF086;
	s6 =	sadd.s32 @!p0 s3, s7;
	s7 =	simm.s32 @!p0 $0x108  }
0x21: {  	s3 =	sadd.s32 s3, s9;
	s6 =	sadd.s32 @!p0 $0x88, s6;
	s7 =	simm.s32 @p2 $0x1082  }
0x22: {  	[simem:s7], [sflag:s8] =	dma.local @!p0 [hbm:s6], $0xF7A  }
0x23: {  	s9 =	sor.u32 $0xD0000000, s2;
	s6 =	simm.s32 $0x108;
	_ =	swait.ge @!p0 [sflag:s8], $0x0  }
0x24: {  	s3 =	sadd.s32 $0x88, s3;
	s6 =	simm.s32 @!p1 $0x1082;
	[sflag:s4] =	ssyncset.s32 $0xFFFFF086  }
0x25: {  	[simem:s6], [sflag:s4] =	dma.local [hbm:s3], $0xF7A  }
0x26: {  	[smem:$0x3F9F] =	sst s1;
	(tag) =	ssettag s2;
	_ =	strace s9  }
0x27: {  	s1 =	sld [smem:$0x3FAF]  }
0x28: {  	s2 =	sld [smem:$0x3FB0]  }
0x29: {  	s4 =	sld [smem:$0x3FB2]  }
0x2a: {  	p0 =	seq.s32 s5, $0x0;
	s5 =	sld [smem:$0x3FB3]  }
0x2b: {  	s6 =	sld [smem:$0x3FB4]  }
0x2c: {  	s7 =	sld [smem:$0x3FB5]  }
0x2d: {  	s3 =	simm.s32 $0x108;
	s8 =	sld [smem:$0x3FB6]  }
0x2e: {  	s3 =	simm.s32 @!p0 $0x1082;
	s9 =	sld [smem:$0x3FB7]  }
0x2f: {  	lr =	sadd.s32 s0, s3;
	s0 =	sld [smem:$0x3FAE]  }
0x30: {  	s3 =	sld [smem:$0x3FB1]  }
0x31: {  	[smem:$0x3FBA] =	sst s10  }
0x32: {  	s10 =	sld [smem:$0x3FB8];
	_ =	sdelay $0x3  }
0x33: {  	p0 =	seq.s32 s10, $0x1;
	s10 =	sld [smem:$0x3FBA];
	_ =	sdelay $0x3  }
0x34: {  	[smem:$0x3FBA] =	sst s10  }
0x35: {  	s10 =	sld [smem:$0x3FB9];
	_ =	sdelay $0x3  }
0x36: {  	p1 =	seq.s32 s10, $0x1;
	s10 =	sld [smem:$0x3FBA];
	_ =	sdelay $0x3  }
0x37: {  	[smem:$0x3FBA] =	sst s10  }
0x38: {  	s10 =	sld [smem:$0x3FBB]  }
0x39: {  	_ = 	snop;
	(pc) =	sbr.ind lr, $3  }
0x3a: {  	_ = 	snop  }
0x3b: {  	_ = 	snop  }
0x3c: {  	p2 =	seq.s32 s10, $0x1;
	s10 =	sld [smem:$0x3FBA]  }
0x3d: {  	_ =	shalt  }
0x3e: {  	_ =	shalt  }
0x3f: {  	_ =	shalt  }
0x40: {  	_ =	shalt  }
0x41: {  	_ =	shalt  }
0x42: {  	_ =	shalt  }
0x43: {  	_ =	shalt  }
0x44: {  	_ =	shalt  }
0x45: {  	_ =	shalt  }
0x46: {  	_ =	shalt  }
0x47: {  	_ =	shalt  }
0x48: {  	_ =	shalt  }
0x49: {  	_ =	shalt  }
0x4a: {  	_ =	shalt  }
0x4b: {  	_ =	shalt  }
0x4c: {  	_ =	shalt  }
0x4d: {  	_ =	shalt  }
0x4e: {  	_ =	shalt  }
0x4f: {  	_ =	shalt  }
0x50: {  	_ =	shalt  }
0x51: {  	_ =	shalt  }
0x52: {  	_ =	shalt  }
0x53: {  	_ =	shalt  }
0x54: {  	_ =	shalt  }
0x55: {  	_ =	shalt  }
0x56: {  	_ =	shalt  }
0x57: {  	_ =	shalt  }
0x58: {  	_ =	shalt  }
0x59: {  	_ =	shalt  }
0x5a: {  	_ =	shalt  }
0x5b: {  	_ =	shalt  }
0x5c: {  	_ =	shalt  }
0x5d: {  	_ =	shalt  }
0x5e: {  	_ =	shalt  }
0x5f: {  	_ =	shalt  }
0x60: {  	_ =	shalt  }
0x61: {  	_ =	shalt  }
0x62: {  	_ =	shalt  }
0x63: {  	_ =	shalt  }
0x64: {  	_ =	shalt  }
0x65: {  	_ =	shalt  }
0x66: {  	_ =	shalt  }
0x67: {  	_ =	shalt  }
0x68: {  	_ =	shalt  }
0x69: {  	_ =	shalt  }
0x6a: {  	_ =	shalt  }
0x6b: {  	_ =	shalt  }
0x6c: {  	_ =	shalt  }
0x6d: {  	_ =	shalt  }
0x6e: {  	_ =	shalt  }
0x6f: {  	_ =	shalt  }
0x70: {  	_ =	shalt  }
0x71: {  	_ =	shalt  }
0x72: {  	_ =	shalt  }
0x73: {  	_ =	shalt  }
0x74: {  	_ =	shalt  }
0x75: {  	_ =	shalt  }
0x76: {  	_ =	shalt  }
0x77: {  	_ =	shalt  }
0x78: {  	_ =	shalt  }
0x79: {  	_ =	shalt  }
0x7a: {  	_ =	shalt  }
0x7b: {  	_ =	shalt  }
0x7c: {  	_ =	shalt  }
0x7d: {  	_ =	shalt  }
0x7e: {  	_ =	shalt  }
0x7f: {  	_ =	shalt  }
0x80: {  	_ =	shalt  }
0x81: {  	_ =	shalt  }
0x82: {  	_ =	shalt  }
0x83: {  	_ =	shalt  }
0x84: {  	_ =	shalt  }
0x85: {  	_ =	shalt  }
0x86: {  	_ =	shalt  }
0x87: {  	_ =	shalt  }
.Lfunc_end0:
.L_simem_size_0:
called_computation_lowered:
.L_overlay_start_0:
0x88: {  	s2 =	sld [smem:$0x3FD9]  }
0x89: {  	s3 =	sld [smem:$0x3FFE];
	_ =	sdelay $0x1  }
0x8a: {  	s1 =	srdreg.scid  }
0x8b: {  	s0 =	sand.u32 $0x1, s1  }
0x8c: {  	s17 =	sshll.u32 s0, $0xA;
	s2 =	sadd.s32 s3, s2  }
0x8d: {  	s2 =	sadd.s32 s2, s17  }
0x8e: {  	[smem:$0x3FC6] =	sst s2  }
0x8f: {  	_ = 	snop  }
0x90: {  	s2 =	sld [smem:$0x3FD0];
	(tm) =	ssettm $0x1  }
0x91: {  	s18 =	sld [smem:$0x3FFB];
	_ =	sdelay $0x3  }
0x92: {  	_ =	strace s18  }
0x93: {  	s3 =	sld [smem:$0x3FFC];
	_ =	sdelay $0x3  }
0x94: {  	_ =	strace s3  }
0x95: {  	s3 =	sld [smem:$0x3FFD];
	_ =	sdelay $0x3  }
0x96: {  	_ =	strace s3  }
0x97: {  	_ =	strace $0x8FFFFFFF  }
0x98: {  	s19 =	sld [smem:$0x3FDB];
	_ =	sdelay $0x1  }
0x99: {  	s4 =	simm.s32 $_scs_section_size  }
0x9a: {  	s5 =	simm.s32 $_size__tile_overlayer_lowered;
	s6 =	simm.s32 $_tile_overlayer_lowered  }
0x9b: {  	s22 =	simm.s32 $0x1BFF;
	s21 =	sshll.u32 s6, $0x1;
	s3 =	sadd.s32 s4, s19  }
0x9c: {  	s7 =	simm.s32 $0x0;
	s20 =	sshll.u32 s5, $0x1;
	s5 =	sadd.s32 s21, s3  }
0x9d: {  	[timem:s7], [sflag:s22] =	dma.local [hbm:s5], s20  }
0x9e: {  	_ =	swait.ge [sflag:s22], s20  }
0x9f: {  	s4 =	ssub.s32 $0x0, s20;
	[sflag:s22] =	ssyncset.done $0x0  }
0xa0: {  	[sflag:s22] =	ssyncadd.s32 s4;
	_ =	sdelay $0x1  }
0xa1: {  	s23 =	simm.s32 $0x1B8B  }
0xa2: {  	_ =	swait.ge [sflag:s23], $0x1  }
0xa3: {  	[sflag:s23] =	ssyncset.done $0x0  }
0xa4: {  	s25 =	simm.s32 $0x1B8E;
	s24 =	sld [smem:$0x3FFE];
	[sflag:s23] =	ssyncadd.s32 $0xFFFFFFFF  }
0xa5: {  	s26 =	simm.s32 $execute0_lowered;
	[smem:$0x3FD2] =	sst s25  }
0xa6: {  	s5 =	sshll.u32 s26, $0x1;
	_ =	strace $0x80000046;
	[dreg:$0x1] =	wrdreg $0xFFFFFFFF  }
0xa7: {  	s28 =	simm.s32 $_size_execute0_lowered;
	s3 =	sadd.s32 s3, s5;
	[dreg:$0x0] =	wrdreg $0x0  }
0xa8: {  	s5 =	sshll.u32 s28, $0x1;
	[dreg:$0x2] =	wrdreg s3  }
0xa9: {  	[dreg:$0x3] =	wrdreg s5  }
0xaa: {  	[dreg:$0x4] =	wrdreg $0xC0  }
0xab: {  	_ =	task [dreg:s7], $0x5FFFF  }
0xac: {  	[dreg:$0x1] =	wrdreg $0xFFFFFFFF  }
0xad: {  	[dreg:$0x0] =	wrdreg $0x60  }
0xae: {  	[dreg:$0x2] =	wrdreg s24  }
0xaf: {  	[dreg:$0x3] =	wrdreg s2  }
0xb0: {  	[dreg:$0x4] =	wrdreg $0x9  }
0xb1: {  	_ =	task.clear_ibuf [dreg:s7], $0x5FFFF;
	_ =	strace $0x90000046  }
0xb2: {  	s29 =	simm.s32 $0x9;
	_ =	strace $0x80000048  }
0xb3: {  	_ =	swait.ge [sflag:s29], $0x1  }
0xb4: {  	[sflag:s29] =	ssyncadd.s32 $0xFFFFFFFF  }
0xb5: {  	_ =	strace $0x90000048  }
0xb6: {  	_ =	sfence  }
0xb7: {  	s30 =	sld [smem:$0x0];
	_ =	sdelay $0x2  }
0xb8: {  	s31 =	sshll.u32 s1, $0xD;
	s1 =	sshrl.u32 s1, $0x2  }
0xb9: {  	s3 =	sand.u32 $0x4000, s31;
	s1 =	sadd.s32 s1, s30  }
0xba: {  	s0 =	sor.u32 s3, s0;
	s1 =	sshll.u32 s1, $0x11  }
0xbb: {  	s0 =	sor.u32 s1, s0  }
0xbc: {  	s0 =	sadd.s32 $0x8F2B, s0  }
0xbd: {  	[sflag:s0] =	ssyncadd.remote.s32 $0x1  }
0xbe: {  	_ =	sfence.sel $0xFFFF  }
0xbf: {  	[dreg:$0x0] =	wrdreg $0xFFFFFFFF;
	(pc) =	sbr.abs _section_cstart, $3  }
0xc0: {  	[dreg:$0x1] =	wrdreg $0xFFFFFFFF  }
0xc1: {  	_ =	task.clear_ibuf [dreg:s7], $0x2FFFF;
	_ =	strace $0x9FFFFFFF  }
0xc2: {  	(tm) =	ssettm $0x7FFFFFFF  }
0xc3: {  	_ =	shalt  }
tec
execute0_lowered:
.L_overlay_start_1:
0x0: {  	(tag) =	ssettag $0x1  }
0x1: {  	s0 =	rddreg [dreg:$0x0]  }
0x2: {  	s1 =	rddreg [dreg:$0x1]  }
0x3: {  	s3 =	srdreg.scid;
	s6 =	stileid.u32;
	s2 =	simm.s32 $0x0  }
0x4: {  	s4 =	sand.u32 $0x1, s3;
	s26 =	sshll.u32 s6, $0x1;
	[smem:$0x7FF] =	sst s2  }
0x5: {  	s28 =	sshrl.u32 s6, $0x2;
	s3 =	sadd.s32 $0xF45200, s0;
	s5 =	sor.u32 s4, s26  }
0x6: {  	_ =	strace $0x80000047;
	s6 =	smul.u32 $0x5000, s28;
	s4 =	ssub.s32 $0x2, s4  }
0x7: {  	s26 =	simm.s32 $0x80;
	s7 =	sshll.u32 s5, $0x7;
	s29 =	smul.u32 $0x5000, s5  }
0x8: {  	s8 =	sshrl.u32 s4, $0x1;
	s5 =	smul.u32 $0x28000, s5;
	s7 =	sand.u32 $0x380, s7  }
0x9: {  	s25 =	ssub.s32 s4, s8;
	s6 =	sor.u32 s6, s7;
	s4 =	sadd.s32 s1, s29  }
0xa: {  	s30 =	sshrl.u32 s5, $0x3;
	s31 =	smax.u32 s25, $0x1;
	s6 =	sshrl.u32 s6, $0x3  }
0xb: {  	s25 =	simm.s32 $0x0;
	s7 =	sadd.s32 $0x800, s4;
	s0 =	sadd.s32 s6, s0  }
0xc: {  	s8 =	sadd.s32 $0xC00, s4;
	[dreg:$0x4] =	wrdreg s31;
	s0 =	sadd.s32 $0xF42A00, s0  }
0xd: {  	s6 =	sadd.s32 $0x400, s4;
	[dreg:$0x3] =	wrdreg s0;
	s0 =	sadd.s32 s1, s30  }
0xe: {  	s1 =	simm.s32 $0x2;
	s9 =	sadd.s32 $0x1000, s0;
	s10 =	sadd.s32 $0x1400, s0  }
0xf: {  	s11 =	sadd.s32 $0x1800, s0;
	s12 =	sadd.s32 $0x1C00, s0;
	s13 =	sadd.s32 $0x2000, s0  }
0x10: {  	s14 =	sadd.s32 $0x2400, s0;
	s15 =	sadd.s32 $0x2800, s0;
	s16 =	sadd.s32 $0x2C00, s0  }
0x11: {  	s17 =	sadd.s32 $0x3000, s0;
	s18 =	sadd.s32 $0x3400, s0;
	s19 =	sadd.s32 $0x3800, s0  }
0x12: {  	s20 =	sadd.s32 $0x3C00, s0;
	s21 =	sadd.s32 $0x4000, s0;
	s22 =	sadd.s32 $0x4400, s0  }
0x13: {  	s23 =	sadd.s32 $0x4800, s0;
	s24 =	sadd.s32 $0x4C00, s0;
	s0 =	simm.s32 $0x1  }
.LBB2_1:
0x14: {  	[dreg:$0x5] =	wrdreg s25  }
0x15: {  	s5 =	rddreg [dreg:$0x3];
	s31 =	simm.s32 $0x400;
	s28 =	simm.s32 $0x3  }
0x16: {  	[tilespmem:s2], [sflag:$0x3] =	stream.strided.gather [hbm4b:s5+s26], $0xA00, s31, s26, $0x38;
	[tilespmem:$0xCA00] =	vst v63  }
0x17: {  	_ =	swait.ge [sflag:s28], $0xA00  }
0x18: {  	[sflag:s28] =	ssyncset.done $0x0  }
0x19: {  	s31 =	simm.s32 $0xA00;
	[sflag:s28] =	ssyncadd.s32 $0xFFFFF600  }
0x1a: {  	[tilespmem:s31], [sflag:$0x1] =	stream.indirect.gather [hbm4b:s3+s26], $0x80, s2, s26, $0xb8;
	[tilespmem:$0xCA00] =	vst v63  }
0x1b: {  	s25 =	simm.s32 $0x4A00  }
0x1c: {  	[tilespmem:s25], [sflag:$0x1] =	stream.indirect.gather [hbm4b:s3+s26], $0x80, s26, s26, $0xb8;
	[tilespmem:$0xCA00] =	vst v63  }
0x1d: {  	_ =	swait.ge [sflag:s0], $0x4000  }
0x1e: {  	[sflag:s0] =	ssyncset.done $0x0  }
0x1f: {  	s28 =	simm.s32 $0xA20;
	[sflag:s0] =	ssyncadd.s32 $0xFFFFC000  }
0x20: {  	v0 =	vld [tilespmem:s28+$0xFFFFFFE0];
	_ =	sdelay $0x2  }
0x21: {  	s29 =	sand.u32 $0x3F00, s2;
	s31 =	sand.u32 $0x40, s2  }
0x22: {  	s25 =	sor.u32 s31, s29  }
0x23: {  	[tilespmem:s25+$0x8A00] =	vst v0  }
0x24: {  	v0 =	vld [tilespmem:s28+$0xFFFFFFF0];
	_ =	sdelay $0x4  }
0x25: {  	[tilespmem:s25+$0x8A10] =	vst v0  }
0x26: {  	v0 =	vld [tilespmem:s28+$0x0];
	_ =	sdelay $0x4  }
0x27: {  	[tilespmem:s25+$0x8A20] =	vst v0  }
0x28: {  	v0 =	vld [tilespmem:s28+$0x10];
	_ =	sdelay $0x4  }
0x29: {  	s5 =	simm.s32 $0xAA0;
	[tilespmem:s25+$0x8A30] =	vst v0  }
0x2a: {  	s30 =	simm.s32 $0x100;
	s29 =	simm.s32 $0x0;
	s25 =	simm.s32 $0x80;
	v0 =	vld [tilespmem:s5+$0xFFFFFFE0]  }
.LBB2_2:
0x2b: {  	p0 =	sne.s32 s30, $0x3F80  }
0x2c: {  	s29 =	sadd.s32 $0x40, s29  }
0x2d: {  	s28 =	sand.u32 $0x3F00, s25;
	s25 =	smov.u32 s30;
	s31 =	sand.u32 $0x40, s29  }
0x2e: {  	s28 =	sor.u32 s31, s28  }
0x2f: {  	[tilespmem:s28+$0x8A00] =	vst v0  }
0x30: {  	v0 =	vld [tilespmem:s5+$0xFFFFFFF0];
	_ =	sdelay $0x4  }
0x31: {  	[tilespmem:s28+$0x8A10] =	vst v0  }
0x32: {  	v0 =	vld [tilespmem:s5+$0x0];
	_ =	sdelay $0x4  }
0x33: {  	[tilespmem:s28+$0x8A20] =	vst v0  }
0x34: {  	v0 =	vld [tilespmem:s5+$0x10];
	_ =	sdelay $0x1  }
.Ltmp0:
0x35: {  	(pc) =	sbr.rel @p0 .LBB2_2-.Ltmp0, $3  }
0x36: {  	_ =	sdelay $0x1  }
0x37: {  	s5 =	sadd.s32 $0x80, s5;
	[tilespmem:s28+$0x8A30] =	vst v0  }
0x38: {  	s30 =	sadd.s32 $0x80, s30;
	v0 =	vld [tilespmem:s5+$0xFFFFFFE0]  }
0x39: {  	_ = 	snop  }
0x3a: {  	s28 =	sadd.s32 $0x40, s29  }
0x3b: {  	s25 =	sand.u32 $0x3F00, s25;
	s28 =	sand.u32 $0x40, s28  }
0x3c: {  	s25 =	sor.u32 s28, s25  }
0x3d: {  	[tilespmem:s25+$0x8A00] =	vst v0  }
0x3e: {  	v0 =	vld [tilespmem:s5+$0xFFFFFFF0];
	_ =	sdelay $0x4  }
0x3f: {  	[tilespmem:s25+$0x8A10] =	vst v0  }
0x40: {  	v0 =	vld [tilespmem:s5+$0x0];
	_ =	sdelay $0x4  }
0x41: {  	[tilespmem:s25+$0x8A20] =	vst v0  }
0x42: {  	v0 =	vld [tilespmem:s5+$0x10];
	_ =	sdelay $0x3  }
0x43: {  	s30 =	sadd.s32 $0x0, s4  }
0x44: {  	s29 =	simm.s32 $0x8B00;
	s5 =	simm.s32 $0x8A00;
	[tilespmem:s25+$0x8A30] =	vst v0;
	s25 =	simm.s32 $0x10  }
.LBB2_4:
0x45: {  	[hbm4b:s30+s2] =	stream.linear.scatter [tilespmem:s5], [sflag:$0x2], $0x80, $0x38;
	[tilespmem:$0xCA00] =	vst v63  }
0x46: {  	s28 =	smov.u32 s25;
	s5 =	smov.u32 s29;
	p0 =	sne.s32 s25, $0x3F0  }
.Ltmp1:
0x47: {  	s25 =	sadd.s32 $0x10, s25;
	(pc) =	sbr.rel @p0 .LBB2_4-.Ltmp1, $2  }
0x48: {  	_ =	sdelay $0x2  }
0x49: {  	s29 =	sadd.s32 $0x100, s29;
	s30 =	sadd.s32 s28, s4  }
0x4a: {  	[hbm4b:s30+s2] =	stream.linear.scatter [tilespmem:s5], [sflag:$0x2], $0x80, $0x38;
	[tilespmem:$0xCA00] =	vst v63  }
0x4b: {  	s30 =	simm.s32 $0xA00;
	s25 =	simm.s32 $0x100  }
0x4c: {  	[tilespmem:s30], [sflag:$0x1] =	stream.indirect.gather [hbm4b:s3+s26], $0x80, s25, s26, $0xb8;
	[tilespmem:$0xCA00] =	vst v63  }
0x4d: {  	_ =	swait.ge [sflag:s0], $0x4000  }
0x4e: {  	[sflag:s0] =	ssyncset.done $0x0  }
0x4f: {  	s5 =	simm.s32 $0x4A30;
	[sflag:s0] =	ssyncadd.s32 $0xFFFFC000  }
0x50: {  	p0 =	por $0x0, $0x0;
	s25 =	simm.s32 $0x1;
	v0 =	vld [tilespmem:s5+$0xFFFFFFD0]  }
0x51: {  	s25 =	simm.s32 @!p0 $0x0  }
0x52: {  	s25 =	sshll.u32 s25, $0x6  }
0x53: {  	s25 =	sadd.s32 $0x0, s25  }
0x54: {  	s28 =	sor.u32 $0x80, s25  }
0x55: {  	[tilespmem:s28+$0x8A00] =	vst v0  }
0x56: {  	v0 =	vld [tilespmem:s5+$0xFFFFFFE0];
	_ =	sdelay $0x3  }
0x57: {  	s31 =	sor.u32 $0x90, s25  }
0x58: {  	[tilespmem:s31+$0x8A00] =	vst v0  }
0x59: {  	v0 =	vld [tilespmem:s5+$0xFFFFFFF0];
	_ =	sdelay $0x3  }
0x5a: {  	s30 =	sor.u32 $0xA0, s25  }
0x5b: {  	[tilespmem:s30+$0x8A00] =	vst v0  }
0x5c: {  	v0 =	vld [tilespmem:s5+$0x0];
	_ =	sdelay $0x3  }
0x5d: {  	s31 =	sor.u32 $0xB0, s25  }
0x5e: {  	s5 =	simm.s32 $0x4AB0;
	[tilespmem:s31+$0x8A00] =	vst v0  }
0x5f: {  	s29 =	simm.s32 $0x80;
	p0 =	por !p0, !p0;
	s25 =	simm.s32 $0x0;
	v0 =	vld [tilespmem:s5+$0xFFFFFFD0]  }
.LBB2_6:
0x60: {  	s28 =	simm.s32 $0x1  }
0x61: {  	p1 =	sne.s32 s29, $0x1FC0;
	s28 =	simm.s32 @!p0 $0x0  }
0x62: {  	s25 =	sadd.s32 $0x80, s25;
	s28 =	sshll.u32 s28, $0x6  }
0x63: {  	s28 =	sadd.s32 s28, s25  }
0x64: {  	s30 =	sor.u32 $0x80, s28  }
0x65: {  	[tilespmem:s30+$0x8A00] =	vst v0  }
0x66: {  	v0 =	vld [tilespmem:s5+$0xFFFFFFE0];
	_ =	sdelay $0x3  }
0x67: {  	s30 =	sor.u32 $0x90, s28  }
0x68: {  	[tilespmem:s30+$0x8A00] =	vst v0  }
0x69: {  	v0 =	vld [tilespmem:s5+$0xFFFFFFF0];
	_ =	sdelay $0x3  }
0x6a: {  	s30 =	sor.u32 $0xA0, s28  }
0x6b: {  	[tilespmem:s30+$0x8A00] =	vst v0  }
0x6c: {  	v0 =	vld [tilespmem:s5+$0x0];
	_ =	sdelay $0x1  }
.Ltmp2:
0x6d: {  	(pc) =	sbr.rel @p1 .LBB2_6-.Ltmp2, $4  }
0x6e: {  	_ = 	snop  }
0x6f: {  	s28 =	sor.u32 $0xB0, s28  }
0x70: {  	s5 =	sadd.s32 $0x80, s5;
	[tilespmem:s28+$0x8A00] =	vst v0  }
0x71: {  	s29 =	sadd.s32 $0x40, s29;
	p0 =	por !p0, !p0;
	v0 =	vld [tilespmem:s5+$0xFFFFFFD0]  }
0x72: {  	s28 =	simm.s32 $0x1  }
0x73: {  	s28 =	simm.s32 @!p0 $0x0  }
0x74: {  	s25 =	sadd.s32 $0x80, s25;
	s28 =	sshll.u32 s28, $0x6  }
0x75: {  	s25 =	sadd.s32 s28, s25  }
0x76: {  	s28 =	sor.u32 $0x80, s25  }
0x77: {  	[tilespmem:s28+$0x8A00] =	vst v0  }
0x78: {  	v0 =	vld [tilespmem:s5+$0xFFFFFFE0];
	_ =	sdelay $0x3  }
0x79: {  	s31 =	sor.u32 $0x90, s25  }
0x7a: {  	[tilespmem:s31+$0x8A00] =	vst v0  }
0x7b: {  	v0 =	vld [tilespmem:s5+$0xFFFFFFF0];
	_ =	sdelay $0x3  }
0x7c: {  	s31 =	sor.u32 $0xA0, s25  }
0x7d: {  	[tilespmem:s31+$0x8A00] =	vst v0  }
0x7e: {  	v0 =	vld [tilespmem:s5+$0x0];
	_ =	sdelay $0x3  }
0x7f: {  	s30 =	sadd.s32 $0x0, s6;
	s25 =	sor.u32 $0xB0, s25  }
0x80: {  	s29 =	simm.s32 $0x8B80;
	s5 =	simm.s32 $0x8A80;
	[tilespmem:s25+$0x8A00] =	vst v0;
	s25 =	simm.s32 $0x10  }
.LBB2_8:
0x81: {  	[hbm4b:s30+s2] =	stream.linear.scatter [tilespmem:s5], [sflag:$0x2], $0x80, $0x38;
	[tilespmem:$0xCA00] =	vst v63  }
0x82: {  	s28 =	smov.u32 s25;
	s5 =	smov.u32 s29;
	p0 =	sne.s32 s25, $0x3F0  }
.Ltmp3:
0x83: {  	s25 =	sadd.s32 $0x10, s25;
	(pc) =	sbr.rel @p0 .LBB2_8-.Ltmp3, $2  }
0x84: {  	_ =	sdelay $0x2  }
0x85: {  	s29 =	sadd.s32 $0x100, s29;
	s30 =	sadd.s32 s28, s6  }
0x86: {  	[hbm4b:s30+s2] =	stream.linear.scatter [tilespmem:s5], [sflag:$0x2], $0x80, $0x38;
	[tilespmem:$0xCA00] =	vst v63  }
0x87: {  	s28 =	simm.s32 $0x4A00;
	s25 =	simm.s32 $0x180  }
0x88: {  	[tilespmem:s28], [sflag:$0x1] =	stream.indirect.gather [hbm4b:s3+s26], $0x80, s25, s26, $0xb8;
	[tilespmem:$0xCA00] =	vst v63  }
0x89: {  	_ =	swait.ge [sflag:s0], $0x4000  }
0x8a: {  	[sflag:s0] =	ssyncset.done $0x0  }
0x8b: {  	[sflag:s0] =	ssyncadd.s32 $0xFFFFC000  }
0x8c: {  	_ =	swait.ge [sflag:s1], $0x2000  }
0x8d: {  	[sflag:s1] =	ssyncset.done $0x0  }
0x8e: {  	s31 =	simm.s32 $0xA20;
	[sflag:s1] =	ssyncadd.s32 $0xFFFFE000  }
0x8f: {  	v0 =	vld [tilespmem:s31+$0xFFFFFFE0];
	_ =	sdelay $0x1  }
0x90: {  	s5 =	simm.s32 $0x0  }
0x91: {  	s29 =	sand.u32 $0x3F00, s5;
	s28 =	sand.u32 $0x40, s5  }
0x92: {  	s28 =	sor.u32 s28, s29  }
0x93: {  	[tilespmem:s28+$0x8A00] =	vst v0  }
0x94: {  	v0 =	vld [tilespmem:s31+$0xFFFFFFF0];
	_ =	sdelay $0x4  }
0x95: {  	[tilespmem:s28+$0x8A10] =	vst v0  }
0x96: {  	v0 =	vld [tilespmem:s31+$0x0];
	_ =	sdelay $0x4  }
0x97: {  	[tilespmem:s28+$0x8A20] =	vst v0  }
0x98: {  	v0 =	vld [tilespmem:s31+$0x10];
	_ =	sdelay $0x4  }
0x99: {  	s25 =	simm.s32 $0xAA0;
	[tilespmem:s28+$0x8A30] =	vst v0  }
0x9a: {  	s30 =	simm.s32 $0x100;
	s29 =	simm.s32 $0x80;
	v0 =	vld [tilespmem:s25+$0xFFFFFFE0]  }
.LBB2_10:
0x9b: {  	p0 =	sne.s32 s30, $0x3F80  }
0x9c: {  	s5 =	sadd.s32 $0x40, s5  }
0x9d: {  	s31 =	sand.u32 $0x3F00, s29;
	s29 =	smov.u32 s30;
	s28 =	sand.u32 $0x40, s5  }
0x9e: {  	s28 =	sor.u32 s28, s31  }
0x9f: {  	[tilespmem:s28+$0x8A00] =	vst v0  }
0xa0: {  	v0 =	vld [tilespmem:s25+$0xFFFFFFF0];
	_ =	sdelay $0x4  }
0xa1: {  	[tilespmem:s28+$0x8A10] =	vst v0  }
0xa2: {  	v0 =	vld [tilespmem:s25+$0x0];
	_ =	sdelay $0x4  }
0xa3: {  	[tilespmem:s28+$0x8A20] =	vst v0  }
0xa4: {  	v0 =	vld [tilespmem:s25+$0x10];
	_ =	sdelay $0x1  }
.Ltmp4:
0xa5: {  	(pc) =	sbr.rel @p0 .LBB2_10-.Ltmp4, $3  }
0xa6: {  	_ =	sdelay $0x1  }
0xa7: {  	s25 =	sadd.s32 $0x80, s25;
	[tilespmem:s28+$0x8A30] =	vst v0  }
0xa8: {  	s30 =	sadd.s32 $0x80, s30;
	v0 =	vld [tilespmem:s25+$0xFFFFFFE0]  }
0xa9: {  	_ = 	snop  }
0xaa: {  	s5 =	sadd.s32 $0x40, s5  }
0xab: {  	s28 =	sand.u32 $0x3F00, s29;
	s5 =	sand.u32 $0x40, s5  }
0xac: {  	s28 =	sor.u32 s5, s28  }
0xad: {  	[tilespmem:s28+$0x8A00] =	vst v0  }
0xae: {  	v0 =	vld [tilespmem:s25+$0xFFFFFFF0];
	_ =	sdelay $0x4  }
0xaf: {  	[tilespmem:s28+$0x8A10] =	vst v0  }
0xb0: {  	v0 =	vld [tilespmem:s25+$0x0];
	_ =	sdelay $0x4  }
0xb1: {  	[tilespmem:s28+$0x8A20] =	vst v0  }
0xb2: {  	v0 =	vld [tilespmem:s25+$0x10];
	_ =	sdelay $0x3  }
0xb3: {  	s30 =	sadd.s32 $0x0, s7  }
0xb4: {  	s29 =	simm.s32 $0x8B00;
	s5 =	simm.s32 $0x8A00;
	s25 =	simm.s32 $0x10;
	[tilespmem:s28+$0x8A30] =	vst v0  }
.LBB2_12:
0xb5: {  	[hbm4b:s30+s2] =	stream.linear.scatter [tilespmem:s5], [sflag:$0x2], $0x80, $0x38;
	[tilespmem:$0xCA00] =	vst v63  }
0xb6: {  	s28 =	smov.u32 s25;
	s5 =	smov.u32 s29;
	p0 =	sne.s32 s25, $0x3F0  }
.Ltmp5:
0xb7: {  	s25 =	sadd.s32 $0x10, s25;
	(pc) =	sbr.rel @p0 .LBB2_12-.Ltmp5, $2  }
0xb8: {  	_ =	sdelay $0x2  }
0xb9: {  	s29 =	sadd.s32 $0x100, s29;
	s30 =	sadd.s32 s28, s7  }
0xba: {  	[hbm4b:s30+s2] =	stream.linear.scatter [tilespmem:s5], [sflag:$0x2], $0x80, $0x38;
	[tilespmem:$0xCA00] =	vst v63  }
0xbb: {  	s30 =	simm.s32 $0xA00;
	s25 =	simm.s32 $0x200  }
0xbc: {  	[tilespmem:s30], [sflag:$0x1] =	stream.indirect.gather [hbm4b:s3+s26], $0x80, s25, s26, $0xb8;
	[tilespmem:$0xCA00] =	vst v63  }
0xbd: {  	_ =	swait.ge [sflag:s0], $0x4000  }
0xbe: {  	[sflag:s0] =	ssyncset.done $0x0  }
0xbf: {  	[sflag:s0] =	ssyncadd.s32 $0xFFFFC000  }
0xc0: {  	_ =	swait.ge [sflag:s1], $0x2000  }
0xc1: {  	[sflag:s1] =	ssyncset.done $0x0  }
0xc2: {  	s5 =	simm.s32 $0x4A30;
	[sflag:s1] =	ssyncadd.s32 $0xFFFFE000  }
0xc3: {  	p0 =	por $0x0, $0x0;
	s25 =	simm.s32 $0x1;
	v0 =	vld [tilespmem:s5+$0xFFFFFFD0]  }
0xc4: {  	s25 =	simm.s32 @!p0 $0x0  }
0xc5: {  	s25 =	sshll.u32 s25, $0x6  }
0xc6: {  	s25 =	sadd.s32 $0x0, s25  }
0xc7: {  	s28 =	sor.u32 $0x80, s25  }
0xc8: {  	[tilespmem:s28+$0x8A00] =	vst v0  }
0xc9: {  	v0 =	vld [tilespmem:s5+$0xFFFFFFE0];
	_ =	sdelay $0x3  }
0xca: {  	s31 =	sor.u32 $0x90, s25  }
0xcb: {  	[tilespmem:s31+$0x8A00] =	vst v0  }
0xcc: {  	v0 =	vld [tilespmem:s5+$0xFFFFFFF0];
	_ =	sdelay $0x3  }
0xcd: {  	s30 =	sor.u32 $0xA0, s25  }
0xce: {  	[tilespmem:s30+$0x8A00] =	vst v0  }
0xcf: {  	v0 =	vld [tilespmem:s5+$0x0];
	_ =	sdelay $0x3  }
0xd0: {  	s31 =	sor.u32 $0xB0, s25  }
0xd1: {  	s5 =	simm.s32 $0x4AB0;
	[tilespmem:s31+$0x8A00] =	vst v0  }
0xd2: {  	s29 =	simm.s32 $0x80;
	p0 =	por !p0, !p0;
	s25 =	simm.s32 $0x0;
	v0 =	vld [tilespmem:s5+$0xFFFFFFD0]  }
.LBB2_14:
0xd3: {  	s28 =	simm.s32 $0x1  }
0xd4: {  	p1 =	sne.s32 s29, $0x1FC0;
	s28 =	simm.s32 @!p0 $0x0  }
0xd5: {  	s25 =	sadd.s32 $0x80, s25;
	s28 =	sshll.u32 s28, $0x6  }
0xd6: {  	s28 =	sadd.s32 s28, s25  }
0xd7: {  	s30 =	sor.u32 $0x80, s28  }
0xd8: {  	[tilespmem:s30+$0x8A00] =	vst v0  }
0xd9: {  	v0 =	vld [tilespmem:s5+$0xFFFFFFE0];
	_ =	sdelay $0x3  }
0xda: {  	s30 =	sor.u32 $0x90, s28  }
0xdb: {  	[tilespmem:s30+$0x8A00] =	vst v0  }
0xdc: {  	v0 =	vld [tilespmem:s5+$0xFFFFFFF0];
	_ =	sdelay $0x3  }
0xdd: {  	s30 =	sor.u32 $0xA0, s28  }
0xde: {  	[tilespmem:s30+$0x8A00] =	vst v0  }
0xdf: {  	v0 =	vld [tilespmem:s5+$0x0];
	_ =	sdelay $0x1  }
.Ltmp6:
0xe0: {  	(pc) =	sbr.rel @p1 .LBB2_14-.Ltmp6, $4  }
0xe1: {  	_ = 	snop  }
0xe2: {  	s28 =	sor.u32 $0xB0, s28  }
0xe3: {  	s5 =	sadd.s32 $0x80, s5;
	[tilespmem:s28+$0x8A00] =	vst v0  }
0xe4: {  	s29 =	sadd.s32 $0x40, s29;
	p0 =	por !p0, !p0;
	v0 =	vld [tilespmem:s5+$0xFFFFFFD0]  }
0xe5: {  	s28 =	simm.s32 $0x1  }
0xe6: {  	s28 =	simm.s32 @!p0 $0x0  }
0xe7: {  	s25 =	sadd.s32 $0x80, s25;
	s28 =	sshll.u32 s28, $0x6  }
0xe8: {  	s25 =	sadd.s32 s28, s25  }
0xe9: {  	s28 =	sor.u32 $0x80, s25  }
0xea: {  	[tilespmem:s28+$0x8A00] =	vst v0  }
0xeb: {  	v0 =	vld [tilespmem:s5+$0xFFFFFFE0];
	_ =	sdelay $0x3  }
0xec: {  	s31 =	sor.u32 $0x90, s25  }
0xed: {  	[tilespmem:s31+$0x8A00] =	vst v0  }
0xee: {  	v0 =	vld [tilespmem:s5+$0xFFFFFFF0];
	_ =	sdelay $0x3  }
0xef: {  	s31 =	sor.u32 $0xA0, s25  }
0xf0: {  	[tilespmem:s31+$0x8A00] =	vst v0  }
0xf1: {  	v0 =	vld [tilespmem:s5+$0x0];
	_ =	sdelay $0x3  }
0xf2: {  	s30 =	sadd.s32 $0x0, s8;
	s25 =	sor.u32 $0xB0, s25  }
0xf3: {  	s29 =	simm.s32 $0x8B80;
	s5 =	simm.s32 $0x8A80;
	[tilespmem:s25+$0x8A00] =	vst v0;
	s25 =	simm.s32 $0x10  }
.LBB2_16:
0xf4: {  	[hbm4b:s30+s2] =	stream.linear.scatter [tilespmem:s5], [sflag:$0x2], $0x80, $0x38;
	[tilespmem:$0xCA00] =	vst v63  }
0xf5: {  	s28 =	smov.u32 s25;
	s5 =	smov.u32 s29;
	p0 =	sne.s32 s25, $0x3F0  }
.Ltmp7:
0xf6: {  	s25 =	sadd.s32 $0x10, s25;
	(pc) =	sbr.rel @p0 .LBB2_16-.Ltmp7, $2  }
0xf7: {  	_ =	sdelay $0x2  }
0xf8: {  	s29 =	sadd.s32 $0x100, s29;
	s30 =	sadd.s32 s28, s8  }
0xf9: {  	[hbm4b:s30+s2] =	stream.linear.scatter [tilespmem:s5], [sflag:$0x2], $0x80, $0x38;
	[tilespmem:$0xCA00] =	vst v63  }
0xfa: {  	s28 =	simm.s32 $0x4A00;
	s25 =	simm.s32 $0x280  }
0xfb: {  	[tilespmem:s28], [sflag:$0x1] =	stream.indirect.gather [hbm4b:s3+s26], $0x80, s25, s26, $0xb8;
	[tilespmem:$0xCA00] =	vst v63  }
0xfc: {  	_ =	swait.ge [sflag:s0], $0x4000  }
0xfd: {  	[sflag:s0] =	ssyncset.done $0x0  }
0xfe: {  	[sflag:s0] =	ssyncadd.s32 $0xFFFFC000  }
0xff: {  	_ =	swait.ge [sflag:s1], $0x2000  }
0x100: {  	[sflag:s1] =	ssyncset.done $0x0  }
0x101: {  	s31 =	simm.s32 $0xA20;
	[sflag:s1] =	ssyncadd.s32 $0xFFFFE000  }
0x102: {  	v0 =	vld [tilespmem:s31+$0xFFFFFFE0];
	_ =	sdelay $0x1  }
0x103: {  	s5 =	simm.s32 $0x0  }
0x104: {  	s29 =	sand.u32 $0x3F00, s5;
	s28 =	sand.u32 $0x40, s5  }
0x105: {  	s28 =	sor.u32 s28, s29  }
0x106: {  	[tilespmem:s28+$0x8A00] =	vst v0  }
0x107: {  	v0 =	vld [tilespmem:s31+$0xFFFFFFF0];
	_ =	sdelay $0x4  }
0x108: {  	[tilespmem:s28+$0x8A10] =	vst v0  }
0x109: {  	v0 =	vld [tilespmem:s31+$0x0];
	_ =	sdelay $0x4  }
0x10a: {  	[tilespmem:s28+$0x8A20] =	vst v0  }
0x10b: {  	v0 =	vld [tilespmem:s31+$0x10];
	_ =	sdelay $0x4  }
0x10c: {  	s25 =	simm.s32 $0xAA0;
	[tilespmem:s28+$0x8A30] =	vst v0  }
0x10d: {  	s30 =	simm.s32 $0x100;
	s29 =	simm.s32 $0x80;
	v0 =	vld [tilespmem:s25+$0xFFFFFFE0]  }
.LBB2_18:
0x10e: {  	p0 =	sne.s32 s30, $0x3F80  }
0x10f: {  	s5 =	sadd.s32 $0x40, s5  }
0x110: {  	s31 =	sand.u32 $0x3F00, s29;
	s29 =	smov.u32 s30;
	s28 =	sand.u32 $0x40, s5  }
0x111: {  	s28 =	sor.u32 s28, s31  }
0x112: {  	[tilespmem:s28+$0x8A00] =	vst v0  }
0x113: {  	v0 =	vld [tilespmem:s25+$0xFFFFFFF0];
	_ =	sdelay $0x4  }
0x114: {  	[tilespmem:s28+$0x8A10] =	vst v0  }
0x115: {  	v0 =	vld [tilespmem:s25+$0x0];
	_ =	sdelay $0x4  }
0x116: {  	[tilespmem:s28+$0x8A20] =	vst v0  }
0x117: {  	v0 =	vld [tilespmem:s25+$0x10];
	_ =	sdelay $0x1  }
.Ltmp8:
0x118: {  	(pc) =	sbr.rel @p0 .LBB2_18-.Ltmp8, $3  }
0x119: {  	_ =	sdelay $0x1  }
0x11a: {  	s25 =	sadd.s32 $0x80, s25;
	[tilespmem:s28+$0x8A30] =	vst v0  }
0x11b: {  	s30 =	sadd.s32 $0x80, s30;
	v0 =	vld [tilespmem:s25+$0xFFFFFFE0]  }
0x11c: {  	_ = 	snop  }
0x11d: {  	s5 =	sadd.s32 $0x40, s5  }
0x11e: {  	s28 =	sand.u32 $0x3F00, s29;
	s5 =	sand.u32 $0x40, s5  }
0x11f: {  	s28 =	sor.u32 s5, s28  }
0x120: {  	[tilespmem:s28+$0x8A00] =	vst v0  }
0x121: {  	v0 =	vld [tilespmem:s25+$0xFFFFFFF0];
	_ =	sdelay $0x4  }
0x122: {  	[tilespmem:s28+$0x8A10] =	vst v0  }
0x123: {  	v0 =	vld [tilespmem:s25+$0x0];
	_ =	sdelay $0x4  }
0x124: {  	[tilespmem:s28+$0x8A20] =	vst v0  }
0x125: {  	v0 =	vld [tilespmem:s25+$0x10];
	_ =	sdelay $0x3  }
0x126: {  	s30 =	sadd.s32 $0x0, s9  }
0x127: {  	s29 =	simm.s32 $0x8B00;
	s5 =	simm.s32 $0x8A00;
	s25 =	simm.s32 $0x10;
	[tilespmem:s28+$0x8A30] =	vst v0  }
.LBB2_20:
0x128: {  	[hbm4b:s30+s2] =	stream.linear.scatter [tilespmem:s5], [sflag:$0x2], $0x80, $0x38;
	[tilespmem:$0xCA00] =	vst v63  }
0x129: {  	s28 =	smov.u32 s25;
	s5 =	smov.u32 s29;
	p0 =	sne.s32 s25, $0x3F0  }
.Ltmp9:
0x12a: {  	s25 =	sadd.s32 $0x10, s25;
	(pc) =	sbr.rel @p0 .LBB2_20-.Ltmp9, $2  }
0x12b: {  	_ =	sdelay $0x2  }
0x12c: {  	s29 =	sadd.s32 $0x100, s29;
	s30 =	sadd.s32 s28, s9  }
0x12d: {  	[hbm4b:s30+s2] =	stream.linear.scatter [tilespmem:s5], [sflag:$0x2], $0x80, $0x38;
	[tilespmem:$0xCA00] =	vst v63  }
0x12e: {  	s30 =	simm.s32 $0xA00;
	s25 =	simm.s32 $0x300  }
0x12f: {  	[tilespmem:s30], [sflag:$0x1] =	stream.indirect.gather [hbm4b:s3+s26], $0x80, s25, s26, $0xb8;
	[tilespmem:$0xCA00] =	vst v63  }
0x130: {  	_ =	swait.ge [sflag:s0], $0x4000  }
0x131: {  	[sflag:s0] =	ssyncset.done $0x0  }
0x132: {  	[sflag:s0] =	ssyncadd.s32 $0xFFFFC000  }
0x133: {  	_ =	swait.ge [sflag:s1], $0x2000  }
0x134: {  	[sflag:s1] =	ssyncset.done $0x0  }
0x135: {  	s5 =	simm.s32 $0x4A30;
	[sflag:s1] =	ssyncadd.s32 $0xFFFFE000  }
0x136: {  	p0 =	por $0x0, $0x0;
	s25 =	simm.s32 $0x1;
	v0 =	vld [tilespmem:s5+$0xFFFFFFD0]  }
0x137: {  	s25 =	simm.s32 @!p0 $0x0  }
0x138: {  	s25 =	sshll.u32 s25, $0x6  }
0x139: {  	s25 =	sadd.s32 $0x0, s25  }
0x13a: {  	s28 =	sor.u32 $0x80, s25  }
0x13b: {  	[tilespmem:s28+$0x8A00] =	vst v0  }
0x13c: {  	v0 =	vld [tilespmem:s5+$0xFFFFFFE0];
	_ =	sdelay $0x3  }
0x13d: {  	s31 =	sor.u32 $0x90, s25  }
0x13e: {  	[tilespmem:s31+$0x8A00] =	vst v0  }
0x13f: {  	v0 =	vld [tilespmem:s5+$0xFFFFFFF0];
	_ =	sdelay $0x3  }
0x140: {  	s30 =	sor.u32 $0xA0, s25  }
0x141: {  	[tilespmem:s30+$0x8A00] =	vst v0  }
0x142: {  	v0 =	vld [tilespmem:s5+$0x0];
	_ =	sdelay $0x3  }
0x143: {  	s31 =	sor.u32 $0xB0, s25  }
0x144: {  	s5 =	simm.s32 $0x4AB0;
	[tilespmem:s31+$0x8A00] =	vst v0  }
0x145: {  	s29 =	simm.s32 $0x80;
	p0 =	por !p0, !p0;
	s25 =	simm.s32 $0x0;
	v0 =	vld [tilespmem:s5+$0xFFFFFFD0]  }
.LBB2_22:
0x146: {  	s28 =	simm.s32 $0x1  }
0x147: {  	p1 =	sne.s32 s29, $0x1FC0;
	s28 =	simm.s32 @!p0 $0x0  }
0x148: {  	s25 =	sadd.s32 $0x80, s25;
	s28 =	sshll.u32 s28, $0x6  }
0x149: {  	s28 =	sadd.s32 s28, s25  }
0x14a: {  	s30 =	sor.u32 $0x80, s28  }
0x14b: {  	[tilespmem:s30+$0x8A00] =	vst v0  }
0x14c: {  	v0 =	vld [tilespmem:s5+$0xFFFFFFE0];
	_ =	sdelay $0x3  }
0x14d: {  	s30 =	sor.u32 $0x90, s28  }
0x14e: {  	[tilespmem:s30+$0x8A00] =	vst v0  }
0x14f: {  	v0 =	vld [tilespmem:s5+$0xFFFFFFF0];
	_ =	sdelay $0x3  }
0x150: {  	s30 =	sor.u32 $0xA0, s28  }
0x151: {  	[tilespmem:s30+$0x8A00] =	vst v0  }
0x152: {  	v0 =	vld [tilespmem:s5+$0x0];
	_ =	sdelay $0x1  }
.Ltmp10:
0x153: {  	(pc) =	sbr.rel @p1 .LBB2_22-.Ltmp10, $4  }
0x154: {  	_ = 	snop  }
0x155: {  	s28 =	sor.u32 $0xB0, s28  }
0x156: {  	s5 =	sadd.s32 $0x80, s5;
	[tilespmem:s28+$0x8A00] =	vst v0  }
0x157: {  	s29 =	sadd.s32 $0x40, s29;
	p0 =	por !p0, !p0;
	v0 =	vld [tilespmem:s5+$0xFFFFFFD0]  }
0x158: {  	s28 =	simm.s32 $0x1  }
0x159: {  	s28 =	simm.s32 @!p0 $0x0  }
0x15a: {  	s25 =	sadd.s32 $0x80, s25;
	s28 =	sshll.u32 s28, $0x6  }
0x15b: {  	s25 =	sadd.s32 s28, s25  }
0x15c: {  	s28 =	sor.u32 $0x80, s25  }
0x15d: {  	[tilespmem:s28+$0x8A00] =	vst v0  }
0x15e: {  	v0 =	vld [tilespmem:s5+$0xFFFFFFE0];
	_ =	sdelay $0x3  }
0x15f: {  	s31 =	sor.u32 $0x90, s25  }
0x160: {  	[tilespmem:s31+$0x8A00] =	vst v0  }
0x161: {  	v0 =	vld [tilespmem:s5+$0xFFFFFFF0];
	_ =	sdelay $0x3  }
0x162: {  	s31 =	sor.u32 $0xA0, s25  }
0x163: {  	[tilespmem:s31+$0x8A00] =	vst v0  }
0x164: {  	v0 =	vld [tilespmem:s5+$0x0];
	_ =	sdelay $0x3  }
0x165: {  	s30 =	sadd.s32 $0x0, s10;
	s25 =	sor.u32 $0xB0, s25  }
0x166: {  	s29 =	simm.s32 $0x8B80;
	s5 =	simm.s32 $0x8A80;
	[tilespmem:s25+$0x8A00] =	vst v0;
	s25 =	simm.s32 $0x10  }
.LBB2_24:
0x167: {  	[hbm4b:s30+s2] =	stream.linear.scatter [tilespmem:s5], [sflag:$0x2], $0x80, $0x38;
	[tilespmem:$0xCA00] =	vst v63  }
0x168: {  	s28 =	smov.u32 s25;
	s5 =	smov.u32 s29;
	p0 =	sne.s32 s25, $0x3F0  }
.Ltmp11:
0x169: {  	s25 =	sadd.s32 $0x10, s25;
	(pc) =	sbr.rel @p0 .LBB2_24-.Ltmp11, $2  }
0x16a: {  	_ =	sdelay $0x2  }
0x16b: {  	s29 =	sadd.s32 $0x100, s29;
	s30 =	sadd.s32 s28, s10  }
0x16c: {  	[hbm4b:s30+s2] =	stream.linear.scatter [tilespmem:s5], [sflag:$0x2], $0x80, $0x38;
	[tilespmem:$0xCA00] =	vst v63  }
0x16d: {  	s28 =	simm.s32 $0x4A00;
	s25 =	simm.s32 $0x380  }
0x16e: {  	[tilespmem:s28], [sflag:$0x1] =	stream.indirect.gather [hbm4b:s3+s26], $0x80, s25, s26, $0xb8;
	[tilespmem:$0xCA00] =	vst v63  }
0x16f: {  	_ =	swait.ge [sflag:s0], $0x4000  }
0x170: {  	[sflag:s0] =	ssyncset.done $0x0  }
0x171: {  	[sflag:s0] =	ssyncadd.s32 $0xFFFFC000  }
0x172: {  	_ =	swait.ge [sflag:s1], $0x2000  }
0x173: {  	[sflag:s1] =	ssyncset.done $0x0  }
0x174: {  	s31 =	simm.s32 $0xA20;
	[sflag:s1] =	ssyncadd.s32 $0xFFFFE000  }
0x175: {  	v0 =	vld [tilespmem:s31+$0xFFFFFFE0];
	_ =	sdelay $0x1  }
0x176: {  	s5 =	simm.s32 $0x0  }
0x177: {  	s29 =	sand.u32 $0x3F00, s5;
	s28 =	sand.u32 $0x40, s5  }
0x178: {  	s28 =	sor.u32 s28, s29  }
0x179: {  	[tilespmem:s28+$0x8A00] =	vst v0  }
0x17a: {  	v0 =	vld [tilespmem:s31+$0xFFFFFFF0];
	_ =	sdelay $0x4  }
0x17b: {  	[tilespmem:s28+$0x8A10] =	vst v0  }
0x17c: {  	v0 =	vld [tilespmem:s31+$0x0];
	_ =	sdelay $0x4  }
0x17d: {  	[tilespmem:s28+$0x8A20] =	vst v0  }
0x17e: {  	v0 =	vld [tilespmem:s31+$0x10];
	_ =	sdelay $0x4  }
0x17f: {  	s25 =	simm.s32 $0xAA0;
	[tilespmem:s28+$0x8A30] =	vst v0  }
0x180: {  	s30 =	simm.s32 $0x100;
	s29 =	simm.s32 $0x80;
	v0 =	vld [tilespmem:s25+$0xFFFFFFE0]  }
.LBB2_26:
0x181: {  	p0 =	sne.s32 s30, $0x3F80  }
0x182: {  	s5 =	sadd.s32 $0x40, s5  }
0x183: {  	s31 =	sand.u32 $0x3F00, s29;
	s29 =	smov.u32 s30;
	s28 =	sand.u32 $0x40, s5  }
0x184: {  	s28 =	sor.u32 s28, s31  }
0x185: {  	[tilespmem:s28+$0x8A00] =	vst v0  }
0x186: {  	v0 =	vld [tilespmem:s25+$0xFFFFFFF0];
	_ =	sdelay $0x4  }
0x187: {  	[tilespmem:s28+$0x8A10] =	vst v0  }
0x188: {  	v0 =	vld [tilespmem:s25+$0x0];
	_ =	sdelay $0x4  }
0x189: {  	[tilespmem:s28+$0x8A20] =	vst v0  }
0x18a: {  	v0 =	vld [tilespmem:s25+$0x10];
	_ =	sdelay $0x1  }
.Ltmp12:
0x18b: {  	(pc) =	sbr.rel @p0 .LBB2_26-.Ltmp12, $3  }
0x18c: {  	_ =	sdelay $0x1  }
0x18d: {  	s25 =	sadd.s32 $0x80, s25;
	[tilespmem:s28+$0x8A30] =	vst v0  }
0x18e: {  	s30 =	sadd.s32 $0x80, s30;
	v0 =	vld [tilespmem:s25+$0xFFFFFFE0]  }
0x18f: {  	_ = 	snop  }
0x190: {  	s5 =	sadd.s32 $0x40, s5  }
0x191: {  	s28 =	sand.u32 $0x3F00, s29;
	s5 =	sand.u32 $0x40, s5  }
0x192: {  	s28 =	sor.u32 s5, s28  }
0x193: {  	[tilespmem:s28+$0x8A00] =	vst v0  }
0x194: {  	v0 =	vld [tilespmem:s25+$0xFFFFFFF0];
	_ =	sdelay $0x4  }
0x195: {  	[tilespmem:s28+$0x8A10] =	vst v0  }
0x196: {  	v0 =	vld [tilespmem:s25+$0x0];
	_ =	sdelay $0x4  }
0x197: {  	[tilespmem:s28+$0x8A20] =	vst v0  }
0x198: {  	v0 =	vld [tilespmem:s25+$0x10];
	_ =	sdelay $0x3  }
0x199: {  	s30 =	sadd.s32 $0x0, s11  }
0x19a: {  	s29 =	simm.s32 $0x8B00;
	s5 =	simm.s32 $0x8A00;
	s25 =	simm.s32 $0x10;
	[tilespmem:s28+$0x8A30] =	vst v0  }
.LBB2_28:
0x19b: {  	[hbm4b:s30+s2] =	stream.linear.scatter [tilespmem:s5], [sflag:$0x2], $0x80, $0x38;
	[tilespmem:$0xCA00] =	vst v63  }
0x19c: {  	s28 =	smov.u32 s25;
	s5 =	smov.u32 s29;
	p0 =	sne.s32 s25, $0x3F0  }
.Ltmp13:
0x19d: {  	s25 =	sadd.s32 $0x10, s25;
	(pc) =	sbr.rel @p0 .LBB2_28-.Ltmp13, $2  }
0x19e: {  	_ =	sdelay $0x2  }
0x19f: {  	s29 =	sadd.s32 $0x100, s29;
	s30 =	sadd.s32 s28, s11  }
0x1a0: {  	[hbm4b:s30+s2] =	stream.linear.scatter [tilespmem:s5], [sflag:$0x2], $0x80, $0x38;
	[tilespmem:$0xCA00] =	vst v63  }
0x1a1: {  	s30 =	simm.s32 $0x400;
	s25 =	simm.s32 $0xA00  }
0x1a2: {  	[tilespmem:s25], [sflag:$0x1] =	stream.indirect.gather [hbm4b:s3+s26], $0x80, s30, s26, $0xb8;
	[tilespmem:$0xCA00] =	vst v63  }
0x1a3: {  	_ =	swait.ge [sflag:s0], $0x4000  }
0x1a4: {  	[sflag:s0] =	ssyncset.done $0x0  }
0x1a5: {  	[sflag:s0] =	ssyncadd.s32 $0xFFFFC000  }
0x1a6: {  	_ =	swait.ge [sflag:s1], $0x2000  }
0x1a7: {  	[sflag:s1] =	ssyncset.done $0x0  }
0x1a8: {  	s5 =	simm.s32 $0x4A30;
	[sflag:s1] =	ssyncadd.s32 $0xFFFFE000  }
0x1a9: {  	p0 =	por $0x0, $0x0;
	s25 =	simm.s32 $0x1;
	v0 =	vld [tilespmem:s5+$0xFFFFFFD0]  }
0x1aa: {  	s25 =	simm.s32 @!p0 $0x0  }
0x1ab: {  	s25 =	sshll.u32 s25, $0x6  }
0x1ac: {  	s25 =	sadd.s32 $0x0, s25  }
0x1ad: {  	s28 =	sor.u32 $0x80, s25  }
0x1ae: {  	[tilespmem:s28+$0x8A00] =	vst v0  }
0x1af: {  	v0 =	vld [tilespmem:s5+$0xFFFFFFE0];
	_ =	sdelay $0x3  }
0x1b0: {  	s31 =	sor.u32 $0x90, s25  }
0x1b1: {  	[tilespmem:s31+$0x8A00] =	vst v0  }
0x1b2: {  	v0 =	vld [tilespmem:s5+$0xFFFFFFF0];
	_ =	sdelay $0x3  }
0x1b3: {  	s30 =	sor.u32 $0xA0, s25  }
0x1b4: {  	[tilespmem:s30+$0x8A00] =	vst v0  }
0x1b5: {  	v0 =	vld [tilespmem:s5+$0x0];
	_ =	sdelay $0x3  }
0x1b6: {  	s31 =	sor.u32 $0xB0, s25  }
0x1b7: {  	s5 =	simm.s32 $0x4AB0;
	[tilespmem:s31+$0x8A00] =	vst v0  }
0x1b8: {  	s29 =	simm.s32 $0x80;
	p0 =	por !p0, !p0;
	s25 =	simm.s32 $0x0;
	v0 =	vld [tilespmem:s5+$0xFFFFFFD0]  }
.LBB2_30:
0x1b9: {  	s28 =	simm.s32 $0x1  }
0x1ba: {  	p1 =	sne.s32 s29, $0x1FC0;
	s28 =	simm.s32 @!p0 $0x0  }
0x1bb: {  	s25 =	sadd.s32 $0x80, s25;
	s28 =	sshll.u32 s28, $0x6  }
0x1bc: {  	s28 =	sadd.s32 s28, s25  }
0x1bd: {  	s30 =	sor.u32 $0x80, s28  }
0x1be: {  	[tilespmem:s30+$0x8A00] =	vst v0  }
0x1bf: {  	v0 =	vld [tilespmem:s5+$0xFFFFFFE0];
	_ =	sdelay $0x3  }
0x1c0: {  	s30 =	sor.u32 $0x90, s28  }
0x1c1: {  	[tilespmem:s30+$0x8A00] =	vst v0  }
0x1c2: {  	v0 =	vld [tilespmem:s5+$0xFFFFFFF0];
	_ =	sdelay $0x3  }
0x1c3: {  	s30 =	sor.u32 $0xA0, s28  }
0x1c4: {  	[tilespmem:s30+$0x8A00] =	vst v0  }
0x1c5: {  	v0 =	vld [tilespmem:s5+$0x0];
	_ =	sdelay $0x1  }
.Ltmp14:
0x1c6: {  	(pc) =	sbr.rel @p1 .LBB2_30-.Ltmp14, $4  }
0x1c7: {  	_ = 	snop  }
0x1c8: {  	s28 =	sor.u32 $0xB0, s28  }
0x1c9: {  	s5 =	sadd.s32 $0x80, s5;
	[tilespmem:s28+$0x8A00] =	vst v0  }
0x1ca: {  	s29 =	sadd.s32 $0x40, s29;
	p0 =	por !p0, !p0;
	v0 =	vld [tilespmem:s5+$0xFFFFFFD0]  }
0x1cb: {  	s28 =	simm.s32 $0x1  }
0x1cc: {  	s28 =	simm.s32 @!p0 $0x0  }
0x1cd: {  	s25 =	sadd.s32 $0x80, s25;
	s28 =	sshll.u32 s28, $0x6  }
0x1ce: {  	s25 =	sadd.s32 s28, s25  }
0x1cf: {  	s28 =	sor.u32 $0x80, s25  }
0x1d0: {  	[tilespmem:s28+$0x8A00] =	vst v0  }
0x1d1: {  	v0 =	vld [tilespmem:s5+$0xFFFFFFE0];
	_ =	sdelay $0x3  }
0x1d2: {  	s31 =	sor.u32 $0x90, s25  }
0x1d3: {  	[tilespmem:s31+$0x8A00] =	vst v0  }
0x1d4: {  	v0 =	vld [tilespmem:s5+$0xFFFFFFF0];
	_ =	sdelay $0x3  }
0x1d5: {  	s31 =	sor.u32 $0xA0, s25  }
0x1d6: {  	[tilespmem:s31+$0x8A00] =	vst v0  }
0x1d7: {  	v0 =	vld [tilespmem:s5+$0x0];
	_ =	sdelay $0x3  }
0x1d8: {  	s30 =	sadd.s32 $0x0, s12;
	s25 =	sor.u32 $0xB0, s25  }
0x1d9: {  	s29 =	simm.s32 $0x8B80;
	s5 =	simm.s32 $0x8A80;
	[tilespmem:s25+$0x8A00] =	vst v0;
	s25 =	simm.s32 $0x10  }
.LBB2_32:
0x1da: {  	[hbm4b:s30+s2] =	stream.linear.scatter [tilespmem:s5], [sflag:$0x2], $0x80, $0x38;
	[tilespmem:$0xCA00] =	vst v63  }
0x1db: {  	s28 =	smov.u32 s25;
	s5 =	smov.u32 s29;
	p0 =	sne.s32 s25, $0x3F0  }
.Ltmp15:
0x1dc: {  	s25 =	sadd.s32 $0x10, s25;
	(pc) =	sbr.rel @p0 .LBB2_32-.Ltmp15, $2  }
0x1dd: {  	_ =	sdelay $0x2  }
0x1de: {  	s29 =	sadd.s32 $0x100, s29;
	s30 =	sadd.s32 s28, s12  }
0x1df: {  	[hbm4b:s30+s2] =	stream.linear.scatter [tilespmem:s5], [sflag:$0x2], $0x80, $0x38;
	[tilespmem:$0xCA00] =	vst v63  }
0x1e0: {  	s28 =	simm.s32 $0x4A00;
	s25 =	simm.s32 $0x480  }
0x1e1: {  	[tilespmem:s28], [sflag:$0x1] =	stream.indirect.gather [hbm4b:s3+s26], $0x80, s25, s26, $0xb8;
	[tilespmem:$0xCA00] =	vst v63  }
0x1e2: {  	_ =	swait.ge [sflag:s0], $0x4000  }
0x1e3: {  	[sflag:s0] =	ssyncset.done $0x0  }
0x1e4: {  	[sflag:s0] =	ssyncadd.s32 $0xFFFFC000  }
0x1e5: {  	_ =	swait.ge [sflag:s1], $0x2000  }
0x1e6: {  	[sflag:s1] =	ssyncset.done $0x0  }
0x1e7: {  	s31 =	simm.s32 $0xA20;
	[sflag:s1] =	ssyncadd.s32 $0xFFFFE000  }
0x1e8: {  	v0 =	vld [tilespmem:s31+$0xFFFFFFE0];
	_ =	sdelay $0x1  }
0x1e9: {  	s5 =	simm.s32 $0x0  }
0x1ea: {  	s29 =	sand.u32 $0x3F00, s5;
	s28 =	sand.u32 $0x40, s5  }
0x1eb: {  	s28 =	sor.u32 s28, s29  }
0x1ec: {  	[tilespmem:s28+$0x8A00] =	vst v0  }
0x1ed: {  	v0 =	vld [tilespmem:s31+$0xFFFFFFF0];
	_ =	sdelay $0x4  }
0x1ee: {  	[tilespmem:s28+$0x8A10] =	vst v0  }
0x1ef: {  	v0 =	vld [tilespmem:s31+$0x0];
	_ =	sdelay $0x4  }
0x1f0: {  	[tilespmem:s28+$0x8A20] =	vst v0  }
0x1f1: {  	v0 =	vld [tilespmem:s31+$0x10];
	_ =	sdelay $0x4  }
0x1f2: {  	s25 =	simm.s32 $0xAA0;
	[tilespmem:s28+$0x8A30] =	vst v0  }
0x1f3: {  	s30 =	simm.s32 $0x100;
	s29 =	simm.s32 $0x80;
	v0 =	vld [tilespmem:s25+$0xFFFFFFE0]  }
.LBB2_34:
0x1f4: {  	p0 =	sne.s32 s30, $0x3F80  }
0x1f5: {  	s5 =	sadd.s32 $0x40, s5  }
0x1f6: {  	s31 =	sand.u32 $0x3F00, s29;
	s29 =	smov.u32 s30;
	s28 =	sand.u32 $0x40, s5  }
0x1f7: {  	s28 =	sor.u32 s28, s31  }
0x1f8: {  	[tilespmem:s28+$0x8A00] =	vst v0  }
0x1f9: {  	v0 =	vld [tilespmem:s25+$0xFFFFFFF0];
	_ =	sdelay $0x4  }
0x1fa: {  	[tilespmem:s28+$0x8A10] =	vst v0  }
0x1fb: {  	v0 =	vld [tilespmem:s25+$0x0];
	_ =	sdelay $0x4  }
0x1fc: {  	[tilespmem:s28+$0x8A20] =	vst v0  }
0x1fd: {  	v0 =	vld [tilespmem:s25+$0x10];
	_ =	sdelay $0x1  }
.Ltmp16:
0x1fe: {  	(pc) =	sbr.rel @p0 .LBB2_34-.Ltmp16, $3  }
0x1ff: {  	_ =	sdelay $0x1  }
0x200: {  	s25 =	sadd.s32 $0x80, s25;
	[tilespmem:s28+$0x8A30] =	vst v0  }
0x201: {  	s30 =	sadd.s32 $0x80, s30;
	v0 =	vld [tilespmem:s25+$0xFFFFFFE0]  }
0x202: {  	_ = 	snop  }
0x203: {  	s5 =	sadd.s32 $0x40, s5  }
0x204: {  	s28 =	sand.u32 $0x3F00, s29;
	s5 =	sand.u32 $0x40, s5  }
0x205: {  	s28 =	sor.u32 s5, s28  }
0x206: {  	[tilespmem:s28+$0x8A00] =	vst v0  }
0x207: {  	v0 =	vld [tilespmem:s25+$0xFFFFFFF0];
	_ =	sdelay $0x4  }
0x208: {  	[tilespmem:s28+$0x8A10] =	vst v0  }
0x209: {  	v0 =	vld [tilespmem:s25+$0x0];
	_ =	sdelay $0x4  }
0x20a: {  	[tilespmem:s28+$0x8A20] =	vst v0  }
0x20b: {  	v0 =	vld [tilespmem:s25+$0x10];
	_ =	sdelay $0x3  }
0x20c: {  	s30 =	sadd.s32 $0x0, s13  }
0x20d: {  	s29 =	simm.s32 $0x8B00;
	s5 =	simm.s32 $0x8A00;
	s25 =	simm.s32 $0x10;
	[tilespmem:s28+$0x8A30] =	vst v0  }
.LBB2_36:
0x20e: {  	[hbm4b:s30+s2] =	stream.linear.scatter [tilespmem:s5], [sflag:$0x2], $0x80, $0x38;
	[tilespmem:$0xCA00] =	vst v63  }
0x20f: {  	s28 =	smov.u32 s25;
	s5 =	smov.u32 s29;
	p0 =	sne.s32 s25, $0x3F0  }
.Ltmp17:
0x210: {  	s25 =	sadd.s32 $0x10, s25;
	(pc) =	sbr.rel @p0 .LBB2_36-.Ltmp17, $2  }
0x211: {  	_ =	sdelay $0x2  }
0x212: {  	s29 =	sadd.s32 $0x100, s29;
	s30 =	sadd.s32 s28, s13  }
0x213: {  	[hbm4b:s30+s2] =	stream.linear.scatter [tilespmem:s5], [sflag:$0x2], $0x80, $0x38;
	[tilespmem:$0xCA00] =	vst v63  }
0x214: {  	s30 =	simm.s32 $0xA00;
	s25 =	simm.s32 $0x500  }
0x215: {  	[tilespmem:s30], [sflag:$0x1] =	stream.indirect.gather [hbm4b:s3+s26], $0x80, s25, s26, $0xb8;
	[tilespmem:$0xCA00] =	vst v63  }
0x216: {  	_ =	swait.ge [sflag:s0], $0x4000  }
0x217: {  	[sflag:s0] =	ssyncset.done $0x0  }
0x218: {  	[sflag:s0] =	ssyncadd.s32 $0xFFFFC000  }
0x219: {  	_ =	swait.ge [sflag:s1], $0x2000  }
0x21a: {  	[sflag:s1] =	ssyncset.done $0x0  }
0x21b: {  	s5 =	simm.s32 $0x4A30;
	[sflag:s1] =	ssyncadd.s32 $0xFFFFE000  }
0x21c: {  	p0 =	por $0x0, $0x0;
	s25 =	simm.s32 $0x1;
	v0 =	vld [tilespmem:s5+$0xFFFFFFD0]  }
0x21d: {  	s25 =	simm.s32 @!p0 $0x0  }
0x21e: {  	s25 =	sshll.u32 s25, $0x6  }
0x21f: {  	s25 =	sadd.s32 $0x0, s25  }
0x220: {  	s28 =	sor.u32 $0x80, s25  }
0x221: {  	[tilespmem:s28+$0x8A00] =	vst v0  }
0x222: {  	v0 =	vld [tilespmem:s5+$0xFFFFFFE0];
	_ =	sdelay $0x3  }
0x223: {  	s31 =	sor.u32 $0x90, s25  }
0x224: {  	[tilespmem:s31+$0x8A00] =	vst v0  }
0x225: {  	v0 =	vld [tilespmem:s5+$0xFFFFFFF0];
	_ =	sdelay $0x3  }
0x226: {  	s30 =	sor.u32 $0xA0, s25  }
0x227: {  	[tilespmem:s30+$0x8A00] =	vst v0  }
0x228: {  	v0 =	vld [tilespmem:s5+$0x0];
	_ =	sdelay $0x3  }
0x229: {  	s31 =	sor.u32 $0xB0, s25  }
0x22a: {  	s5 =	simm.s32 $0x4AB0;
	[tilespmem:s31+$0x8A00] =	vst v0  }
0x22b: {  	s29 =	simm.s32 $0x80;
	p0 =	por !p0, !p0;
	s25 =	simm.s32 $0x0;
	v0 =	vld [tilespmem:s5+$0xFFFFFFD0]  }
.LBB2_38:
0x22c: {  	s28 =	simm.s32 $0x1  }
0x22d: {  	p1 =	sne.s32 s29, $0x1FC0;
	s28 =	simm.s32 @!p0 $0x0  }
0x22e: {  	s25 =	sadd.s32 $0x80, s25;
	s28 =	sshll.u32 s28, $0x6  }
0x22f: {  	s28 =	sadd.s32 s28, s25  }
0x230: {  	s30 =	sor.u32 $0x80, s28  }
0x231: {  	[tilespmem:s30+$0x8A00] =	vst v0  }
0x232: {  	v0 =	vld [tilespmem:s5+$0xFFFFFFE0];
	_ =	sdelay $0x3  }
0x233: {  	s30 =	sor.u32 $0x90, s28  }
0x234: {  	[tilespmem:s30+$0x8A00] =	vst v0  }
0x235: {  	v0 =	vld [tilespmem:s5+$0xFFFFFFF0];
	_ =	sdelay $0x3  }
0x236: {  	s30 =	sor.u32 $0xA0, s28  }
0x237: {  	[tilespmem:s30+$0x8A00] =	vst v0  }
0x238: {  	v0 =	vld [tilespmem:s5+$0x0];
	_ =	sdelay $0x1  }
.Ltmp18:
0x239: {  	(pc) =	sbr.rel @p1 .LBB2_38-.Ltmp18, $4  }
0x23a: {  	_ = 	snop  }
0x23b: {  	s28 =	sor.u32 $0xB0, s28  }
0x23c: {  	s5 =	sadd.s32 $0x80, s5;
	[tilespmem:s28+$0x8A00] =	vst v0  }
0x23d: {  	s29 =	sadd.s32 $0x40, s29;
	p0 =	por !p0, !p0;
	v0 =	vld [tilespmem:s5+$0xFFFFFFD0]  }
0x23e: {  	s28 =	simm.s32 $0x1  }
0x23f: {  	s28 =	simm.s32 @!p0 $0x0  }
0x240: {  	s25 =	sadd.s32 $0x80, s25;
	s28 =	sshll.u32 s28, $0x6  }
0x241: {  	s25 =	sadd.s32 s28, s25  }
0x242: {  	s28 =	sor.u32 $0x80, s25  }
0x243: {  	[tilespmem:s28+$0x8A00] =	vst v0  }
0x244: {  	v0 =	vld [tilespmem:s5+$0xFFFFFFE0];
	_ =	sdelay $0x3  }
0x245: {  	s31 =	sor.u32 $0x90, s25  }
0x246: {  	[tilespmem:s31+$0x8A00] =	vst v0  }
0x247: {  	v0 =	vld [tilespmem:s5+$0xFFFFFFF0];
	_ =	sdelay $0x3  }
0x248: {  	s31 =	sor.u32 $0xA0, s25  }
0x249: {  	[tilespmem:s31+$0x8A00] =	vst v0  }
0x24a: {  	v0 =	vld [tilespmem:s5+$0x0];
	_ =	sdelay $0x3  }
0x24b: {  	s30 =	sadd.s32 $0x0, s14;
	s25 =	sor.u32 $0xB0, s25  }
0x24c: {  	s29 =	simm.s32 $0x8B80;
	s5 =	simm.s32 $0x8A80;
	[tilespmem:s25+$0x8A00] =	vst v0;
	s25 =	simm.s32 $0x10  }
.LBB2_40:
0x24d: {  	[hbm4b:s30+s2] =	stream.linear.scatter [tilespmem:s5], [sflag:$0x2], $0x80, $0x38;
	[tilespmem:$0xCA00] =	vst v63  }
0x24e: {  	s28 =	smov.u32 s25;
	s5 =	smov.u32 s29;
	p0 =	sne.s32 s25, $0x3F0  }
.Ltmp19:
0x24f: {  	s25 =	sadd.s32 $0x10, s25;
	(pc) =	sbr.rel @p0 .LBB2_40-.Ltmp19, $2  }
0x250: {  	_ =	sdelay $0x2  }
0x251: {  	s29 =	sadd.s32 $0x100, s29;
	s30 =	sadd.s32 s28, s14  }
0x252: {  	[hbm4b:s30+s2] =	stream.linear.scatter [tilespmem:s5], [sflag:$0x2], $0x80, $0x38;
	[tilespmem:$0xCA00] =	vst v63  }
0x253: {  	s28 =	simm.s32 $0x4A00;
	s25 =	simm.s32 $0x580  }
0x254: {  	[tilespmem:s28], [sflag:$0x1] =	stream.indirect.gather [hbm4b:s3+s26], $0x80, s25, s26, $0xb8;
	[tilespmem:$0xCA00] =	vst v63  }
0x255: {  	_ =	swait.ge [sflag:s0], $0x4000  }
0x256: {  	[sflag:s0] =	ssyncset.done $0x0  }
0x257: {  	[sflag:s0] =	ssyncadd.s32 $0xFFFFC000  }
0x258: {  	_ =	swait.ge [sflag:s1], $0x2000  }
0x259: {  	[sflag:s1] =	ssyncset.done $0x0  }
0x25a: {  	s31 =	simm.s32 $0xA20;
	[sflag:s1] =	ssyncadd.s32 $0xFFFFE000  }
0x25b: {  	v0 =	vld [tilespmem:s31+$0xFFFFFFE0];
	_ =	sdelay $0x1  }
0x25c: {  	s5 =	simm.s32 $0x0  }
0x25d: {  	s29 =	sand.u32 $0x3F00, s5;
	s28 =	sand.u32 $0x40, s5  }
0x25e: {  	s28 =	sor.u32 s28, s29  }
0x25f: {  	[tilespmem:s28+$0x8A00] =	vst v0  }
0x260: {  	v0 =	vld [tilespmem:s31+$0xFFFFFFF0];
	_ =	sdelay $0x4  }
0x261: {  	[tilespmem:s28+$0x8A10] =	vst v0  }
0x262: {  	v0 =	vld [tilespmem:s31+$0x0];
	_ =	sdelay $0x4  }
0x263: {  	[tilespmem:s28+$0x8A20] =	vst v0  }
0x264: {  	v0 =	vld [tilespmem:s31+$0x10];
	_ =	sdelay $0x4  }
0x265: {  	s25 =	simm.s32 $0xAA0;
	[tilespmem:s28+$0x8A30] =	vst v0  }
0x266: {  	s30 =	simm.s32 $0x100;
	s29 =	simm.s32 $0x80;
	v0 =	vld [tilespmem:s25+$0xFFFFFFE0]  }
.LBB2_42:
0x267: {  	p0 =	sne.s32 s30, $0x3F80  }
0x268: {  	s5 =	sadd.s32 $0x40, s5  }
0x269: {  	s31 =	sand.u32 $0x3F00, s29;
	s29 =	smov.u32 s30;
	s28 =	sand.u32 $0x40, s5  }
0x26a: {  	s28 =	sor.u32 s28, s31  }
0x26b: {  	[tilespmem:s28+$0x8A00] =	vst v0  }
0x26c: {  	v0 =	vld [tilespmem:s25+$0xFFFFFFF0];
	_ =	sdelay $0x4  }
0x26d: {  	[tilespmem:s28+$0x8A10] =	vst v0  }
0x26e: {  	v0 =	vld [tilespmem:s25+$0x0];
	_ =	sdelay $0x4  }
0x26f: {  	[tilespmem:s28+$0x8A20] =	vst v0  }
0x270: {  	v0 =	vld [tilespmem:s25+$0x10];
	_ =	sdelay $0x1  }
.Ltmp20:
0x271: {  	(pc) =	sbr.rel @p0 .LBB2_42-.Ltmp20, $3  }
0x272: {  	_ =	sdelay $0x1  }
0x273: {  	s25 =	sadd.s32 $0x80, s25;
	[tilespmem:s28+$0x8A30] =	vst v0  }
0x274: {  	s30 =	sadd.s32 $0x80, s30;
	v0 =	vld [tilespmem:s25+$0xFFFFFFE0]  }
0x275: {  	_ = 	snop  }
0x276: {  	s5 =	sadd.s32 $0x40, s5  }
0x277: {  	s28 =	sand.u32 $0x3F00, s29;
	s5 =	sand.u32 $0x40, s5  }
0x278: {  	s28 =	sor.u32 s5, s28  }
0x279: {  	[tilespmem:s28+$0x8A00] =	vst v0  }
0x27a: {  	v0 =	vld [tilespmem:s25+$0xFFFFFFF0];
	_ =	sdelay $0x4  }
0x27b: {  	[tilespmem:s28+$0x8A10] =	vst v0  }
0x27c: {  	v0 =	vld [tilespmem:s25+$0x0];
	_ =	sdelay $0x4  }
0x27d: {  	[tilespmem:s28+$0x8A20] =	vst v0  }
0x27e: {  	v0 =	vld [tilespmem:s25+$0x10];
	_ =	sdelay $0x3  }
0x27f: {  	s30 =	sadd.s32 $0x0, s15  }
0x280: {  	s29 =	simm.s32 $0x8B00;
	s5 =	simm.s32 $0x8A00;
	s25 =	simm.s32 $0x10;
	[tilespmem:s28+$0x8A30] =	vst v0  }
.LBB2_44:
0x281: {  	[hbm4b:s30+s2] =	stream.linear.scatter [tilespmem:s5], [sflag:$0x2], $0x80, $0x38;
	[tilespmem:$0xCA00] =	vst v63  }
0x282: {  	s28 =	smov.u32 s25;
	s5 =	smov.u32 s29;
	p0 =	sne.s32 s25, $0x3F0  }
.Ltmp21:
0x283: {  	s25 =	sadd.s32 $0x10, s25;
	(pc) =	sbr.rel @p0 .LBB2_44-.Ltmp21, $2  }
0x284: {  	_ =	sdelay $0x2  }
0x285: {  	s29 =	sadd.s32 $0x100, s29;
	s30 =	sadd.s32 s28, s15  }
0x286: {  	[hbm4b:s30+s2] =	stream.linear.scatter [tilespmem:s5], [sflag:$0x2], $0x80, $0x38;
	[tilespmem:$0xCA00] =	vst v63  }
0x287: {  	s30 =	simm.s32 $0xA00;
	s25 =	simm.s32 $0x600  }
0x288: {  	[tilespmem:s30], [sflag:$0x1] =	stream.indirect.gather [hbm4b:s3+s26], $0x80, s25, s26, $0xb8;
	[tilespmem:$0xCA00] =	vst v63  }
0x289: {  	_ =	swait.ge [sflag:s0], $0x4000  }
0x28a: {  	[sflag:s0] =	ssyncset.done $0x0  }
0x28b: {  	[sflag:s0] =	ssyncadd.s32 $0xFFFFC000  }
0x28c: {  	_ =	swait.ge [sflag:s1], $0x2000  }
0x28d: {  	[sflag:s1] =	ssyncset.done $0x0  }
0x28e: {  	s5 =	simm.s32 $0x4A30;
	[sflag:s1] =	ssyncadd.s32 $0xFFFFE000  }
0x28f: {  	p0 =	por $0x0, $0x0;
	s25 =	simm.s32 $0x1;
	v0 =	vld [tilespmem:s5+$0xFFFFFFD0]  }
0x290: {  	s25 =	simm.s32 @!p0 $0x0  }
0x291: {  	s25 =	sshll.u32 s25, $0x6  }
0x292: {  	s25 =	sadd.s32 $0x0, s25  }
0x293: {  	s28 =	sor.u32 $0x80, s25  }
0x294: {  	[tilespmem:s28+$0x8A00] =	vst v0  }
0x295: {  	v0 =	vld [tilespmem:s5+$0xFFFFFFE0];
	_ =	sdelay $0x3  }
0x296: {  	s31 =	sor.u32 $0x90, s25  }
0x297: {  	[tilespmem:s31+$0x8A00] =	vst v0  }
0x298: {  	v0 =	vld [tilespmem:s5+$0xFFFFFFF0];
	_ =	sdelay $0x3  }
0x299: {  	s30 =	sor.u32 $0xA0, s25  }
0x29a: {  	[tilespmem:s30+$0x8A00] =	vst v0  }
0x29b: {  	v0 =	vld [tilespmem:s5+$0x0];
	_ =	sdelay $0x3  }
0x29c: {  	s31 =	sor.u32 $0xB0, s25  }
0x29d: {  	s5 =	simm.s32 $0x4AB0;
	[tilespmem:s31+$0x8A00] =	vst v0  }
0x29e: {  	s29 =	simm.s32 $0x80;
	p0 =	por !p0, !p0;
	s25 =	simm.s32 $0x0;
	v0 =	vld [tilespmem:s5+$0xFFFFFFD0]  }
.LBB2_46:
0x29f: {  	s28 =	simm.s32 $0x1  }
0x2a0: {  	p1 =	sne.s32 s29, $0x1FC0;
	s28 =	simm.s32 @!p0 $0x0  }
0x2a1: {  	s25 =	sadd.s32 $0x80, s25;
	s28 =	sshll.u32 s28, $0x6  }
0x2a2: {  	s28 =	sadd.s32 s28, s25  }
0x2a3: {  	s30 =	sor.u32 $0x80, s28  }
0x2a4: {  	[tilespmem:s30+$0x8A00] =	vst v0  }
0x2a5: {  	v0 =	vld [tilespmem:s5+$0xFFFFFFE0];
	_ =	sdelay $0x3  }
0x2a6: {  	s30 =	sor.u32 $0x90, s28  }
0x2a7: {  	[tilespmem:s30+$0x8A00] =	vst v0  }
0x2a8: {  	v0 =	vld [tilespmem:s5+$0xFFFFFFF0];
	_ =	sdelay $0x3  }
0x2a9: {  	s30 =	sor.u32 $0xA0, s28  }
0x2aa: {  	[tilespmem:s30+$0x8A00] =	vst v0  }
0x2ab: {  	v0 =	vld [tilespmem:s5+$0x0];
	_ =	sdelay $0x1  }
.Ltmp22:
0x2ac: {  	(pc) =	sbr.rel @p1 .LBB2_46-.Ltmp22, $4  }
0x2ad: {  	_ = 	snop  }
0x2ae: {  	s28 =	sor.u32 $0xB0, s28  }
0x2af: {  	s5 =	sadd.s32 $0x80, s5;
	[tilespmem:s28+$0x8A00] =	vst v0  }
0x2b0: {  	s29 =	sadd.s32 $0x40, s29;
	p0 =	por !p0, !p0;
	v0 =	vld [tilespmem:s5+$0xFFFFFFD0]  }
0x2b1: {  	s28 =	simm.s32 $0x1  }
0x2b2: {  	s28 =	simm.s32 @!p0 $0x0  }
0x2b3: {  	s25 =	sadd.s32 $0x80, s25;
	s28 =	sshll.u32 s28, $0x6  }
0x2b4: {  	s25 =	sadd.s32 s28, s25  }
0x2b5: {  	s28 =	sor.u32 $0x80, s25  }
0x2b6: {  	[tilespmem:s28+$0x8A00] =	vst v0  }
0x2b7: {  	v0 =	vld [tilespmem:s5+$0xFFFFFFE0];
	_ =	sdelay $0x3  }
0x2b8: {  	s31 =	sor.u32 $0x90, s25  }
0x2b9: {  	[tilespmem:s31+$0x8A00] =	vst v0  }
0x2ba: {  	v0 =	vld [tilespmem:s5+$0xFFFFFFF0];
	_ =	sdelay $0x3  }
0x2bb: {  	s31 =	sor.u32 $0xA0, s25  }
0x2bc: {  	[tilespmem:s31+$0x8A00] =	vst v0  }
0x2bd: {  	v0 =	vld [tilespmem:s5+$0x0];
	_ =	sdelay $0x3  }
0x2be: {  	s30 =	sadd.s32 $0x0, s16;
	s25 =	sor.u32 $0xB0, s25  }
0x2bf: {  	s29 =	simm.s32 $0x8B80;
	s5 =	simm.s32 $0x8A80;
	[tilespmem:s25+$0x8A00] =	vst v0;
	s25 =	simm.s32 $0x10  }
.LBB2_48:
0x2c0: {  	[hbm4b:s30+s2] =	stream.linear.scatter [tilespmem:s5], [sflag:$0x2], $0x80, $0x38;
	[tilespmem:$0xCA00] =	vst v63  }
0x2c1: {  	s28 =	smov.u32 s25;
	s5 =	smov.u32 s29;
	p0 =	sne.s32 s25, $0x3F0  }
.Ltmp23:
0x2c2: {  	s25 =	sadd.s32 $0x10, s25;
	(pc) =	sbr.rel @p0 .LBB2_48-.Ltmp23, $2  }
0x2c3: {  	_ =	sdelay $0x2  }
0x2c4: {  	s29 =	sadd.s32 $0x100, s29;
	s30 =	sadd.s32 s28, s16  }
0x2c5: {  	[hbm4b:s30+s2] =	stream.linear.scatter [tilespmem:s5], [sflag:$0x2], $0x80, $0x38;
	[tilespmem:$0xCA00] =	vst v63  }
0x2c6: {  	s28 =	simm.s32 $0x4A00;
	s25 =	simm.s32 $0x680  }
0x2c7: {  	[tilespmem:s28], [sflag:$0x1] =	stream.indirect.gather [hbm4b:s3+s26], $0x80, s25, s26, $0xb8;
	[tilespmem:$0xCA00] =	vst v63  }
0x2c8: {  	_ =	swait.ge [sflag:s0], $0x4000  }
0x2c9: {  	[sflag:s0] =	ssyncset.done $0x0  }
0x2ca: {  	[sflag:s0] =	ssyncadd.s32 $0xFFFFC000  }
0x2cb: {  	_ =	swait.ge [sflag:s1], $0x2000  }
0x2cc: {  	[sflag:s1] =	ssyncset.done $0x0  }
0x2cd: {  	s31 =	simm.s32 $0xA20;
	[sflag:s1] =	ssyncadd.s32 $0xFFFFE000  }
0x2ce: {  	v0 =	vld [tilespmem:s31+$0xFFFFFFE0];
	_ =	sdelay $0x1  }
0x2cf: {  	s5 =	simm.s32 $0x0  }
0x2d0: {  	s29 =	sand.u32 $0x3F00, s5;
	s28 =	sand.u32 $0x40, s5  }
0x2d1: {  	s28 =	sor.u32 s28, s29  }
0x2d2: {  	[tilespmem:s28+$0x8A00] =	vst v0  }
0x2d3: {  	v0 =	vld [tilespmem:s31+$0xFFFFFFF0];
	_ =	sdelay $0x4  }
0x2d4: {  	[tilespmem:s28+$0x8A10] =	vst v0  }
0x2d5: {  	v0 =	vld [tilespmem:s31+$0x0];
	_ =	sdelay $0x4  }
0x2d6: {  	[tilespmem:s28+$0x8A20] =	vst v0  }
0x2d7: {  	v0 =	vld [tilespmem:s31+$0x10];
	_ =	sdelay $0x4  }
0x2d8: {  	s25 =	simm.s32 $0xAA0;
	[tilespmem:s28+$0x8A30] =	vst v0  }
0x2d9: {  	s30 =	simm.s32 $0x100;
	s29 =	simm.s32 $0x80;
	v0 =	vld [tilespmem:s25+$0xFFFFFFE0]  }
.LBB2_50:
0x2da: {  	p0 =	sne.s32 s30, $0x3F80  }
0x2db: {  	s5 =	sadd.s32 $0x40, s5  }
0x2dc: {  	s31 =	sand.u32 $0x3F00, s29;
	s29 =	smov.u32 s30;
	s28 =	sand.u32 $0x40, s5  }
0x2dd: {  	s28 =	sor.u32 s28, s31  }
0x2de: {  	[tilespmem:s28+$0x8A00] =	vst v0  }
0x2df: {  	v0 =	vld [tilespmem:s25+$0xFFFFFFF0];
	_ =	sdelay $0x4  }
0x2e0: {  	[tilespmem:s28+$0x8A10] =	vst v0  }
0x2e1: {  	v0 =	vld [tilespmem:s25+$0x0];
	_ =	sdelay $0x4  }
0x2e2: {  	[tilespmem:s28+$0x8A20] =	vst v0  }
0x2e3: {  	v0 =	vld [tilespmem:s25+$0x10];
	_ =	sdelay $0x1  }
.Ltmp24:
0x2e4: {  	(pc) =	sbr.rel @p0 .LBB2_50-.Ltmp24, $3  }
0x2e5: {  	_ =	sdelay $0x1  }
0x2e6: {  	s25 =	sadd.s32 $0x80, s25;
	[tilespmem:s28+$0x8A30] =	vst v0  }
0x2e7: {  	s30 =	sadd.s32 $0x80, s30;
	v0 =	vld [tilespmem:s25+$0xFFFFFFE0]  }
0x2e8: {  	_ = 	snop  }
0x2e9: {  	s5 =	sadd.s32 $0x40, s5  }
0x2ea: {  	s28 =	sand.u32 $0x3F00, s29;
	s5 =	sand.u32 $0x40, s5  }
0x2eb: {  	s28 =	sor.u32 s5, s28  }
0x2ec: {  	[tilespmem:s28+$0x8A00] =	vst v0  }
0x2ed: {  	v0 =	vld [tilespmem:s25+$0xFFFFFFF0];
	_ =	sdelay $0x4  }
0x2ee: {  	[tilespmem:s28+$0x8A10] =	vst v0  }
0x2ef: {  	v0 =	vld [tilespmem:s25+$0x0];
	_ =	sdelay $0x4  }
0x2f0: {  	[tilespmem:s28+$0x8A20] =	vst v0  }
0x2f1: {  	v0 =	vld [tilespmem:s25+$0x10];
	_ =	sdelay $0x3  }
0x2f2: {  	s30 =	sadd.s32 $0x0, s17  }
0x2f3: {  	s29 =	simm.s32 $0x8B00;
	s5 =	simm.s32 $0x8A00;
	s25 =	simm.s32 $0x10;
	[tilespmem:s28+$0x8A30] =	vst v0  }
.LBB2_52:
0x2f4: {  	[hbm4b:s30+s2] =	stream.linear.scatter [tilespmem:s5], [sflag:$0x2], $0x80, $0x38;
	[tilespmem:$0xCA00] =	vst v63  }
0x2f5: {  	s28 =	smov.u32 s25;
	s5 =	smov.u32 s29;
	p0 =	sne.s32 s25, $0x3F0  }
.Ltmp25:
0x2f6: {  	s25 =	sadd.s32 $0x10, s25;
	(pc) =	sbr.rel @p0 .LBB2_52-.Ltmp25, $2  }
0x2f7: {  	_ =	sdelay $0x2  }
0x2f8: {  	s29 =	sadd.s32 $0x100, s29;
	s30 =	sadd.s32 s28, s17  }
0x2f9: {  	[hbm4b:s30+s2] =	stream.linear.scatter [tilespmem:s5], [sflag:$0x2], $0x80, $0x38;
	[tilespmem:$0xCA00] =	vst v63  }
0x2fa: {  	s30 =	simm.s32 $0xA00;
	s25 =	simm.s32 $0x700  }
0x2fb: {  	[tilespmem:s30], [sflag:$0x1] =	stream.indirect.gather [hbm4b:s3+s26], $0x80, s25, s26, $0xb8;
	[tilespmem:$0xCA00] =	vst v63  }
0x2fc: {  	_ =	swait.ge [sflag:s0], $0x4000  }
0x2fd: {  	[sflag:s0] =	ssyncset.done $0x0  }
0x2fe: {  	[sflag:s0] =	ssyncadd.s32 $0xFFFFC000  }
0x2ff: {  	_ =	swait.ge [sflag:s1], $0x2000  }
0x300: {  	[sflag:s1] =	ssyncset.done $0x0  }
0x301: {  	s5 =	simm.s32 $0x4A30;
	[sflag:s1] =	ssyncadd.s32 $0xFFFFE000  }
0x302: {  	p0 =	por $0x0, $0x0;
	s25 =	simm.s32 $0x1;
	v0 =	vld [tilespmem:s5+$0xFFFFFFD0]  }
0x303: {  	s25 =	simm.s32 @!p0 $0x0  }
0x304: {  	s25 =	sshll.u32 s25, $0x6  }
0x305: {  	s25 =	sadd.s32 $0x0, s25  }
0x306: {  	s28 =	sor.u32 $0x80, s25  }
0x307: {  	[tilespmem:s28+$0x8A00] =	vst v0  }
0x308: {  	v0 =	vld [tilespmem:s5+$0xFFFFFFE0];
	_ =	sdelay $0x3  }
0x309: {  	s31 =	sor.u32 $0x90, s25  }
0x30a: {  	[tilespmem:s31+$0x8A00] =	vst v0  }
0x30b: {  	v0 =	vld [tilespmem:s5+$0xFFFFFFF0];
	_ =	sdelay $0x3  }
0x30c: {  	s30 =	sor.u32 $0xA0, s25  }
0x30d: {  	[tilespmem:s30+$0x8A00] =	vst v0  }
0x30e: {  	v0 =	vld [tilespmem:s5+$0x0];
	_ =	sdelay $0x3  }
0x30f: {  	s31 =	sor.u32 $0xB0, s25  }
0x310: {  	s5 =	simm.s32 $0x4AB0;
	[tilespmem:s31+$0x8A00] =	vst v0  }
0x311: {  	s29 =	simm.s32 $0x80;
	p0 =	por !p0, !p0;
	s25 =	simm.s32 $0x0;
	v0 =	vld [tilespmem:s5+$0xFFFFFFD0]  }
.LBB2_54:
0x312: {  	s28 =	simm.s32 $0x1  }
0x313: {  	p1 =	sne.s32 s29, $0x1FC0;
	s28 =	simm.s32 @!p0 $0x0  }
0x314: {  	s25 =	sadd.s32 $0x80, s25;
	s28 =	sshll.u32 s28, $0x6  }
0x315: {  	s28 =	sadd.s32 s28, s25  }
0x316: {  	s30 =	sor.u32 $0x80, s28  }
0x317: {  	[tilespmem:s30+$0x8A00] =	vst v0  }
0x318: {  	v0 =	vld [tilespmem:s5+$0xFFFFFFE0];
	_ =	sdelay $0x3  }
0x319: {  	s30 =	sor.u32 $0x90, s28  }
0x31a: {  	[tilespmem:s30+$0x8A00] =	vst v0  }
0x31b: {  	v0 =	vld [tilespmem:s5+$0xFFFFFFF0];
	_ =	sdelay $0x3  }
0x31c: {  	s30 =	sor.u32 $0xA0, s28  }
0x31d: {  	[tilespmem:s30+$0x8A00] =	vst v0  }
0x31e: {  	v0 =	vld [tilespmem:s5+$0x0];
	_ =	sdelay $0x1  }
.Ltmp26:
0x31f: {  	(pc) =	sbr.rel @p1 .LBB2_54-.Ltmp26, $4  }
0x320: {  	_ = 	snop  }
0x321: {  	s28 =	sor.u32 $0xB0, s28  }
0x322: {  	s5 =	sadd.s32 $0x80, s5;
	[tilespmem:s28+$0x8A00] =	vst v0  }
0x323: {  	s29 =	sadd.s32 $0x40, s29;
	p0 =	por !p0, !p0;
	v0 =	vld [tilespmem:s5+$0xFFFFFFD0]  }
0x324: {  	s28 =	simm.s32 $0x1  }
0x325: {  	s28 =	simm.s32 @!p0 $0x0  }
0x326: {  	s25 =	sadd.s32 $0x80, s25;
	s28 =	sshll.u32 s28, $0x6  }
0x327: {  	s25 =	sadd.s32 s28, s25  }
0x328: {  	s28 =	sor.u32 $0x80, s25  }
0x329: {  	[tilespmem:s28+$0x8A00] =	vst v0  }
0x32a: {  	v0 =	vld [tilespmem:s5+$0xFFFFFFE0];
	_ =	sdelay $0x3  }
0x32b: {  	s31 =	sor.u32 $0x90, s25  }
0x32c: {  	[tilespmem:s31+$0x8A00] =	vst v0  }
0x32d: {  	v0 =	vld [tilespmem:s5+$0xFFFFFFF0];
	_ =	sdelay $0x3  }
0x32e: {  	s31 =	sor.u32 $0xA0, s25  }
0x32f: {  	[tilespmem:s31+$0x8A00] =	vst v0  }
0x330: {  	v0 =	vld [tilespmem:s5+$0x0];
	_ =	sdelay $0x3  }
0x331: {  	s30 =	sadd.s32 $0x0, s18;
	s25 =	sor.u32 $0xB0, s25  }
0x332: {  	s29 =	simm.s32 $0x8B80;
	s5 =	simm.s32 $0x8A80;
	[tilespmem:s25+$0x8A00] =	vst v0;
	s25 =	simm.s32 $0x10  }
.LBB2_56:
0x333: {  	[hbm4b:s30+s2] =	stream.linear.scatter [tilespmem:s5], [sflag:$0x2], $0x80, $0x38;
	[tilespmem:$0xCA00] =	vst v63  }
0x334: {  	s28 =	smov.u32 s25;
	s5 =	smov.u32 s29;
	p0 =	sne.s32 s25, $0x3F0  }
.Ltmp27:
0x335: {  	s25 =	sadd.s32 $0x10, s25;
	(pc) =	sbr.rel @p0 .LBB2_56-.Ltmp27, $2  }
0x336: {  	_ =	sdelay $0x2  }
0x337: {  	s29 =	sadd.s32 $0x100, s29;
	s30 =	sadd.s32 s28, s18  }
0x338: {  	[hbm4b:s30+s2] =	stream.linear.scatter [tilespmem:s5], [sflag:$0x2], $0x80, $0x38;
	[tilespmem:$0xCA00] =	vst v63  }
0x339: {  	s28 =	simm.s32 $0x4A00;
	s25 =	simm.s32 $0x780  }
0x33a: {  	[tilespmem:s28], [sflag:$0x1] =	stream.indirect.gather [hbm4b:s3+s26], $0x80, s25, s26, $0xb8;
	[tilespmem:$0xCA00] =	vst v63  }
0x33b: {  	_ =	swait.ge [sflag:s0], $0x4000  }
0x33c: {  	[sflag:s0] =	ssyncset.done $0x0  }
0x33d: {  	[sflag:s0] =	ssyncadd.s32 $0xFFFFC000  }
0x33e: {  	_ =	swait.ge [sflag:s1], $0x2000  }
0x33f: {  	[sflag:s1] =	ssyncset.done $0x0  }
0x340: {  	s31 =	simm.s32 $0xA20;
	[sflag:s1] =	ssyncadd.s32 $0xFFFFE000  }
0x341: {  	v0 =	vld [tilespmem:s31+$0xFFFFFFE0];
	_ =	sdelay $0x1  }
0x342: {  	s5 =	simm.s32 $0x0  }
0x343: {  	s29 =	sand.u32 $0x3F00, s5;
	s28 =	sand.u32 $0x40, s5  }
0x344: {  	s28 =	sor.u32 s28, s29  }
0x345: {  	[tilespmem:s28+$0x8A00] =	vst v0  }
0x346: {  	v0 =	vld [tilespmem:s31+$0xFFFFFFF0];
	_ =	sdelay $0x4  }
0x347: {  	[tilespmem:s28+$0x8A10] =	vst v0  }
0x348: {  	v0 =	vld [tilespmem:s31+$0x0];
	_ =	sdelay $0x4  }
0x349: {  	[tilespmem:s28+$0x8A20] =	vst v0  }
0x34a: {  	v0 =	vld [tilespmem:s31+$0x10];
	_ =	sdelay $0x4  }
0x34b: {  	s25 =	simm.s32 $0xAA0;
	[tilespmem:s28+$0x8A30] =	vst v0  }
0x34c: {  	s30 =	simm.s32 $0x100;
	s29 =	simm.s32 $0x80;
	v0 =	vld [tilespmem:s25+$0xFFFFFFE0]  }
.LBB2_58:
0x34d: {  	p0 =	sne.s32 s30, $0x3F80  }
0x34e: {  	s5 =	sadd.s32 $0x40, s5  }
0x34f: {  	s31 =	sand.u32 $0x3F00, s29;
	s29 =	smov.u32 s30;
	s28 =	sand.u32 $0x40, s5  }
0x350: {  	s28 =	sor.u32 s28, s31  }
0x351: {  	[tilespmem:s28+$0x8A00] =	vst v0  }
0x352: {  	v0 =	vld [tilespmem:s25+$0xFFFFFFF0];
	_ =	sdelay $0x4  }
0x353: {  	[tilespmem:s28+$0x8A10] =	vst v0  }
0x354: {  	v0 =	vld [tilespmem:s25+$0x0];
	_ =	sdelay $0x4  }
0x355: {  	[tilespmem:s28+$0x8A20] =	vst v0  }
0x356: {  	v0 =	vld [tilespmem:s25+$0x10];
	_ =	sdelay $0x1  }
.Ltmp28:
0x357: {  	(pc) =	sbr.rel @p0 .LBB2_58-.Ltmp28, $3  }
0x358: {  	_ =	sdelay $0x1  }
0x359: {  	s25 =	sadd.s32 $0x80, s25;
	[tilespmem:s28+$0x8A30] =	vst v0  }
0x35a: {  	s30 =	sadd.s32 $0x80, s30;
	v0 =	vld [tilespmem:s25+$0xFFFFFFE0]  }
0x35b: {  	_ = 	snop  }
0x35c: {  	s5 =	sadd.s32 $0x40, s5  }
0x35d: {  	s28 =	sand.u32 $0x3F00, s29;
	s5 =	sand.u32 $0x40, s5  }
0x35e: {  	s28 =	sor.u32 s5, s28  }
0x35f: {  	[tilespmem:s28+$0x8A00] =	vst v0  }
0x360: {  	v0 =	vld [tilespmem:s25+$0xFFFFFFF0];
	_ =	sdelay $0x4  }
0x361: {  	[tilespmem:s28+$0x8A10] =	vst v0  }
0x362: {  	v0 =	vld [tilespmem:s25+$0x0];
	_ =	sdelay $0x4  }
0x363: {  	[tilespmem:s28+$0x8A20] =	vst v0  }
0x364: {  	v0 =	vld [tilespmem:s25+$0x10];
	_ =	sdelay $0x3  }
0x365: {  	s30 =	sadd.s32 $0x0, s19  }
0x366: {  	s29 =	simm.s32 $0x8B00;
	s5 =	simm.s32 $0x8A00;
	s25 =	simm.s32 $0x10;
	[tilespmem:s28+$0x8A30] =	vst v0  }
.LBB2_60:
0x367: {  	[hbm4b:s30+s2] =	stream.linear.scatter [tilespmem:s5], [sflag:$0x2], $0x80, $0x38;
	[tilespmem:$0xCA00] =	vst v63  }
0x368: {  	s28 =	smov.u32 s25;
	s5 =	smov.u32 s29;
	p0 =	sne.s32 s25, $0x3F0  }
.Ltmp29:
0x369: {  	s25 =	sadd.s32 $0x10, s25;
	(pc) =	sbr.rel @p0 .LBB2_60-.Ltmp29, $2  }
0x36a: {  	_ =	sdelay $0x2  }
0x36b: {  	s29 =	sadd.s32 $0x100, s29;
	s30 =	sadd.s32 s28, s19  }
0x36c: {  	[hbm4b:s30+s2] =	stream.linear.scatter [tilespmem:s5], [sflag:$0x2], $0x80, $0x38;
	[tilespmem:$0xCA00] =	vst v63  }
0x36d: {  	s30 =	simm.s32 $0xA00;
	s25 =	simm.s32 $0x800  }
0x36e: {  	[tilespmem:s30], [sflag:$0x1] =	stream.indirect.gather [hbm4b:s3+s26], $0x80, s25, s26, $0xb8;
	[tilespmem:$0xCA00] =	vst v63  }
0x36f: {  	_ =	swait.ge [sflag:s0], $0x4000  }
0x370: {  	[sflag:s0] =	ssyncset.done $0x0  }
0x371: {  	[sflag:s0] =	ssyncadd.s32 $0xFFFFC000  }
0x372: {  	_ =	swait.ge [sflag:s1], $0x2000  }
0x373: {  	[sflag:s1] =	ssyncset.done $0x0  }
0x374: {  	s5 =	simm.s32 $0x4A30;
	[sflag:s1] =	ssyncadd.s32 $0xFFFFE000  }
0x375: {  	p0 =	por $0x0, $0x0;
	s25 =	simm.s32 $0x1;
	v0 =	vld [tilespmem:s5+$0xFFFFFFD0]  }
0x376: {  	s25 =	simm.s32 @!p0 $0x0  }
0x377: {  	s25 =	sshll.u32 s25, $0x6  }
0x378: {  	s25 =	sadd.s32 $0x0, s25  }
0x379: {  	s28 =	sor.u32 $0x80, s25  }
0x37a: {  	[tilespmem:s28+$0x8A00] =	vst v0  }
0x37b: {  	v0 =	vld [tilespmem:s5+$0xFFFFFFE0];
	_ =	sdelay $0x3  }
0x37c: {  	s31 =	sor.u32 $0x90, s25  }
0x37d: {  	[tilespmem:s31+$0x8A00] =	vst v0  }
0x37e: {  	v0 =	vld [tilespmem:s5+$0xFFFFFFF0];
	_ =	sdelay $0x3  }
0x37f: {  	s30 =	sor.u32 $0xA0, s25  }
0x380: {  	[tilespmem:s30+$0x8A00] =	vst v0  }
0x381: {  	v0 =	vld [tilespmem:s5+$0x0];
	_ =	sdelay $0x3  }
0x382: {  	s31 =	sor.u32 $0xB0, s25  }
0x383: {  	s5 =	simm.s32 $0x4AB0;
	[tilespmem:s31+$0x8A00] =	vst v0  }
0x384: {  	s29 =	simm.s32 $0x80;
	p0 =	por !p0, !p0;
	s25 =	simm.s32 $0x0;
	v0 =	vld [tilespmem:s5+$0xFFFFFFD0]  }
.LBB2_62:
0x385: {  	s28 =	simm.s32 $0x1  }
0x386: {  	p1 =	sne.s32 s29, $0x1FC0;
	s28 =	simm.s32 @!p0 $0x0  }
0x387: {  	s25 =	sadd.s32 $0x80, s25;
	s28 =	sshll.u32 s28, $0x6  }
0x388: {  	s28 =	sadd.s32 s28, s25  }
0x389: {  	s30 =	sor.u32 $0x80, s28  }
0x38a: {  	[tilespmem:s30+$0x8A00] =	vst v0  }
0x38b: {  	v0 =	vld [tilespmem:s5+$0xFFFFFFE0];
	_ =	sdelay $0x3  }
0x38c: {  	s30 =	sor.u32 $0x90, s28  }
0x38d: {  	[tilespmem:s30+$0x8A00] =	vst v0  }
0x38e: {  	v0 =	vld [tilespmem:s5+$0xFFFFFFF0];
	_ =	sdelay $0x3  }
0x38f: {  	s30 =	sor.u32 $0xA0, s28  }
0x390: {  	[tilespmem:s30+$0x8A00] =	vst v0  }
0x391: {  	v0 =	vld [tilespmem:s5+$0x0];
	_ =	sdelay $0x1  }
.Ltmp30:
0x392: {  	(pc) =	sbr.rel @p1 .LBB2_62-.Ltmp30, $4  }
0x393: {  	_ = 	snop  }
0x394: {  	s28 =	sor.u32 $0xB0, s28  }
0x395: {  	s5 =	sadd.s32 $0x80, s5;
	[tilespmem:s28+$0x8A00] =	vst v0  }
0x396: {  	s29 =	sadd.s32 $0x40, s29;
	p0 =	por !p0, !p0;
	v0 =	vld [tilespmem:s5+$0xFFFFFFD0]  }
0x397: {  	s28 =	simm.s32 $0x1  }
0x398: {  	s28 =	simm.s32 @!p0 $0x0  }
0x399: {  	s25 =	sadd.s32 $0x80, s25;
	s28 =	sshll.u32 s28, $0x6  }
0x39a: {  	s25 =	sadd.s32 s28, s25  }
0x39b: {  	s28 =	sor.u32 $0x80, s25  }
0x39c: {  	[tilespmem:s28+$0x8A00] =	vst v0  }
0x39d: {  	v0 =	vld [tilespmem:s5+$0xFFFFFFE0];
	_ =	sdelay $0x3  }
0x39e: {  	s31 =	sor.u32 $0x90, s25  }
0x39f: {  	[tilespmem:s31+$0x8A00] =	vst v0  }
0x3a0: {  	v0 =	vld [tilespmem:s5+$0xFFFFFFF0];
	_ =	sdelay $0x3  }
0x3a1: {  	s31 =	sor.u32 $0xA0, s25  }
0x3a2: {  	[tilespmem:s31+$0x8A00] =	vst v0  }
0x3a3: {  	v0 =	vld [tilespmem:s5+$0x0];
	_ =	sdelay $0x3  }
0x3a4: {  	s30 =	sadd.s32 $0x0, s20;
	s25 =	sor.u32 $0xB0, s25  }
0x3a5: {  	s29 =	simm.s32 $0x8B80;
	s5 =	simm.s32 $0x8A80;
	[tilespmem:s25+$0x8A00] =	vst v0;
	s25 =	simm.s32 $0x10  }
.LBB2_64:
0x3a6: {  	[hbm4b:s30+s2] =	stream.linear.scatter [tilespmem:s5], [sflag:$0x2], $0x80, $0x38;
	[tilespmem:$0xCA00] =	vst v63  }
0x3a7: {  	s28 =	smov.u32 s25;
	s5 =	smov.u32 s29;
	p0 =	sne.s32 s25, $0x3F0  }
.Ltmp31:
0x3a8: {  	s25 =	sadd.s32 $0x10, s25;
	(pc) =	sbr.rel @p0 .LBB2_64-.Ltmp31, $2  }
0x3a9: {  	_ =	sdelay $0x2  }
0x3aa: {  	s29 =	sadd.s32 $0x100, s29;
	s30 =	sadd.s32 s28, s20  }
0x3ab: {  	[hbm4b:s30+s2] =	stream.linear.scatter [tilespmem:s5], [sflag:$0x2], $0x80, $0x38;
	[tilespmem:$0xCA00] =	vst v63  }
0x3ac: {  	s28 =	simm.s32 $0x4A00;
	s25 =	simm.s32 $0x880  }
0x3ad: {  	[tilespmem:s28], [sflag:$0x1] =	stream.indirect.gather [hbm4b:s3+s26], $0x80, s25, s26, $0xb8;
	[tilespmem:$0xCA00] =	vst v63  }
0x3ae: {  	_ =	swait.ge [sflag:s0], $0x4000  }
0x3af: {  	[sflag:s0] =	ssyncset.done $0x0  }
0x3b0: {  	[sflag:s0] =	ssyncadd.s32 $0xFFFFC000  }
0x3b1: {  	_ =	swait.ge [sflag:s1], $0x2000  }
0x3b2: {  	[sflag:s1] =	ssyncset.done $0x0  }
0x3b3: {  	s31 =	simm.s32 $0xA20;
	[sflag:s1] =	ssyncadd.s32 $0xFFFFE000  }
0x3b4: {  	v0 =	vld [tilespmem:s31+$0xFFFFFFE0];
	_ =	sdelay $0x1  }
0x3b5: {  	s5 =	simm.s32 $0x0  }
0x3b6: {  	s29 =	sand.u32 $0x3F00, s5;
	s28 =	sand.u32 $0x40, s5  }
0x3b7: {  	s28 =	sor.u32 s28, s29  }
0x3b8: {  	[tilespmem:s28+$0x8A00] =	vst v0  }
0x3b9: {  	v0 =	vld [tilespmem:s31+$0xFFFFFFF0];
	_ =	sdelay $0x4  }
0x3ba: {  	[tilespmem:s28+$0x8A10] =	vst v0  }
0x3bb: {  	v0 =	vld [tilespmem:s31+$0x0];
	_ =	sdelay $0x4  }
0x3bc: {  	[tilespmem:s28+$0x8A20] =	vst v0  }
0x3bd: {  	v0 =	vld [tilespmem:s31+$0x10];
	_ =	sdelay $0x4  }
0x3be: {  	s25 =	simm.s32 $0xAA0;
	[tilespmem:s28+$0x8A30] =	vst v0  }
0x3bf: {  	s30 =	simm.s32 $0x100;
	s29 =	simm.s32 $0x80;
	v0 =	vld [tilespmem:s25+$0xFFFFFFE0]  }
.LBB2_66:
0x3c0: {  	p0 =	sne.s32 s30, $0x3F80  }
0x3c1: {  	s5 =	sadd.s32 $0x40, s5  }
0x3c2: {  	s31 =	sand.u32 $0x3F00, s29;
	s29 =	smov.u32 s30;
	s28 =	sand.u32 $0x40, s5  }
0x3c3: {  	s28 =	sor.u32 s28, s31  }
0x3c4: {  	[tilespmem:s28+$0x8A00] =	vst v0  }
0x3c5: {  	v0 =	vld [tilespmem:s25+$0xFFFFFFF0];
	_ =	sdelay $0x4  }
0x3c6: {  	[tilespmem:s28+$0x8A10] =	vst v0  }
0x3c7: {  	v0 =	vld [tilespmem:s25+$0x0];
	_ =	sdelay $0x4  }
0x3c8: {  	[tilespmem:s28+$0x8A20] =	vst v0  }
0x3c9: {  	v0 =	vld [tilespmem:s25+$0x10];
	_ =	sdelay $0x1  }
.Ltmp32:
0x3ca: {  	(pc) =	sbr.rel @p0 .LBB2_66-.Ltmp32, $3  }
0x3cb: {  	_ =	sdelay $0x1  }
0x3cc: {  	s25 =	sadd.s32 $0x80, s25;
	[tilespmem:s28+$0x8A30] =	vst v0  }
0x3cd: {  	s30 =	sadd.s32 $0x80, s30;
	v0 =	vld [tilespmem:s25+$0xFFFFFFE0]  }
0x3ce: {  	_ = 	snop  }
0x3cf: {  	s5 =	sadd.s32 $0x40, s5  }
0x3d0: {  	s28 =	sand.u32 $0x3F00, s29;
	s5 =	sand.u32 $0x40, s5  }
0x3d1: {  	s28 =	sor.u32 s5, s28  }
0x3d2: {  	[tilespmem:s28+$0x8A00] =	vst v0  }
0x3d3: {  	v0 =	vld [tilespmem:s25+$0xFFFFFFF0];
	_ =	sdelay $0x4  }
0x3d4: {  	[tilespmem:s28+$0x8A10] =	vst v0  }
0x3d5: {  	v0 =	vld [tilespmem:s25+$0x0];
	_ =	sdelay $0x4  }
0x3d6: {  	[tilespmem:s28+$0x8A20] =	vst v0  }
0x3d7: {  	v0 =	vld [tilespmem:s25+$0x10];
	_ =	sdelay $0x3  }
0x3d8: {  	s30 =	sadd.s32 $0x0, s21  }
0x3d9: {  	s29 =	simm.s32 $0x8B00;
	s5 =	simm.s32 $0x8A00;
	s25 =	simm.s32 $0x10;
	[tilespmem:s28+$0x8A30] =	vst v0  }
.LBB2_68:
0x3da: {  	[hbm4b:s30+s2] =	stream.linear.scatter [tilespmem:s5], [sflag:$0x2], $0x80, $0x38;
	[tilespmem:$0xCA00] =	vst v63  }
0x3db: {  	s28 =	smov.u32 s25;
	s5 =	smov.u32 s29;
	p0 =	sne.s32 s25, $0x3F0  }
.Ltmp33:
0x3dc: {  	s25 =	sadd.s32 $0x10, s25;
	(pc) =	sbr.rel @p0 .LBB2_68-.Ltmp33, $2  }
0x3dd: {  	_ =	sdelay $0x2  }
0x3de: {  	s29 =	sadd.s32 $0x100, s29;
	s30 =	sadd.s32 s28, s21  }
0x3df: {  	[hbm4b:s30+s2] =	stream.linear.scatter [tilespmem:s5], [sflag:$0x2], $0x80, $0x38;
	[tilespmem:$0xCA00] =	vst v63  }
0x3e0: {  	s30 =	simm.s32 $0xA00;
	s25 =	simm.s32 $0x900  }
0x3e1: {  	[tilespmem:s30], [sflag:$0x1] =	stream.indirect.gather [hbm4b:s3+s26], $0x80, s25, s26, $0xb8;
	[tilespmem:$0xCA00] =	vst v63  }
0x3e2: {  	_ =	swait.ge [sflag:s0], $0x4000  }
0x3e3: {  	[sflag:s0] =	ssyncset.done $0x0  }
0x3e4: {  	[sflag:s0] =	ssyncadd.s32 $0xFFFFC000  }
0x3e5: {  	_ =	swait.ge [sflag:s1], $0x2000  }
0x3e6: {  	[sflag:s1] =	ssyncset.done $0x0  }
0x3e7: {  	s5 =	simm.s32 $0x4A30;
	[sflag:s1] =	ssyncadd.s32 $0xFFFFE000  }
0x3e8: {  	p0 =	por $0x0, $0x0;
	s25 =	simm.s32 $0x1;
	v0 =	vld [tilespmem:s5+$0xFFFFFFD0]  }
0x3e9: {  	s25 =	simm.s32 @!p0 $0x0  }
0x3ea: {  	s25 =	sshll.u32 s25, $0x6  }
0x3eb: {  	s25 =	sadd.s32 $0x0, s25  }
0x3ec: {  	s28 =	sor.u32 $0x80, s25  }
0x3ed: {  	[tilespmem:s28+$0x8A00] =	vst v0  }
0x3ee: {  	v0 =	vld [tilespmem:s5+$0xFFFFFFE0];
	_ =	sdelay $0x3  }
0x3ef: {  	s31 =	sor.u32 $0x90, s25  }
0x3f0: {  	[tilespmem:s31+$0x8A00] =	vst v0  }
0x3f1: {  	v0 =	vld [tilespmem:s5+$0xFFFFFFF0];
	_ =	sdelay $0x3  }
0x3f2: {  	s30 =	sor.u32 $0xA0, s25  }
0x3f3: {  	[tilespmem:s30+$0x8A00] =	vst v0  }
0x3f4: {  	v0 =	vld [tilespmem:s5+$0x0];
	_ =	sdelay $0x3  }
0x3f5: {  	s31 =	sor.u32 $0xB0, s25  }
0x3f6: {  	s5 =	simm.s32 $0x4AB0;
	[tilespmem:s31+$0x8A00] =	vst v0  }
0x3f7: {  	s29 =	simm.s32 $0x80;
	p0 =	por !p0, !p0;
	s25 =	simm.s32 $0x0;
	v0 =	vld [tilespmem:s5+$0xFFFFFFD0]  }
.LBB2_70:
0x3f8: {  	s28 =	simm.s32 $0x1  }
0x3f9: {  	p1 =	sne.s32 s29, $0x1FC0;
	s28 =	simm.s32 @!p0 $0x0  }
0x3fa: {  	s25 =	sadd.s32 $0x80, s25;
	s28 =	sshll.u32 s28, $0x6  }
0x3fb: {  	s28 =	sadd.s32 s28, s25  }
0x3fc: {  	s30 =	sor.u32 $0x80, s28  }
0x3fd: {  	[tilespmem:s30+$0x8A00] =	vst v0  }
0x3fe: {  	v0 =	vld [tilespmem:s5+$0xFFFFFFE0];
	_ =	sdelay $0x3  }
0x3ff: {  	s30 =	sor.u32 $0x90, s28  }
0x400: {  	[tilespmem:s30+$0x8A00] =	vst v0  }
0x401: {  	v0 =	vld [tilespmem:s5+$0xFFFFFFF0];
	_ =	sdelay $0x3  }
0x402: {  	s30 =	sor.u32 $0xA0, s28  }
0x403: {  	[tilespmem:s30+$0x8A00] =	vst v0  }
0x404: {  	v0 =	vld [tilespmem:s5+$0x0];
	_ =	sdelay $0x1  }
.Ltmp34:
0x405: {  	(pc) =	sbr.rel @p1 .LBB2_70-.Ltmp34, $4  }
0x406: {  	_ = 	snop  }
0x407: {  	s28 =	sor.u32 $0xB0, s28  }
0x408: {  	s5 =	sadd.s32 $0x80, s5;
	[tilespmem:s28+$0x8A00] =	vst v0  }
0x409: {  	s29 =	sadd.s32 $0x40, s29;
	p0 =	por !p0, !p0;
	v0 =	vld [tilespmem:s5+$0xFFFFFFD0]  }
0x40a: {  	s28 =	simm.s32 $0x1  }
0x40b: {  	s28 =	simm.s32 @!p0 $0x0  }
0x40c: {  	s25 =	sadd.s32 $0x80, s25;
	s28 =	sshll.u32 s28, $0x6  }
0x40d: {  	s25 =	sadd.s32 s28, s25  }
0x40e: {  	s28 =	sor.u32 $0x80, s25  }
0x40f: {  	[tilespmem:s28+$0x8A00] =	vst v0  }
0x410: {  	v0 =	vld [tilespmem:s5+$0xFFFFFFE0];
	_ =	sdelay $0x3  }
0x411: {  	s31 =	sor.u32 $0x90, s25  }
0x412: {  	[tilespmem:s31+$0x8A00] =	vst v0  }
0x413: {  	v0 =	vld [tilespmem:s5+$0xFFFFFFF0];
	_ =	sdelay $0x3  }
0x414: {  	s31 =	sor.u32 $0xA0, s25  }
0x415: {  	[tilespmem:s31+$0x8A00] =	vst v0  }
0x416: {  	v0 =	vld [tilespmem:s5+$0x0];
	_ =	sdelay $0x3  }
0x417: {  	s30 =	sadd.s32 $0x0, s22;
	s25 =	sor.u32 $0xB0, s25  }
0x418: {  	s29 =	simm.s32 $0x8B80;
	s5 =	simm.s32 $0x8A80;
	[tilespmem:s25+$0x8A00] =	vst v0;
	s25 =	simm.s32 $0x10  }
.LBB2_72:
0x419: {  	[hbm4b:s30+s2] =	stream.linear.scatter [tilespmem:s5], [sflag:$0x2], $0x80, $0x38;
	[tilespmem:$0xCA00] =	vst v63  }
0x41a: {  	s28 =	smov.u32 s25;
	s5 =	smov.u32 s29;
	p0 =	sne.s32 s25, $0x3F0  }
.Ltmp35:
0x41b: {  	s25 =	sadd.s32 $0x10, s25;
	(pc) =	sbr.rel @p0 .LBB2_72-.Ltmp35, $2  }
0x41c: {  	_ =	sdelay $0x2  }
0x41d: {  	s29 =	sadd.s32 $0x100, s29;
	s30 =	sadd.s32 s28, s22  }
0x41e: {  	[hbm4b:s30+s2] =	stream.linear.scatter [tilespmem:s5], [sflag:$0x2], $0x80, $0x38;
	[tilespmem:$0xCA00] =	vst v63  }
0x41f: {  	s28 =	simm.s32 $0x4A00;
	s25 =	simm.s32 $0x980  }
0x420: {  	[tilespmem:s28], [sflag:$0x1] =	stream.indirect.gather [hbm4b:s3+s26], $0x80, s25, s26, $0xb8;
	[tilespmem:$0xCA00] =	vst v63  }
0x421: {  	_ =	swait.ge [sflag:s0], $0x4000  }
0x422: {  	[sflag:s0] =	ssyncset.done $0x0  }
0x423: {  	[sflag:s0] =	ssyncadd.s32 $0xFFFFC000  }
0x424: {  	_ =	swait.ge [sflag:s1], $0x2000  }
0x425: {  	[sflag:s1] =	ssyncset.done $0x0  }
0x426: {  	s31 =	simm.s32 $0xA20;
	[sflag:s1] =	ssyncadd.s32 $0xFFFFE000  }
0x427: {  	v0 =	vld [tilespmem:s31+$0xFFFFFFE0];
	_ =	sdelay $0x1  }
0x428: {  	s5 =	simm.s32 $0x0  }
0x429: {  	s29 =	sand.u32 $0x3F00, s5;
	s28 =	sand.u32 $0x40, s5  }
0x42a: {  	s28 =	sor.u32 s28, s29  }
0x42b: {  	[tilespmem:s28+$0x8A00] =	vst v0  }
0x42c: {  	v0 =	vld [tilespmem:s31+$0xFFFFFFF0];
	_ =	sdelay $0x4  }
0x42d: {  	[tilespmem:s28+$0x8A10] =	vst v0  }
0x42e: {  	v0 =	vld [tilespmem:s31+$0x0];
	_ =	sdelay $0x4  }
0x42f: {  	[tilespmem:s28+$0x8A20] =	vst v0  }
0x430: {  	v0 =	vld [tilespmem:s31+$0x10];
	_ =	sdelay $0x4  }
0x431: {  	s25 =	simm.s32 $0xAA0;
	[tilespmem:s28+$0x8A30] =	vst v0  }
0x432: {  	s30 =	simm.s32 $0x100;
	s29 =	simm.s32 $0x80;
	v0 =	vld [tilespmem:s25+$0xFFFFFFE0]  }
.LBB2_74:
0x433: {  	p0 =	sne.s32 s30, $0x3F80  }
0x434: {  	s5 =	sadd.s32 $0x40, s5  }
0x435: {  	s31 =	sand.u32 $0x3F00, s29;
	s29 =	smov.u32 s30;
	s28 =	sand.u32 $0x40, s5  }
0x436: {  	s28 =	sor.u32 s28, s31  }
0x437: {  	[tilespmem:s28+$0x8A00] =	vst v0  }
0x438: {  	v0 =	vld [tilespmem:s25+$0xFFFFFFF0];
	_ =	sdelay $0x4  }
0x439: {  	[tilespmem:s28+$0x8A10] =	vst v0  }
0x43a: {  	v0 =	vld [tilespmem:s25+$0x0];
	_ =	sdelay $0x4  }
0x43b: {  	[tilespmem:s28+$0x8A20] =	vst v0  }
0x43c: {  	v0 =	vld [tilespmem:s25+$0x10];
	_ =	sdelay $0x1  }
.Ltmp36:
0x43d: {  	(pc) =	sbr.rel @p0 .LBB2_74-.Ltmp36, $3  }
0x43e: {  	_ =	sdelay $0x1  }
0x43f: {  	s25 =	sadd.s32 $0x80, s25;
	[tilespmem:s28+$0x8A30] =	vst v0  }
0x440: {  	s30 =	sadd.s32 $0x80, s30;
	v0 =	vld [tilespmem:s25+$0xFFFFFFE0]  }
0x441: {  	_ = 	snop  }
0x442: {  	s5 =	sadd.s32 $0x40, s5  }
0x443: {  	s28 =	sand.u32 $0x3F00, s29;
	s5 =	sand.u32 $0x40, s5  }
0x444: {  	s28 =	sor.u32 s5, s28  }
0x445: {  	[tilespmem:s28+$0x8A00] =	vst v0  }
0x446: {  	v0 =	vld [tilespmem:s25+$0xFFFFFFF0];
	_ =	sdelay $0x4  }
0x447: {  	[tilespmem:s28+$0x8A10] =	vst v0  }
0x448: {  	v0 =	vld [tilespmem:s25+$0x0];
	_ =	sdelay $0x4  }
0x449: {  	[tilespmem:s28+$0x8A20] =	vst v0  }
0x44a: {  	v0 =	vld [tilespmem:s25+$0x10];
	_ =	sdelay $0x3  }
0x44b: {  	s30 =	sadd.s32 $0x0, s23  }
0x44c: {  	s29 =	simm.s32 $0x8B00;
	s5 =	simm.s32 $0x8A00;
	s25 =	simm.s32 $0x10;
	[tilespmem:s28+$0x8A30] =	vst v0  }
.LBB2_76:
0x44d: {  	[hbm4b:s30+s2] =	stream.linear.scatter [tilespmem:s5], [sflag:$0x2], $0x80, $0x38;
	[tilespmem:$0xCA00] =	vst v63  }
0x44e: {  	s28 =	smov.u32 s25;
	s5 =	smov.u32 s29;
	p0 =	sne.s32 s25, $0x3F0  }
.Ltmp37:
0x44f: {  	s25 =	sadd.s32 $0x10, s25;
	(pc) =	sbr.rel @p0 .LBB2_76-.Ltmp37, $2  }
0x450: {  	_ =	sdelay $0x2  }
0x451: {  	s29 =	sadd.s32 $0x100, s29;
	s30 =	sadd.s32 s28, s23  }
0x452: {  	[hbm4b:s30+s2] =	stream.linear.scatter [tilespmem:s5], [sflag:$0x2], $0x80, $0x38;
	[tilespmem:$0xCA00] =	vst v63  }
0x453: {  	_ =	swait.ge [sflag:s0], $0x4000  }
0x454: {  	[sflag:s0] =	ssyncset.done $0x0  }
0x455: {  	[sflag:s0] =	ssyncadd.s32 $0xFFFFC000  }
0x456: {  	_ =	swait.ge [sflag:s1], $0x2000  }
0x457: {  	[sflag:s1] =	ssyncset.done $0x0  }
0x458: {  	s5 =	simm.s32 $0x4A30;
	[sflag:s1] =	ssyncadd.s32 $0xFFFFE000  }
0x459: {  	p0 =	por $0x0, $0x0;
	s25 =	simm.s32 $0x1;
	v0 =	vld [tilespmem:s5+$0xFFFFFFD0]  }
0x45a: {  	s25 =	simm.s32 @!p0 $0x0  }
0x45b: {  	s25 =	sshll.u32 s25, $0x6  }
0x45c: {  	s25 =	sadd.s32 $0x0, s25  }
0x45d: {  	s28 =	sor.u32 $0x80, s25  }
0x45e: {  	[tilespmem:s28+$0x8A00] =	vst v0  }
0x45f: {  	v0 =	vld [tilespmem:s5+$0xFFFFFFE0];
	_ =	sdelay $0x3  }
0x460: {  	s31 =	sor.u32 $0x90, s25  }
0x461: {  	[tilespmem:s31+$0x8A00] =	vst v0  }
0x462: {  	v0 =	vld [tilespmem:s5+$0xFFFFFFF0];
	_ =	sdelay $0x3  }
0x463: {  	s30 =	sor.u32 $0xA0, s25  }
0x464: {  	[tilespmem:s30+$0x8A00] =	vst v0  }
0x465: {  	v0 =	vld [tilespmem:s5+$0x0];
	_ =	sdelay $0x3  }
0x466: {  	s31 =	sor.u32 $0xB0, s25  }
0x467: {  	s5 =	simm.s32 $0x4AB0;
	[tilespmem:s31+$0x8A00] =	vst v0  }
0x468: {  	s29 =	simm.s32 $0x80;
	p0 =	por !p0, !p0;
	s25 =	simm.s32 $0x0;
	v0 =	vld [tilespmem:s5+$0xFFFFFFD0]  }
.LBB2_78:
0x469: {  	s28 =	simm.s32 $0x1  }
0x46a: {  	p1 =	sne.s32 s29, $0x1FC0;
	s28 =	simm.s32 @!p0 $0x0  }
0x46b: {  	s25 =	sadd.s32 $0x80, s25;
	s28 =	sshll.u32 s28, $0x6  }
0x46c: {  	s28 =	sadd.s32 s28, s25  }
0x46d: {  	s30 =	sor.u32 $0x80, s28  }
0x46e: {  	[tilespmem:s30+$0x8A00] =	vst v0  }
0x46f: {  	v0 =	vld [tilespmem:s5+$0xFFFFFFE0];
	_ =	sdelay $0x3  }
0x470: {  	s30 =	sor.u32 $0x90, s28  }
0x471: {  	[tilespmem:s30+$0x8A00] =	vst v0  }
0x472: {  	v0 =	vld [tilespmem:s5+$0xFFFFFFF0];
	_ =	sdelay $0x3  }
0x473: {  	s30 =	sor.u32 $0xA0, s28  }
0x474: {  	[tilespmem:s30+$0x8A00] =	vst v0  }
0x475: {  	v0 =	vld [tilespmem:s5+$0x0];
	_ =	sdelay $0x1  }
.Ltmp38:
0x476: {  	(pc) =	sbr.rel @p1 .LBB2_78-.Ltmp38, $4  }
0x477: {  	_ = 	snop  }
0x478: {  	s28 =	sor.u32 $0xB0, s28  }
0x479: {  	s5 =	sadd.s32 $0x80, s5;
	[tilespmem:s28+$0x8A00] =	vst v0  }
0x47a: {  	s29 =	sadd.s32 $0x40, s29;
	p0 =	por !p0, !p0;
	v0 =	vld [tilespmem:s5+$0xFFFFFFD0]  }
0x47b: {  	s28 =	simm.s32 $0x1  }
0x47c: {  	s28 =	simm.s32 @!p0 $0x0  }
0x47d: {  	s25 =	sadd.s32 $0x80, s25;
	s28 =	sshll.u32 s28, $0x6  }
0x47e: {  	s25 =	sadd.s32 s28, s25  }
0x47f: {  	s28 =	sor.u32 $0x80, s25  }
0x480: {  	[tilespmem:s28+$0x8A00] =	vst v0  }
0x481: {  	v0 =	vld [tilespmem:s5+$0xFFFFFFE0];
	_ =	sdelay $0x3  }
0x482: {  	s31 =	sor.u32 $0x90, s25  }
0x483: {  	[tilespmem:s31+$0x8A00] =	vst v0  }
0x484: {  	v0 =	vld [tilespmem:s5+$0xFFFFFFF0];
	_ =	sdelay $0x3  }
0x485: {  	s31 =	sor.u32 $0xA0, s25  }
0x486: {  	[tilespmem:s31+$0x8A00] =	vst v0  }
0x487: {  	v0 =	vld [tilespmem:s5+$0x0];
	_ =	sdelay $0x3  }
0x488: {  	s30 =	sadd.s32 $0x0, s24;
	s25 =	sor.u32 $0xB0, s25  }
0x489: {  	s29 =	simm.s32 $0x8B80;
	s5 =	simm.s32 $0x8A80;
	[tilespmem:s25+$0x8A00] =	vst v0;
	s25 =	simm.s32 $0x10  }
.LBB2_80:
0x48a: {  	[hbm4b:s30+s2] =	stream.linear.scatter [tilespmem:s5], [sflag:$0x2], $0x80, $0x38;
	[tilespmem:$0xCA00] =	vst v63  }
0x48b: {  	s28 =	smov.u32 s25;
	s5 =	smov.u32 s29;
	p0 =	sne.s32 s25, $0x3F0  }
.Ltmp39:
0x48c: {  	s25 =	sadd.s32 $0x10, s25;
	(pc) =	sbr.rel @p0 .LBB2_80-.Ltmp39, $2  }
0x48d: {  	_ =	sdelay $0x2  }
0x48e: {  	s29 =	sadd.s32 $0x100, s29;
	s30 =	sadd.s32 s28, s24  }
0x48f: {  	[hbm4b:s30+s2] =	stream.linear.scatter [tilespmem:s5], [sflag:$0x2], $0x80, $0x38;
	[tilespmem:$0xCA00] =	vst v63  }
0x490: {  	_ =	swait.ge [sflag:s1], $0x2000  }
0x491: {  	[sflag:s1] =	ssyncset.done $0x0  }
0x492: {  	[sflag:s1] =	ssyncadd.s32 $0xFFFFE000  }
0x493: {  	_ =	swait.ge [sflag:s1], $0x2000  }
0x494: {  	s25 =	rddreg [dreg:$0x5]  }
0x495: {  	s31 =	rddreg [dreg:$0x4];
	s25 =	sadd.s32 $0x1, s25  }
0x496: {  	p0 =	sne.s32 s25, s31  }
.Ltmp40:
0x497: {  	_ = 	snop;
	(pc) =	sbr.rel @p0 .LBB2_1-.Ltmp40, $3  }
0x498: {  	_ =	sdelay $0x1  }
0x499: {  	[sflag:s1] =	ssyncset.done $0x0  }
0x49a: {  	[sflag:s1] =	ssyncadd.s32 $0xFFFFE000  }
0x49b: {  	_ =	sfence.sel $0x180000  }
0x49c: {  	[bflag:$0x0] =	sbarrier.arrive $0xFFFF  }
0x49d: {  	_ =	strace $0x90000047  }
0x49e: {  	s0 =	stileid.u32;
	[bflag:$0x2] =	sbarrier.arrive $0xFFFF  }
0x49f: {  	p0 =	sne.s32 s0, $0x0;
	s0 =	rddreg [dreg:$0x2]  }
0x4a0: {  	s0 =	sadd.s32 @!p0 $0x100000, s0  }
0x4a1: {  	[sflag:s0] =	ssyncadd.tile.s32 @!p0 $0x1;
	_ =	shalt  }
.Lfunc_end2:
_tile_overlayer_lowered:
.L_overlay_start_2:
0x4a2: {  	(tag) =	ssettag $0x2  }
0x4a3: {  	s0 =	rddreg [dreg:$0x0];
	s2 =	stileid.u32  }
0x4a4: {  	s1 =	rddreg [dreg:$0x1];
	p0 =	sne.s32 s2, $0x0  }
0x4a5: {  	s3 =	rddreg [dreg:$0x2];
	[bflag:$0x3] =	sbarrier.arrive $0xFFFF;
	s2 =	simm.s32 @!p0 $0x1C03  }
0x4a6: {  	[timem:s3], [sflag:s2] =	dma.local @!p0 [hbm:s0], s1  }
0x4a7: {  	s0 =	simm.s32 @!p0 $0x3  }
0x4a8: {  	_ =	swait.ge @!p0 [sflag:s0], s1  }
0x4a9: {  	s1 =	ssub.s32 @!p0 $0x0, s1;
	[sflag:s0] =	ssyncset.done @!p0 $0x0  }
0x4aa: {  	[sflag:s0] =	ssyncadd.s32 @!p0 s1  }
0x4ab: {  	[bflag:$0x3] =	sbarrier.arrive $0xFFFF  }
0x4ac: {  	_ =	shalt  }

</sc_bundles>
